<compile_context>
chip_gen: v7x
topology: tpu7x:2x2x1
jax: 0.10.2.dev20260603
libtpu: 0.0.44.dev20260713+nightly
codegen_flags: <defaults>
</compile_context>

<pallas_src>
import functools

import jax
import jax.numpy as jnp
from jax import lax
from jax.experimental import pallas as pl
from jax.experimental.pallas import tpu as pltpu
from jax.experimental.pallas import tpu_sc as plsc

B, R, N, DIM, E = 1024, 8, 8, 64, 100000
DP = 128

NC, NS = 2, 16
NW = NC * NS
N0 = (B * R) // NW
N1 = (B * R * N) // NW
N2 = (B * R * N * N) // NW
CH = 256
NG = CH // N


def _sc_gather(table, i0, i1, i2):
    mesh = plsc.VectorSubcoreMesh(core_axis_name="c", subcore_axis_name="s")

    @functools.partial(
        pl.kernel,
        out_type=(
            jax.ShapeDtypeStruct((B * R, DP), jnp.float32),
            jax.ShapeDtypeStruct((B * R * N, DP), jnp.float32),
            jax.ShapeDtypeStruct((B * R * N, DP), jnp.float32),
        ),
        mesh=mesh,
        scratch_types=[
            pltpu.VMEM((N2,), jnp.int32),
            pltpu.VMEM((CH, DP), jnp.float32),
            pltpu.VMEM((CH, DP), jnp.float32),
            pltpu.VMEM((NG, DP), jnp.float32),
            pltpu.VMEM((NG, DP), jnp.float32),
            pltpu.SemaphoreType.DMA,
            pltpu.SemaphoreType.DMA,
            pltpu.SemaphoreType.DMA,
            pltpu.SemaphoreType.DMA,
        ],
        compiler_params=pltpu.CompilerParams(
            use_tc_tiling_on_sc=True, needs_layout_passes=False),
    )
    def k(table_h, i0_h, i1_h, i2_h, e0_h, e1_h, s2_h,
          idx_v, rows_a, rows_b, acc_a, acc_b, gsem_a, gsem_b, wsem_a, wsem_b):
        wid = lax.axis_index("s") * NC + lax.axis_index("c")
        rows = (rows_a, rows_b)
        accs = (acc_a, acc_b)
        gsems = (gsem_a, gsem_b)
        wsems = (wsem_a, wsem_b)

        pltpu.sync_copy(i0_h.at[pl.ds(pl.multiple_of(wid * N0, N0), N0)],
                        idx_v.at[pl.ds(0, N0)])
        pltpu.async_copy(table_h.at[idx_v.at[pl.ds(0, N0)]],
                         rows_a, gsem_a).wait()
        w0a = pltpu.async_copy(
            rows_a, e0_h.at[pl.ds(pl.multiple_of(wid * N0, N0), N0)], wsem_a)

        pltpu.sync_copy(i1_h.at[pl.ds(pl.multiple_of(wid * N1, N1), N1)],
                        idx_v.at[pl.ds(0, N1)])
        w0a.wait()
        nch1 = N1 // CH
        g_h = [None] * nch1
        wr_h = [None] * nch1
        g_h[0] = pltpu.async_copy(
            table_h.at[idx_v.at[pl.ds(0, CH)]], rows[0], gsems[0])
        for c in range(nch1):
            g_h[c].wait()
            if c + 1 < nch1:
                if c >= 1:
                    wr_h[c - 1].wait()
                g_h[c + 1] = pltpu.async_copy(
                    table_h.at[idx_v.at[pl.ds((c + 1) * CH, CH)]],
                    rows[(c + 1) % 2], gsems[(c + 1) % 2])
            wr_h[c] = pltpu.async_copy(
                rows[c % 2],
                e1_h.at[pl.ds(pl.multiple_of(wid * N1 + c * CH, CH), CH)],
                wsems[c % 2])
        wr_h[nch1 - 2].wait()
        wr_h[nch1 - 1].wait()

        pltpu.sync_copy(i2_h.at[pl.ds(pl.multiple_of(wid * N2, N2), N2)],
                        idx_v)
        nch2 = N2 // CH
        gbase = (wid * N2) // N
        pltpu.async_copy(
            acc_a, s2_h.at[pl.ds(pl.multiple_of(gbase, NG), NG)], wsem_a)
        pltpu.async_copy(
            acc_b, s2_h.at[pl.ds(pl.multiple_of(gbase + NG, NG), NG)],
            wsem_b)
        pltpu.async_copy(table_h.at[idx_v.at[pl.ds(0, CH)]],
                         rows[0], gsems[0])
        pltpu.async_copy(table_h.at[idx_v.at[pl.ds(CH, CH)]],
                         rows[1], gsems[1])

        def half(t, bf, par):
            pltpu.make_async_copy(
                table_h.at[pl.ds(0, CH)], rows[bf], gsems[bf]).wait()
            pltpu.make_async_copy(
                accs[bf], s2_h.at[pl.ds(0, NG)], wsems[bf]).wait()

            def grp(gt, carry):
                rslab = rows[bf].at[pl.ds(pl.multiple_of(gt * 64, 64), 64)]
                aslab = accs[bf].at[pl.ds(pl.multiple_of(gt * 8, 8), 8)]
                for j in range(8):
                    for lc in range(DIM // 16):
                        acc = rslab[j * N, pl.ds(lc * 16, 16)]
                        for kk in range(1, N):
                            acc = acc + rslab[j * N + kk, pl.ds(lc * 16, 16)]
                        aslab[j, pl.ds(lc * 16, 16)] = acc
                return carry

            lax.fori_loop(0, NG // 8, grp, 0)
            pltpu.async_copy(
                accs[bf],
                s2_h.at[pl.ds(
                    pl.multiple_of(gbase + (2 * t + par) * NG, NG), NG)],
                wsems[bf])
            nxt = jnp.minimum((2 * t + par + 2) * CH, N2 - CH)
            pltpu.async_copy(
                table_h.at[idx_v.at[pl.ds(pl.multiple_of(nxt, CH), CH)]],
                rows[bf], gsems[bf])

        def pair(t, carry):
            half(t, 0, 0)
            half(t, 1, 1)
            return carry

        lax.fori_loop(0, nch2 // 2, pair, 0)
        for bf in range(2):
            pltpu.make_async_copy(
                table_h.at[pl.ds(0, CH)], rows[bf], gsems[bf]).wait()
            pltpu.make_async_copy(
                accs[bf], s2_h.at[pl.ds(0, NG)], wsems[bf]).wait()

    return k(table, i0, i1, i2)


NB = 128


def _tc_compute(e0, e1, s2, Wm, bias_row, rule_rows):
    NBR = NB * R
    NBL = NB * R * N

    def body(e0_ref, e1_ref, s2_ref, w_ref, b_ref, rw_ref, out_ref):
        inv = jnp.float32(1.0 / N)
        Wf = w_ref[...].astype(jnp.bfloat16)
        bb = b_ref[...]
        e1v = e1_ref[:, :DIM]
        x1 = jnp.concatenate([e1v, s2_ref[:, :DIM] * inv], axis=-1)
        h1 = jax.nn.relu(
            lax.dot(x1.astype(jnp.bfloat16), Wf,
                    preferred_element_type=jnp.float32) + bb)
        m1 = h1.reshape(NBR, N, DIM).sum(axis=1) * inv
        m0 = e1v.reshape(NBR, N, DIM).sum(axis=1) * inv
        x0 = jnp.concatenate([e0_ref[:, :DIM], m0], axis=-1)
        h0 = jax.nn.relu(
            lax.dot(x0.astype(jnp.bfloat16), Wf,
                    preferred_element_type=jnp.float32) + bb)
        xo = jnp.concatenate([h0, m1], axis=-1)
        o = jnp.tanh(
            lax.dot(xo.astype(jnp.bfloat16), Wf,
                    preferred_element_type=jnp.float32) + bb)
        res = (o.reshape(NB, R, DIM) * rw_ref[...].reshape(1, R, DIM))
        out_ref[...] = res.sum(axis=1)

    return pl.pallas_call(
        body,
        grid=(B // NB,),
        in_specs=[
            pl.BlockSpec((NBR, DP), lambda i: (i, 0)),
            pl.BlockSpec((NBL, DP), lambda i: (i, 0)),
            pl.BlockSpec((NBL, DP), lambda i: (i, 0)),
            pl.BlockSpec((2 * DIM, DIM), lambda i: (0, 0)),
            pl.BlockSpec((1, DIM), lambda i: (0, 0)),
            pl.BlockSpec((R, DIM), lambda i: (0, 0)),
        ],
        out_specs=pl.BlockSpec((NB, DIM), lambda i: (i, 0)),
        out_shape=jax.ShapeDtypeStruct((B, DIM), jnp.float32),
    )(e0, e1, s2, Wm, bias_row, rule_rows)


def kernel(idx0, idx1, idx2, ent_embed, rule_w, W, b):
    tbl = jnp.pad(ent_embed, ((0, 0), (0, DP - DIM)))
    i0 = idx0.astype(jnp.int32).reshape(-1)
    i1 = idx1.astype(jnp.int32).reshape(-1)
    i2 = idx2.astype(jnp.int32).reshape(-1)
    e0, e1, s2 = _sc_gather(tbl, i0, i1, i2)
    bias_row = b.reshape(1, DIM)
    rule_rows = jnp.broadcast_to(rule_w.reshape(R, 1), (R, DIM))
    return _tc_compute(e0, e1, s2, W, bias_row, rule_rows)

# --- scband reference (transcript-rebuilt; emitter-appended) ---
"""Pipeline reference for scband-rgrec-50148038148223 (READ-ONLY COPY).

The authoritative reference and input builder live on the scoring server;
editing this copy changes nothing except your own understanding.
"""

import jax, jax.numpy as jnp
import numpy as np
import math

B, R, N, DIM, E = 1024, 8, 8, 64, 100000
MAX_STEP = 2


def setup_inputs(seed: int = 0) -> dict:
    key = jax.random.key(seed)
    ks = jax.random.split(key, 7)
    idx0 = jax.random.randint(ks[0], (B, R), 0, E, dtype=jnp.int64) if jax.config.jax_enable_x64 else jax.random.randint(ks[0], (B, R), 0, E, dtype=jnp.int32)
    idx1 = jax.random.randint(ks[1], (B, R * N), 0, E, dtype=idx0.dtype)
    idx2 = jax.random.randint(ks[2], (B, R * N * N), 0, E, dtype=idx0.dtype)
    ent_embed = jax.random.normal(ks[3], (E, DIM), dtype=jnp.float32) * 0.05
    rule_w = jax.random.normal(ks[4], (R,), dtype=jnp.float32) * 0.1
    W = jax.random.normal(ks[5], (2 * DIM, DIM), dtype=jnp.float32) * (1.0 / math.sqrt(2 * DIM))
    b = jnp.zeros((DIM,), dtype=jnp.float32)
    return {"idx0": idx0, "idx1": idx1, "idx2": idx2, "ent_embed": ent_embed, "rule_w": rule_w, "W": W, "b": b}


def _concat_aggregate(self_vectors, neighbor_vectors, W, b, act):
    # mix_neighbour_vectors: mean over neighbour axis (dim=2)
    neighbors_agg = jnp.mean(neighbor_vectors, axis=2)
    out = jnp.concatenate((self_vectors, neighbors_agg), axis=-1)
    out = out.reshape(-1, 2 * DIM)
    # dropout p=0.0 -> identity
    out = out @ W + b
    out = out.reshape(B, -1, DIM)
    return act(out)


def reference(idx0, idx1, idx2, ent_embed, rule_w, W, b):
    # aggregate(): gather entity embeddings per hop (SparseCore gather)
    entity_vectors = [
        jnp.take(ent_embed, idx0, axis=0),  # [B, R, DIM]
        jnp.take(ent_embed, idx1, axis=0),  # [B, R*N, DIM]
        jnp.take(ent_embed, idx2, axis=0),  # [B, R*N*N, DIM]
    ]
    for i in range(MAX_STEP):
        act = jnp.tanh if i == MAX_STEP - 1 else jax.nn.relu
        nxt = []
        for hop in range(MAX_STEP - i):
            sv = entity_vectors[hop].reshape(B, -1, DIM)
            nv = entity_vectors[hop + 1].reshape(B, -1, N, DIM)
            nxt.append(_concat_aggregate(sv, nv, W, b, act))
        entity_vectors = nxt
    res = entity_vectors[0].reshape(B, -1, DIM)  # [B, R, DIM]
    # output = sum(res * rule_embed.view(rule_size, 1), dim=-2)
    output = jnp.sum(res * rule_w.reshape(R, 1), axis=-2)  # [B, DIM]
    return output

if __name__ == "__main__":
    import jax
    _d = setup_inputs()
    print(jax.jit(kernel)(*tuple(_d.values())))

</pallas_src>

<mosaic_0001>
#map = affine_map<(d0, d1) -> (0, 0)>
#map1 = affine_map<(d0, d1) -> (0)>
module attributes {stable_mosaic.version = 14 : i64} {
  func.func @k(%arg0: i32, %arg1: i32, %arg2: memref<100000x128xf32, #tpu.memory_space<hbm>>, %arg3: memref<8192xi32, #tpu.memory_space<hbm>>, %arg4: memref<65536xi32, #tpu.memory_space<hbm>>, %arg5: memref<524288xi32, #tpu.memory_space<hbm>>, %arg6: memref<8192x128xf32, #tpu.memory_space<hbm>>, %arg7: memref<65536x128xf32, #tpu.memory_space<hbm>>, %arg8: memref<65536x128xf32, #tpu.memory_space<hbm>>, %arg9: memref<16384xi32, #tpu.memory_space<vmem>>, %arg10: memref<256x128xf32, #tpu.memory_space<vmem>>, %arg11: memref<256x128xf32, #tpu.memory_space<vmem>>, %arg12: memref<32x128xf32, #tpu.memory_space<vmem>>, %arg13: memref<32x128xf32, #tpu.memory_space<vmem>>, %arg14: memref<!tpu.dma_semaphore, #tpu.memory_space<semaphore_mem>>, %arg15: memref<!tpu.dma_semaphore, #tpu.memory_space<semaphore_mem>>, %arg16: memref<!tpu.dma_semaphore, #tpu.memory_space<semaphore_mem>>, %arg17: memref<!tpu.dma_semaphore, #tpu.memory_space<semaphore_mem>>) attributes {dimension_semantics = [#tpu.dimension_semantics<core_parallel>, #tpu.dimension_semantics<subcore_parallel>], iteration_bounds = array<i64: 2, 16>, scalar_prefetch = 0 : i64, scratch_operands = 9 : i64, tpu.core_type = #tpu.core_type<sc_vector_subcore>, window_params = [{transform_indices = #map}, {transform_indices = #map1}, {transform_indices = #map1}, {transform_indices = #map1}, {transform_indices = #map}, {transform_indices = #map}, {transform_indices = #map}]} {
    %mul3A = arith.constant 2 : i32
    %mul3A_0 = arith.muli %arg1, %mul3A : i32
    %add3A = arith.addi %mul3A_0, %arg0 : i32
    %mul3A_1 = arith.constant 256 : i32
    %mul3A_2 = arith.muli %add3A, %mul3A_1 : i32
    %multiple_of3A = tpu.assume_multiple %mul3A_2, 256 : i32
    "tpu.region"() ({
      %run_scoped3A = tpu.sem_alloc : memref<!tpu.dma_semaphore, #tpu.memory_space<semaphore_mem>>
      %dma_start3A_281 = arith.constant 0 : i32
      %dma_start3A_282 = tpu.memref_slice %arg9[%dma_start3A_281] : memref<16384xi32, #tpu.memory_space<vmem>> -> memref<256xi32, #tpu.memory_space<vmem>>
      %dma_start3A_283 = tpu.memref_slice %arg3[%multiple_of3A] : memref<8192xi32, #tpu.memory_space<hbm>> -> memref<256xi32, #tpu.memory_space<hbm>>
      %dma_start3A_284 = arith.constant 0 : i32
      %dma_start3A_285 = tpu.memref_slice %arg9[%dma_start3A_284] : memref<16384xi32, #tpu.memory_space<vmem>> -> memref<256xi32, #tpu.memory_space<vmem>>
      %dma_start3A_286 = tpu.memref_slice %arg3[%multiple_of3A] : memref<8192xi32, #tpu.memory_space<hbm>> -> memref<256xi32, #tpu.memory_space<hbm>>
      tpu.enqueue_dma source(%dma_start3A_286 : memref<256xi32, #tpu.memory_space<hbm>>) target(%dma_start3A_285 : memref<256xi32, #tpu.memory_space<vmem>>) target_semaphore(%run_scoped3A : memref<!tpu.dma_semaphore, #tpu.memory_space<semaphore_mem>>)
      %dma_wait3A_287 = arith.constant 0 : i32
      %dma_wait3A_288 = tpu.memref_slice %arg9[%dma_wait3A_287] : memref<16384xi32, #tpu.memory_space<vmem>> -> memref<256xi32, #tpu.memory_space<vmem>>
      %dma_wait3A_289 = tpu.memref_slice %arg3[%multiple_of3A] : memref<8192xi32, #tpu.memory_space<hbm>> -> memref<256xi32, #tpu.memory_space<hbm>>
      %dma_wait3A_290 = arith.constant 0 : i32
      %dma_wait3A_291 = tpu.memref_slice %arg9[%dma_wait3A_290] : memref<16384xi32, #tpu.memory_space<vmem>> -> memref<256xi32, #tpu.memory_space<vmem>>
      %dma_wait3A_292 = tpu.memref_slice %arg3[%multiple_of3A] : memref<8192xi32, #tpu.memory_space<hbm>> -> memref<256xi32, #tpu.memory_space<hbm>>
      tpu.wait_dma2 semaphore(%run_scoped3A : memref<!tpu.dma_semaphore, #tpu.memory_space<semaphore_mem>>) src(%dma_wait3A_292 : memref<256xi32, #tpu.memory_space<hbm>>) dst(%dma_wait3A_291 : memref<256xi32, #tpu.memory_space<vmem>>)
      tpu.yield
    }) : () -> ()
    %dma_start3A = arith.constant 0 : i32
    %dma_start3A_3 = tpu.memref_slice %arg9[%dma_start3A] : memref<16384xi32, #tpu.memory_space<vmem>> -> memref<256xi32, #tpu.memory_space<vmem>>
    %dma_start3A_4 = arith.constant 0 : i32
    %dma_start3A_5 = arith.constant 0 : i32
    %dma_start3A_6 = tpu.memref_slice %arg2[%dma_start3A_4, %dma_start3A_5] : memref<100000x128xf32, #tpu.memory_space<hbm>> -> memref<100000x128xf32, #tpu.memory_space<hbm>>
    tpu.enqueue_indirect_dma source(%dma_start3A_6 : memref<100000x128xf32, #tpu.memory_space<hbm>>) target(%arg10 : memref<256x128xf32, #tpu.memory_space<vmem>>) offsets(%dma_start3A_3 : memref<256xi32, #tpu.memory_space<vmem>>) semaphore(%arg14 : memref<!tpu.dma_semaphore, #tpu.memory_space<semaphore_mem>>)
    %dma_wait3A = arith.constant 0 : i32
    %dma_wait3A_7 = tpu.memref_slice %arg9[%dma_wait3A] : memref<16384xi32, #tpu.memory_space<vmem>> -> memref<256xi32, #tpu.memory_space<vmem>>
    %dma_wait3A_8 = arith.constant 0 : i32
    %dma_wait3A_9 = arith.constant 0 : i32
    %dma_wait3A_10 = tpu.memref_slice %arg2[%dma_wait3A_8, %dma_wait3A_9] : memref<100000x128xf32, #tpu.memory_space<hbm>> -> memref<100000x128xf32, #tpu.memory_space<hbm>>
    tpu.wait_indirect_dma semaphore(%arg14 : memref<!tpu.dma_semaphore, #tpu.memory_space<semaphore_mem>>) src(%dma_wait3A_10 : memref<100000x128xf32, #tpu.memory_space<hbm>>) dst(%arg10 : memref<256x128xf32, #tpu.memory_space<vmem>>)
    %mul3A_11 = arith.constant 256 : i32
    %mul3A_12 = arith.muli %add3A, %mul3A_11 : i32
    %multiple_of3A_13 = tpu.assume_multiple %mul3A_12, 256 : i32
    %dma_start3A_14 = arith.constant 0 : i32
    %dma_start3A_15 = tpu.memref_slice %arg6[%multiple_of3A_13, %dma_start3A_14] : memref<8192x128xf32, #tpu.memory_space<hbm>> -> memref<256x128xf32, #tpu.memory_space<hbm>>
    %dma_start3A_16 = arith.constant 0 : i32
    %dma_start3A_17 = tpu.memref_slice %arg6[%multiple_of3A_13, %dma_start3A_16] : memref<8192x128xf32, #tpu.memory_space<hbm>> -> memref<256x128xf32, #tpu.memory_space<hbm>>
    tpu.enqueue_dma source(%arg10 : memref<256x128xf32, #tpu.memory_space<vmem>>) target(%dma_start3A_17 : memref<256x128xf32, #tpu.memory_space<hbm>>) target_semaphore(%arg16 : memref<!tpu.dma_semaphore, #tpu.memory_space<semaphore_mem>>)
    %mul3A_18 = arith.constant 2048 : i32
    %mul3A_19 = arith.muli %add3A, %mul3A_18 : i32
    %multiple_of3A_20 = tpu.assume_multiple %mul3A_19, 2048 : i32
    "tpu.region"() ({
      %run_scoped3A = tpu.sem_alloc : memref<!tpu.dma_semaphore, #tpu.memory_space<semaphore_mem>>
      %dma_start3A_281 = arith.constant 0 : i32
      %dma_start3A_282 = tpu.memref_slice %arg9[%dma_start3A_281] : memref<16384xi32, #tpu.memory_space<vmem>> -> memref<2048xi32, #tpu.memory_space<vmem>>
      %dma_start3A_283 = tpu.memref_slice %arg4[%multiple_of3A_20] : memref<65536xi32, #tpu.memory_space<hbm>> -> memref<2048xi32, #tpu.memory_space<hbm>>
      %dma_start3A_284 = arith.constant 0 : i32
      %dma_start3A_285 = tpu.memref_slice %arg9[%dma_start3A_284] : memref<16384xi32, #tpu.memory_space<vmem>> -> memref<2048xi32, #tpu.memory_space<vmem>>
      %dma_start3A_286 = tpu.memref_slice %arg4[%multiple_of3A_20] : memref<65536xi32, #tpu.memory_space<hbm>> -> memref<2048xi32, #tpu.memory_space<hbm>>
      tpu.enqueue_dma source(%dma_start3A_286 : memref<2048xi32, #tpu.memory_space<hbm>>) target(%dma_start3A_285 : memref<2048xi32, #tpu.memory_space<vmem>>) target_semaphore(%run_scoped3A : memref<!tpu.dma_semaphore, #tpu.memory_space<semaphore_mem>>)
      %dma_wait3A_287 = arith.constant 0 : i32
      %dma_wait3A_288 = tpu.memref_slice %arg9[%dma_wait3A_287] : memref<16384xi32, #tpu.memory_space<vmem>> -> memref<2048xi32, #tpu.memory_space<vmem>>
      %dma_wait3A_289 = tpu.memref_slice %arg4[%multiple_of3A_20] : memref<65536xi32, #tpu.memory_space<hbm>> -> memref<2048xi32, #tpu.memory_space<hbm>>
      %dma_wait3A_290 = arith.constant 0 : i32
      %dma_wait3A_291 = tpu.memref_slice %arg9[%dma_wait3A_290] : memref<16384xi32, #tpu.memory_space<vmem>> -> memref<2048xi32, #tpu.memory_space<vmem>>
      %dma_wait3A_292 = tpu.memref_slice %arg4[%multiple_of3A_20] : memref<65536xi32, #tpu.memory_space<hbm>> -> memref<2048xi32, #tpu.memory_space<hbm>>
      tpu.wait_dma2 semaphore(%run_scoped3A : memref<!tpu.dma_semaphore, #tpu.memory_space<semaphore_mem>>) src(%dma_wait3A_292 : memref<2048xi32, #tpu.memory_space<hbm>>) dst(%dma_wait3A_291 : memref<2048xi32, #tpu.memory_space<vmem>>)
      tpu.yield
    }) : () -> ()
    %dma_wait3A_21 = arith.constant 0 : i32
    %dma_wait3A_22 = tpu.memref_slice %arg6[%multiple_of3A_13, %dma_wait3A_21] : memref<8192x128xf32, #tpu.memory_space<hbm>> -> memref<256x128xf32, #tpu.memory_space<hbm>>
    %dma_wait3A_23 = arith.constant 0 : i32
    %dma_wait3A_24 = tpu.memref_slice %arg6[%multiple_of3A_13, %dma_wait3A_23] : memref<8192x128xf32, #tpu.memory_space<hbm>> -> memref<256x128xf32, #tpu.memory_space<hbm>>
    tpu.wait_dma2 semaphore(%arg16 : memref<!tpu.dma_semaphore, #tpu.memory_space<semaphore_mem>>) src(%arg10 : memref<256x128xf32, #tpu.memory_space<vmem>>) dst(%dma_wait3A_24 : memref<256x128xf32, #tpu.memory_space<hbm>>)
    %dma_start3A_25 = arith.constant 0 : i32
    %dma_start3A_26 = tpu.memref_slice %arg9[%dma_start3A_25] : memref<16384xi32, #tpu.memory_space<vmem>> -> memref<256xi32, #tpu.memory_space<vmem>>
    %dma_start3A_27 = arith.constant 0 : i32
    %dma_start3A_28 = arith.constant 0 : i32
    %dma_start3A_29 = tpu.memref_slice %arg2[%dma_start3A_27, %dma_start3A_28] : memref<100000x128xf32, #tpu.memory_space<hbm>> -> memref<100000x128xf32, #tpu.memory_space<hbm>>
    tpu.enqueue_indirect_dma source(%dma_start3A_29 : memref<100000x128xf32, #tpu.memory_space<hbm>>) target(%arg10 : memref<256x128xf32, #tpu.memory_space<vmem>>) offsets(%dma_start3A_26 : memref<256xi32, #tpu.memory_space<vmem>>) semaphore(%arg14 : memref<!tpu.dma_semaphore, #tpu.memory_space<semaphore_mem>>)
    %dma_wait3A_30 = arith.constant 0 : i32
    %dma_wait3A_31 = tpu.memref_slice %arg9[%dma_wait3A_30] : memref<16384xi32, #tpu.memory_space<vmem>> -> memref<256xi32, #tpu.memory_space<vmem>>
    %dma_wait3A_32 = arith.constant 0 : i32
    %dma_wait3A_33 = arith.constant 0 : i32
    %dma_wait3A_34 = tpu.memref_slice %arg2[%dma_wait3A_32, %dma_wait3A_33] : memref<100000x128xf32, #tpu.memory_space<hbm>> -> memref<100000x128xf32, #tpu.memory_space<hbm>>
    tpu.wait_indirect_dma semaphore(%arg14 : memref<!tpu.dma_semaphore, #tpu.memory_space<semaphore_mem>>) src(%dma_wait3A_34 : memref<100000x128xf32, #tpu.memory_space<hbm>>) dst(%arg10 : memref<256x128xf32, #tpu.memory_space<vmem>>)
    %dma_start3A_35 = arith.constant 256 : i32
    %dma_start3A_36 = tpu.memref_slice %arg9[%dma_start3A_35] : memref<16384xi32, #tpu.memory_space<vmem>> -> memref<256xi32, #tpu.memory_space<vmem>>
    %dma_start3A_37 = arith.constant 0 : i32
    %dma_start3A_38 = arith.constant 0 : i32
    %dma_start3A_39 = tpu.memref_slice %arg2[%dma_start3A_37, %dma_start3A_38] : memref<100000x128xf32, #tpu.memory_space<hbm>> -> memref<100000x128xf32, #tpu.memory_space<hbm>>
    tpu.enqueue_indirect_dma source(%dma_start3A_39 : memref<100000x128xf32, #tpu.memory_space<hbm>>) target(%arg11 : memref<256x128xf32, #tpu.memory_space<vmem>>) offsets(%dma_start3A_36 : memref<256xi32, #tpu.memory_space<vmem>>) semaphore(%arg15 : memref<!tpu.dma_semaphore, #tpu.memory_space<semaphore_mem>>)
    %mul3A_40 = arith.constant 2048 : i32
    %mul3A_41 = arith.muli %add3A, %mul3A_40 : i32
    %add3A_42 = arith.constant 0 : i32
    %add3A_43 = arith.addi %mul3A_41, %add3A_42 : i32
    %multiple_of3A_44 = tpu.assume_multiple %add3A_43, 256 : i32
    %dma_start3A_45 = arith.constant 0 : i32
    %dma_start3A_46 = tpu.memref_slice %arg7[%multiple_of3A_44, %dma_start3A_45] : memref<65536x128xf32, #tpu.memory_space<hbm>> -> memref<256x128xf32, #tpu.memory_space<hbm>>
    %dma_start3A_47 = arith.constant 0 : i32
    %dma_start3A_48 = tpu.memref_slice %arg7[%multiple_of3A_44, %dma_start3A_47] : memref<65536x128xf32, #tpu.memory_space<hbm>> -> memref<256x128xf32, #tpu.memory_space<hbm>>
    tpu.enqueue_dma source(%arg10 : memref<256x128xf32, #tpu.memory_space<vmem>>) target(%dma_start3A_48 : memref<256x128xf32, #tpu.memory_space<hbm>>) target_semaphore(%arg16 : memref<!tpu.dma_semaphore, #tpu.memory_space<semaphore_mem>>)
    %dma_wait3A_49 = arith.constant 256 : i32
    %dma_wait3A_50 = tpu.memref_slice %arg9[%dma_wait3A_49] : memref<16384xi32, #tpu.memory_space<vmem>> -> memref<256xi32, #tpu.memory_space<vmem>>
    %dma_wait3A_51 = arith.constant 0 : i32
    %dma_wait3A_52 = arith.constant 0 : i32
    %dma_wait3A_53 = tpu.memref_slice %arg2[%dma_wait3A_51, %dma_wait3A_52] : memref<100000x128xf32, #tpu.memory_space<hbm>> -> memref<100000x128xf32, #tpu.memory_space<hbm>>
    tpu.wait_indirect_dma semaphore(%arg15 : memref<!tpu.dma_semaphore, #tpu.memory_space<semaphore_mem>>) src(%dma_wait3A_53 : memref<100000x128xf32, #tpu.memory_space<hbm>>) dst(%arg11 : memref<256x128xf32, #tpu.memory_space<vmem>>)
    %dma_wait3A_54 = arith.constant 0 : i32
    %dma_wait3A_55 = tpu.memref_slice %arg7[%multiple_of3A_44, %dma_wait3A_54] : memref<65536x128xf32, #tpu.memory_space<hbm>> -> memref<256x128xf32, #tpu.memory_space<hbm>>
    %dma_wait3A_56 = arith.constant 0 : i32
    %dma_wait3A_57 = tpu.memref_slice %arg7[%multiple_of3A_44, %dma_wait3A_56] : memref<65536x128xf32, #tpu.memory_space<hbm>> -> memref<256x128xf32, #tpu.memory_space<hbm>>
    tpu.wait_dma2 semaphore(%arg16 : memref<!tpu.dma_semaphore, #tpu.memory_space<semaphore_mem>>) src(%arg10 : memref<256x128xf32, #tpu.memory_space<vmem>>) dst(%dma_wait3A_57 : memref<256x128xf32, #tpu.memory_space<hbm>>)
    %dma_start3A_58 = arith.constant 512 : i32
    %dma_start3A_59 = tpu.memref_slice %arg9[%dma_start3A_58] : memref<16384xi32, #tpu.memory_space<vmem>> -> memref<256xi32, #tpu.memory_space<vmem>>
    %dma_start3A_60 = arith.constant 0 : i32
    %dma_start3A_61 = arith.constant 0 : i32
    %dma_start3A_62 = tpu.memref_slice %arg2[%dma_start3A_60, %dma_start3A_61] : memref<100000x128xf32, #tpu.memory_space<hbm>> -> memref<100000x128xf32, #tpu.memory_space<hbm>>
    tpu.enqueue_indirect_dma source(%dma_start3A_62 : memref<100000x128xf32, #tpu.memory_space<hbm>>) target(%arg10 : memref<256x128xf32, #tpu.memory_space<vmem>>) offsets(%dma_start3A_59 : memref<256xi32, #tpu.memory_space<vmem>>) semaphore(%arg14 : memref<!tpu.dma_semaphore, #tpu.memory_space<semaphore_mem>>)
    %mul3A_63 = arith.constant 2048 : i32
    %mul3A_64 = arith.muli %add3A, %mul3A_63 : i32
    %add3A_65 = arith.constant 256 : i32
    %add3A_66 = arith.addi %mul3A_64, %add3A_65 : i32
    %multiple_of3A_67 = tpu.assume_multiple %add3A_66, 256 : i32
    %dma_start3A_68 = arith.constant 0 : i32
    %dma_start3A_69 = tpu.memref_slice %arg7[%multiple_of3A_67, %dma_start3A_68] : memref<65536x128xf32, #tpu.memory_space<hbm>> -> memref<256x128xf32, #tpu.memory_space<hbm>>
    %dma_start3A_70 = arith.constant 0 : i32
    %dma_start3A_71 = tpu.memref_slice %arg7[%multiple_of3A_67, %dma_start3A_70] : memref<65536x128xf32, #tpu.memory_space<hbm>> -> memref<256x128xf32, #tpu.memory_space<hbm>>
    tpu.enqueue_dma source(%arg11 : memref<256x128xf32, #tpu.memory_space<vmem>>) target(%dma_start3A_71 : memref<256x128xf32, #tpu.memory_space<hbm>>) target_semaphore(%arg17 : memref<!tpu.dma_semaphore, #tpu.memory_space<semaphore_mem>>)
    %dma_wait3A_72 = arith.constant 512 : i32
    %dma_wait3A_73 = tpu.memref_slice %arg9[%dma_wait3A_72] : memref<16384xi32, #tpu.memory_space<vmem>> -> memref<256xi32, #tpu.memory_space<vmem>>
    %dma_wait3A_74 = arith.constant 0 : i32
    %dma_wait3A_75 = arith.constant 0 : i32
    %dma_wait3A_76 = tpu.memref_slice %arg2[%dma_wait3A_74, %dma_wait3A_75] : memref<100000x128xf32, #tpu.memory_space<hbm>> -> memref<100000x128xf32, #tpu.memory_space<hbm>>
    tpu.wait_indirect_dma semaphore(%arg14 : memref<!tpu.dma_semaphore, #tpu.memory_space<semaphore_mem>>) src(%dma_wait3A_76 : memref<100000x128xf32, #tpu.memory_space<hbm>>) dst(%arg10 : memref<256x128xf32, #tpu.memory_space<vmem>>)
    %dma_wait3A_77 = arith.constant 0 : i32
    %dma_wait3A_78 = tpu.memref_slice %arg7[%multiple_of3A_67, %dma_wait3A_77] : memref<65536x128xf32, #tpu.memory_space<hbm>> -> memref<256x128xf32, #tpu.memory_space<hbm>>
    %dma_wait3A_79 = arith.constant 0 : i32
    %dma_wait3A_80 = tpu.memref_slice %arg7[%multiple_of3A_67, %dma_wait3A_79] : memref<65536x128xf32, #tpu.memory_space<hbm>> -> memref<256x128xf32, #tpu.memory_space<hbm>>
    tpu.wait_dma2 semaphore(%arg17 : memref<!tpu.dma_semaphore, #tpu.memory_space<semaphore_mem>>) src(%arg11 : memref<256x128xf32, #tpu.memory_space<vmem>>) dst(%dma_wait3A_80 : memref<256x128xf32, #tpu.memory_space<hbm>>)
    %dma_start3A_81 = arith.constant 768 : i32
    %dma_start3A_82 = tpu.memref_slice %arg9[%dma_start3A_81] : memref<16384xi32, #tpu.memory_space<vmem>> -> memref<256xi32, #tpu.memory_space<vmem>>
    %dma_start3A_83 = arith.constant 0 : i32
    %dma_start3A_84 = arith.constant 0 : i32
    %dma_start3A_85 = tpu.memref_slice %arg2[%dma_start3A_83, %dma_start3A_84] : memref<100000x128xf32, #tpu.memory_space<hbm>> -> memref<100000x128xf32, #tpu.memory_space<hbm>>
    tpu.enqueue_indirect_dma source(%dma_start3A_85 : memref<100000x128xf32, #tpu.memory_space<hbm>>) target(%arg11 : memref<256x128xf32, #tpu.memory_space<vmem>>) offsets(%dma_start3A_82 : memref<256xi32, #tpu.memory_space<vmem>>) semaphore(%arg15 : memref<!tpu.dma_semaphore, #tpu.memory_space<semaphore_mem>>)
    %mul3A_86 = arith.constant 2048 : i32
    %mul3A_87 = arith.muli %add3A, %mul3A_86 : i32
    %add3A_88 = arith.constant 512 : i32
    %add3A_89 = arith.addi %mul3A_87, %add3A_88 : i32
    %multiple_of3A_90 = tpu.assume_multiple %add3A_89, 256 : i32
    %dma_start3A_91 = arith.constant 0 : i32
    %dma_start3A_92 = tpu.memref_slice %arg7[%multiple_of3A_90, %dma_start3A_91] : memref<65536x128xf32, #tpu.memory_space<hbm>> -> memref<256x128xf32, #tpu.memory_space<hbm>>
    %dma_start3A_93 = arith.constant 0 : i32
    %dma_start3A_94 = tpu.memref_slice %arg7[%multiple_of3A_90, %dma_start3A_93] : memref<65536x128xf32, #tpu.memory_space<hbm>> -> memref<256x128xf32, #tpu.memory_space<hbm>>
    tpu.enqueue_dma source(%arg10 : memref<256x128xf32, #tpu.memory_space<vmem>>) target(%dma_start3A_94 : memref<256x128xf32, #tpu.memory_space<hbm>>) target_semaphore(%arg16 : memref<!tpu.dma_semaphore, #tpu.memory_space<semaphore_mem>>)
    %dma_wait3A_95 = arith.constant 768 : i32
    %dma_wait3A_96 = tpu.memref_slice %arg9[%dma_wait3A_95] : memref<16384xi32, #tpu.memory_space<vmem>> -> memref<256xi32, #tpu.memory_space<vmem>>
    %dma_wait3A_97 = arith.constant 0 : i32
    %dma_wait3A_98 = arith.constant 0 : i32
    %dma_wait3A_99 = tpu.memref_slice %arg2[%dma_wait3A_97, %dma_wait3A_98] : memref<100000x128xf32, #tpu.memory_space<hbm>> -> memref<100000x128xf32, #tpu.memory_space<hbm>>
    tpu.wait_indirect_dma semaphore(%arg15 : memref<!tpu.dma_semaphore, #tpu.memory_space<semaphore_mem>>) src(%dma_wait3A_99 : memref<100000x128xf32, #tpu.memory_space<hbm>>) dst(%arg11 : memref<256x128xf32, #tpu.memory_space<vmem>>)
    %dma_wait3A_100 = arith.constant 0 : i32
    %dma_wait3A_101 = tpu.memref_slice %arg7[%multiple_of3A_90, %dma_wait3A_100] : memref<65536x128xf32, #tpu.memory_space<hbm>> -> memref<256x128xf32, #tpu.memory_space<hbm>>
    %dma_wait3A_102 = arith.constant 0 : i32
    %dma_wait3A_103 = tpu.memref_slice %arg7[%multiple_of3A_90, %dma_wait3A_102] : memref<65536x128xf32, #tpu.memory_space<hbm>> -> memref<256x128xf32, #tpu.memory_space<hbm>>
    tpu.wait_dma2 semaphore(%arg16 : memref<!tpu.dma_semaphore, #tpu.memory_space<semaphore_mem>>) src(%arg10 : memref<256x128xf32, #tpu.memory_space<vmem>>) dst(%dma_wait3A_103 : memref<256x128xf32, #tpu.memory_space<hbm>>)
    %dma_start3A_104 = arith.constant 1024 : i32
    %dma_start3A_105 = tpu.memref_slice %arg9[%dma_start3A_104] : memref<16384xi32, #tpu.memory_space<vmem>> -> memref<256xi32, #tpu.memory_space<vmem>>
    %dma_start3A_106 = arith.constant 0 : i32
    %dma_start3A_107 = arith.constant 0 : i32
    %dma_start3A_108 = tpu.memref_slice %arg2[%dma_start3A_106, %dma_start3A_107] : memref<100000x128xf32, #tpu.memory_space<hbm>> -> memref<100000x128xf32, #tpu.memory_space<hbm>>
    tpu.enqueue_indirect_dma source(%dma_start3A_108 : memref<100000x128xf32, #tpu.memory_space<hbm>>) target(%arg10 : memref<256x128xf32, #tpu.memory_space<vmem>>) offsets(%dma_start3A_105 : memref<256xi32, #tpu.memory_space<vmem>>) semaphore(%arg14 : memref<!tpu.dma_semaphore, #tpu.memory_space<semaphore_mem>>)
    %mul3A_109 = arith.constant 2048 : i32
    %mul3A_110 = arith.muli %add3A, %mul3A_109 : i32
    %add3A_111 = arith.constant 768 : i32
    %add3A_112 = arith.addi %mul3A_110, %add3A_111 : i32
    %multiple_of3A_113 = tpu.assume_multiple %add3A_112, 256 : i32
    %dma_start3A_114 = arith.constant 0 : i32
    %dma_start3A_115 = tpu.memref_slice %arg7[%multiple_of3A_113, %dma_start3A_114] : memref<65536x128xf32, #tpu.memory_space<hbm>> -> memref<256x128xf32, #tpu.memory_space<hbm>>
    %dma_start3A_116 = arith.constant 0 : i32
    %dma_start3A_117 = tpu.memref_slice %arg7[%multiple_of3A_113, %dma_start3A_116] : memref<65536x128xf32, #tpu.memory_space<hbm>> -> memref<256x128xf32, #tpu.memory_space<hbm>>
    tpu.enqueue_dma source(%arg11 : memref<256x128xf32, #tpu.memory_space<vmem>>) target(%dma_start3A_117 : memref<256x128xf32, #tpu.memory_space<hbm>>) target_semaphore(%arg17 : memref<!tpu.dma_semaphore, #tpu.memory_space<semaphore_mem>>)
    %dma_wait3A_118 = arith.constant 1024 : i32
    %dma_wait3A_119 = tpu.memref_slice %arg9[%dma_wait3A_118] : memref<16384xi32, #tpu.memory_space<vmem>> -> memref<256xi32, #tpu.memory_space<vmem>>
    %dma_wait3A_120 = arith.constant 0 : i32
    %dma_wait3A_121 = arith.constant 0 : i32
    %dma_wait3A_122 = tpu.memref_slice %arg2[%dma_wait3A_120, %dma_wait3A_121] : memref<100000x128xf32, #tpu.memory_space<hbm>> -> memref<100000x128xf32, #tpu.memory_space<hbm>>
    tpu.wait_indirect_dma semaphore(%arg14 : memref<!tpu.dma_semaphore, #tpu.memory_space<semaphore_mem>>) src(%dma_wait3A_122 : memref<100000x128xf32, #tpu.memory_space<hbm>>) dst(%arg10 : memref<256x128xf32, #tpu.memory_space<vmem>>)
    %dma_wait3A_123 = arith.constant 0 : i32
    %dma_wait3A_124 = tpu.memref_slice %arg7[%multiple_of3A_113, %dma_wait3A_123] : memref<65536x128xf32, #tpu.memory_space<hbm>> -> memref<256x128xf32, #tpu.memory_space<hbm>>
    %dma_wait3A_125 = arith.constant 0 : i32
    %dma_wait3A_126 = tpu.memref_slice %arg7[%multiple_of3A_113, %dma_wait3A_125] : memref<65536x128xf32, #tpu.memory_space<hbm>> -> memref<256x128xf32, #tpu.memory_space<hbm>>
    tpu.wait_dma2 semaphore(%arg17 : memref<!tpu.dma_semaphore, #tpu.memory_space<semaphore_mem>>) src(%arg11 : memref<256x128xf32, #tpu.memory_space<vmem>>) dst(%dma_wait3A_126 : memref<256x128xf32, #tpu.memory_space<hbm>>)
    %dma_start3A_127 = arith.constant 1280 : i32
    %dma_start3A_128 = tpu.memref_slice %arg9[%dma_start3A_127] : memref<16384xi32, #tpu.memory_space<vmem>> -> memref<256xi32, #tpu.memory_space<vmem>>
    %dma_start3A_129 = arith.constant 0 : i32
    %dma_start3A_130 = arith.constant 0 : i32
    %dma_start3A_131 = tpu.memref_slice %arg2[%dma_start3A_129, %dma_start3A_130] : memref<100000x128xf32, #tpu.memory_space<hbm>> -> memref<100000x128xf32, #tpu.memory_space<hbm>>
    tpu.enqueue_indirect_dma source(%dma_start3A_131 : memref<100000x128xf32, #tpu.memory_space<hbm>>) target(%arg11 : memref<256x128xf32, #tpu.memory_space<vmem>>) offsets(%dma_start3A_128 : memref<256xi32, #tpu.memory_space<vmem>>) semaphore(%arg15 : memref<!tpu.dma_semaphore, #tpu.memory_space<semaphore_mem>>)
    %mul3A_132 = arith.constant 2048 : i32
    %mul3A_133 = arith.muli %add3A, %mul3A_132 : i32
    %add3A_134 = arith.constant 1024 : i32
    %add3A_135 = arith.addi %mul3A_133, %add3A_134 : i32
    %multiple_of3A_136 = tpu.assume_multiple %add3A_135, 256 : i32
    %dma_start3A_137 = arith.constant 0 : i32
    %dma_start3A_138 = tpu.memref_slice %arg7[%multiple_of3A_136, %dma_start3A_137] : memref<65536x128xf32, #tpu.memory_space<hbm>> -> memref<256x128xf32, #tpu.memory_space<hbm>>
    %dma_start3A_139 = arith.constant 0 : i32
    %dma_start3A_140 = tpu.memref_slice %arg7[%multiple_of3A_136, %dma_start3A_139] : memref<65536x128xf32, #tpu.memory_space<hbm>> -> memref<256x128xf32, #tpu.memory_space<hbm>>
    tpu.enqueue_dma source(%arg10 : memref<256x128xf32, #tpu.memory_space<vmem>>) target(%dma_start3A_140 : memref<256x128xf32, #tpu.memory_space<hbm>>) target_semaphore(%arg16 : memref<!tpu.dma_semaphore, #tpu.memory_space<semaphore_mem>>)
    %dma_wait3A_141 = arith.constant 1280 : i32
    %dma_wait3A_142 = tpu.memref_slice %arg9[%dma_wait3A_141] : memref<16384xi32, #tpu.memory_space<vmem>> -> memref<256xi32, #tpu.memory_space<vmem>>
    %dma_wait3A_143 = arith.constant 0 : i32
    %dma_wait3A_144 = arith.constant 0 : i32
    %dma_wait3A_145 = tpu.memref_slice %arg2[%dma_wait3A_143, %dma_wait3A_144] : memref<100000x128xf32, #tpu.memory_space<hbm>> -> memref<100000x128xf32, #tpu.memory_space<hbm>>
    tpu.wait_indirect_dma semaphore(%arg15 : memref<!tpu.dma_semaphore, #tpu.memory_space<semaphore_mem>>) src(%dma_wait3A_145 : memref<100000x128xf32, #tpu.memory_space<hbm>>) dst(%arg11 : memref<256x128xf32, #tpu.memory_space<vmem>>)
    %dma_wait3A_146 = arith.constant 0 : i32
    %dma_wait3A_147 = tpu.memref_slice %arg7[%multiple_of3A_136, %dma_wait3A_146] : memref<65536x128xf32, #tpu.memory_space<hbm>> -> memref<256x128xf32, #tpu.memory_space<hbm>>
    %dma_wait3A_148 = arith.constant 0 : i32
    %dma_wait3A_149 = tpu.memref_slice %arg7[%multiple_of3A_136, %dma_wait3A_148] : memref<65536x128xf32, #tpu.memory_space<hbm>> -> memref<256x128xf32, #tpu.memory_space<hbm>>
    tpu.wait_dma2 semaphore(%arg16 : memref<!tpu.dma_semaphore, #tpu.memory_space<semaphore_mem>>) src(%arg10 : memref<256x128xf32, #tpu.memory_space<vmem>>) dst(%dma_wait3A_149 : memref<256x128xf32, #tpu.memory_space<hbm>>)
    %dma_start3A_150 = arith.constant 1536 : i32
    %dma_start3A_151 = tpu.memref_slice %arg9[%dma_start3A_150] : memref<16384xi32, #tpu.memory_space<vmem>> -> memref<256xi32, #tpu.memory_space<vmem>>
    %dma_start3A_152 = arith.constant 0 : i32
    %dma_start3A_153 = arith.constant 0 : i32
    %dma_start3A_154 = tpu.memref_slice %arg2[%dma_start3A_152, %dma_start3A_153] : memref<100000x128xf32, #tpu.memory_space<hbm>> -> memref<100000x128xf32, #tpu.memory_space<hbm>>
    tpu.enqueue_indirect_dma source(%dma_start3A_154 : memref<100000x128xf32, #tpu.memory_space<hbm>>) target(%arg10 : memref<256x128xf32, #tpu.memory_space<vmem>>) offsets(%dma_start3A_151 : memref<256xi32, #tpu.memory_space<vmem>>) semaphore(%arg14 : memref<!tpu.dma_semaphore, #tpu.memory_space<semaphore_mem>>)
    %mul3A_155 = arith.constant 2048 : i32
    %mul3A_156 = arith.muli %add3A, %mul3A_155 : i32
    %add3A_157 = arith.constant 1280 : i32
    %add3A_158 = arith.addi %mul3A_156, %add3A_157 : i32
    %multiple_of3A_159 = tpu.assume_multiple %add3A_158, 256 : i32
    %dma_start3A_160 = arith.constant 0 : i32
    %dma_start3A_161 = tpu.memref_slice %arg7[%multiple_of3A_159, %dma_start3A_160] : memref<65536x128xf32, #tpu.memory_space<hbm>> -> memref<256x128xf32, #tpu.memory_space<hbm>>
    %dma_start3A_162 = arith.constant 0 : i32
    %dma_start3A_163 = tpu.memref_slice %arg7[%multiple_of3A_159, %dma_start3A_162] : memref<65536x128xf32, #tpu.memory_space<hbm>> -> memref<256x128xf32, #tpu.memory_space<hbm>>
    tpu.enqueue_dma source(%arg11 : memref<256x128xf32, #tpu.memory_space<vmem>>) target(%dma_start3A_163 : memref<256x128xf32, #tpu.memory_space<hbm>>) target_semaphore(%arg17 : memref<!tpu.dma_semaphore, #tpu.memory_space<semaphore_mem>>)
    %dma_wait3A_164 = arith.constant 1536 : i32
    %dma_wait3A_165 = tpu.memref_slice %arg9[%dma_wait3A_164] : memref<16384xi32, #tpu.memory_space<vmem>> -> memref<256xi32, #tpu.memory_space<vmem>>
    %dma_wait3A_166 = arith.constant 0 : i32
    %dma_wait3A_167 = arith.constant 0 : i32
    %dma_wait3A_168 = tpu.memref_slice %arg2[%dma_wait3A_166, %dma_wait3A_167] : memref<100000x128xf32, #tpu.memory_space<hbm>> -> memref<100000x128xf32, #tpu.memory_space<hbm>>
    tpu.wait_indirect_dma semaphore(%arg14 : memref<!tpu.dma_semaphore, #tpu.memory_space<semaphore_mem>>) src(%dma_wait3A_168 : memref<100000x128xf32, #tpu.memory_space<hbm>>) dst(%arg10 : memref<256x128xf32, #tpu.memory_space<vmem>>)
    %dma_wait3A_169 = arith.constant 0 : i32
    %dma_wait3A_170 = tpu.memref_slice %arg7[%multiple_of3A_159, %dma_wait3A_169] : memref<65536x128xf32, #tpu.memory_space<hbm>> -> memref<256x128xf32, #tpu.memory_space<hbm>>
    %dma_wait3A_171 = arith.constant 0 : i32
    %dma_wait3A_172 = tpu.memref_slice %arg7[%multiple_of3A_159, %dma_wait3A_171] : memref<65536x128xf32, #tpu.memory_space<hbm>> -> memref<256x128xf32, #tpu.memory_space<hbm>>
    tpu.wait_dma2 semaphore(%arg17 : memref<!tpu.dma_semaphore, #tpu.memory_space<semaphore_mem>>) src(%arg11 : memref<256x128xf32, #tpu.memory_space<vmem>>) dst(%dma_wait3A_172 : memref<256x128xf32, #tpu.memory_space<hbm>>)
    %dma_start3A_173 = arith.constant 1792 : i32
    %dma_start3A_174 = tpu.memref_slice %arg9[%dma_start3A_173] : memref<16384xi32, #tpu.memory_space<vmem>> -> memref<256xi32, #tpu.memory_space<vmem>>
    %dma_start3A_175 = arith.constant 0 : i32
    %dma_start3A_176 = arith.constant 0 : i32
    %dma_start3A_177 = tpu.memref_slice %arg2[%dma_start3A_175, %dma_start3A_176] : memref<100000x128xf32, #tpu.memory_space<hbm>> -> memref<100000x128xf32, #tpu.memory_space<hbm>>
    tpu.enqueue_indirect_dma source(%dma_start3A_177 : memref<100000x128xf32, #tpu.memory_space<hbm>>) target(%arg11 : memref<256x128xf32, #tpu.memory_space<vmem>>) offsets(%dma_start3A_174 : memref<256xi32, #tpu.memory_space<vmem>>) semaphore(%arg15 : memref<!tpu.dma_semaphore, #tpu.memory_space<semaphore_mem>>)
    %mul3A_178 = arith.constant 2048 : i32
    %mul3A_179 = arith.muli %add3A, %mul3A_178 : i32
    %add3A_180 = arith.constant 1536 : i32
    %add3A_181 = arith.addi %mul3A_179, %add3A_180 : i32
    %multiple_of3A_182 = tpu.assume_multiple %add3A_181, 256 : i32
    %dma_start3A_183 = arith.constant 0 : i32
    %dma_start3A_184 = tpu.memref_slice %arg7[%multiple_of3A_182, %dma_start3A_183] : memref<65536x128xf32, #tpu.memory_space<hbm>> -> memref<256x128xf32, #tpu.memory_space<hbm>>
    %dma_start3A_185 = arith.constant 0 : i32
    %dma_start3A_186 = tpu.memref_slice %arg7[%multiple_of3A_182, %dma_start3A_185] : memref<65536x128xf32, #tpu.memory_space<hbm>> -> memref<256x128xf32, #tpu.memory_space<hbm>>
    tpu.enqueue_dma source(%arg10 : memref<256x128xf32, #tpu.memory_space<vmem>>) target(%dma_start3A_186 : memref<256x128xf32, #tpu.memory_space<hbm>>) target_semaphore(%arg16 : memref<!tpu.dma_semaphore, #tpu.memory_space<semaphore_mem>>)
    %dma_wait3A_187 = arith.constant 1792 : i32
    %dma_wait3A_188 = tpu.memref_slice %arg9[%dma_wait3A_187] : memref<16384xi32, #tpu.memory_space<vmem>> -> memref<256xi32, #tpu.memory_space<vmem>>
    %dma_wait3A_189 = arith.constant 0 : i32
    %dma_wait3A_190 = arith.constant 0 : i32
    %dma_wait3A_191 = tpu.memref_slice %arg2[%dma_wait3A_189, %dma_wait3A_190] : memref<100000x128xf32, #tpu.memory_space<hbm>> -> memref<100000x128xf32, #tpu.memory_space<hbm>>
    tpu.wait_indirect_dma semaphore(%arg15 : memref<!tpu.dma_semaphore, #tpu.memory_space<semaphore_mem>>) src(%dma_wait3A_191 : memref<100000x128xf32, #tpu.memory_space<hbm>>) dst(%arg11 : memref<256x128xf32, #tpu.memory_space<vmem>>)
    %mul3A_192 = arith.constant 2048 : i32
    %mul3A_193 = arith.muli %add3A, %mul3A_192 : i32
    %add3A_194 = arith.constant 1792 : i32
    %add3A_195 = arith.addi %mul3A_193, %add3A_194 : i32
    %multiple_of3A_196 = tpu.assume_multiple %add3A_195, 256 : i32
    %dma_start3A_197 = arith.constant 0 : i32
    %dma_start3A_198 = tpu.memref_slice %arg7[%multiple_of3A_196, %dma_start3A_197] : memref<65536x128xf32, #tpu.memory_space<hbm>> -> memref<256x128xf32, #tpu.memory_space<hbm>>
    %dma_start3A_199 = arith.constant 0 : i32
    %dma_start3A_200 = tpu.memref_slice %arg7[%multiple_of3A_196, %dma_start3A_199] : memref<65536x128xf32, #tpu.memory_space<hbm>> -> memref<256x128xf32, #tpu.memory_space<hbm>>
    tpu.enqueue_dma source(%arg11 : memref<256x128xf32, #tpu.memory_space<vmem>>) target(%dma_start3A_200 : memref<256x128xf32, #tpu.memory_space<hbm>>) target_semaphore(%arg17 : memref<!tpu.dma_semaphore, #tpu.memory_space<semaphore_mem>>)
    %dma_wait3A_201 = arith.constant 0 : i32
    %dma_wait3A_202 = tpu.memref_slice %arg7[%multiple_of3A_182, %dma_wait3A_201] : memref<65536x128xf32, #tpu.memory_space<hbm>> -> memref<256x128xf32, #tpu.memory_space<hbm>>
    %dma_wait3A_203 = arith.constant 0 : i32
    %dma_wait3A_204 = tpu.memref_slice %arg7[%multiple_of3A_182, %dma_wait3A_203] : memref<65536x128xf32, #tpu.memory_space<hbm>> -> memref<256x128xf32, #tpu.memory_space<hbm>>
    tpu.wait_dma2 semaphore(%arg16 : memref<!tpu.dma_semaphore, #tpu.memory_space<semaphore_mem>>) src(%arg10 : memref<256x128xf32, #tpu.memory_space<vmem>>) dst(%dma_wait3A_204 : memref<256x128xf32, #tpu.memory_space<hbm>>)
    %dma_wait3A_205 = arith.constant 0 : i32
    %dma_wait3A_206 = tpu.memref_slice %arg7[%multiple_of3A_196, %dma_wait3A_205] : memref<65536x128xf32, #tpu.memory_space<hbm>> -> memref<256x128xf32, #tpu.memory_space<hbm>>
    %dma_wait3A_207 = arith.constant 0 : i32
    %dma_wait3A_208 = tpu.memref_slice %arg7[%multiple_of3A_196, %dma_wait3A_207] : memref<65536x128xf32, #tpu.memory_space<hbm>> -> memref<256x128xf32, #tpu.memory_space<hbm>>
    tpu.wait_dma2 semaphore(%arg17 : memref<!tpu.dma_semaphore, #tpu.memory_space<semaphore_mem>>) src(%arg11 : memref<256x128xf32, #tpu.memory_space<vmem>>) dst(%dma_wait3A_208 : memref<256x128xf32, #tpu.memory_space<hbm>>)
    %mul3A_209 = arith.constant 16384 : i32
    %mul3A_210 = arith.muli %add3A, %mul3A_209 : i32
    %multiple_of3A_211 = tpu.assume_multiple %mul3A_210, 16384 : i32
    "tpu.region"() ({
      %run_scoped3A = tpu.sem_alloc : memref<!tpu.dma_semaphore, #tpu.memory_space<semaphore_mem>>
      %dma_start3A_281 = tpu.memref_slice %arg5[%multiple_of3A_211] : memref<524288xi32, #tpu.memory_space<hbm>> -> memref<16384xi32, #tpu.memory_space<hbm>>
      %dma_start3A_282 = tpu.memref_slice %arg5[%multiple_of3A_211] : memref<524288xi32, #tpu.memory_space<hbm>> -> memref<16384xi32, #tpu.memory_space<hbm>>
      tpu.enqueue_dma source(%dma_start3A_282 : memref<16384xi32, #tpu.memory_space<hbm>>) target(%arg9 : memref<16384xi32, #tpu.memory_space<vmem>>) target_semaphore(%run_scoped3A : memref<!tpu.dma_semaphore, #tpu.memory_space<semaphore_mem>>)
      %dma_wait3A_283 = tpu.memref_slice %arg5[%multiple_of3A_211] : memref<524288xi32, #tpu.memory_space<hbm>> -> memref<16384xi32, #tpu.memory_space<hbm>>
      %dma_wait3A_284 = tpu.memref_slice %arg5[%multiple_of3A_211] : memref<524288xi32, #tpu.memory_space<hbm>> -> memref<16384xi32, #tpu.memory_space<hbm>>
      tpu.wait_dma2 semaphore(%run_scoped3A : memref<!tpu.dma_semaphore, #tpu.memory_space<semaphore_mem>>) src(%dma_wait3A_284 : memref<16384xi32, #tpu.memory_space<hbm>>) dst(%arg9 : memref<16384xi32, #tpu.memory_space<vmem>>)
      tpu.yield
    }) : () -> ()
    %mul3A_212 = arith.constant 16384 : i32
    %mul3A_213 = arith.muli %add3A, %mul3A_212 : i32
    %jit3A = arith.constant 8 : i32
    %div3A = arith.divsi %mul3A_213, %jit3A : i32
    %sign3A = arith.constant 0 : i32
    %sign3A_214 = arith.cmpi sgt, %mul3A_213, %sign3A : i32
    %sign3A_215 = arith.extui %sign3A_214 : i1 to i32
    %sign3A_216 = arith.constant 0 : i32
    %sign3A_217 = arith.cmpi slt, %mul3A_213, %sign3A_216 : i32
    %sign3A_218 = arith.extui %sign3A_217 : i1 to i32
    %sign3A_219 = arith.subi %sign3A_215, %sign3A_218 : i32
    %sign3A_220 = arith.constant 0 : i32
    %sign3A_221 = arith.cmpi sgt, %jit3A, %sign3A_220 : i32
    %sign3A_222 = arith.extui %sign3A_221 : i1 to i32
    %sign3A_223 = arith.constant 0 : i32
    %sign3A_224 = arith.cmpi slt, %jit3A, %sign3A_223 : i32
    %sign3A_225 = arith.extui %sign3A_224 : i1 to i32
    %sign3A_226 = arith.subi %sign3A_222, %sign3A_225 : i32
    %ne3A = arith.cmpi ne, %sign3A_219, %sign3A_226 : i32
    %rem3A = arith.remsi %mul3A_213, %jit3A : i32
    %ne3A_227 = arith.constant 0 : i32
    %ne3A_228 = arith.cmpi ne, %rem3A, %ne3A_227 : i32
    %and3A = arith.andi %ne3A, %ne3A_228 : i1
    %sub3A = arith.constant 1 : i32
    %sub3A_229 = arith.subi %div3A, %sub3A : i32
    %select_n3A = arith.select %and3A, %sub3A_229, %div3A : i32
    %multiple_of3A_230 = tpu.assume_multiple %select_n3A, 32 : i32
    %dma_start3A_231 = arith.constant 0 : i32
    %dma_start3A_232 = tpu.memref_slice %arg8[%multiple_of3A_230, %dma_start3A_231] : memref<65536x128xf32, #tpu.memory_space<hbm>> -> memref<32x128xf32, #tpu.memory_space<hbm>>
    %dma_start3A_233 = arith.constant 0 : i32
    %dma_start3A_234 = tpu.memref_slice %arg8[%multiple_of3A_230, %dma_start3A_233] : memref<65536x128xf32, #tpu.memory_space<hbm>> -> memref<32x128xf32, #tpu.memory_space<hbm>>
    tpu.enqueue_dma source(%arg12 : memref<32x128xf32, #tpu.memory_space<vmem>>) target(%dma_start3A_234 : memref<32x128xf32, #tpu.memory_space<hbm>>) target_semaphore(%arg16 : memref<!tpu.dma_semaphore, #tpu.memory_space<semaphore_mem>>)
    %add3A_235 = arith.constant 32 : i32
    %add3A_236 = arith.addi %select_n3A, %add3A_235 : i32
    %multiple_of3A_237 = tpu.assume_multiple %add3A_236, 32 : i32
    %dma_start3A_238 = arith.constant 0 : i32
    %dma_start3A_239 = tpu.memref_slice %arg8[%multiple_of3A_237, %dma_start3A_238] : memref<65536x128xf32, #tpu.memory_space<hbm>> -> memref<32x128xf32, #tpu.memory_space<hbm>>
    %dma_start3A_240 = arith.constant 0 : i32
    %dma_start3A_241 = tpu.memref_slice %arg8[%multiple_of3A_237, %dma_start3A_240] : memref<65536x128xf32, #tpu.memory_space<hbm>> -> memref<32x128xf32, #tpu.memory_space<hbm>>
    tpu.enqueue_dma source(%arg13 : memref<32x128xf32, #tpu.memory_space<vmem>>) target(%dma_start3A_241 : memref<32x128xf32, #tpu.memory_space<hbm>>) target_semaphore(%arg17 : memref<!tpu.dma_semaphore, #tpu.memory_space<semaphore_mem>>)
    %dma_start3A_242 = arith.constant 0 : i32
    %dma_start3A_243 = tpu.memref_slice %arg9[%dma_start3A_242] : memref<16384xi32, #tpu.memory_space<vmem>> -> memref<256xi32, #tpu.memory_space<vmem>>
    %dma_start3A_244 = arith.constant 0 : i32
    %dma_start3A_245 = arith.constant 0 : i32
    %dma_start3A_246 = tpu.memref_slice %arg2[%dma_start3A_244, %dma_start3A_245] : memref<100000x128xf32, #tpu.memory_space<hbm>> -> memref<100000x128xf32, #tpu.memory_space<hbm>>
    tpu.enqueue_indirect_dma source(%dma_start3A_246 : memref<100000x128xf32, #tpu.memory_space<hbm>>) target(%arg10 : memref<256x128xf32, #tpu.memory_space<vmem>>) offsets(%dma_start3A_243 : memref<256xi32, #tpu.memory_space<vmem>>) semaphore(%arg14 : memref<!tpu.dma_semaphore, #tpu.memory_space<semaphore_mem>>)
    %dma_start3A_247 = arith.constant 256 : i32
    %dma_start3A_248 = tpu.memref_slice %arg9[%dma_start3A_247] : memref<16384xi32, #tpu.memory_space<vmem>> -> memref<256xi32, #tpu.memory_space<vmem>>
    %dma_start3A_249 = arith.constant 0 : i32
    %dma_start3A_250 = arith.constant 0 : i32
    %dma_start3A_251 = tpu.memref_slice %arg2[%dma_start3A_249, %dma_start3A_250] : memref<100000x128xf32, #tpu.memory_space<hbm>> -> memref<100000x128xf32, #tpu.memory_space<hbm>>
    tpu.enqueue_indirect_dma source(%dma_start3A_251 : memref<100000x128xf32, #tpu.memory_space<hbm>>) target(%arg11 : memref<256x128xf32, #tpu.memory_space<vmem>>) offsets(%dma_start3A_248 : memref<256xi32, #tpu.memory_space<vmem>>) semaphore(%arg15 : memref<!tpu.dma_semaphore, #tpu.memory_space<semaphore_mem>>)
    %scan3A = arith.constant 0 : i32
    %scan3A_252 = arith.constant 0 : i32
    %scan3A_253 = arith.constant 32 : i32
    %scan3A_254 = arith.addi %scan3A_252, %scan3A_253 : i32
    %scan3A_255 = arith.constant 1 : i32
    scf.for %scan3A_281 = %scan3A_252 to %scan3A_254 step %scan3A_255  : i32 {
      %dma_wait3A_282 = arith.constant 0 : i32
      %dma_wait3A_283 = arith.constant 0 : i32
      %dma_wait3A_284 = tpu.memref_slice %arg2[%dma_wait3A_282, %dma_wait3A_283] : memref<100000x128xf32, #tpu.memory_space<hbm>> -> memref<256x128xf32, #tpu.memory_space<hbm>>
      %dma_wait3A_285 = arith.constant 0 : i32
      %dma_wait3A_286 = arith.constant 0 : i32
      %dma_wait3A_287 = tpu.memref_slice %arg2[%dma_wait3A_285, %dma_wait3A_286] : memref<100000x128xf32, #tpu.memory_space<hbm>> -> memref<256x128xf32, #tpu.memory_space<hbm>>
      tpu.wait_dma2 semaphore(%arg14 : memref<!tpu.dma_semaphore, #tpu.memory_space<semaphore_mem>>) src(%dma_wait3A_287 : memref<256x128xf32, #tpu.memory_space<hbm>>) dst(%arg10 : memref<256x128xf32, #tpu.memory_space<vmem>>)
      %dma_wait3A_288 = arith.constant 0 : i32
      %dma_wait3A_289 = arith.constant 0 : i32
      %dma_wait3A_290 = tpu.memref_slice %arg8[%dma_wait3A_288, %dma_wait3A_289] : memref<65536x128xf32, #tpu.memory_space<hbm>> -> memref<32x128xf32, #tpu.memory_space<hbm>>
      %dma_wait3A_291 = arith.constant 0 : i32
      %dma_wait3A_292 = arith.constant 0 : i32
      %dma_wait3A_293 = tpu.memref_slice %arg8[%dma_wait3A_291, %dma_wait3A_292] : memref<65536x128xf32, #tpu.memory_space<hbm>> -> memref<32x128xf32, #tpu.memory_space<hbm>>
      tpu.wait_dma2 semaphore(%arg16 : memref<!tpu.dma_semaphore, #tpu.memory_space<semaphore_mem>>) src(%arg12 : memref<32x128xf32, #tpu.memory_space<vmem>>) dst(%dma_wait3A_293 : memref<32x128xf32, #tpu.memory_space<hbm>>)
      %scan3A_294 = arith.constant 0 : i32
      %scan3A_295 = arith.constant 0 : i32
      %scan3A_296 = arith.constant 4 : i32
      %scan3A_297 = arith.addi %scan3A_295, %scan3A_296 : i32
      %scan3A_298 = arith.constant 1 : i32
      scf.for %scan3A_371 = %scan3A_295 to %scan3A_297 step %scan3A_298  : i32 {
        %mul3A_372 = arith.constant 64 : i32
        %mul3A_373 = arith.muli %scan3A_371, %mul3A_372 : i32
        %multiple_of3A_374 = tpu.assume_multiple %mul3A_373, 64 : i32
        %mul3A_375 = arith.constant 8 : i32
        %mul3A_376 = arith.muli %scan3A_371, %mul3A_375 : i32
        %multiple_of3A_377 = tpu.assume_multiple %mul3A_376, 8 : i32
        %get3A = arith.constant 0 : i32
        %get3A_378 = arith.constant 0 : i32
        %get3A_379 = tpu.memref_slice %arg10[%multiple_of3A_374, %get3A_378] : memref<256x128xf32, #tpu.memory_space<vmem>> -> memref<64x128xf32, #tpu.memory_space<vmem>>
        %get3A_380 = arith.index_cast %get3A : i32 to index
        %get3A_381 = arith.constant 0 : index
        %get3A_382 = tpu.vector_load %get3A_379[%get3A_380, %get3A_381] {strides = array<i32>} : memref<64x128xf32, #tpu.memory_space<vmem>>, vector<16xf32>,
        %get3A_383 = arith.constant 1 : i32
        %get3A_384 = arith.constant 0 : i32
        %get3A_385 = tpu.memref_slice %arg10[%multiple_of3A_374, %get3A_384] : memref<256x128xf32, #tpu.memory_space<vmem>> -> memref<64x128xf32, #tpu.memory_space<vmem>>
        %get3A_386 = arith.index_cast %get3A_383 : i32 to index
        %get3A_387 = arith.constant 0 : index
        %get3A_388 = tpu.vector_load %get3A_385[%get3A_386, %get3A_387] {strides = array<i32>} : memref<64x128xf32, #tpu.memory_space<vmem>>, vector<16xf32>,
        %add3A_389 = arith.addf %get3A_382, %get3A_388 : vector<16xf32>
        %get3A_390 = arith.constant 2 : i32
        %get3A_391 = arith.constant 0 : i32
        %get3A_392 = tpu.memref_slice %arg10[%multiple_of3A_374, %get3A_391] : memref<256x128xf32, #tpu.memory_space<vmem>> -> memref<64x128xf32, #tpu.memory_space<vmem>>
        %get3A_393 = arith.index_cast %get3A_390 : i32 to index
        %get3A_394 = arith.constant 0 : index
        %get3A_395 = tpu.vector_load %get3A_392[%get3A_393, %get3A_394] {strides = array<i32>} : memref<64x128xf32, #tpu.memory_space<vmem>>, vector<16xf32>,
        %add3A_396 = arith.addf %add3A_389, %get3A_395 : vector<16xf32>
        %get3A_397 = arith.constant 3 : i32
        %get3A_398 = arith.constant 0 : i32
        %get3A_399 = tpu.memref_slice %arg10[%multiple_of3A_374, %get3A_398] : memref<256x128xf32, #tpu.memory_space<vmem>> -> memref<64x128xf32, #tpu.memory_space<vmem>>
        %get3A_400 = arith.index_cast %get3A_397 : i32 to index
        %get3A_401 = arith.constant 0 : index
        %get3A_402 = tpu.vector_load %get3A_399[%get3A_400, %get3A_401] {strides = array<i32>} : memref<64x128xf32, #tpu.memory_space<vmem>>, vector<16xf32>,
        %add3A_403 = arith.addf %add3A_396, %get3A_402 : vector<16xf32>
        %get3A_404 = arith.constant 4 : i32
        %get3A_405 = arith.constant 0 : i32
        %get3A_406 = tpu.memref_slice %arg10[%multiple_of3A_374, %get3A_405] : memref<256x128xf32, #tpu.memory_space<vmem>> -> memref<64x128xf32, #tpu.memory_space<vmem>>
        %get3A_407 = arith.index_cast %get3A_404 : i32 to index
        %get3A_408 = arith.constant 0 : index
        %get3A_409 = tpu.vector_load %get3A_406[%get3A_407, %get3A_408] {strides = array<i32>} : memref<64x128xf32, #tpu.memory_space<vmem>>, vector<16xf32>,
        %add3A_410 = arith.addf %add3A_403, %get3A_409 : vector<16xf32>
        %get3A_411 = arith.constant 5 : i32
        %get3A_412 = arith.constant 0 : i32
        %get3A_413 = tpu.memref_slice %arg10[%multiple_of3A_374, %get3A_412] : memref<256x128xf32, #tpu.memory_space<vmem>> -> memref<64x128xf32, #tpu.memory_space<vmem>>
        %get3A_414 = arith.index_cast %get3A_411 : i32 to index
        %get3A_415 = arith.constant 0 : index
        %get3A_416 = tpu.vector_load %get3A_413[%get3A_414, %get3A_415] {strides = array<i32>} : memref<64x128xf32, #tpu.memory_space<vmem>>, vector<16xf32>,
        %add3A_417 = arith.addf %add3A_410, %get3A_416 : vector<16xf32>
        %get3A_418 = arith.constant 6 : i32
        %get3A_419 = arith.constant 0 : i32
        %get3A_420 = tpu.memref_slice %arg10[%multiple_of3A_374, %get3A_419] : memref<256x128xf32, #tpu.memory_space<vmem>> -> memref<64x128xf32, #tpu.memory_space<vmem>>
        %get3A_421 = arith.index_cast %get3A_418 : i32 to index
        %get3A_422 = arith.constant 0 : index
        %get3A_423 = tpu.vector_load %get3A_420[%get3A_421, %get3A_422] {strides = array<i32>} : memref<64x128xf32, #tpu.memory_space<vmem>>, vector<16xf32>,
        %add3A_424 = arith.addf %add3A_417, %get3A_423 : vector<16xf32>
        %get3A_425 = arith.constant 7 : i32
        %get3A_426 = arith.constant 0 : i32
        %get3A_427 = tpu.memref_slice %arg10[%multiple_of3A_374, %get3A_426] : memref<256x128xf32, #tpu.memory_space<vmem>> -> memref<64x128xf32, #tpu.memory_space<vmem>>
        %get3A_428 = arith.index_cast %get3A_425 : i32 to index
        %get3A_429 = arith.constant 0 : index
        %get3A_430 = tpu.vector_load %get3A_427[%get3A_428, %get3A_429] {strides = array<i32>} : memref<64x128xf32, #tpu.memory_space<vmem>>, vector<16xf32>,
        %add3A_431 = arith.addf %add3A_424, %get3A_430 : vector<16xf32>
        %swap3A = arith.constant 0 : i32
        %swap3A_432 = arith.constant 0 : i32
        %swap3A_433 = tpu.memref_slice %arg12[%multiple_of3A_377, %swap3A_432] : memref<32x128xf32, #tpu.memory_space<vmem>> -> memref<8x128xf32, #tpu.memory_space<vmem>>
        %swap3A_434 = arith.index_cast %swap3A : i32 to index
        %swap3A_435 = arith.constant 0 : index
        %swap3A_436 = tpu.vector_load %swap3A_433[%swap3A_434, %swap3A_435] {strides = array<i32>} : memref<8x128xf32, #tpu.memory_space<vmem>>, vector<16xf32>,
        tpu.vector_store %swap3A_433[%swap3A_434, %swap3A_435], %add3A_431 {strides = array<i32>} : memref<8x128xf32, #tpu.memory_space<vmem>>, vector<16xf32>,
        %get3A_437 = arith.constant 0 : i32
        %get3A_438 = arith.constant 0 : i32
        %get3A_439 = tpu.memref_slice %arg10[%multiple_of3A_374, %get3A_438] : memref<256x128xf32, #tpu.memory_space<vmem>> -> memref<64x128xf32, #tpu.memory_space<vmem>>
        %get3A_440 = arith.index_cast %get3A_437 : i32 to index
        %get3A_441 = arith.constant 16 : index
        %get3A_442 = tpu.vector_load %get3A_439[%get3A_440, %get3A_441] {strides = array<i32>} : memref<64x128xf32, #tpu.memory_space<vmem>>, vector<16xf32>,
        %get3A_443 = arith.constant 1 : i32
        %get3A_444 = arith.constant 0 : i32
        %get3A_445 = tpu.memref_slice %arg10[%multiple_of3A_374, %get3A_444] : memref<256x128xf32, #tpu.memory_space<vmem>> -> memref<64x128xf32, #tpu.memory_space<vmem>>
        %get3A_446 = arith.index_cast %get3A_443 : i32 to index
        %get3A_447 = arith.constant 16 : index
        %get3A_448 = tpu.vector_load %get3A_445[%get3A_446, %get3A_447] {strides = array<i32>} : memref<64x128xf32, #tpu.memory_space<vmem>>, vector<16xf32>,
        %add3A_449 = arith.addf %get3A_442, %get3A_448 : vector<16xf32>
        %get3A_450 = arith.constant 2 : i32
        %get3A_451 = arith.constant 0 : i32
        %get3A_452 = tpu.memref_slice %arg10[%multiple_of3A_374, %get3A_451] : memref<256x128xf32, #tpu.memory_space<vmem>> -> memref<64x128xf32, #tpu.memory_space<vmem>>
        %get3A_453 = arith.index_cast %get3A_450 : i32 to index
        %get3A_454 = arith.constant 16 : index
        %get3A_455 = tpu.vector_load %get3A_452[%get3A_453, %get3A_454] {strides = array<i32>} : memref<64x128xf32, #tpu.memory_space<vmem>>, vector<16xf32>,
        %add3A_456 = arith.addf %add3A_449, %get3A_455 : vector<16xf32>
        %get3A_457 = arith.constant 3 : i32
        %get3A_458 = arith.constant 0 : i32
        %get3A_459 = tpu.memref_slice %arg10[%multiple_of3A_374, %get3A_458] : memref<256x128xf32, #tpu.memory_space<vmem>> -> memref<64x128xf32, #tpu.memory_space<vmem>>
        %get3A_460 = arith.index_cast %get3A_457 : i32 to index
        %get3A_461 = arith.constant 16 : index
        %get3A_462 = tpu.vector_load %get3A_459[%get3A_460, %get3A_461] {strides = array<i32>} : memref<64x128xf32, #tpu.memory_space<vmem>>, vector<16xf32>,
        %add3A_463 = arith.addf %add3A_456, %get3A_462 : vector<16xf32>
        %get3A_464 = arith.constant 4 : i32
        %get3A_465 = arith.constant 0 : i32
        %get3A_466 = tpu.memref_slice %arg10[%multiple_of3A_374, %get3A_465] : memref<256x128xf32, #tpu.memory_space<vmem>> -> memref<64x128xf32, #tpu.memory_space<vmem>>
        %get3A_467 = arith.index_cast %get3A_464 : i32 to index
        %get3A_468 = arith.constant 16 : index
        %get3A_469 = tpu.vector_load %get3A_466[%get3A_467, %get3A_468] {strides = array<i32>} : memref<64x128xf32, #tpu.memory_space<vmem>>, vector<16xf32>,
        %add3A_470 = arith.addf %add3A_463, %get3A_469 : vector<16xf32>
        %get3A_471 = arith.constant 5 : i32
        %get3A_472 = arith.constant 0 : i32
        %get3A_473 = tpu.memref_slice %arg10[%multiple_of3A_374, %get3A_472] : memref<256x128xf32, #tpu.memory_space<vmem>> -> memref<64x128xf32, #tpu.memory_space<vmem>>
        %get3A_474 = arith.index_cast %get3A_471 : i32 to index
        %get3A_475 = arith.constant 16 : index
        %get3A_476 = tpu.vector_load %get3A_473[%get3A_474, %get3A_475] {strides = array<i32>} : memref<64x128xf32, #tpu.memory_space<vmem>>, vector<16xf32>,
        %add3A_477 = arith.addf %add3A_470, %get3A_476 : vector<16xf32>
        %get3A_478 = arith.constant 6 : i32
        %get3A_479 = arith.constant 0 : i32
        %get3A_480 = tpu.memref_slice %arg10[%multiple_of3A_374, %get3A_479] : memref<256x128xf32, #tpu.memory_space<vmem>> -> memref<64x128xf32, #tpu.memory_space<vmem>>
        %get3A_481 = arith.index_cast %get3A_478 : i32 to index
        %get3A_482 = arith.constant 16 : index
        %get3A_483 = tpu.vector_load %get3A_480[%get3A_481, %get3A_482] {strides = array<i32>} : memref<64x128xf32, #tpu.memory_space<vmem>>, vector<16xf32>,
        %add3A_484 = arith.addf %add3A_477, %get3A_483 : vector<16xf32>
        %get3A_485 = arith.constant 7 : i32
        %get3A_486 = arith.constant 0 : i32
        %get3A_487 = tpu.memref_slice %arg10[%multiple_of3A_374, %get3A_486] : memref<256x128xf32, #tpu.memory_space<vmem>> -> memref<64x128xf32, #tpu.memory_space<vmem>>
        %get3A_488 = arith.index_cast %get3A_485 : i32 to index
        %get3A_489 = arith.constant 16 : index
        %get3A_490 = tpu.vector_load %get3A_487[%get3A_488, %get3A_489] {strides = array<i32>} : memref<64x128xf32, #tpu.memory_space<vmem>>, vector<16xf32>,
        %add3A_491 = arith.addf %add3A_484, %get3A_490 : vector<16xf32>
        %swap3A_492 = arith.constant 0 : i32
        %swap3A_493 = arith.constant 0 : i32
        %swap3A_494 = tpu.memref_slice %arg12[%multiple_of3A_377, %swap3A_493] : memref<32x128xf32, #tpu.memory_space<vmem>> -> memref<8x128xf32, #tpu.memory_space<vmem>>
        %swap3A_495 = arith.index_cast %swap3A_492 : i32 to index
        %swap3A_496 = arith.constant 16 : index
        %swap3A_497 = tpu.vector_load %swap3A_494[%swap3A_495, %swap3A_496] {strides = array<i32>} : memref<8x128xf32, #tpu.memory_space<vmem>>, vector<16xf32>,
        tpu.vector_store %swap3A_494[%swap3A_495, %swap3A_496], %add3A_491 {strides = array<i32>} : memref<8x128xf32, #tpu.memory_space<vmem>>, vector<16xf32>,
        %get3A_498 = arith.constant 0 : i32
        %get3A_499 = arith.constant 0 : i32
        %get3A_500 = tpu.memref_slice %arg10[%multiple_of3A_374, %get3A_499] : memref<256x128xf32, #tpu.memory_space<vmem>> -> memref<64x128xf32, #tpu.memory_space<vmem>>
        %get3A_501 = arith.index_cast %get3A_498 : i32 to index
        %get3A_502 = arith.constant 32 : index
        %get3A_503 = tpu.vector_load %get3A_500[%get3A_501, %get3A_502] {strides = array<i32>} : memref<64x128xf32, #tpu.memory_space<vmem>>, vector<16xf32>,
        %get3A_504 = arith.constant 1 : i32
        %get3A_505 = arith.constant 0 : i32
        %get3A_506 = tpu.memref_slice %arg10[%multiple_of3A_374, %get3A_505] : memref<256x128xf32, #tpu.memory_space<vmem>> -> memref<64x128xf32, #tpu.memory_space<vmem>>
        %get3A_507 = arith.index_cast %get3A_504 : i32 to index
        %get3A_508 = arith.constant 32 : index
        %get3A_509 = tpu.vector_load %get3A_506[%get3A_507, %get3A_508] {strides = array<i32>} : memref<64x128xf32, #tpu.memory_space<vmem>>, vector<16xf32>,
        %add3A_510 = arith.addf %get3A_503, %get3A_509 : vector<16xf32>
        %get3A_511 = arith.constant 2 : i32
        %get3A_512 = arith.constant 0 : i32
        %get3A_513 = tpu.memref_slice %arg10[%multiple_of3A_374, %get3A_512] : memref<256x128xf32, #tpu.memory_space<vmem>> -> memref<64x128xf32, #tpu.memory_space<vmem>>
        %get3A_514 = arith.index_cast %get3A_511 : i32 to index
        %get3A_515 = arith.constant 32 : index
        %get3A_516 = tpu.vector_load %get3A_513[%get3A_514, %get3A_515] {strides = array<i32>} : memref<64x128xf32, #tpu.memory_space<vmem>>, vector<16xf32>,
        %add3A_517 = arith.addf %add3A_510, %get3A_516 : vector<16xf32>
        %get3A_518 = arith.constant 3 : i32
        %get3A_519 = arith.constant 0 : i32
        %get3A_520 = tpu.memref_slice %arg10[%multiple_of3A_374, %get3A_519] : memref<256x128xf32, #tpu.memory_space<vmem>> -> memref<64x128xf32, #tpu.memory_space<vmem>>
        %get3A_521 = arith.index_cast %get3A_518 : i32 to index
        %get3A_522 = arith.constant 32 : index
        %get3A_523 = tpu.vector_load %get3A_520[%get3A_521, %get3A_522] {strides = array<i32>} : memref<64x128xf32, #tpu.memory_space<vmem>>, vector<16xf32>,
        %add3A_524 = arith.addf %add3A_517, %get3A_523 : vector<16xf32>
        %get3A_525 = arith.constant 4 : i32
        %get3A_526 = arith.constant 0 : i32
        %get3A_527 = tpu.memref_slice %arg10[%multiple_of3A_374, %get3A_526] : memref<256x128xf32, #tpu.memory_space<vmem>> -> memref<64x128xf32, #tpu.memory_space<vmem>>
        %get3A_528 = arith.index_cast %get3A_525 : i32 to index
        %get3A_529 = arith.constant 32 : index
        %get3A_530 = tpu.vector_load %get3A_527[%get3A_528, %get3A_529] {strides = array<i32>} : memref<64x128xf32, #tpu.memory_space<vmem>>, vector<16xf32>,
        %add3A_531 = arith.addf %add3A_524, %get3A_530 : vector<16xf32>
        %get3A_532 = arith.constant 5 : i32
        %get3A_533 = arith.constant 0 : i32
        %get3A_534 = tpu.memref_slice %arg10[%multiple_of3A_374, %get3A_533] : memref<256x128xf32, #tpu.memory_space<vmem>> -> memref<64x128xf32, #tpu.memory_space<vmem>>
        %get3A_535 = arith.index_cast %get3A_532 : i32 to index
        %get3A_536 = arith.constant 32 : index
        %get3A_537 = tpu.vector_load %get3A_534[%get3A_535, %get3A_536] {strides = array<i32>} : memref<64x128xf32, #tpu.memory_space<vmem>>, vector<16xf32>,
        %add3A_538 = arith.addf %add3A_531, %get3A_537 : vector<16xf32>
        %get3A_539 = arith.constant 6 : i32
        %get3A_540 = arith.constant 0 : i32
        %get3A_541 = tpu.memref_slice %arg10[%multiple_of3A_374, %get3A_540] : memref<256x128xf32, #tpu.memory_space<vmem>> -> memref<64x128xf32, #tpu.memory_space<vmem>>
        %get3A_542 = arith.index_cast %get3A_539 : i32 to index
        %get3A_543 = arith.constant 32 : index
        %get3A_544 = tpu.vector_load %get3A_541[%get3A_542, %get3A_543] {strides = array<i32>} : memref<64x128xf32, #tpu.memory_space<vmem>>, vector<16xf32>,
        %add3A_545 = arith.addf %add3A_538, %get3A_544 : vector<16xf32>
        %get3A_546 = arith.constant 7 : i32
        %get3A_547 = arith.constant 0 : i32
        %get3A_548 = tpu.memref_slice %arg10[%multiple_of3A_374, %get3A_547] : memref<256x128xf32, #tpu.memory_space<vmem>> -> memref<64x128xf32, #tpu.memory_space<vmem>>
        %get3A_549 = arith.index_cast %get3A_546 : i32 to index
        %get3A_550 = arith.constant 32 : index
        %get3A_551 = tpu.vector_load %get3A_548[%get3A_549, %get3A_550] {strides = array<i32>} : memref<64x128xf32, #tpu.memory_space<vmem>>, vector<16xf32>,
        %add3A_552 = arith.addf %add3A_545, %get3A_551 : vector<16xf32>
        %swap3A_553 = arith.constant 0 : i32
        %swap3A_554 = arith.constant 0 : i32
        %swap3A_555 = tpu.memref_slice %arg12[%multiple_of3A_377, %swap3A_554] : memref<32x128xf32, #tpu.memory_space<vmem>> -> memref<8x128xf32, #tpu.memory_space<vmem>>
        %swap3A_556 = arith.index_cast %swap3A_553 : i32 to index
        %swap3A_557 = arith.constant 32 : index
        %swap3A_558 = tpu.vector_load %swap3A_555[%swap3A_556, %swap3A_557] {strides = array<i32>} : memref<8x128xf32, #tpu.memory_space<vmem>>, vector<16xf32>,
        tpu.vector_store %swap3A_555[%swap3A_556, %swap3A_557], %add3A_552 {strides = array<i32>} : memref<8x128xf32, #tpu.memory_space<vmem>>, vector<16xf32>,
        %get3A_559 = arith.constant 0 : i32
        %get3A_560 = arith.constant 0 : i32
        %get3A_561 = tpu.memref_slice %arg10[%multiple_of3A_374, %get3A_560] : memref<256x128xf32, #tpu.memory_space<vmem>> -> memref<64x128xf32, #tpu.memory_space<vmem>>
        %get3A_562 = arith.index_cast %get3A_559 : i32 to index
        %get3A_563 = arith.constant 48 : index
        %get3A_564 = tpu.vector_load %get3A_561[%get3A_562, %get3A_563] {strides = array<i32>} : memref<64x128xf32, #tpu.memory_space<vmem>>, vector<16xf32>,
        %get3A_565 = arith.constant 1 : i32
        %get3A_566 = arith.constant 0 : i32
        %get3A_567 = tpu.memref_slice %arg10[%multiple_of3A_374, %get3A_566] : memref<256x128xf32, #tpu.memory_space<vmem>> -> memref<64x128xf32, #tpu.memory_space<vmem>>
        %get3A_568 = arith.index_cast %get3A_565 : i32 to index
        %get3A_569 = arith.constant 48 : index
        %get3A_570 = tpu.vector_load %get3A_567[%get3A_568, %get3A_569] {strides = array<i32>} : memref<64x128xf32, #tpu.memory_space<vmem>>, vector<16xf32>,
        %add3A_571 = arith.addf %get3A_564, %get3A_570 : vector<16xf32>
        %get3A_572 = arith.constant 2 : i32
        %get3A_573 = arith.constant 0 : i32
        %get3A_574 = tpu.memref_slice %arg10[%multiple_of3A_374, %get3A_573] : memref<256x128xf32, #tpu.memory_space<vmem>> -> memref<64x128xf32, #tpu.memory_space<vmem>>
        %get3A_575 = arith.index_cast %get3A_572 : i32 to index
        %get3A_576 = arith.constant 48 : index
        %get3A_577 = tpu.vector_load %get3A_574[%get3A_575, %get3A_576] {strides = array<i32>} : memref<64x128xf32, #tpu.memory_space<vmem>>, vector<16xf32>,
        %add3A_578 = arith.addf %add3A_571, %get3A_577 : vector<16xf32>
        %get3A_579 = arith.constant 3 : i32
        %get3A_580 = arith.constant 0 : i32
        %get3A_581 = tpu.memref_slice %arg10[%multiple_of3A_374, %get3A_580] : memref<256x128xf32, #tpu.memory_space<vmem>> -> memref<64x128xf32, #tpu.memory_space<vmem>>
        %get3A_582 = arith.index_cast %get3A_579 : i32 to index
        %get3A_583 = arith.constant 48 : index
        %get3A_584 = tpu.vector_load %get3A_581[%get3A_582, %get3A_583] {strides = array<i32>} : memref<64x128xf32, #tpu.memory_space<vmem>>, vector<16xf32>,
        %add3A_585 = arith.addf %add3A_578, %get3A_584 : vector<16xf32>
        %get3A_586 = arith.constant 4 : i32
        %get3A_587 = arith.constant 0 : i32
        %get3A_588 = tpu.memref_slice %arg10[%multiple_of3A_374, %get3A_587] : memref<256x128xf32, #tpu.memory_space<vmem>> -> memref<64x128xf32, #tpu.memory_space<vmem>>
        %get3A_589 = arith.index_cast %get3A_586 : i32 to index
        %get3A_590 = arith.constant 48 : index
        %get3A_591 = tpu.vector_load %get3A_588[%get3A_589, %get3A_590] {strides = array<i32>} : memref<64x128xf32, #tpu.memory_space<vmem>>, vector<16xf32>,
        %add3A_592 = arith.addf %add3A_585, %get3A_591 : vector<16xf32>
        %get3A_593 = arith.constant 5 : i32
        %get3A_594 = arith.constant 0 : i32
        %get3A_595 = tpu.memref_slice %arg10[%multiple_of3A_374, %get3A_594] : memref<256x128xf32, #tpu.memory_space<vmem>> -> memref<64x128xf32, #tpu.memory_space<vmem>>
        %get3A_596 = arith.index_cast %get3A_593 : i32 to index
        %get3A_597 = arith.constant 48 : index
        %get3A_598 = tpu.vector_load %get3A_595[%get3A_596, %get3A_597] {strides = array<i32>} : memref<64x128xf32, #tpu.memory_space<vmem>>, vector<16xf32>,
        %add3A_599 = arith.addf %add3A_592, %get3A_598 : vector<16xf32>
        %get3A_600 = arith.constant 6 : i32
        %get3A_601 = arith.constant 0 : i32
        %get3A_602 = tpu.memref_slice %arg10[%multiple_of3A_374, %get3A_601] : memref<256x128xf32, #tpu.memory_space<vmem>> -> memref<64x128xf32, #tpu.memory_space<vmem>>
        %get3A_603 = arith.index_cast %get3A_600 : i32 to index
        %get3A_604 = arith.constant 48 : index
        %get3A_605 = tpu.vector_load %get3A_602[%get3A_603, %get3A_604] {strides = array<i32>} : memref<64x128xf32, #tpu.memory_space<vmem>>, vector<16xf32>,
        %add3A_606 = arith.addf %add3A_599, %get3A_605 : vector<16xf32>
        %get3A_607 = arith.constant 7 : i32
        %get3A_608 = arith.constant 0 : i32
        %get3A_609 = tpu.memref_slice %arg10[%multiple_of3A_374, %get3A_608] : memref<256x128xf32, #tpu.memory_space<vmem>> -> memref<64x128xf32, #tpu.memory_space<vmem>>
        %get3A_610 = arith.index_cast %get3A_607 : i32 to index
        %get3A_611 = arith.constant 48 : index
        %get3A_612 = tpu.vector_load %get3A_609[%get3A_610, %get3A_611] {strides = array<i32>} : memref<64x128xf32, #tpu.memory_space<vmem>>, vector<16xf32>,
        %add3A_613 = arith.addf %add3A_606, %get3A_612 : vector<16xf32>
        %swap3A_614 = arith.constant 0 : i32
        %swap3A_615 = arith.constant 0 : i32
        %swap3A_616 = tpu.memref_slice %arg12[%multiple_of3A_377, %swap3A_615] : memref<32x128xf32, #tpu.memory_space<vmem>> -> memref<8x128xf32, #tpu.memory_space<vmem>>
        %swap3A_617 = arith.index_cast %swap3A_614 : i32 to index
        %swap3A_618 = arith.constant 48 : index
        %swap3A_619 = tpu.vector_load %swap3A_616[%swap3A_617, %swap3A_618] {strides = array<i32>} : memref<8x128xf32, #tpu.memory_space<vmem>>, vector<16xf32>,
        tpu.vector_store %swap3A_616[%swap3A_617, %swap3A_618], %add3A_613 {strides = array<i32>} : memref<8x128xf32, #tpu.memory_space<vmem>>, vector<16xf32>,
        %get3A_620 = arith.constant 8 : i32
        %get3A_621 = arith.constant 0 : i32
        %get3A_622 = tpu.memref_slice %arg10[%multiple_of3A_374, %get3A_621] : memref<256x128xf32, #tpu.memory_space<vmem>> -> memref<64x128xf32, #tpu.memory_space<vmem>>
        %get3A_623 = arith.index_cast %get3A_620 : i32 to index
        %get3A_624 = arith.constant 0 : index
        %get3A_625 = tpu.vector_load %get3A_622[%get3A_623, %get3A_624] {strides = array<i32>} : memref<64x128xf32, #tpu.memory_space<vmem>>, vector<16xf32>,
        %get3A_626 = arith.constant 9 : i32
        %get3A_627 = arith.constant 0 : i32
        %get3A_628 = tpu.memref_slice %arg10[%multiple_of3A_374, %get3A_627] : memref<256x128xf32, #tpu.memory_space<vmem>> -> memref<64x128xf32, #tpu.memory_space<vmem>>
        %get3A_629 = arith.index_cast %get3A_626 : i32 to index
        %get3A_630 = arith.constant 0 : index
        %get3A_631 = tpu.vector_load %get3A_628[%get3A_629, %get3A_630] {strides = array<i32>} : memref<64x128xf32, #tpu.memory_space<vmem>>, vector<16xf32>,
        %add3A_632 = arith.addf %get3A_625, %get3A_631 : vector<16xf32>
        %get3A_633 = arith.constant 10 : i32
        %get3A_634 = arith.constant 0 : i32
        %get3A_635 = tpu.memref_slice %arg10[%multiple_of3A_374, %get3A_634] : memref<256x128xf32, #tpu.memory_space<vmem>> -> memref<64x128xf32, #tpu.memory_space<vmem>>
        %get3A_636 = arith.index_cast %get3A_633 : i32 to index
        %get3A_637 = arith.constant 0 : index
        %get3A_638 = tpu.vector_load %get3A_635[%get3A_636, %get3A_637] {strides = array<i32>} : memref<64x128xf32, #tpu.memory_space<vmem>>, vector<16xf32>,
        %add3A_639 = arith.addf %add3A_632, %get3A_638 : vector<16xf32>
        %get3A_640 = arith.constant 11 : i32
        %get3A_641 = arith.constant 0 : i32
        %get3A_642 = tpu.memref_slice %arg10[%multiple_of3A_374, %get3A_641] : memref<256x128xf32, #tpu.memory_space<vmem>> -> memref<64x128xf32, #tpu.memory_space<vmem>>
        %get3A_643 = arith.index_cast %get3A_640 : i32 to index
        %get3A_644 = arith.constant 0 : index
        %get3A_645 = tpu.vector_load %get3A_642[%get3A_643, %get3A_644] {strides = array<i32>} : memref<64x128xf32, #tpu.memory_space<vmem>>, vector<16xf32>,
        %add3A_646 = arith.addf %add3A_639, %get3A_645 : vector<16xf32>
        %get3A_647 = arith.constant 12 : i32
        %get3A_648 = arith.constant 0 : i32
        %get3A_649 = tpu.memref_slice %arg10[%multiple_of3A_374, %get3A_648] : memref<256x128xf32, #tpu.memory_space<vmem>> -> memref<64x128xf32, #tpu.memory_space<vmem>>
        %get3A_650 = arith.index_cast %get3A_647 : i32 to index
        %get3A_651 = arith.constant 0 : index
        %get3A_652 = tpu.vector_load %get3A_649[%get3A_650, %get3A_651] {strides = array<i32>} : memref<64x128xf32, #tpu.memory_space<vmem>>, vector<16xf32>,
        %add3A_653 = arith.addf %add3A_646, %get3A_652 : vector<16xf32>
        %get3A_654 = arith.constant 13 : i32
        %get3A_655 = arith.constant 0 : i32
        %get3A_656 = tpu.memref_slice %arg10[%multiple_of3A_374, %get3A_655] : memref<256x128xf32, #tpu.memory_space<vmem>> -> memref<64x128xf32, #tpu.memory_space<vmem>>
        %get3A_657 = arith.index_cast %get3A_654 : i32 to index
        %get3A_658 = arith.constant 0 : index
        %get3A_659 = tpu.vector_load %get3A_656[%get3A_657, %get3A_658] {strides = array<i32>} : memref<64x128xf32, #tpu.memory_space<vmem>>, vector<16xf32>,
        %add3A_660 = arith.addf %add3A_653, %get3A_659 : vector<16xf32>
        %get3A_661 = arith.constant 14 : i32
        %get3A_662 = arith.constant 0 : i32
        %get3A_663 = tpu.memref_slice %arg10[%multiple_of3A_374, %get3A_662] : memref<256x128xf32, #tpu.memory_space<vmem>> -> memref<64x128xf32, #tpu.memory_space<vmem>>
        %get3A_664 = arith.index_cast %get3A_661 : i32 to index
        %get3A_665 = arith.constant 0 : index
        %get3A_666 = tpu.vector_load %get3A_663[%get3A_664, %get3A_665] {strides = array<i32>} : memref<64x128xf32, #tpu.memory_space<vmem>>, vector<16xf32>,
        %add3A_667 = arith.addf %add3A_660, %get3A_666 : vector<16xf32>
        %get3A_668 = arith.constant 15 : i32
        %get3A_669 = arith.constant 0 : i32
        %get3A_670 = tpu.memref_slice %arg10[%multiple_of3A_374, %get3A_669] : memref<256x128xf32, #tpu.memory_space<vmem>> -> memref<64x128xf32, #tpu.memory_space<vmem>>
        %get3A_671 = arith.index_cast %get3A_668 : i32 to index
        %get3A_672 = arith.constant 0 : index
        %get3A_673 = tpu.vector_load %get3A_670[%get3A_671, %get3A_672] {strides = array<i32>} : memref<64x128xf32, #tpu.memory_space<vmem>>, vector<16xf32>,
        %add3A_674 = arith.addf %add3A_667, %get3A_673 : vector<16xf32>
        %swap3A_675 = arith.constant 1 : i32
        %swap3A_676 = arith.constant 0 : i32
        %swap3A_677 = tpu.memref_slice %arg12[%multiple_of3A_377, %swap3A_676] : memref<32x128xf32, #tpu.memory_space<vmem>> -> memref<8x128xf32, #tpu.memory_space<vmem>>
        %swap3A_678 = arith.index_cast %swap3A_675 : i32 to index
        %swap3A_679 = arith.constant 0 : index
        %swap3A_680 = tpu.vector_load %swap3A_677[%swap3A_678, %swap3A_679] {strides = array<i32>} : memref<8x128xf32, #tpu.memory_space<vmem>>, vector<16xf32>,
        tpu.vector_store %swap3A_677[%swap3A_678, %swap3A_679], %add3A_674 {strides = array<i32>} : memref<8x128xf32, #tpu.memory_space<vmem>>, vector<16xf32>,
        %get3A_681 = arith.constant 8 : i32
        %get3A_682 = arith.constant 0 : i32
        %get3A_683 = tpu.memref_slice %arg10[%multiple_of3A_374, %get3A_682] : memref<256x128xf32, #tpu.memory_space<vmem>> -> memref<64x128xf32, #tpu.memory_space<vmem>>
        %get3A_684 = arith.index_cast %get3A_681 : i32 to index
        %get3A_685 = arith.constant 16 : index
        %get3A_686 = tpu.vector_load %get3A_683[%get3A_684, %get3A_685] {strides = array<i32>} : memref<64x128xf32, #tpu.memory_space<vmem>>, vector<16xf32>,
        %get3A_687 = arith.constant 9 : i32
        %get3A_688 = arith.constant 0 : i32
        %get3A_689 = tpu.memref_slice %arg10[%multiple_of3A_374, %get3A_688] : memref<256x128xf32, #tpu.memory_space<vmem>> -> memref<64x128xf32, #tpu.memory_space<vmem>>
        %get3A_690 = arith.index_cast %get3A_687 : i32 to index
        %get3A_691 = arith.constant 16 : index
        %get3A_692 = tpu.vector_load %get3A_689[%get3A_690, %get3A_691] {strides = array<i32>} : memref<64x128xf32, #tpu.memory_space<vmem>>, vector<16xf32>,
        %add3A_693 = arith.addf %get3A_686, %get3A_692 : vector<16xf32>
        %get3A_694 = arith.constant 10 : i32
        %get3A_695 = arith.constant 0 : i32
        %get3A_696 = tpu.memref_slice %arg10[%multiple_of3A_374, %get3A_695] : memref<256x128xf32, #tpu.memory_space<vmem>> -> memref<64x128xf32, #tpu.memory_space<vmem>>
        %get3A_697 = arith.index_cast %get3A_694 : i32 to index
        %get3A_698 = arith.constant 16 : index
        %get3A_699 = tpu.vector_load %get3A_696[%get3A_697, %get3A_698] {strides = array<i32>} : memref<64x128xf32, #tpu.memory_space<vmem>>, vector<16xf32>,
        %add3A_700 = arith.addf %add3A_693, %get3A_699 : vector<16xf32>
        %get3A_701 = arith.constant 11 : i32
        %get3A_702 = arith.constant 0 : i32
        %get3A_703 = tpu.memref_slice %arg10[%multiple_of3A_374, %get3A_702] : memref<256x128xf32, #tpu.memory_space<vmem>> -> memref<64x128xf32, #tpu.memory_space<vmem>>
        %get3A_704 = arith.index_cast %get3A_701 : i32 to index
        %get3A_705 = arith.constant 16 : index
        %get3A_706 = tpu.vector_load %get3A_703[%get3A_704, %get3A_705] {strides = array<i32>} : memref<64x128xf32, #tpu.memory_space<vmem>>, vector<16xf32>,
        %add3A_707 = arith.addf %add3A_700, %get3A_706 : vector<16xf32>
        %get3A_708 = arith.constant 12 : i32
        %get3A_709 = arith.constant 0 : i32
        %get3A_710 = tpu.memref_slice %arg10[%multiple_of3A_374, %get3A_709] : memref<256x128xf32, #tpu.memory_space<vmem>> -> memref<64x128xf32, #tpu.memory_space<vmem>>
        %get3A_711 = arith.index_cast %get3A_708 : i32 to index
        %get3A_712 = arith.constant 16 : index
        %get3A_713 = tpu.vector_load %get3A_710[%get3A_711, %get3A_712] {strides = array<i32>} : memref<64x128xf32, #tpu.memory_space<vmem>>, vector<16xf32>,
        %add3A_714 = arith.addf %add3A_707, %get3A_713 : vector<16xf32>
        %get3A_715 = arith.constant 13 : i32
        %get3A_716 = arith.constant 0 : i32
        %get3A_717 = tpu.memref_slice %arg10[%multiple_of3A_374, %get3A_716] : memref<256x128xf32, #tpu.memory_space<vmem>> -> memref<64x128xf32, #tpu.memory_space<vmem>>
        %get3A_718 = arith.index_cast %get3A_715 : i32 to index
        %get3A_719 = arith.constant 16 : index
        %get3A_720 = tpu.vector_load %get3A_717[%get3A_718, %get3A_719] {strides = array<i32>} : memref<64x128xf32, #tpu.memory_space<vmem>>, vector<16xf32>,
        %add3A_721 = arith.addf %add3A_714, %get3A_720 : vector<16xf32>
        %get3A_722 = arith.constant 14 : i32
        %get3A_723 = arith.constant 0 : i32
        %get3A_724 = tpu.memref_slice %arg10[%multiple_of3A_374, %get3A_723] : memref<256x128xf32, #tpu.memory_space<vmem>> -> memref<64x128xf32, #tpu.memory_space<vmem>>
        %get3A_725 = arith.index_cast %get3A_722 : i32 to index
        %get3A_726 = arith.constant 16 : index
        %get3A_727 = tpu.vector_load %get3A_724[%get3A_725, %get3A_726] {strides = array<i32>} : memref<64x128xf32, #tpu.memory_space<vmem>>, vector<16xf32>,
        %add3A_728 = arith.addf %add3A_721, %get3A_727 : vector<16xf32>
        %get3A_729 = arith.constant 15 : i32
        %get3A_730 = arith.constant 0 : i32
        %get3A_731 = tpu.memref_slice %arg10[%multiple_of3A_374, %get3A_730] : memref<256x128xf32, #tpu.memory_space<vmem>> -> memref<64x128xf32, #tpu.memory_space<vmem>>
        %get3A_732 = arith.index_cast %get3A_729 : i32 to index
        %get3A_733 = arith.constant 16 : index
        %get3A_734 = tpu.vector_load %get3A_731[%get3A_732, %get3A_733] {strides = array<i32>} : memref<64x128xf32, #tpu.memory_space<vmem>>, vector<16xf32>,
        %add3A_735 = arith.addf %add3A_728, %get3A_734 : vector<16xf32>
        %swap3A_736 = arith.constant 1 : i32
        %swap3A_737 = arith.constant 0 : i32
        %swap3A_738 = tpu.memref_slice %arg12[%multiple_of3A_377, %swap3A_737] : memref<32x128xf32, #tpu.memory_space<vmem>> -> memref<8x128xf32, #tpu.memory_space<vmem>>
        %swap3A_739 = arith.index_cast %swap3A_736 : i32 to index
        %swap3A_740 = arith.constant 16 : index
        %swap3A_741 = tpu.vector_load %swap3A_738[%swap3A_739, %swap3A_740] {strides = array<i32>} : memref<8x128xf32, #tpu.memory_space<vmem>>, vector<16xf32>,
        tpu.vector_store %swap3A_738[%swap3A_739, %swap3A_740], %add3A_735 {strides = array<i32>} : memref<8x128xf32, #tpu.memory_space<vmem>>, vector<16xf32>,
        %get3A_742 = arith.constant 8 : i32
        %get3A_743 = arith.constant 0 : i32
        %get3A_744 = tpu.memref_slice %arg10[%multiple_of3A_374, %get3A_743] : memref<256x128xf32, #tpu.memory_space<vmem>> -> memref<64x128xf32, #tpu.memory_space<vmem>>
        %get3A_745 = arith.index_cast %get3A_742 : i32 to index
        %get3A_746 = arith.constant 32 : index
        %get3A_747 = tpu.vector_load %get3A_744[%get3A_745, %get3A_746] {strides = array<i32>} : memref<64x128xf32, #tpu.memory_space<vmem>>, vector<16xf32>,
        %get3A_748 = arith.constant 9 : i32
        %get3A_749 = arith.constant 0 : i32
        %get3A_750 = tpu.memref_slice %arg10[%multiple_of3A_374, %get3A_749] : memref<256x128xf32, #tpu.memory_space<vmem>> -> memref<64x128xf32, #tpu.memory_space<vmem>>
        %get3A_751 = arith.index_cast %get3A_748 : i32 to index
        %get3A_752 = arith.constant 32 : index
        %get3A_753 = tpu.vector_load %get3A_750[%get3A_751, %get3A_752] {strides = array<i32>} : memref<64x128xf32, #tpu.memory_space<vmem>>, vector<16xf32>,
        %add3A_754 = arith.addf %get3A_747, %get3A_753 : vector<16xf32>
        %get3A_755 = arith.constant 10 : i32
        %get3A_756 = arith.constant 0 : i32
        %get3A_757 = tpu.memref_slice %arg10[%multiple_of3A_374, %get3A_756] : memref<256x128xf32, #tpu.memory_space<vmem>> -> memref<64x128xf32, #tpu.memory_space<vmem>>
        %get3A_758 = arith.index_cast %get3A_755 : i32 to index
        %get3A_759 = arith.constant 32 : index
        %get3A_760 = tpu.vector_load %get3A_757[%get3A_758, %get3A_759] {strides = array<i32>} : memref<64x128xf32, #tpu.memory_space<vmem>>, vector<16xf32>,
        %add3A_761 = arith.addf %add3A_754, %get3A_760 : vector<16xf32>
        %get3A_762 = arith.constant 11 : i32
        %get3A_763 = arith.constant 0 : i32
        %get3A_764 = tpu.memref_slice %arg10[%multiple_of3A_374, %get3A_763] : memref<256x128xf32, #tpu.memory_space<vmem>> -> memref<64x128xf32, #tpu.memory_space<vmem>>
        %get3A_765 = arith.index_cast %get3A_762 : i32 to index
        %get3A_766 = arith.constant 32 : index
        %get3A_767 = tpu.vector_load %get3A_764[%get3A_765, %get3A_766] {strides = array<i32>} : memref<64x128xf32, #tpu.memory_space<vmem>>, vector<16xf32>,
        %add3A_768 = arith.addf %add3A_761, %get3A_767 : vector<16xf32>
        %get3A_769 = arith.constant 12 : i32
        %get3A_770 = arith.constant 0 : i32
        %get3A_771 = tpu.memref_slice %arg10[%multiple_of3A_374, %get3A_770] : memref<256x128xf32, #tpu.memory_space<vmem>> -> memref<64x128xf32, #tpu.memory_space<vmem>>
        %get3A_772 = arith.index_cast %get3A_769 : i32 to index
        %get3A_773 = arith.constant 32 : index
        %get3A_774 = tpu.vector_load %get3A_771[%get3A_772, %get3A_773] {strides = array<i32>} : memref<64x128xf32, #tpu.memory_space<vmem>>, vector<16xf32>,
        %add3A_775 = arith.addf %add3A_768, %get3A_774 : vector<16xf32>
        %get3A_776 = arith.constant 13 : i32
        %get3A_777 = arith.constant 0 : i32
        %get3A_778 = tpu.memref_slice %arg10[%multiple_of3A_374, %get3A_777] : memref<256x128xf32, #tpu.memory_space<vmem>> -> memref<64x128xf32, #tpu.memory_space<vmem>>
        %get3A_779 = arith.index_cast %get3A_776 : i32 to index
        %get3A_780 = arith.constant 32 : index
        %get3A_781 = tpu.vector_load %get3A_778[%get3A_779, %get3A_780] {strides = array<i32>} : memref<64x128xf32, #tpu.memory_space<vmem>>, vector<16xf32>,
        %add3A_782 = arith.addf %add3A_775, %get3A_781 : vector<16xf32>
        %get3A_783 = arith.constant 14 : i32
        %get3A_784 = arith.constant 0 : i32
        %get3A_785 = tpu.memref_slice %arg10[%multiple_of3A_374, %get3A_784] : memref<256x128xf32, #tpu.memory_space<vmem>> -> memref<64x128xf32, #tpu.memory_space<vmem>>
        %get3A_786 = arith.index_cast %get3A_783 : i32 to index
        %get3A_787 = arith.constant 32 : index
        %get3A_788 = tpu.vector_load %get3A_785[%get3A_786, %get3A_787] {strides = array<i32>} : memref<64x128xf32, #tpu.memory_space<vmem>>, vector<16xf32>,
        %add3A_789 = arith.addf %add3A_782, %get3A_788 : vector<16xf32>
        %get3A_790 = arith.constant 15 : i32
        %get3A_791 = arith.constant 0 : i32
        %get3A_792 = tpu.memref_slice %arg10[%multiple_of3A_374, %get3A_791] : memref<256x128xf32, #tpu.memory_space<vmem>> -> memref<64x128xf32, #tpu.memory_space<vmem>>
        %get3A_793 = arith.index_cast %get3A_790 : i32 to index
        %get3A_794 = arith.constant 32 : index
        %get3A_795 = tpu.vector_load %get3A_792[%get3A_793, %get3A_794] {strides = array<i32>} : memref<64x128xf32, #tpu.memory_space<vmem>>, vector<16xf32>,
        %add3A_796 = arith.addf %add3A_789, %get3A_795 : vector<16xf32>
        %swap3A_797 = arith.constant 1 : i32
        %swap3A_798 = arith.constant 0 : i32
        %swap3A_799 = tpu.memref_slice %arg12[%multiple_of3A_377, %swap3A_798] : memref<32x128xf32, #tpu.memory_space<vmem>> -> memref<8x128xf32, #tpu.memory_space<vmem>>
        %swap3A_800 = arith.index_cast %swap3A_797 : i32 to index
        %swap3A_801 = arith.constant 32 : index
        %swap3A_802 = tpu.vector_load %swap3A_799[%swap3A_800, %swap3A_801] {strides = array<i32>} : memref<8x128xf32, #tpu.memory_space<vmem>>, vector<16xf32>,
        tpu.vector_store %swap3A_799[%swap3A_800, %swap3A_801], %add3A_796 {strides = array<i32>} : memref<8x128xf32, #tpu.memory_space<vmem>>, vector<16xf32>,
        %get3A_803 = arith.constant 8 : i32
        %get3A_804 = arith.constant 0 : i32
        %get3A_805 = tpu.memref_slice %arg10[%multiple_of3A_374, %get3A_804] : memref<256x128xf32, #tpu.memory_space<vmem>> -> memref<64x128xf32, #tpu.memory_space<vmem>>
        %get3A_806 = arith.index_cast %get3A_803 : i32 to index
        %get3A_807 = arith.constant 48 : index
        %get3A_808 = tpu.vector_load %get3A_805[%get3A_806, %get3A_807] {strides = array<i32>} : memref<64x128xf32, #tpu.memory_space<vmem>>, vector<16xf32>,
        %get3A_809 = arith.constant 9 : i32
        %get3A_810 = arith.constant 0 : i32
        %get3A_811 = tpu.memref_slice %arg10[%multiple_of3A_374, %get3A_810] : memref<256x128xf32, #tpu.memory_space<vmem>> -> memref<64x128xf32, #tpu.memory_space<vmem>>
        %get3A_812 = arith.index_cast %get3A_809 : i32 to index
        %get3A_813 = arith.constant 48 : index
        %get3A_814 = tpu.vector_load %get3A_811[%get3A_812, %get3A_813] {strides = array<i32>} : memref<64x128xf32, #tpu.memory_space<vmem>>, vector<16xf32>,
        %add3A_815 = arith.addf %get3A_808, %get3A_814 : vector<16xf32>
        %get3A_816 = arith.constant 10 : i32
        %get3A_817 = arith.constant 0 : i32
        %get3A_818 = tpu.memref_slice %arg10[%multiple_of3A_374, %get3A_817] : memref<256x128xf32, #tpu.memory_space<vmem>> -> memref<64x128xf32, #tpu.memory_space<vmem>>
        %get3A_819 = arith.index_cast %get3A_816 : i32 to index
        %get3A_820 = arith.constant 48 : index
        %get3A_821 = tpu.vector_load %get3A_818[%get3A_819, %get3A_820] {strides = array<i32>} : memref<64x128xf32, #tpu.memory_space<vmem>>, vector<16xf32>,
        %add3A_822 = arith.addf %add3A_815, %get3A_821 : vector<16xf32>
        %get3A_823 = arith.constant 11 : i32
        %get3A_824 = arith.constant 0 : i32
        %get3A_825 = tpu.memref_slice %arg10[%multiple_of3A_374, %get3A_824] : memref<256x128xf32, #tpu.memory_space<vmem>> -> memref<64x128xf32, #tpu.memory_space<vmem>>
        %get3A_826 = arith.index_cast %get3A_823 : i32 to index
        %get3A_827 = arith.constant 48 : index
        %get3A_828 = tpu.vector_load %get3A_825[%get3A_826, %get3A_827] {strides = array<i32>} : memref<64x128xf32, #tpu.memory_space<vmem>>, vector<16xf32>,
        %add3A_829 = arith.addf %add3A_822, %get3A_828 : vector<16xf32>
        %get3A_830 = arith.constant 12 : i32
        %get3A_831 = arith.constant 0 : i32
        %get3A_832 = tpu.memref_slice %arg10[%multiple_of3A_374, %get3A_831] : memref<256x128xf32, #tpu.memory_space<vmem>> -> memref<64x128xf32, #tpu.memory_space<vmem>>
        %get3A_833 = arith.index_cast %get3A_830 : i32 to index
        %get3A_834 = arith.constant 48 : index
        %get3A_835 = tpu.vector_load %get3A_832[%get3A_833, %get3A_834] {strides = array<i32>} : memref<64x128xf32, #tpu.memory_space<vmem>>, vector<16xf32>,
        %add3A_836 = arith.addf %add3A_829, %get3A_835 : vector<16xf32>
        %get3A_837 = arith.constant 13 : i32
        %get3A_838 = arith.constant 0 : i32
        %get3A_839 = tpu.memref_slice %arg10[%multiple_of3A_374, %get3A_838] : memref<256x128xf32, #tpu.memory_space<vmem>> -> memref<64x128xf32, #tpu.memory_space<vmem>>
        %get3A_840 = arith.index_cast %get3A_837 : i32 to index
        %get3A_841 = arith.constant 48 : index
        %get3A_842 = tpu.vector_load %get3A_839[%get3A_840, %get3A_841] {strides = array<i32>} : memref<64x128xf32, #tpu.memory_space<vmem>>, vector<16xf32>,
        %add3A_843 = arith.addf %add3A_836, %get3A_842 : vector<16xf32>
        %get3A_844 = arith.constant 14 : i32
        %get3A_845 = arith.constant 0 : i32
        %get3A_846 = tpu.memref_slice %arg10[%multiple_of3A_374, %get3A_845] : memref<256x128xf32, #tpu.memory_space<vmem>> -> memref<64x128xf32, #tpu.memory_space<vmem>>
        %get3A_847 = arith.index_cast %get3A_844 : i32 to index
        %get3A_848 = arith.constant 48 : index
        %get3A_849 = tpu.vector_load %get3A_846[%get3A_847, %get3A_848] {strides = array<i32>} : memref<64x128xf32, #tpu.memory_space<vmem>>, vector<16xf32>,
        %add3A_850 = arith.addf %add3A_843, %get3A_849 : vector<16xf32>
        %get3A_851 = arith.constant 15 : i32
        %get3A_852 = arith.constant 0 : i32
        %get3A_853 = tpu.memref_slice %arg10[%multiple_of3A_374, %get3A_852] : memref<256x128xf32, #tpu.memory_space<vmem>> -> memref<64x128xf32, #tpu.memory_space<vmem>>
        %get3A_854 = arith.index_cast %get3A_851 : i32 to index
        %get3A_855 = arith.constant 48 : index
        %get3A_856 = tpu.vector_load %get3A_853[%get3A_854, %get3A_855] {strides = array<i32>} : memref<64x128xf32, #tpu.memory_space<vmem>>, vector<16xf32>,
        %add3A_857 = arith.addf %add3A_850, %get3A_856 : vector<16xf32>
        %swap3A_858 = arith.constant 1 : i32
        %swap3A_859 = arith.constant 0 : i32
        %swap3A_860 = tpu.memref_slice %arg12[%multiple_of3A_377, %swap3A_859] : memref<32x128xf32, #tpu.memory_space<vmem>> -> memref<8x128xf32, #tpu.memory_space<vmem>>
        %swap3A_861 = arith.index_cast %swap3A_858 : i32 to index
        %swap3A_862 = arith.constant 48 : index
        %swap3A_863 = tpu.vector_load %swap3A_860[%swap3A_861, %swap3A_862] {strides = array<i32>} : memref<8x128xf32, #tpu.memory_space<vmem>>, vector<16xf32>,
        tpu.vector_store %swap3A_860[%swap3A_861, %swap3A_862], %add3A_857 {strides = array<i32>} : memref<8x128xf32, #tpu.memory_space<vmem>>, vector<16xf32>,
        %get3A_864 = arith.constant 16 : i32
        %get3A_865 = arith.constant 0 : i32
        %get3A_866 = tpu.memref_slice %arg10[%multiple_of3A_374, %get3A_865] : memref<256x128xf32, #tpu.memory_space<vmem>> -> memref<64x128xf32, #tpu.memory_space<vmem>>
        %get3A_867 = arith.index_cast %get3A_864 : i32 to index
        %get3A_868 = arith.constant 0 : index
        %get3A_869 = tpu.vector_load %get3A_866[%get3A_867, %get3A_868] {strides = array<i32>} : memref<64x128xf32, #tpu.memory_space<vmem>>, vector<16xf32>,
        %get3A_870 = arith.constant 17 : i32
        %get3A_871 = arith.constant 0 : i32
        %get3A_872 = tpu.memref_slice %arg10[%multiple_of3A_374, %get3A_871] : memref<256x128xf32, #tpu.memory_space<vmem>> -> memref<64x128xf32, #tpu.memory_space<vmem>>
        %get3A_873 = arith.index_cast %get3A_870 : i32 to index
        %get3A_874 = arith.constant 0 : index
        %get3A_875 = tpu.vector_load %get3A_872[%get3A_873, %get3A_874] {strides = array<i32>} : memref<64x128xf32, #tpu.memory_space<vmem>>, vector<16xf32>,
        %add3A_876 = arith.addf %get3A_869, %get3A_875 : vector<16xf32>
        %get3A_877 = arith.constant 18 : i32
        %get3A_878 = arith.constant 0 : i32
        %get3A_879 = tpu.memref_slice %arg10[%multiple_of3A_374, %get3A_878] : memref<256x128xf32, #tpu.memory_space<vmem>> -> memref<64x128xf32, #tpu.memory_space<vmem>>
        %get3A_880 = arith.index_cast %get3A_877 : i32 to index
        %get3A_881 = arith.constant 0 : index
        %get3A_882 = tpu.vector_load %get3A_879[%get3A_880, %get3A_881] {strides = array<i32>} : memref<64x128xf32, #tpu.memory_space<vmem>>, vector<16xf32>,
        %add3A_883 = arith.addf %add3A_876, %get3A_882 : vector<16xf32>
        %get3A_884 = arith.constant 19 : i32
        %get3A_885 = arith.constant 0 : i32
        %get3A_886 = tpu.memref_slice %arg10[%multiple_of3A_374, %get3A_885] : memref<256x128xf32, #tpu.memory_space<vmem>> -> memref<64x128xf32, #tpu.memory_space<vmem>>
        %get3A_887 = arith.index_cast %get3A_884 : i32 to index
        %get3A_888 = arith.constant 0 : index
        %get3A_889 = tpu.vector_load %get3A_886[%get3A_887, %get3A_888] {strides = array<i32>} : memref<64x128xf32, #tpu.memory_space<vmem>>, vector<16xf32>,
        %add3A_890 = arith.addf %add3A_883, %get3A_889 : vector<16xf32>
        %get3A_891 = arith.constant 20 : i32
        %get3A_892 = arith.constant 0 : i32
        %get3A_893 = tpu.memref_slice %arg10[%multiple_of3A_374, %get3A_892] : memref<256x128xf32, #tpu.memory_space<vmem>> -> memref<64x128xf32, #tpu.memory_space<vmem>>
        %get3A_894 = arith.index_cast %get3A_891 : i32 to index
        %get3A_895 = arith.constant 0 : index
        %get3A_896 = tpu.vector_load %get3A_893[%get3A_894, %get3A_895] {strides = array<i32>} : memref<64x128xf32, #tpu.memory_space<vmem>>, vector<16xf32>,
        %add3A_897 = arith.addf %add3A_890, %get3A_896 : vector<16xf32>
        %get3A_898 = arith.constant 21 : i32
        %get3A_899 = arith.constant 0 : i32
        %get3A_900 = tpu.memref_slice %arg10[%multiple_of3A_374, %get3A_899] : memref<256x128xf32, #tpu.memory_space<vmem>> -> memref<64x128xf32, #tpu.memory_space<vmem>>
        %get3A_901 = arith.index_cast %get3A_898 : i32 to index
        %get3A_902 = arith.constant 0 : index
        %get3A_903 = tpu.vector_load %get3A_900[%get3A_901, %get3A_902] {strides = array<i32>} : memref<64x128xf32, #tpu.memory_space<vmem>>, vector<16xf32>,
        %add3A_904 = arith.addf %add3A_897, %get3A_903 : vector<16xf32>
        %get3A_905 = arith.constant 22 : i32
        %get3A_906 = arith.constant 0 : i32
        %get3A_907 = tpu.memref_slice %arg10[%multiple_of3A_374, %get3A_906] : memref<256x128xf32, #tpu.memory_space<vmem>> -> memref<64x128xf32, #tpu.memory_space<vmem>>
        %get3A_908 = arith.index_cast %get3A_905 : i32 to index
        %get3A_909 = arith.constant 0 : index
        %get3A_910 = tpu.vector_load %get3A_907[%get3A_908, %get3A_909] {strides = array<i32>} : memref<64x128xf32, #tpu.memory_space<vmem>>, vector<16xf32>,
        %add3A_911 = arith.addf %add3A_904, %get3A_910 : vector<16xf32>
        %get3A_912 = arith.constant 23 : i32
        %get3A_913 = arith.constant 0 : i32
        %get3A_914 = tpu.memref_slice %arg10[%multiple_of3A_374, %get3A_913] : memref<256x128xf32, #tpu.memory_space<vmem>> -> memref<64x128xf32, #tpu.memory_space<vmem>>
        %get3A_915 = arith.index_cast %get3A_912 : i32 to index
        %get3A_916 = arith.constant 0 : index
        %get3A_917 = tpu.vector_load %get3A_914[%get3A_915, %get3A_916] {strides = array<i32>} : memref<64x128xf32, #tpu.memory_space<vmem>>, vector<16xf32>,
        %add3A_918 = arith.addf %add3A_911, %get3A_917 : vector<16xf32>
        %swap3A_919 = arith.constant 2 : i32
        %swap3A_920 = arith.constant 0 : i32
        %swap3A_921 = tpu.memref_slice %arg12[%multiple_of3A_377, %swap3A_920] : memref<32x128xf32, #tpu.memory_space<vmem>> -> memref<8x128xf32, #tpu.memory_space<vmem>>
        %swap3A_922 = arith.index_cast %swap3A_919 : i32 to index
        %swap3A_923 = arith.constant 0 : index
        %swap3A_924 = tpu.vector_load %swap3A_921[%swap3A_922, %swap3A_923] {strides = array<i32>} : memref<8x128xf32, #tpu.memory_space<vmem>>, vector<16xf32>,
        tpu.vector_store %swap3A_921[%swap3A_922, %swap3A_923], %add3A_918 {strides = array<i32>} : memref<8x128xf32, #tpu.memory_space<vmem>>, vector<16xf32>,
        %get3A_925 = arith.constant 16 : i32
        %get3A_926 = arith.constant 0 : i32
        %get3A_927 = tpu.memref_slice %arg10[%multiple_of3A_374, %get3A_926] : memref<256x128xf32, #tpu.memory_space<vmem>> -> memref<64x128xf32, #tpu.memory_space<vmem>>
        %get3A_928 = arith.index_cast %get3A_925 : i32 to index
        %get3A_929 = arith.constant 16 : index
        %get3A_930 = tpu.vector_load %get3A_927[%get3A_928, %get3A_929] {strides = array<i32>} : memref<64x128xf32, #tpu.memory_space<vmem>>, vector<16xf32>,
        %get3A_931 = arith.constant 17 : i32
        %get3A_932 = arith.constant 0 : i32
        %get3A_933 = tpu.memref_slice %arg10[%multiple_of3A_374, %get3A_932] : memref<256x128xf32, #tpu.memory_space<vmem>> -> memref<64x128xf32, #tpu.memory_space<vmem>>
        %get3A_934 = arith.index_cast %get3A_931 : i32 to index
        %get3A_935 = arith.constant 16 : index
        %get3A_936 = tpu.vector_load %get3A_933[%get3A_934, %get3A_935] {strides = array<i32>} : memref<64x128xf32, #tpu.memory_space<vmem>>, vector<16xf32>,
        %add3A_937 = arith.addf %get3A_930, %get3A_936 : vector<16xf32>
        %get3A_938 = arith.constant 18 : i32
        %get3A_939 = arith.constant 0 : i32
        %get3A_940 = tpu.memref_slice %arg10[%multiple_of3A_374, %get3A_939] : memref<256x128xf32, #tpu.memory_space<vmem>> -> memref<64x128xf32, #tpu.memory_space<vmem>>
        %get3A_941 = arith.index_cast %get3A_938 : i32 to index
        %get3A_942 = arith.constant 16 : index
        %get3A_943 = tpu.vector_load %get3A_940[%get3A_941, %get3A_942] {strides = array<i32>} : memref<64x128xf32, #tpu.memory_space<vmem>>, vector<16xf32>,
        %add3A_944 = arith.addf %add3A_937, %get3A_943 : vector<16xf32>
        %get3A_945 = arith.constant 19 : i32
        %get3A_946 = arith.constant 0 : i32
        %get3A_947 = tpu.memref_slice %arg10[%multiple_of3A_374, %get3A_946] : memref<256x128xf32, #tpu.memory_space<vmem>> -> memref<64x128xf32, #tpu.memory_space<vmem>>
        %get3A_948 = arith.index_cast %get3A_945 : i32 to index
        %get3A_949 = arith.constant 16 : index
        %get3A_950 = tpu.vector_load %get3A_947[%get3A_948, %get3A_949] {strides = array<i32>} : memref<64x128xf32, #tpu.memory_space<vmem>>, vector<16xf32>,
        %add3A_951 = arith.addf %add3A_944, %get3A_950 : vector<16xf32>
        %get3A_952 = arith.constant 20 : i32
        %get3A_953 = arith.constant 0 : i32
        %get3A_954 = tpu.memref_slice %arg10[%multiple_of3A_374, %get3A_953] : memref<256x128xf32, #tpu.memory_space<vmem>> -> memref<64x128xf32, #tpu.memory_space<vmem>>
        %get3A_955 = arith.index_cast %get3A_952 : i32 to index
        %get3A_956 = arith.constant 16 : index
        %get3A_957 = tpu.vector_load %get3A_954[%get3A_955, %get3A_956] {strides = array<i32>} : memref<64x128xf32, #tpu.memory_space<vmem>>, vector<16xf32>,
        %add3A_958 = arith.addf %add3A_951, %get3A_957 : vector<16xf32>
        %get3A_959 = arith.constant 21 : i32
        %get3A_960 = arith.constant 0 : i32
        %get3A_961 = tpu.memref_slice %arg10[%multiple_of3A_374, %get3A_960] : memref<256x128xf32, #tpu.memory_space<vmem>> -> memref<64x128xf32, #tpu.memory_space<vmem>>
        %get3A_962 = arith.index_cast %get3A_959 : i32 to index
        %get3A_963 = arith.constant 16 : index
        %get3A_964 = tpu.vector_load %get3A_961[%get3A_962, %get3A_963] {strides = array<i32>} : memref<64x128xf32, #tpu.memory_space<vmem>>, vector<16xf32>,
        %add3A_965 = arith.addf %add3A_958, %get3A_964 : vector<16xf32>
        %get3A_966 = arith.constant 22 : i32
        %get3A_967 = arith.constant 0 : i32
        %get3A_968 = tpu.memref_slice %arg10[%multiple_of3A_374, %get3A_967] : memref<256x128xf32, #tpu.memory_space<vmem>> -> memref<64x128xf32, #tpu.memory_space<vmem>>
        %get3A_969 = arith.index_cast %get3A_966 : i32 to index
        %get3A_970 = arith.constant 16 : index
        %get3A_971 = tpu.vector_load %get3A_968[%get3A_969, %get3A_970] {strides = array<i32>} : memref<64x128xf32, #tpu.memory_space<vmem>>, vector<16xf32>,
        %add3A_972 = arith.addf %add3A_965, %get3A_971 : vector<16xf32>
        %get3A_973 = arith.constant 23 : i32
        %get3A_974 = arith.constant 0 : i32
        %get3A_975 = tpu.memref_slice %arg10[%multiple_of3A_374, %get3A_974] : memref<256x128xf32, #tpu.memory_space<vmem>> -> memref<64x128xf32, #tpu.memory_space<vmem>>
        %get3A_976 = arith.index_cast %get3A_973 : i32 to index
        %get3A_977 = arith.constant 16 : index
        %get3A_978 = tpu.vector_load %get3A_975[%get3A_976, %get3A_977] {strides = array<i32>} : memref<64x128xf32, #tpu.memory_space<vmem>>, vector<16xf32>,
        %add3A_979 = arith.addf %add3A_972, %get3A_978 : vector<16xf32>
        %swap3A_980 = arith.constant 2 : i32
        %swap3A_981 = arith.constant 0 : i32
        %swap3A_982 = tpu.memref_slice %arg12[%multiple_of3A_377, %swap3A_981] : memref<32x128xf32, #tpu.memory_space<vmem>> -> memref<8x128xf32, #tpu.memory_space<vmem>>
        %swap3A_983 = arith.index_cast %swap3A_980 : i32 to index
        %swap3A_984 = arith.constant 16 : index
        %swap3A_985 = tpu.vector_load %swap3A_982[%swap3A_983, %swap3A_984] {strides = array<i32>} : memref<8x128xf32, #tpu.memory_space<vmem>>, vector<16xf32>,
        tpu.vector_store %swap3A_982[%swap3A_983, %swap3A_984], %add3A_979 {strides = array<i32>} : memref<8x128xf32, #tpu.memory_space<vmem>>, vector<16xf32>,
        %get3A_986 = arith.constant 16 : i32
        %get3A_987 = arith.constant 0 : i32
        %get3A_988 = tpu.memref_slice %arg10[%multiple_of3A_374, %get3A_987] : memref<256x128xf32, #tpu.memory_space<vmem>> -> memref<64x128xf32, #tpu.memory_space<vmem>>
        %get3A_989 = arith.index_cast %get3A_986 : i32 to index
        %get3A_990 = arith.constant 32 : index
        %get3A_991 = tpu.vector_load %get3A_988[%get3A_989, %get3A_990] {strides = array<i32>} : memref<64x128xf32, #tpu.memory_space<vmem>>, vector<16xf32>,
        %get3A_992 = arith.constant 17 : i32
        %get3A_993 = arith.constant 0 : i32
        %get3A_994 = tpu.memref_slice %arg10[%multiple_of3A_374, %get3A_993] : memref<256x128xf32, #tpu.memory_space<vmem>> -> memref<64x128xf32, #tpu.memory_space<vmem>>
        %get3A_995 = arith.index_cast %get3A_992 : i32 to index
        %get3A_996 = arith.constant 32 : index
        %get3A_997 = tpu.vector_load %get3A_994[%get3A_995, %get3A_996] {strides = array<i32>} : memref<64x128xf32, #tpu.memory_space<vmem>>, vector<16xf32>,
        %add3A_998 = arith.addf %get3A_991, %get3A_997 : vector<16xf32>
        %get3A_999 = arith.constant 18 : i32
        %get3A_1000 = arith.constant 0 : i32
        %get3A_1001 = tpu.memref_slice %arg10[%multiple_of3A_374, %get3A_1000] : memref<256x128xf32, #tpu.memory_space<vmem>> -> memref<64x128xf32, #tpu.memory_space<vmem>>
        %get3A_1002 = arith.index_cast %get3A_999 : i32 to index
        %get3A_1003 = arith.constant 32 : index
        %get3A_1004 = tpu.vector_load %get3A_1001[%get3A_1002, %get3A_1003] {strides = array<i32>} : memref<64x128xf32, #tpu.memory_space<vmem>>, vector<16xf32>,
        %add3A_1005 = arith.addf %add3A_998, %get3A_1004 : vector<16xf32>
        %get3A_1006 = arith.constant 19 : i32
        %get3A_1007 = arith.constant 0 : i32
        %get3A_1008 = tpu.memref_slice %arg10[%multiple_of3A_374, %get3A_1007] : memref<256x128xf32, #tpu.memory_space<vmem>> -> memref<64x128xf32, #tpu.memory_space<vmem>>
        %get3A_1009 = arith.index_cast %get3A_1006 : i32 to index
        %get3A_1010 = arith.constant 32 : index
        %get3A_1011 = tpu.vector_load %get3A_1008[%get3A_1009, %get3A_1010] {strides = array<i32>} : memref<64x128xf32, #tpu.memory_space<vmem>>, vector<16xf32>,
        %add3A_1012 = arith.addf %add3A_1005, %get3A_1011 : vector<16xf32>
        %get3A_1013 = arith.constant 20 : i32
        %get3A_1014 = arith.constant 0 : i32
        %get3A_1015 = tpu.memref_slice %arg10[%multiple_of3A_374, %get3A_1014] : memref<256x128xf32, #tpu.memory_space<vmem>> -> memref<64x128xf32, #tpu.memory_space<vmem>>
        %get3A_1016 = arith.index_cast %get3A_1013 : i32 to index
        %get3A_1017 = arith.constant 32 : index
        %get3A_1018 = tpu.vector_load %get3A_1015[%get3A_1016, %get3A_1017] {strides = array<i32>} : memref<64x128xf32, #tpu.memory_space<vmem>>, vector<16xf32>,
        %add3A_1019 = arith.addf %add3A_1012, %get3A_1018 : vector<16xf32>
        %get3A_1020 = arith.constant 21 : i32
        %get3A_1021 = arith.constant 0 : i32
        %get3A_1022 = tpu.memref_slice %arg10[%multiple_of3A_374, %get3A_1021] : memref<256x128xf32, #tpu.memory_space<vmem>> -> memref<64x128xf32, #tpu.memory_space<vmem>>
        %get3A_1023 = arith.index_cast %get3A_1020 : i32 to index
        %get3A_1024 = arith.constant 32 : index
        %get3A_1025 = tpu.vector_load %get3A_1022[%get3A_1023, %get3A_1024] {strides = array<i32>} : memref<64x128xf32, #tpu.memory_space<vmem>>, vector<16xf32>,
        %add3A_1026 = arith.addf %add3A_1019, %get3A_1025 : vector<16xf32>
        %get3A_1027 = arith.constant 22 : i32
        %get3A_1028 = arith.constant 0 : i32
        %get3A_1029 = tpu.memref_slice %arg10[%multiple_of3A_374, %get3A_1028] : memref<256x128xf32, #tpu.memory_space<vmem>> -> memref<64x128xf32, #tpu.memory_space<vmem>>
        %get3A_1030 = arith.index_cast %get3A_1027 : i32 to index
        %get3A_1031 = arith.constant 32 : index
        %get3A_1032 = tpu.vector_load %get3A_1029[%get3A_1030, %get3A_1031] {strides = array<i32>} : memref<64x128xf32, #tpu.memory_space<vmem>>, vector<16xf32>,
        %add3A_1033 = arith.addf %add3A_1026, %get3A_1032 : vector<16xf32>
        %get3A_1034 = arith.constant 23 : i32
        %get3A_1035 = arith.constant 0 : i32
        %get3A_1036 = tpu.memref_slice %arg10[%multiple_of3A_374, %get3A_1035] : memref<256x128xf32, #tpu.memory_space<vmem>> -> memref<64x128xf32, #tpu.memory_space<vmem>>
        %get3A_1037 = arith.index_cast %get3A_1034 : i32 to index
        %get3A_1038 = arith.constant 32 : index
        %get3A_1039 = tpu.vector_load %get3A_1036[%get3A_1037, %get3A_1038] {strides = array<i32>} : memref<64x128xf32, #tpu.memory_space<vmem>>, vector<16xf32>,
        %add3A_1040 = arith.addf %add3A_1033, %get3A_1039 : vector<16xf32>
        %swap3A_1041 = arith.constant 2 : i32
        %swap3A_1042 = arith.constant 0 : i32
        %swap3A_1043 = tpu.memref_slice %arg12[%multiple_of3A_377, %swap3A_1042] : memref<32x128xf32, #tpu.memory_space<vmem>> -> memref<8x128xf32, #tpu.memory_space<vmem>>
        %swap3A_1044 = arith.index_cast %swap3A_1041 : i32 to index
        %swap3A_1045 = arith.constant 32 : index
        %swap3A_1046 = tpu.vector_load %swap3A_1043[%swap3A_1044, %swap3A_1045] {strides = array<i32>} : memref<8x128xf32, #tpu.memory_space<vmem>>, vector<16xf32>,
        tpu.vector_store %swap3A_1043[%swap3A_1044, %swap3A_1045], %add3A_1040 {strides = array<i32>} : memref<8x128xf32, #tpu.memory_space<vmem>>, vector<16xf32>,
        %get3A_1047 = arith.constant 16 : i32
        %get3A_1048 = arith.constant 0 : i32
        %get3A_1049 = tpu.memref_slice %arg10[%multiple_of3A_374, %get3A_1048] : memref<256x128xf32, #tpu.memory_space<vmem>> -> memref<64x128xf32, #tpu.memory_space<vmem>>
        %get3A_1050 = arith.index_cast %get3A_1047 : i32 to index
        %get3A_1051 = arith.constant 48 : index
        %get3A_1052 = tpu.vector_load %get3A_1049[%get3A_1050, %get3A_1051] {strides = array<i32>} : memref<64x128xf32, #tpu.memory_space<vmem>>, vector<16xf32>,
        %get3A_1053 = arith.constant 17 : i32
        %get3A_1054 = arith.constant 0 : i32
        %get3A_1055 = tpu.memref_slice %arg10[%multiple_of3A_374, %get3A_1054] : memref<256x128xf32, #tpu.memory_space<vmem>> -> memref<64x128xf32, #tpu.memory_space<vmem>>
        %get3A_1056 = arith.index_cast %get3A_1053 : i32 to index
        %get3A_1057 = arith.constant 48 : index
        %get3A_1058 = tpu.vector_load %get3A_1055[%get3A_1056, %get3A_1057] {strides = array<i32>} : memref<64x128xf32, #tpu.memory_space<vmem>>, vector<16xf32>,
        %add3A_1059 = arith.addf %get3A_1052, %get3A_1058 : vector<16xf32>
        %get3A_1060 = arith.constant 18 : i32
        %get3A_1061 = arith.constant 0 : i32
        %get3A_1062 = tpu.memref_slice %arg10[%multiple_of3A_374, %get3A_1061] : memref<256x128xf32, #tpu.memory_space<vmem>> -> memref<64x128xf32, #tpu.memory_space<vmem>>
        %get3A_1063 = arith.index_cast %get3A_1060 : i32 to index
        %get3A_1064 = arith.constant 48 : index
        %get3A_1065 = tpu.vector_load %get3A_1062[%get3A_1063, %get3A_1064] {strides = array<i32>} : memref<64x128xf32, #tpu.memory_space<vmem>>, vector<16xf32>,
        %add3A_1066 = arith.addf %add3A_1059, %get3A_1065 : vector<16xf32>
        %get3A_1067 = arith.constant 19 : i32
        %get3A_1068 = arith.constant 0 : i32
        %get3A_1069 = tpu.memref_slice %arg10[%multiple_of3A_374, %get3A_1068] : memref<256x128xf32, #tpu.memory_space<vmem>> -> memref<64x128xf32, #tpu.memory_space<vmem>>
        %get3A_1070 = arith.index_cast %get3A_1067 : i32 to index
        %get3A_1071 = arith.constant 48 : index
        %get3A_1072 = tpu.vector_load %get3A_1069[%get3A_1070, %get3A_1071] {strides = array<i32>} : memref<64x128xf32, #tpu.memory_space<vmem>>, vector<16xf32>,
        %add3A_1073 = arith.addf %add3A_1066, %get3A_1072 : vector<16xf32>
        %get3A_1074 = arith.constant 20 : i32
        %get3A_1075 = arith.constant 0 : i32
        %get3A_1076 = tpu.memref_slice %arg10[%multiple_of3A_374, %get3A_1075] : memref<256x128xf32, #tpu.memory_space<vmem>> -> memref<64x128xf32, #tpu.memory_space<vmem>>
        %get3A_1077 = arith.index_cast %get3A_1074 : i32 to index
        %get3A_1078 = arith.constant 48 : index
        %get3A_1079 = tpu.vector_load %get3A_1076[%get3A_1077, %get3A_1078] {strides = array<i32>} : memref<64x128xf32, #tpu.memory_space<vmem>>, vector<16xf32>,
        %add3A_1080 = arith.addf %add3A_1073, %get3A_1079 : vector<16xf32>
        %get3A_1081 = arith.constant 21 : i32
        %get3A_1082 = arith.constant 0 : i32
        %get3A_1083 = tpu.memref_slice %arg10[%multiple_of3A_374, %get3A_1082] : memref<256x128xf32, #tpu.memory_space<vmem>> -> memref<64x128xf32, #tpu.memory_space<vmem>>
        %get3A_1084 = arith.index_cast %get3A_1081 : i32 to index
        %get3A_1085 = arith.constant 48 : index
        %get3A_1086 = tpu.vector_load %get3A_1083[%get3A_1084, %get3A_1085] {strides = array<i32>} : memref<64x128xf32, #tpu.memory_space<vmem>>, vector<16xf32>,
        %add3A_1087 = arith.addf %add3A_1080, %get3A_1086 : vector<16xf32>
        %get3A_1088 = arith.constant 22 : i32
        %get3A_1089 = arith.constant 0 : i32
        %get3A_1090 = tpu.memref_slice %arg10[%multiple_of3A_374, %get3A_1089] : memref<256x128xf32, #tpu.memory_space<vmem>> -> memref<64x128xf32, #tpu.memory_space<vmem>>
        %get3A_1091 = arith.index_cast %get3A_1088 : i32 to index
        %get3A_1092 = arith.constant 48 : index
        %get3A_1093 = tpu.vector_load %get3A_1090[%get3A_1091, %get3A_1092] {strides = array<i32>} : memref<64x128xf32, #tpu.memory_space<vmem>>, vector<16xf32>,
        %add3A_1094 = arith.addf %add3A_1087, %get3A_1093 : vector<16xf32>
        %get3A_1095 = arith.constant 23 : i32
        %get3A_1096 = arith.constant 0 : i32
        %get3A_1097 = tpu.memref_slice %arg10[%multiple_of3A_374, %get3A_1096] : memref<256x128xf32, #tpu.memory_space<vmem>> -> memref<64x128xf32, #tpu.memory_space<vmem>>
        %get3A_1098 = arith.index_cast %get3A_1095 : i32 to index
        %get3A_1099 = arith.constant 48 : index
        %get3A_1100 = tpu.vector_load %get3A_1097[%get3A_1098, %get3A_1099] {strides = array<i32>} : memref<64x128xf32, #tpu.memory_space<vmem>>, vector<16xf32>,
        %add3A_1101 = arith.addf %add3A_1094, %get3A_1100 : vector<16xf32>
        %swap3A_1102 = arith.constant 2 : i32
        %swap3A_1103 = arith.constant 0 : i32
        %swap3A_1104 = tpu.memref_slice %arg12[%multiple_of3A_377, %swap3A_1103] : memref<32x128xf32, #tpu.memory_space<vmem>> -> memref<8x128xf32, #tpu.memory_space<vmem>>
        %swap3A_1105 = arith.index_cast %swap3A_1102 : i32 to index
        %swap3A_1106 = arith.constant 48 : index
        %swap3A_1107 = tpu.vector_load %swap3A_1104[%swap3A_1105, %swap3A_1106] {strides = array<i32>} : memref<8x128xf32, #tpu.memory_space<vmem>>, vector<16xf32>,
        tpu.vector_store %swap3A_1104[%swap3A_1105, %swap3A_1106], %add3A_1101 {strides = array<i32>} : memref<8x128xf32, #tpu.memory_space<vmem>>, vector<16xf32>,
        %get3A_1108 = arith.constant 24 : i32
        %get3A_1109 = arith.constant 0 : i32
        %get3A_1110 = tpu.memref_slice %arg10[%multiple_of3A_374, %get3A_1109] : memref<256x128xf32, #tpu.memory_space<vmem>> -> memref<64x128xf32, #tpu.memory_space<vmem>>
        %get3A_1111 = arith.index_cast %get3A_1108 : i32 to index
        %get3A_1112 = arith.constant 0 : index
        %get3A_1113 = tpu.vector_load %get3A_1110[%get3A_1111, %get3A_1112] {strides = array<i32>} : memref<64x128xf32, #tpu.memory_space<vmem>>, vector<16xf32>,
        %get3A_1114 = arith.constant 25 : i32
        %get3A_1115 = arith.constant 0 : i32
        %get3A_1116 = tpu.memref_slice %arg10[%multiple_of3A_374, %get3A_1115] : memref<256x128xf32, #tpu.memory_space<vmem>> -> memref<64x128xf32, #tpu.memory_space<vmem>>
        %get3A_1117 = arith.index_cast %get3A_1114 : i32 to index
        %get3A_1118 = arith.constant 0 : index
        %get3A_1119 = tpu.vector_load %get3A_1116[%get3A_1117, %get3A_1118] {strides = array<i32>} : memref<64x128xf32, #tpu.memory_space<vmem>>, vector<16xf32>,
        %add3A_1120 = arith.addf %get3A_1113, %get3A_1119 : vector<16xf32>
        %get3A_1121 = arith.constant 26 : i32
        %get3A_1122 = arith.constant 0 : i32
        %get3A_1123 = tpu.memref_slice %arg10[%multiple_of3A_374, %get3A_1122] : memref<256x128xf32, #tpu.memory_space<vmem>> -> memref<64x128xf32, #tpu.memory_space<vmem>>
        %get3A_1124 = arith.index_cast %get3A_1121 : i32 to index
        %get3A_1125 = arith.constant 0 : index
        %get3A_1126 = tpu.vector_load %get3A_1123[%get3A_1124, %get3A_1125] {strides = array<i32>} : memref<64x128xf32, #tpu.memory_space<vmem>>, vector<16xf32>,
        %add3A_1127 = arith.addf %add3A_1120, %get3A_1126 : vector<16xf32>
        %get3A_1128 = arith.constant 27 : i32
        %get3A_1129 = arith.constant 0 : i32
        %get3A_1130 = tpu.memref_slice %arg10[%multiple_of3A_374, %get3A_1129] : memref<256x128xf32, #tpu.memory_space<vmem>> -> memref<64x128xf32, #tpu.memory_space<vmem>>
        %get3A_1131 = arith.index_cast %get3A_1128 : i32 to index
        %get3A_1132 = arith.constant 0 : index
        %get3A_1133 = tpu.vector_load %get3A_1130[%get3A_1131, %get3A_1132] {strides = array<i32>} : memref<64x128xf32, #tpu.memory_space<vmem>>, vector<16xf32>,
        %add3A_1134 = arith.addf %add3A_1127, %get3A_1133 : vector<16xf32>
        %get3A_1135 = arith.constant 28 : i32
        %get3A_1136 = arith.constant 0 : i32
        %get3A_1137 = tpu.memref_slice %arg10[%multiple_of3A_374, %get3A_1136] : memref<256x128xf32, #tpu.memory_space<vmem>> -> memref<64x128xf32, #tpu.memory_space<vmem>>
        %get3A_1138 = arith.index_cast %get3A_1135 : i32 to index
        %get3A_1139 = arith.constant 0 : index
        %get3A_1140 = tpu.vector_load %get3A_1137[%get3A_1138, %get3A_1139] {strides = array<i32>} : memref<64x128xf32, #tpu.memory_space<vmem>>, vector<16xf32>,
        %add3A_1141 = arith.addf %add3A_1134, %get3A_1140 : vector<16xf32>
        %get3A_1142 = arith.constant 29 : i32
        %get3A_1143 = arith.constant 0 : i32
        %get3A_1144 = tpu.memref_slice %arg10[%multiple_of3A_374, %get3A_1143] : memref<256x128xf32, #tpu.memory_space<vmem>> -> memref<64x128xf32, #tpu.memory_space<vmem>>
        %get3A_1145 = arith.index_cast %get3A_1142 : i32 to index
        %get3A_1146 = arith.constant 0 : index
        %get3A_1147 = tpu.vector_load %get3A_1144[%get3A_1145, %get3A_1146] {strides = array<i32>} : memref<64x128xf32, #tpu.memory_space<vmem>>, vector<16xf32>,
        %add3A_1148 = arith.addf %add3A_1141, %get3A_1147 : vector<16xf32>
        %get3A_1149 = arith.constant 30 : i32
        %get3A_1150 = arith.constant 0 : i32
        %get3A_1151 = tpu.memref_slice %arg10[%multiple_of3A_374, %get3A_1150] : memref<256x128xf32, #tpu.memory_space<vmem>> -> memref<64x128xf32, #tpu.memory_space<vmem>>
        %get3A_1152 = arith.index_cast %get3A_1149 : i32 to index
        %get3A_1153 = arith.constant 0 : index
        %get3A_1154 = tpu.vector_load %get3A_1151[%get3A_1152, %get3A_1153] {strides = array<i32>} : memref<64x128xf32, #tpu.memory_space<vmem>>, vector<16xf32>,
        %add3A_1155 = arith.addf %add3A_1148, %get3A_1154 : vector<16xf32>
        %get3A_1156 = arith.constant 31 : i32
        %get3A_1157 = arith.constant 0 : i32
        %get3A_1158 = tpu.memref_slice %arg10[%multiple_of3A_374, %get3A_1157] : memref<256x128xf32, #tpu.memory_space<vmem>> -> memref<64x128xf32, #tpu.memory_space<vmem>>
        %get3A_1159 = arith.index_cast %get3A_1156 : i32 to index
        %get3A_1160 = arith.constant 0 : index
        %get3A_1161 = tpu.vector_load %get3A_1158[%get3A_1159, %get3A_1160] {strides = array<i32>} : memref<64x128xf32, #tpu.memory_space<vmem>>, vector<16xf32>,
        %add3A_1162 = arith.addf %add3A_1155, %get3A_1161 : vector<16xf32>
        %swap3A_1163 = arith.constant 3 : i32
        %swap3A_1164 = arith.constant 0 : i32
        %swap3A_1165 = tpu.memref_slice %arg12[%multiple_of3A_377, %swap3A_1164] : memref<32x128xf32, #tpu.memory_space<vmem>> -> memref<8x128xf32, #tpu.memory_space<vmem>>
        %swap3A_1166 = arith.index_cast %swap3A_1163 : i32 to index
        %swap3A_1167 = arith.constant 0 : index
        %swap3A_1168 = tpu.vector_load %swap3A_1165[%swap3A_1166, %swap3A_1167] {strides = array<i32>} : memref<8x128xf32, #tpu.memory_space<vmem>>, vector<16xf32>,
        tpu.vector_store %swap3A_1165[%swap3A_1166, %swap3A_1167], %add3A_1162 {strides = array<i32>} : memref<8x128xf32, #tpu.memory_space<vmem>>, vector<16xf32>,
        %get3A_1169 = arith.constant 24 : i32
        %get3A_1170 = arith.constant 0 : i32
        %get3A_1171 = tpu.memref_slice %arg10[%multiple_of3A_374, %get3A_1170] : memref<256x128xf32, #tpu.memory_space<vmem>> -> memref<64x128xf32, #tpu.memory_space<vmem>>
        %get3A_1172 = arith.index_cast %get3A_1169 : i32 to index
        %get3A_1173 = arith.constant 16 : index
        %get3A_1174 = tpu.vector_load %get3A_1171[%get3A_1172, %get3A_1173] {strides = array<i32>} : memref<64x128xf32, #tpu.memory_space<vmem>>, vector<16xf32>,
        %get3A_1175 = arith.constant 25 : i32
        %get3A_1176 = arith.constant 0 : i32
        %get3A_1177 = tpu.memref_slice %arg10[%multiple_of3A_374, %get3A_1176] : memref<256x128xf32, #tpu.memory_space<vmem>> -> memref<64x128xf32, #tpu.memory_space<vmem>>
        %get3A_1178 = arith.index_cast %get3A_1175 : i32 to index
        %get3A_1179 = arith.constant 16 : index
        %get3A_1180 = tpu.vector_load %get3A_1177[%get3A_1178, %get3A_1179] {strides = array<i32>} : memref<64x128xf32, #tpu.memory_space<vmem>>, vector<16xf32>,
        %add3A_1181 = arith.addf %get3A_1174, %get3A_1180 : vector<16xf32>
        %get3A_1182 = arith.constant 26 : i32
        %get3A_1183 = arith.constant 0 : i32
        %get3A_1184 = tpu.memref_slice %arg10[%multiple_of3A_374, %get3A_1183] : memref<256x128xf32, #tpu.memory_space<vmem>> -> memref<64x128xf32, #tpu.memory_space<vmem>>
        %get3A_1185 = arith.index_cast %get3A_1182 : i32 to index
        %get3A_1186 = arith.constant 16 : index
        %get3A_1187 = tpu.vector_load %get3A_1184[%get3A_1185, %get3A_1186] {strides = array<i32>} : memref<64x128xf32, #tpu.memory_space<vmem>>, vector<16xf32>,
        %add3A_1188 = arith.addf %add3A_1181, %get3A_1187 : vector<16xf32>
        %get3A_1189 = arith.constant 27 : i32
        %get3A_1190 = arith.constant 0 : i32
        %get3A_1191 = tpu.memref_slice %arg10[%multiple_of3A_374, %get3A_1190] : memref<256x128xf32, #tpu.memory_space<vmem>> -> memref<64x128xf32, #tpu.memory_space<vmem>>
        %get3A_1192 = arith.index_cast %get3A_1189 : i32 to index
        %get3A_1193 = arith.constant 16 : index
        %get3A_1194 = tpu.vector_load %get3A_1191[%get3A_1192, %get3A_1193] {strides = array<i32>} : memref<64x128xf32, #tpu.memory_space<vmem>>, vector<16xf32>,
        %add3A_1195 = arith.addf %add3A_1188, %get3A_1194 : vector<16xf32>
        %get3A_1196 = arith.constant 28 : i32
        %get3A_1197 = arith.constant 0 : i32
        %get3A_1198 = tpu.memref_slice %arg10[%multiple_of3A_374, %get3A_1197] : memref<256x128xf32, #tpu.memory_space<vmem>> -> memref<64x128xf32, #tpu.memory_space<vmem>>
        %get3A_1199 = arith.index_cast %get3A_1196 : i32 to index
        %get3A_1200 = arith.constant 16 : index
        %get3A_1201 = tpu.vector_load %get3A_1198[%get3A_1199, %get3A_1200] {strides = array<i32>} : memref<64x128xf32, #tpu.memory_space<vmem>>, vector<16xf32>,
        %add3A_1202 = arith.addf %add3A_1195, %get3A_1201 : vector<16xf32>
        %get3A_1203 = arith.constant 29 : i32
        %get3A_1204 = arith.constant 0 : i32
        %get3A_1205 = tpu.memref_slice %arg10[%multiple_of3A_374, %get3A_1204] : memref<256x128xf32, #tpu.memory_space<vmem>> -> memref<64x128xf32, #tpu.memory_space<vmem>>
        %get3A_1206 = arith.index_cast %get3A_1203 : i32 to index
        %get3A_1207 = arith.constant 16 : index
        %get3A_1208 = tpu.vector_load %get3A_1205[%get3A_1206, %get3A_1207] {strides = array<i32>} : memref<64x128xf32, #tpu.memory_space<vmem>>, vector<16xf32>,
        %add3A_1209 = arith.addf %add3A_1202, %get3A_1208 : vector<16xf32>
        %get3A_1210 = arith.constant 30 : i32
        %get3A_1211 = arith.constant 0 : i32
        %get3A_1212 = tpu.memref_slice %arg10[%multiple_of3A_374, %get3A_1211] : memref<256x128xf32, #tpu.memory_space<vmem>> -> memref<64x128xf32, #tpu.memory_space<vmem>>
        %get3A_1213 = arith.index_cast %get3A_1210 : i32 to index
        %get3A_1214 = arith.constant 16 : index
        %get3A_1215 = tpu.vector_load %get3A_1212[%get3A_1213, %get3A_1214] {strides = array<i32>} : memref<64x128xf32, #tpu.memory_space<vmem>>, vector<16xf32>,
        %add3A_1216 = arith.addf %add3A_1209, %get3A_1215 : vector<16xf32>
        %get3A_1217 = arith.constant 31 : i32
        %get3A_1218 = arith.constant 0 : i32
        %get3A_1219 = tpu.memref_slice %arg10[%multiple_of3A_374, %get3A_1218] : memref<256x128xf32, #tpu.memory_space<vmem>> -> memref<64x128xf32, #tpu.memory_space<vmem>>
        %get3A_1220 = arith.index_cast %get3A_1217 : i32 to index
        %get3A_1221 = arith.constant 16 : index
        %get3A_1222 = tpu.vector_load %get3A_1219[%get3A_1220, %get3A_1221] {strides = array<i32>} : memref<64x128xf32, #tpu.memory_space<vmem>>, vector<16xf32>,
        %add3A_1223 = arith.addf %add3A_1216, %get3A_1222 : vector<16xf32>
        %swap3A_1224 = arith.constant 3 : i32
        %swap3A_1225 = arith.constant 0 : i32
        %swap3A_1226 = tpu.memref_slice %arg12[%multiple_of3A_377, %swap3A_1225] : memref<32x128xf32, #tpu.memory_space<vmem>> -> memref<8x128xf32, #tpu.memory_space<vmem>>
        %swap3A_1227 = arith.index_cast %swap3A_1224 : i32 to index
        %swap3A_1228 = arith.constant 16 : index
        %swap3A_1229 = tpu.vector_load %swap3A_1226[%swap3A_1227, %swap3A_1228] {strides = array<i32>} : memref<8x128xf32, #tpu.memory_space<vmem>>, vector<16xf32>,
        tpu.vector_store %swap3A_1226[%swap3A_1227, %swap3A_1228], %add3A_1223 {strides = array<i32>} : memref<8x128xf32, #tpu.memory_space<vmem>>, vector<16xf32>,
        %get3A_1230 = arith.constant 24 : i32
        %get3A_1231 = arith.constant 0 : i32
        %get3A_1232 = tpu.memref_slice %arg10[%multiple_of3A_374, %get3A_1231] : memref<256x128xf32, #tpu.memory_space<vmem>> -> memref<64x128xf32, #tpu.memory_space<vmem>>
        %get3A_1233 = arith.index_cast %get3A_1230 : i32 to index
        %get3A_1234 = arith.constant 32 : index
        %get3A_1235 = tpu.vector_load %get3A_1232[%get3A_1233, %get3A_1234] {strides = array<i32>} : memref<64x128xf32, #tpu.memory_space<vmem>>, vector<16xf32>,
        %get3A_1236 = arith.constant 25 : i32
        %get3A_1237 = arith.constant 0 : i32
        %get3A_1238 = tpu.memref_slice %arg10[%multiple_of3A_374, %get3A_1237] : memref<256x128xf32, #tpu.memory_space<vmem>> -> memref<64x128xf32, #tpu.memory_space<vmem>>
        %get3A_1239 = arith.index_cast %get3A_1236 : i32 to index
        %get3A_1240 = arith.constant 32 : index
        %get3A_1241 = tpu.vector_load %get3A_1238[%get3A_1239, %get3A_1240] {strides = array<i32>} : memref<64x128xf32, #tpu.memory_space<vmem>>, vector<16xf32>,
        %add3A_1242 = arith.addf %get3A_1235, %get3A_1241 : vector<16xf32>
        %get3A_1243 = arith.constant 26 : i32
        %get3A_1244 = arith.constant 0 : i32
        %get3A_1245 = tpu.memref_slice %arg10[%multiple_of3A_374, %get3A_1244] : memref<256x128xf32, #tpu.memory_space<vmem>> -> memref<64x128xf32, #tpu.memory_space<vmem>>
        %get3A_1246 = arith.index_cast %get3A_1243 : i32 to index
        %get3A_1247 = arith.constant 32 : index
        %get3A_1248 = tpu.vector_load %get3A_1245[%get3A_1246, %get3A_1247] {strides = array<i32>} : memref<64x128xf32, #tpu.memory_space<vmem>>, vector<16xf32>,
        %add3A_1249 = arith.addf %add3A_1242, %get3A_1248 : vector<16xf32>
        %get3A_1250 = arith.constant 27 : i32
        %get3A_1251 = arith.constant 0 : i32
        %get3A_1252 = tpu.memref_slice %arg10[%multiple_of3A_374, %get3A_1251] : memref<256x128xf32, #tpu.memory_space<vmem>> -> memref<64x128xf32, #tpu.memory_space<vmem>>
        %get3A_1253 = arith.index_cast %get3A_1250 : i32 to index
        %get3A_1254 = arith.constant 32 : index
        %get3A_1255 = tpu.vector_load %get3A_1252[%get3A_1253, %get3A_1254] {strides = array<i32>} : memref<64x128xf32, #tpu.memory_space<vmem>>, vector<16xf32>,
        %add3A_1256 = arith.addf %add3A_1249, %get3A_1255 : vector<16xf32>
        %get3A_1257 = arith.constant 28 : i32
        %get3A_1258 = arith.constant 0 : i32
        %get3A_1259 = tpu.memref_slice %arg10[%multiple_of3A_374, %get3A_1258] : memref<256x128xf32, #tpu.memory_space<vmem>> -> memref<64x128xf32, #tpu.memory_space<vmem>>
        %get3A_1260 = arith.index_cast %get3A_1257 : i32 to index
        %get3A_1261 = arith.constant 32 : index
        %get3A_1262 = tpu.vector_load %get3A_1259[%get3A_1260, %get3A_1261] {strides = array<i32>} : memref<64x128xf32, #tpu.memory_space<vmem>>, vector<16xf32>,
        %add3A_1263 = arith.addf %add3A_1256, %get3A_1262 : vector<16xf32>
        %get3A_1264 = arith.constant 29 : i32
        %get3A_1265 = arith.constant 0 : i32
        %get3A_1266 = tpu.memref_slice %arg10[%multiple_of3A_374, %get3A_1265] : memref<256x128xf32, #tpu.memory_space<vmem>> -> memref<64x128xf32, #tpu.memory_space<vmem>>
        %get3A_1267 = arith.index_cast %get3A_1264 : i32 to index
        %get3A_1268 = arith.constant 32 : index
        %get3A_1269 = tpu.vector_load %get3A_1266[%get3A_1267, %get3A_1268] {strides = array<i32>} : memref<64x128xf32, #tpu.memory_space<vmem>>, vector<16xf32>,
        %add3A_1270 = arith.addf %add3A_1263, %get3A_1269 : vector<16xf32>
        %get3A_1271 = arith.constant 30 : i32
        %get3A_1272 = arith.constant 0 : i32
        %get3A_1273 = tpu.memref_slice %arg10[%multiple_of3A_374, %get3A_1272] : memref<256x128xf32, #tpu.memory_space<vmem>> -> memref<64x128xf32, #tpu.memory_space<vmem>>
        %get3A_1274 = arith.index_cast %get3A_1271 : i32 to index
        %get3A_1275 = arith.constant 32 : index
        %get3A_1276 = tpu.vector_load %get3A_1273[%get3A_1274, %get3A_1275] {strides = array<i32>} : memref<64x128xf32, #tpu.memory_space<vmem>>, vector<16xf32>,
        %add3A_1277 = arith.addf %add3A_1270, %get3A_1276 : vector<16xf32>
        %get3A_1278 = arith.constant 31 : i32
        %get3A_1279 = arith.constant 0 : i32
        %get3A_1280 = tpu.memref_slice %arg10[%multiple_of3A_374, %get3A_1279] : memref<256x128xf32, #tpu.memory_space<vmem>> -> memref<64x128xf32, #tpu.memory_space<vmem>>
        %get3A_1281 = arith.index_cast %get3A_1278 : i32 to index
        %get3A_1282 = arith.constant 32 : index
        %get3A_1283 = tpu.vector_load %get3A_1280[%get3A_1281, %get3A_1282] {strides = array<i32>} : memref<64x128xf32, #tpu.memory_space<vmem>>, vector<16xf32>,
        %add3A_1284 = arith.addf %add3A_1277, %get3A_1283 : vector<16xf32>
        %swap3A_1285 = arith.constant 3 : i32
        %swap3A_1286 = arith.constant 0 : i32
        %swap3A_1287 = tpu.memref_slice %arg12[%multiple_of3A_377, %swap3A_1286] : memref<32x128xf32, #tpu.memory_space<vmem>> -> memref<8x128xf32, #tpu.memory_space<vmem>>
        %swap3A_1288 = arith.index_cast %swap3A_1285 : i32 to index
        %swap3A_1289 = arith.constant 32 : index
        %swap3A_1290 = tpu.vector_load %swap3A_1287[%swap3A_1288, %swap3A_1289] {strides = array<i32>} : memref<8x128xf32, #tpu.memory_space<vmem>>, vector<16xf32>,
        tpu.vector_store %swap3A_1287[%swap3A_1288, %swap3A_1289], %add3A_1284 {strides = array<i32>} : memref<8x128xf32, #tpu.memory_space<vmem>>, vector<16xf32>,
        %get3A_1291 = arith.constant 24 : i32
        %get3A_1292 = arith.constant 0 : i32
        %get3A_1293 = tpu.memref_slice %arg10[%multiple_of3A_374, %get3A_1292] : memref<256x128xf32, #tpu.memory_space<vmem>> -> memref<64x128xf32, #tpu.memory_space<vmem>>
        %get3A_1294 = arith.index_cast %get3A_1291 : i32 to index
        %get3A_1295 = arith.constant 48 : index
        %get3A_1296 = tpu.vector_load %get3A_1293[%get3A_1294, %get3A_1295] {strides = array<i32>} : memref<64x128xf32, #tpu.memory_space<vmem>>, vector<16xf32>,
        %get3A_1297 = arith.constant 25 : i32
        %get3A_1298 = arith.constant 0 : i32
        %get3A_1299 = tpu.memref_slice %arg10[%multiple_of3A_374, %get3A_1298] : memref<256x128xf32, #tpu.memory_space<vmem>> -> memref<64x128xf32, #tpu.memory_space<vmem>>
        %get3A_1300 = arith.index_cast %get3A_1297 : i32 to index
        %get3A_1301 = arith.constant 48 : index
        %get3A_1302 = tpu.vector_load %get3A_1299[%get3A_1300, %get3A_1301] {strides = array<i32>} : memref<64x128xf32, #tpu.memory_space<vmem>>, vector<16xf32>,
        %add3A_1303 = arith.addf %get3A_1296, %get3A_1302 : vector<16xf32>
        %get3A_1304 = arith.constant 26 : i32
        %get3A_1305 = arith.constant 0 : i32
        %get3A_1306 = tpu.memref_slice %arg10[%multiple_of3A_374, %get3A_1305] : memref<256x128xf32, #tpu.memory_space<vmem>> -> memref<64x128xf32, #tpu.memory_space<vmem>>
        %get3A_1307 = arith.index_cast %get3A_1304 : i32 to index
        %get3A_1308 = arith.constant 48 : index
        %get3A_1309 = tpu.vector_load %get3A_1306[%get3A_1307, %get3A_1308] {strides = array<i32>} : memref<64x128xf32, #tpu.memory_space<vmem>>, vector<16xf32>,
        %add3A_1310 = arith.addf %add3A_1303, %get3A_1309 : vector<16xf32>
        %get3A_1311 = arith.constant 27 : i32
        %get3A_1312 = arith.constant 0 : i32
        %get3A_1313 = tpu.memref_slice %arg10[%multiple_of3A_374, %get3A_1312] : memref<256x128xf32, #tpu.memory_space<vmem>> -> memref<64x128xf32, #tpu.memory_space<vmem>>
        %get3A_1314 = arith.index_cast %get3A_1311 : i32 to index
        %get3A_1315 = arith.constant 48 : index
        %get3A_1316 = tpu.vector_load %get3A_1313[%get3A_1314, %get3A_1315] {strides = array<i32>} : memref<64x128xf32, #tpu.memory_space<vmem>>, vector<16xf32>,
        %add3A_1317 = arith.addf %add3A_1310, %get3A_1316 : vector<16xf32>
        %get3A_1318 = arith.constant 28 : i32
        %get3A_1319 = arith.constant 0 : i32
        %get3A_1320 = tpu.memref_slice %arg10[%multiple_of3A_374, %get3A_1319] : memref<256x128xf32, #tpu.memory_space<vmem>> -> memref<64x128xf32, #tpu.memory_space<vmem>>
        %get3A_1321 = arith.index_cast %get3A_1318 : i32 to index
        %get3A_1322 = arith.constant 48 : index
        %get3A_1323 = tpu.vector_load %get3A_1320[%get3A_1321, %get3A_1322] {strides = array<i32>} : memref<64x128xf32, #tpu.memory_space<vmem>>, vector<16xf32>,
        %add3A_1324 = arith.addf %add3A_1317, %get3A_1323 : vector<16xf32>
        %get3A_1325 = arith.constant 29 : i32
        %get3A_1326 = arith.constant 0 : i32
        %get3A_1327 = tpu.memref_slice %arg10[%multiple_of3A_374, %get3A_1326] : memref<256x128xf32, #tpu.memory_space<vmem>> -> memref<64x128xf32, #tpu.memory_space<vmem>>
        %get3A_1328 = arith.index_cast %get3A_1325 : i32 to index
        %get3A_1329 = arith.constant 48 : index
        %get3A_1330 = tpu.vector_load %get3A_1327[%get3A_1328, %get3A_1329] {strides = array<i32>} : memref<64x128xf32, #tpu.memory_space<vmem>>, vector<16xf32>,
        %add3A_1331 = arith.addf %add3A_1324, %get3A_1330 : vector<16xf32>
        %get3A_1332 = arith.constant 30 : i32
        %get3A_1333 = arith.constant 0 : i32
        %get3A_1334 = tpu.memref_slice %arg10[%multiple_of3A_374, %get3A_1333] : memref<256x128xf32, #tpu.memory_space<vmem>> -> memref<64x128xf32, #tpu.memory_space<vmem>>
        %get3A_1335 = arith.index_cast %get3A_1332 : i32 to index
        %get3A_1336 = arith.constant 48 : index
        %get3A_1337 = tpu.vector_load %get3A_1334[%get3A_1335, %get3A_1336] {strides = array<i32>} : memref<64x128xf32, #tpu.memory_space<vmem>>, vector<16xf32>,
        %add3A_1338 = arith.addf %add3A_1331, %get3A_1337 : vector<16xf32>
        %get3A_1339 = arith.constant 31 : i32
        %get3A_1340 = arith.constant 0 : i32
        %get3A_1341 = tpu.memref_slice %arg10[%multiple_of3A_374, %get3A_1340] : memref<256x128xf32, #tpu.memory_space<vmem>> -> memref<64x128xf32, #tpu.memory_space<vmem>>
        %get3A_1342 = arith.index_cast %get3A_1339 : i32 to index
        %get3A_1343 = arith.constant 48 : index
        %get3A_1344 = tpu.vector_load %get3A_1341[%get3A_1342, %get3A_1343] {strides = array<i32>} : memref<64x128xf32, #tpu.memory_space<vmem>>, vector<16xf32>,
        %add3A_1345 = arith.addf %add3A_1338, %get3A_1344 : vector<16xf32>
        %swap3A_1346 = arith.constant 3 : i32
        %swap3A_1347 = arith.constant 0 : i32
        %swap3A_1348 = tpu.memref_slice %arg12[%multiple_of3A_377, %swap3A_1347] : memref<32x128xf32, #tpu.memory_space<vmem>> -> memref<8x128xf32, #tpu.memory_space<vmem>>
        %swap3A_1349 = arith.index_cast %swap3A_1346 : i32 to index
        %swap3A_1350 = arith.constant 48 : index
        %swap3A_1351 = tpu.vector_load %swap3A_1348[%swap3A_1349, %swap3A_1350] {strides = array<i32>} : memref<8x128xf32, #tpu.memory_space<vmem>>, vector<16xf32>,
        tpu.vector_store %swap3A_1348[%swap3A_1349, %swap3A_1350], %add3A_1345 {strides = array<i32>} : memref<8x128xf32, #tpu.memory_space<vmem>>, vector<16xf32>,
        %get3A_1352 = arith.constant 32 : i32
        %get3A_1353 = arith.constant 0 : i32
        %get3A_1354 = tpu.memref_slice %arg10[%multiple_of3A_374, %get3A_1353] : memref<256x128xf32, #tpu.memory_space<vmem>> -> memref<64x128xf32, #tpu.memory_space<vmem>>
        %get3A_1355 = arith.index_cast %get3A_1352 : i32 to index
        %get3A_1356 = arith.constant 0 : index
        %get3A_1357 = tpu.vector_load %get3A_1354[%get3A_1355, %get3A_1356] {strides = array<i32>} : memref<64x128xf32, #tpu.memory_space<vmem>>, vector<16xf32>,
        %get3A_1358 = arith.constant 33 : i32
        %get3A_1359 = arith.constant 0 : i32
        %get3A_1360 = tpu.memref_slice %arg10[%multiple_of3A_374, %get3A_1359] : memref<256x128xf32, #tpu.memory_space<vmem>> -> memref<64x128xf32, #tpu.memory_space<vmem>>
        %get3A_1361 = arith.index_cast %get3A_1358 : i32 to index
        %get3A_1362 = arith.constant 0 : index
        %get3A_1363 = tpu.vector_load %get3A_1360[%get3A_1361, %get3A_1362] {strides = array<i32>} : memref<64x128xf32, #tpu.memory_space<vmem>>, vector<16xf32>,
        %add3A_1364 = arith.addf %get3A_1357, %get3A_1363 : vector<16xf32>
        %get3A_1365 = arith.constant 34 : i32
        %get3A_1366 = arith.constant 0 : i32
        %get3A_1367 = tpu.memref_slice %arg10[%multiple_of3A_374, %get3A_1366] : memref<256x128xf32, #tpu.memory_space<vmem>> -> memref<64x128xf32, #tpu.memory_space<vmem>>
        %get3A_1368 = arith.index_cast %get3A_1365 : i32 to index
        %get3A_1369 = arith.constant 0 : index
        %get3A_1370 = tpu.vector_load %get3A_1367[%get3A_1368, %get3A_1369] {strides = array<i32>} : memref<64x128xf32, #tpu.memory_space<vmem>>, vector<16xf32>,
        %add3A_1371 = arith.addf %add3A_1364, %get3A_1370 : vector<16xf32>
        %get3A_1372 = arith.constant 35 : i32
        %get3A_1373 = arith.constant 0 : i32
        %get3A_1374 = tpu.memref_slice %arg10[%multiple_of3A_374, %get3A_1373] : memref<256x128xf32, #tpu.memory_space<vmem>> -> memref<64x128xf32, #tpu.memory_space<vmem>>
        %get3A_1375 = arith.index_cast %get3A_1372 : i32 to index
        %get3A_1376 = arith.constant 0 : index
        %get3A_1377 = tpu.vector_load %get3A_1374[%get3A_1375, %get3A_1376] {strides = array<i32>} : memref<64x128xf32, #tpu.memory_space<vmem>>, vector<16xf32>,
        %add3A_1378 = arith.addf %add3A_1371, %get3A_1377 : vector<16xf32>
        %get3A_1379 = arith.constant 36 : i32
        %get3A_1380 = arith.constant 0 : i32
        %get3A_1381 = tpu.memref_slice %arg10[%multiple_of3A_374, %get3A_1380] : memref<256x128xf32, #tpu.memory_space<vmem>> -> memref<64x128xf32, #tpu.memory_space<vmem>>
        %get3A_1382 = arith.index_cast %get3A_1379 : i32 to index
        %get3A_1383 = arith.constant 0 : index
        %get3A_1384 = tpu.vector_load %get3A_1381[%get3A_1382, %get3A_1383] {strides = array<i32>} : memref<64x128xf32, #tpu.memory_space<vmem>>, vector<16xf32>,
        %add3A_1385 = arith.addf %add3A_1378, %get3A_1384 : vector<16xf32>
        %get3A_1386 = arith.constant 37 : i32
        %get3A_1387 = arith.constant 0 : i32
        %get3A_1388 = tpu.memref_slice %arg10[%multiple_of3A_374, %get3A_1387] : memref<256x128xf32, #tpu.memory_space<vmem>> -> memref<64x128xf32, #tpu.memory_space<vmem>>
        %get3A_1389 = arith.index_cast %get3A_1386 : i32 to index
        %get3A_1390 = arith.constant 0 : index
        %get3A_1391 = tpu.vector_load %get3A_1388[%get3A_1389, %get3A_1390] {strides = array<i32>} : memref<64x128xf32, #tpu.memory_space<vmem>>, vector<16xf32>,
        %add3A_1392 = arith.addf %add3A_1385, %get3A_1391 : vector<16xf32>
        %get3A_1393 = arith.constant 38 : i32
        %get3A_1394 = arith.constant 0 : i32
        %get3A_1395 = tpu.memref_slice %arg10[%multiple_of3A_374, %get3A_1394] : memref<256x128xf32, #tpu.memory_space<vmem>> -> memref<64x128xf32, #tpu.memory_space<vmem>>
        %get3A_1396 = arith.index_cast %get3A_1393 : i32 to index
        %get3A_1397 = arith.constant 0 : index
        %get3A_1398 = tpu.vector_load %get3A_1395[%get3A_1396, %get3A_1397] {strides = array<i32>} : memref<64x128xf32, #tpu.memory_space<vmem>>, vector<16xf32>,
        %add3A_1399 = arith.addf %add3A_1392, %get3A_1398 : vector<16xf32>
        %get3A_1400 = arith.constant 39 : i32
        %get3A_1401 = arith.constant 0 : i32
        %get3A_1402 = tpu.memref_slice %arg10[%multiple_of3A_374, %get3A_1401] : memref<256x128xf32, #tpu.memory_space<vmem>> -> memref<64x128xf32, #tpu.memory_space<vmem>>
        %get3A_1403 = arith.index_cast %get3A_1400 : i32 to index
        %get3A_1404 = arith.constant 0 : index
        %get3A_1405 = tpu.vector_load %get3A_1402[%get3A_1403, %get3A_1404] {strides = array<i32>} : memref<64x128xf32, #tpu.memory_space<vmem>>, vector<16xf32>,
        %add3A_1406 = arith.addf %add3A_1399, %get3A_1405 : vector<16xf32>
        %swap3A_1407 = arith.constant 4 : i32
        %swap3A_1408 = arith.constant 0 : i32
        %swap3A_1409 = tpu.memref_slice %arg12[%multiple_of3A_377, %swap3A_1408] : memref<32x128xf32, #tpu.memory_space<vmem>> -> memref<8x128xf32, #tpu.memory_space<vmem>>
        %swap3A_1410 = arith.index_cast %swap3A_1407 : i32 to index
        %swap3A_1411 = arith.constant 0 : index
        %swap3A_1412 = tpu.vector_load %swap3A_1409[%swap3A_1410, %swap3A_1411] {strides = array<i32>} : memref<8x128xf32, #tpu.memory_space<vmem>>, vector<16xf32>,
        tpu.vector_store %swap3A_1409[%swap3A_1410, %swap3A_1411], %add3A_1406 {strides = array<i32>} : memref<8x128xf32, #tpu.memory_space<vmem>>, vector<16xf32>,
        %get3A_1413 = arith.constant 32 : i32
        %get3A_1414 = arith.constant 0 : i32
        %get3A_1415 = tpu.memref_slice %arg10[%multiple_of3A_374, %get3A_1414] : memref<256x128xf32, #tpu.memory_space<vmem>> -> memref<64x128xf32, #tpu.memory_space<vmem>>
        %get3A_1416 = arith.index_cast %get3A_1413 : i32 to index
        %get3A_1417 = arith.constant 16 : index
        %get3A_1418 = tpu.vector_load %get3A_1415[%get3A_1416, %get3A_1417] {strides = array<i32>} : memref<64x128xf32, #tpu.memory_space<vmem>>, vector<16xf32>,
        %get3A_1419 = arith.constant 33 : i32
        %get3A_1420 = arith.constant 0 : i32
        %get3A_1421 = tpu.memref_slice %arg10[%multiple_of3A_374, %get3A_1420] : memref<256x128xf32, #tpu.memory_space<vmem>> -> memref<64x128xf32, #tpu.memory_space<vmem>>
        %get3A_1422 = arith.index_cast %get3A_1419 : i32 to index
        %get3A_1423 = arith.constant 16 : index
        %get3A_1424 = tpu.vector_load %get3A_1421[%get3A_1422, %get3A_1423] {strides = array<i32>} : memref<64x128xf32, #tpu.memory_space<vmem>>, vector<16xf32>,
        %add3A_1425 = arith.addf %get3A_1418, %get3A_1424 : vector<16xf32>
        %get3A_1426 = arith.constant 34 : i32
        %get3A_1427 = arith.constant 0 : i32
        %get3A_1428 = tpu.memref_slice %arg10[%multiple_of3A_374, %get3A_1427] : memref<256x128xf32, #tpu.memory_space<vmem>> -> memref<64x128xf32, #tpu.memory_space<vmem>>
        %get3A_1429 = arith.index_cast %get3A_1426 : i32 to index
        %get3A_1430 = arith.constant 16 : index
        %get3A_1431 = tpu.vector_load %get3A_1428[%get3A_1429, %get3A_1430] {strides = array<i32>} : memref<64x128xf32, #tpu.memory_space<vmem>>, vector<16xf32>,
        %add3A_1432 = arith.addf %add3A_1425, %get3A_1431 : vector<16xf32>
        %get3A_1433 = arith.constant 35 : i32
        %get3A_1434 = arith.constant 0 : i32
        %get3A_1435 = tpu.memref_slice %arg10[%multiple_of3A_374, %get3A_1434] : memref<256x128xf32, #tpu.memory_space<vmem>> -> memref<64x128xf32, #tpu.memory_space<vmem>>
        %get3A_1436 = arith.index_cast %get3A_1433 : i32 to index
        %get3A_1437 = arith.constant 16 : index
        %get3A_1438 = tpu.vector_load %get3A_1435[%get3A_1436, %get3A_1437] {strides = array<i32>} : memref<64x128xf32, #tpu.memory_space<vmem>>, vector<16xf32>,
        %add3A_1439 = arith.addf %add3A_1432, %get3A_1438 : vector<16xf32>
        %get3A_1440 = arith.constant 36 : i32
        %get3A_1441 = arith.constant 0 : i32
        %get3A_1442 = tpu.memref_slice %arg10[%multiple_of3A_374, %get3A_1441] : memref<256x128xf32, #tpu.memory_space<vmem>> -> memref<64x128xf32, #tpu.memory_space<vmem>>
        %get3A_1443 = arith.index_cast %get3A_1440 : i32 to index
        %get3A_1444 = arith.constant 16 : index
        %get3A_1445 = tpu.vector_load %get3A_1442[%get3A_1443, %get3A_1444] {strides = array<i32>} : memref<64x128xf32, #tpu.memory_space<vmem>>, vector<16xf32>,
        %add3A_1446 = arith.addf %add3A_1439, %get3A_1445 : vector<16xf32>
        %get3A_1447 = arith.constant 37 : i32
        %get3A_1448 = arith.constant 0 : i32
        %get3A_1449 = tpu.memref_slice %arg10[%multiple_of3A_374, %get3A_1448] : memref<256x128xf32, #tpu.memory_space<vmem>> -> memref<64x128xf32, #tpu.memory_space<vmem>>
        %get3A_1450 = arith.index_cast %get3A_1447 : i32 to index
        %get3A_1451 = arith.constant 16 : index
        %get3A_1452 = tpu.vector_load %get3A_1449[%get3A_1450, %get3A_1451] {strides = array<i32>} : memref<64x128xf32, #tpu.memory_space<vmem>>, vector<16xf32>,
        %add3A_1453 = arith.addf %add3A_1446, %get3A_1452 : vector<16xf32>
        %get3A_1454 = arith.constant 38 : i32
        %get3A_1455 = arith.constant 0 : i32
        %get3A_1456 = tpu.memref_slice %arg10[%multiple_of3A_374, %get3A_1455] : memref<256x128xf32, #tpu.memory_space<vmem>> -> memref<64x128xf32, #tpu.memory_space<vmem>>
        %get3A_1457 = arith.index_cast %get3A_1454 : i32 to index
        %get3A_1458 = arith.constant 16 : index
        %get3A_1459 = tpu.vector_load %get3A_1456[%get3A_1457, %get3A_1458] {strides = array<i32>} : memref<64x128xf32, #tpu.memory_space<vmem>>, vector<16xf32>,
        %add3A_1460 = arith.addf %add3A_1453, %get3A_1459 : vector<16xf32>
        %get3A_1461 = arith.constant 39 : i32
        %get3A_1462 = arith.constant 0 : i32
        %get3A_1463 = tpu.memref_slice %arg10[%multiple_of3A_374, %get3A_1462] : memref<256x128xf32, #tpu.memory_space<vmem>> -> memref<64x128xf32, #tpu.memory_space<vmem>>
        %get3A_1464 = arith.index_cast %get3A_1461 : i32 to index
        %get3A_1465 = arith.constant 16 : index
        %get3A_1466 = tpu.vector_load %get3A_1463[%get3A_1464, %get3A_1465] {strides = array<i32>} : memref<64x128xf32, #tpu.memory_space<vmem>>, vector<16xf32>,
        %add3A_1467 = arith.addf %add3A_1460, %get3A_1466 : vector<16xf32>
        %swap3A_1468 = arith.constant 4 : i32
        %swap3A_1469 = arith.constant 0 : i32
        %swap3A_1470 = tpu.memref_slice %arg12[%multiple_of3A_377, %swap3A_1469] : memref<32x128xf32, #tpu.memory_space<vmem>> -> memref<8x128xf32, #tpu.memory_space<vmem>>
        %swap3A_1471 = arith.index_cast %swap3A_1468 : i32 to index
        %swap3A_1472 = arith.constant 16 : index
        %swap3A_1473 = tpu.vector_load %swap3A_1470[%swap3A_1471, %swap3A_1472] {strides = array<i32>} : memref<8x128xf32, #tpu.memory_space<vmem>>, vector<16xf32>,
        tpu.vector_store %swap3A_1470[%swap3A_1471, %swap3A_1472], %add3A_1467 {strides = array<i32>} : memref<8x128xf32, #tpu.memory_space<vmem>>, vector<16xf32>,
        %get3A_1474 = arith.constant 32 : i32
        %get3A_1475 = arith.constant 0 : i32
        %get3A_1476 = tpu.memref_slice %arg10[%multiple_of3A_374, %get3A_1475] : memref<256x128xf32, #tpu.memory_space<vmem>> -> memref<64x128xf32, #tpu.memory_space<vmem>>
        %get3A_1477 = arith.index_cast %get3A_1474 : i32 to index
        %get3A_1478 = arith.constant 32 : index
        %get3A_1479 = tpu.vector_load %get3A_1476[%get3A_1477, %get3A_1478] {strides = array<i32>} : memref<64x128xf32, #tpu.memory_space<vmem>>, vector<16xf32>,
        %get3A_1480 = arith.constant 33 : i32
        %get3A_1481 = arith.constant 0 : i32
        %get3A_1482 = tpu.memref_slice %arg10[%multiple_of3A_374, %get3A_1481] : memref<256x128xf32, #tpu.memory_space<vmem>> -> memref<64x128xf32, #tpu.memory_space<vmem>>
        %get3A_1483 = arith.index_cast %get3A_1480 : i32 to index
        %get3A_1484 = arith.constant 32 : index
        %get3A_1485 = tpu.vector_load %get3A_1482[%get3A_1483, %get3A_1484] {strides = array<i32>} : memref<64x128xf32, #tpu.memory_space<vmem>>, vector<16xf32>,
        %add3A_1486 = arith.addf %get3A_1479, %get3A_1485 : vector<16xf32>
        %get3A_1487 = arith.constant 34 : i32
        %get3A_1488 = arith.constant 0 : i32
        %get3A_1489 = tpu.memref_slice %arg10[%multiple_of3A_374, %get3A_1488] : memref<256x128xf32, #tpu.memory_space<vmem>> -> memref<64x128xf32, #tpu.memory_space<vmem>>
        %get3A_1490 = arith.index_cast %get3A_1487 : i32 to index
        %get3A_1491 = arith.constant 32 : index
        %get3A_1492 = tpu.vector_load %get3A_1489[%get3A_1490, %get3A_1491] {strides = array<i32>} : memref<64x128xf32, #tpu.memory_space<vmem>>, vector<16xf32>,
        %add3A_1493 = arith.addf %add3A_1486, %get3A_1492 : vector<16xf32>
        %get3A_1494 = arith.constant 35 : i32
        %get3A_1495 = arith.constant 0 : i32
        %get3A_1496 = tpu.memref_slice %arg10[%multiple_of3A_374, %get3A_1495] : memref<256x128xf32, #tpu.memory_space<vmem>> -> memref<64x128xf32, #tpu.memory_space<vmem>>
        %get3A_1497 = arith.index_cast %get3A_1494 : i32 to index
        %get3A_1498 = arith.constant 32 : index
        %get3A_1499 = tpu.vector_load %get3A_1496[%get3A_1497, %get3A_1498] {strides = array<i32>} : memref<64x128xf32, #tpu.memory_space<vmem>>, vector<16xf32>,
        %add3A_1500 = arith.addf %add3A_1493, %get3A_1499 : vector<16xf32>
        %get3A_1501 = arith.constant 36 : i32
        %get3A_1502 = arith.constant 0 : i32
        %get3A_1503 = tpu.memref_slice %arg10[%multiple_of3A_374, %get3A_1502] : memref<256x128xf32, #tpu.memory_space<vmem>> -> memref<64x128xf32, #tpu.memory_space<vmem>>
        %get3A_1504 = arith.index_cast %get3A_1501 : i32 to index
        %get3A_1505 = arith.constant 32 : index
        %get3A_1506 = tpu.vector_load %get3A_1503[%get3A_1504, %get3A_1505] {strides = array<i32>} : memref<64x128xf32, #tpu.memory_space<vmem>>, vector<16xf32>,
        %add3A_1507 = arith.addf %add3A_1500, %get3A_1506 : vector<16xf32>
        %get3A_1508 = arith.constant 37 : i32
        %get3A_1509 = arith.constant 0 : i32
        %get3A_1510 = tpu.memref_slice %arg10[%multiple_of3A_374, %get3A_1509] : memref<256x128xf32, #tpu.memory_space<vmem>> -> memref<64x128xf32, #tpu.memory_space<vmem>>
        %get3A_1511 = arith.index_cast %get3A_1508 : i32 to index
        %get3A_1512 = arith.constant 32 : index
        %get3A_1513 = tpu.vector_load %get3A_1510[%get3A_1511, %get3A_1512] {strides = array<i32>} : memref<64x128xf32, #tpu.memory_space<vmem>>, vector<16xf32>,
        %add3A_1514 = arith.addf %add3A_1507, %get3A_1513 : vector<16xf32>
        %get3A_1515 = arith.constant 38 : i32
        %get3A_1516 = arith.constant 0 : i32
        %get3A_1517 = tpu.memref_slice %arg10[%multiple_of3A_374, %get3A_1516] : memref<256x128xf32, #tpu.memory_space<vmem>> -> memref<64x128xf32, #tpu.memory_space<vmem>>
        %get3A_1518 = arith.index_cast %get3A_1515 : i32 to index
        %get3A_1519 = arith.constant 32 : index
        %get3A_1520 = tpu.vector_load %get3A_1517[%get3A_1518, %get3A_1519] {strides = array<i32>} : memref<64x128xf32, #tpu.memory_space<vmem>>, vector<16xf32>,
        %add3A_1521 = arith.addf %add3A_1514, %get3A_1520 : vector<16xf32>
        %get3A_1522 = arith.constant 39 : i32
        %get3A_1523 = arith.constant 0 : i32
        %get3A_1524 = tpu.memref_slice %arg10[%multiple_of3A_374, %get3A_1523] : memref<256x128xf32, #tpu.memory_space<vmem>> -> memref<64x128xf32, #tpu.memory_space<vmem>>
        %get3A_1525 = arith.index_cast %get3A_1522 : i32 to index
        %get3A_1526 = arith.constant 32 : index
        %get3A_1527 = tpu.vector_load %get3A_1524[%get3A_1525, %get3A_1526] {strides = array<i32>} : memref<64x128xf32, #tpu.memory_space<vmem>>, vector<16xf32>,
        %add3A_1528 = arith.addf %add3A_1521, %get3A_1527 : vector<16xf32>
        %swap3A_1529 = arith.constant 4 : i32
        %swap3A_1530 = arith.constant 0 : i32
        %swap3A_1531 = tpu.memref_slice %arg12[%multiple_of3A_377, %swap3A_1530] : memref<32x128xf32, #tpu.memory_space<vmem>> -> memref<8x128xf32, #tpu.memory_space<vmem>>
        %swap3A_1532 = arith.index_cast %swap3A_1529 : i32 to index
        %swap3A_1533 = arith.constant 32 : index
        %swap3A_1534 = tpu.vector_load %swap3A_1531[%swap3A_1532, %swap3A_1533] {strides = array<i32>} : memref<8x128xf32, #tpu.memory_space<vmem>>, vector<16xf32>,
        tpu.vector_store %swap3A_1531[%swap3A_1532, %swap3A_1533], %add3A_1528 {strides = array<i32>} : memref<8x128xf32, #tpu.memory_space<vmem>>, vector<16xf32>,
        %get3A_1535 = arith.constant 32 : i32
        %get3A_1536 = arith.constant 0 : i32
        %get3A_1537 = tpu.memref_slice %arg10[%multiple_of3A_374, %get3A_1536] : memref<256x128xf32, #tpu.memory_space<vmem>> -> memref<64x128xf32, #tpu.memory_space<vmem>>
        %get3A_1538 = arith.index_cast %get3A_1535 : i32 to index
        %get3A_1539 = arith.constant 48 : index
        %get3A_1540 = tpu.vector_load %get3A_1537[%get3A_1538, %get3A_1539] {strides = array<i32>} : memref<64x128xf32, #tpu.memory_space<vmem>>, vector<16xf32>,
        %get3A_1541 = arith.constant 33 : i32
        %get3A_1542 = arith.constant 0 : i32
        %get3A_1543 = tpu.memref_slice %arg10[%multiple_of3A_374, %get3A_1542] : memref<256x128xf32, #tpu.memory_space<vmem>> -> memref<64x128xf32, #tpu.memory_space<vmem>>
        %get3A_1544 = arith.index_cast %get3A_1541 : i32 to index
        %get3A_1545 = arith.constant 48 : index
        %get3A_1546 = tpu.vector_load %get3A_1543[%get3A_1544, %get3A_1545] {strides = array<i32>} : memref<64x128xf32, #tpu.memory_space<vmem>>, vector<16xf32>,
        %add3A_1547 = arith.addf %get3A_1540, %get3A_1546 : vector<16xf32>
        %get3A_1548 = arith.constant 34 : i32
        %get3A_1549 = arith.constant 0 : i32
        %get3A_1550 = tpu.memref_slice %arg10[%multiple_of3A_374, %get3A_1549] : memref<256x128xf32, #tpu.memory_space<vmem>> -> memref<64x128xf32, #tpu.memory_space<vmem>>
        %get3A_1551 = arith.index_cast %get3A_1548 : i32 to index
        %get3A_1552 = arith.constant 48 : index
        %get3A_1553 = tpu.vector_load %get3A_1550[%get3A_1551, %get3A_1552] {strides = array<i32>} : memref<64x128xf32, #tpu.memory_space<vmem>>, vector<16xf32>,
        %add3A_1554 = arith.addf %add3A_1547, %get3A_1553 : vector<16xf32>
        %get3A_1555 = arith.constant 35 : i32
        %get3A_1556 = arith.constant 0 : i32
        %get3A_1557 = tpu.memref_slice %arg10[%multiple_of3A_374, %get3A_1556] : memref<256x128xf32, #tpu.memory_space<vmem>> -> memref<64x128xf32, #tpu.memory_space<vmem>>
        %get3A_1558 = arith.index_cast %get3A_1555 : i32 to index
        %get3A_1559 = arith.constant 48 : index
        %get3A_1560 = tpu.vector_load %get3A_1557[%get3A_1558, %get3A_1559] {strides = array<i32>} : memref<64x128xf32, #tpu.memory_space<vmem>>, vector<16xf32>,
        %add3A_1561 = arith.addf %add3A_1554, %get3A_1560 : vector<16xf32>
        %get3A_1562 = arith.constant 36 : i32
        %get3A_1563 = arith.constant 0 : i32
        %get3A_1564 = tpu.memref_slice %arg10[%multiple_of3A_374, %get3A_1563] : memref<256x128xf32, #tpu.memory_space<vmem>> -> memref<64x128xf32, #tpu.memory_space<vmem>>
        %get3A_1565 = arith.index_cast %get3A_1562 : i32 to index
        %get3A_1566 = arith.constant 48 : index
        %get3A_1567 = tpu.vector_load %get3A_1564[%get3A_1565, %get3A_1566] {strides = array<i32>} : memref<64x128xf32, #tpu.memory_space<vmem>>, vector<16xf32>,
        %add3A_1568 = arith.addf %add3A_1561, %get3A_1567 : vector<16xf32>
        %get3A_1569 = arith.constant 37 : i32
        %get3A_1570 = arith.constant 0 : i32
        %get3A_1571 = tpu.memref_slice %arg10[%multiple_of3A_374, %get3A_1570] : memref<256x128xf32, #tpu.memory_space<vmem>> -> memref<64x128xf32, #tpu.memory_space<vmem>>
        %get3A_1572 = arith.index_cast %get3A_1569 : i32 to index
        %get3A_1573 = arith.constant 48 : index
        %get3A_1574 = tpu.vector_load %get3A_1571[%get3A_1572, %get3A_1573] {strides = array<i32>} : memref<64x128xf32, #tpu.memory_space<vmem>>, vector<16xf32>,
        %add3A_1575 = arith.addf %add3A_1568, %get3A_1574 : vector<16xf32>
        %get3A_1576 = arith.constant 38 : i32
        %get3A_1577 = arith.constant 0 : i32
        %get3A_1578 = tpu.memref_slice %arg10[%multiple_of3A_374, %get3A_1577] : memref<256x128xf32, #tpu.memory_space<vmem>> -> memref<64x128xf32, #tpu.memory_space<vmem>>
        %get3A_1579 = arith.index_cast %get3A_1576 : i32 to index
        %get3A_1580 = arith.constant 48 : index
        %get3A_1581 = tpu.vector_load %get3A_1578[%get3A_1579, %get3A_1580] {strides = array<i32>} : memref<64x128xf32, #tpu.memory_space<vmem>>, vector<16xf32>,
        %add3A_1582 = arith.addf %add3A_1575, %get3A_1581 : vector<16xf32>
        %get3A_1583 = arith.constant 39 : i32
        %get3A_1584 = arith.constant 0 : i32
        %get3A_1585 = tpu.memref_slice %arg10[%multiple_of3A_374, %get3A_1584] : memref<256x128xf32, #tpu.memory_space<vmem>> -> memref<64x128xf32, #tpu.memory_space<vmem>>
        %get3A_1586 = arith.index_cast %get3A_1583 : i32 to index
        %get3A_1587 = arith.constant 48 : index
        %get3A_1588 = tpu.vector_load %get3A_1585[%get3A_1586, %get3A_1587] {strides = array<i32>} : memref<64x128xf32, #tpu.memory_space<vmem>>, vector<16xf32>,
        %add3A_1589 = arith.addf %add3A_1582, %get3A_1588 : vector<16xf32>
        %swap3A_1590 = arith.constant 4 : i32
        %swap3A_1591 = arith.constant 0 : i32
        %swap3A_1592 = tpu.memref_slice %arg12[%multiple_of3A_377, %swap3A_1591] : memref<32x128xf32, #tpu.memory_space<vmem>> -> memref<8x128xf32, #tpu.memory_space<vmem>>
        %swap3A_1593 = arith.index_cast %swap3A_1590 : i32 to index
        %swap3A_1594 = arith.constant 48 : index
        %swap3A_1595 = tpu.vector_load %swap3A_1592[%swap3A_1593, %swap3A_1594] {strides = array<i32>} : memref<8x128xf32, #tpu.memory_space<vmem>>, vector<16xf32>,
        tpu.vector_store %swap3A_1592[%swap3A_1593, %swap3A_1594], %add3A_1589 {strides = array<i32>} : memref<8x128xf32, #tpu.memory_space<vmem>>, vector<16xf32>,
        %get3A_1596 = arith.constant 40 : i32
        %get3A_1597 = arith.constant 0 : i32
        %get3A_1598 = tpu.memref_slice %arg10[%multiple_of3A_374, %get3A_1597] : memref<256x128xf32, #tpu.memory_space<vmem>> -> memref<64x128xf32, #tpu.memory_space<vmem>>
        %get3A_1599 = arith.index_cast %get3A_1596 : i32 to index
        %get3A_1600 = arith.constant 0 : index
        %get3A_1601 = tpu.vector_load %get3A_1598[%get3A_1599, %get3A_1600] {strides = array<i32>} : memref<64x128xf32, #tpu.memory_space<vmem>>, vector<16xf32>,
        %get3A_1602 = arith.constant 41 : i32
        %get3A_1603 = arith.constant 0 : i32
        %get3A_1604 = tpu.memref_slice %arg10[%multiple_of3A_374, %get3A_1603] : memref<256x128xf32, #tpu.memory_space<vmem>> -> memref<64x128xf32, #tpu.memory_space<vmem>>
        %get3A_1605 = arith.index_cast %get3A_1602 : i32 to index
        %get3A_1606 = arith.constant 0 : index
        %get3A_1607 = tpu.vector_load %get3A_1604[%get3A_1605, %get3A_1606] {strides = array<i32>} : memref<64x128xf32, #tpu.memory_space<vmem>>, vector<16xf32>,
        %add3A_1608 = arith.addf %get3A_1601, %get3A_1607 : vector<16xf32>
        %get3A_1609 = arith.constant 42 : i32
        %get3A_1610 = arith.constant 0 : i32
        %get3A_1611 = tpu.memref_slice %arg10[%multiple_of3A_374, %get3A_1610] : memref<256x128xf32, #tpu.memory_space<vmem>> -> memref<64x128xf32, #tpu.memory_space<vmem>>
        %get3A_1612 = arith.index_cast %get3A_1609 : i32 to index
        %get3A_1613 = arith.constant 0 : index
        %get3A_1614 = tpu.vector_load %get3A_1611[%get3A_1612, %get3A_1613] {strides = array<i32>} : memref<64x128xf32, #tpu.memory_space<vmem>>, vector<16xf32>,
        %add3A_1615 = arith.addf %add3A_1608, %get3A_1614 : vector<16xf32>
        %get3A_1616 = arith.constant 43 : i32
        %get3A_1617 = arith.constant 0 : i32
        %get3A_1618 = tpu.memref_slice %arg10[%multiple_of3A_374, %get3A_1617] : memref<256x128xf32, #tpu.memory_space<vmem>> -> memref<64x128xf32, #tpu.memory_space<vmem>>
        %get3A_1619 = arith.index_cast %get3A_1616 : i32 to index
        %get3A_1620 = arith.constant 0 : index
        %get3A_1621 = tpu.vector_load %get3A_1618[%get3A_1619, %get3A_1620] {strides = array<i32>} : memref<64x128xf32, #tpu.memory_space<vmem>>, vector<16xf32>,
        %add3A_1622 = arith.addf %add3A_1615, %get3A_1621 : vector<16xf32>
        %get3A_1623 = arith.constant 44 : i32
        %get3A_1624 = arith.constant 0 : i32
        %get3A_1625 = tpu.memref_slice %arg10[%multiple_of3A_374, %get3A_1624] : memref<256x128xf32, #tpu.memory_space<vmem>> -> memref<64x128xf32, #tpu.memory_space<vmem>>
        %get3A_1626 = arith.index_cast %get3A_1623 : i32 to index
        %get3A_1627 = arith.constant 0 : index
        %get3A_1628 = tpu.vector_load %get3A_1625[%get3A_1626, %get3A_1627] {strides = array<i32>} : memref<64x128xf32, #tpu.memory_space<vmem>>, vector<16xf32>,
        %add3A_1629 = arith.addf %add3A_1622, %get3A_1628 : vector<16xf32>
        %get3A_1630 = arith.constant 45 : i32
        %get3A_1631 = arith.constant 0 : i32
        %get3A_1632 = tpu.memref_slice %arg10[%multiple_of3A_374, %get3A_1631] : memref<256x128xf32, #tpu.memory_space<vmem>> -> memref<64x128xf32, #tpu.memory_space<vmem>>
        %get3A_1633 = arith.index_cast %get3A_1630 : i32 to index
        %get3A_1634 = arith.constant 0 : index
        %get3A_1635 = tpu.vector_load %get3A_1632[%get3A_1633, %get3A_1634] {strides = array<i32>} : memref<64x128xf32, #tpu.memory_space<vmem>>, vector<16xf32>,
        %add3A_1636 = arith.addf %add3A_1629, %get3A_1635 : vector<16xf32>
        %get3A_1637 = arith.constant 46 : i32
        %get3A_1638 = arith.constant 0 : i32
        %get3A_1639 = tpu.memref_slice %arg10[%multiple_of3A_374, %get3A_1638] : memref<256x128xf32, #tpu.memory_space<vmem>> -> memref<64x128xf32, #tpu.memory_space<vmem>>
        %get3A_1640 = arith.index_cast %get3A_1637 : i32 to index
        %get3A_1641 = arith.constant 0 : index
        %get3A_1642 = tpu.vector_load %get3A_1639[%get3A_1640, %get3A_1641] {strides = array<i32>} : memref<64x128xf32, #tpu.memory_space<vmem>>, vector<16xf32>,
        %add3A_1643 = arith.addf %add3A_1636, %get3A_1642 : vector<16xf32>
        %get3A_1644 = arith.constant 47 : i32
        %get3A_1645 = arith.constant 0 : i32
        %get3A_1646 = tpu.memref_slice %arg10[%multiple_of3A_374, %get3A_1645] : memref<256x128xf32, #tpu.memory_space<vmem>> -> memref<64x128xf32, #tpu.memory_space<vmem>>
        %get3A_1647 = arith.index_cast %get3A_1644 : i32 to index
        %get3A_1648 = arith.constant 0 : index
        %get3A_1649 = tpu.vector_load %get3A_1646[%get3A_1647, %get3A_1648] {strides = array<i32>} : memref<64x128xf32, #tpu.memory_space<vmem>>, vector<16xf32>,
        %add3A_1650 = arith.addf %add3A_1643, %get3A_1649 : vector<16xf32>
        %swap3A_1651 = arith.constant 5 : i32
        %swap3A_1652 = arith.constant 0 : i32
        %swap3A_1653 = tpu.memref_slice %arg12[%multiple_of3A_377, %swap3A_1652] : memref<32x128xf32, #tpu.memory_space<vmem>> -> memref<8x128xf32, #tpu.memory_space<vmem>>
        %swap3A_1654 = arith.index_cast %swap3A_1651 : i32 to index
        %swap3A_1655 = arith.constant 0 : index
        %swap3A_1656 = tpu.vector_load %swap3A_1653[%swap3A_1654, %swap3A_1655] {strides = array<i32>} : memref<8x128xf32, #tpu.memory_space<vmem>>, vector<16xf32>,
        tpu.vector_store %swap3A_1653[%swap3A_1654, %swap3A_1655], %add3A_1650 {strides = array<i32>} : memref<8x128xf32, #tpu.memory_space<vmem>>, vector<16xf32>,
        %get3A_1657 = arith.constant 40 : i32
        %get3A_1658 = arith.constant 0 : i32
        %get3A_1659 = tpu.memref_slice %arg10[%multiple_of3A_374, %get3A_1658] : memref<256x128xf32, #tpu.memory_space<vmem>> -> memref<64x128xf32, #tpu.memory_space<vmem>>
        %get3A_1660 = arith.index_cast %get3A_1657 : i32 to index
        %get3A_1661 = arith.constant 16 : index
        %get3A_1662 = tpu.vector_load %get3A_1659[%get3A_1660, %get3A_1661] {strides = array<i32>} : memref<64x128xf32, #tpu.memory_space<vmem>>, vector<16xf32>,
        %get3A_1663 = arith.constant 41 : i32
        %get3A_1664 = arith.constant 0 : i32
        %get3A_1665 = tpu.memref_slice %arg10[%multiple_of3A_374, %get3A_1664] : memref<256x128xf32, #tpu.memory_space<vmem>> -> memref<64x128xf32, #tpu.memory_space<vmem>>
        %get3A_1666 = arith.index_cast %get3A_1663 : i32 to index
        %get3A_1667 = arith.constant 16 : index
        %get3A_1668 = tpu.vector_load %get3A_1665[%get3A_1666, %get3A_1667] {strides = array<i32>} : memref<64x128xf32, #tpu.memory_space<vmem>>, vector<16xf32>,
        %add3A_1669 = arith.addf %get3A_1662, %get3A_1668 : vector<16xf32>
        %get3A_1670 = arith.constant 42 : i32
        %get3A_1671 = arith.constant 0 : i32
        %get3A_1672 = tpu.memref_slice %arg10[%multiple_of3A_374, %get3A_1671] : memref<256x128xf32, #tpu.memory_space<vmem>> -> memref<64x128xf32, #tpu.memory_space<vmem>>
        %get3A_1673 = arith.index_cast %get3A_1670 : i32 to index
        %get3A_1674 = arith.constant 16 : index
        %get3A_1675 = tpu.vector_load %get3A_1672[%get3A_1673, %get3A_1674] {strides = array<i32>} : memref<64x128xf32, #tpu.memory_space<vmem>>, vector<16xf32>,
        %add3A_1676 = arith.addf %add3A_1669, %get3A_1675 : vector<16xf32>
        %get3A_1677 = arith.constant 43 : i32
        %get3A_1678 = arith.constant 0 : i32
        %get3A_1679 = tpu.memref_slice %arg10[%multiple_of3A_374, %get3A_1678] : memref<256x128xf32, #tpu.memory_space<vmem>> -> memref<64x128xf32, #tpu.memory_space<vmem>>
        %get3A_1680 = arith.index_cast %get3A_1677 : i32 to index
        %get3A_1681 = arith.constant 16 : index
        %get3A_1682 = tpu.vector_load %get3A_1679[%get3A_1680, %get3A_1681] {strides = array<i32>} : memref<64x128xf32, #tpu.memory_space<vmem>>, vector<16xf32>,
        %add3A_1683 = arith.addf %add3A_1676, %get3A_1682 : vector<16xf32>
        %get3A_1684 = arith.constant 44 : i32
        %get3A_1685 = arith.constant 0 : i32
        %get3A_1686 = tpu.memref_slice %arg10[%multiple_of3A_374, %get3A_1685] : memref<256x128xf32, #tpu.memory_space<vmem>> -> memref<64x128xf32, #tpu.memory_space<vmem>>
        %get3A_1687 = arith.index_cast %get3A_1684 : i32 to index
        %get3A_1688 = arith.constant 16 : index
        %get3A_1689 = tpu.vector_load %get3A_1686[%get3A_1687, %get3A_1688] {strides = array<i32>} : memref<64x128xf32, #tpu.memory_space<vmem>>, vector<16xf32>,
        %add3A_1690 = arith.addf %add3A_1683, %get3A_1689 : vector<16xf32>
        %get3A_1691 = arith.constant 45 : i32
        %get3A_1692 = arith.constant 0 : i32
        %get3A_1693 = tpu.memref_slice %arg10[%multiple_of3A_374, %get3A_1692] : memref<256x128xf32, #tpu.memory_space<vmem>> -> memref<64x128xf32, #tpu.memory_space<vmem>>
        %get3A_1694 = arith.index_cast %get3A_1691 : i32 to index
        %get3A_1695 = arith.constant 16 : index
        %get3A_1696 = tpu.vector_load %get3A_1693[%get3A_1694, %get3A_1695] {strides = array<i32>} : memref<64x128xf32, #tpu.memory_space<vmem>>, vector<16xf32>,
        %add3A_1697 = arith.addf %add3A_1690, %get3A_1696 : vector<16xf32>
        %get3A_1698 = arith.constant 46 : i32
        %get3A_1699 = arith.constant 0 : i32
        %get3A_1700 = tpu.memref_slice %arg10[%multiple_of3A_374, %get3A_1699] : memref<256x128xf32, #tpu.memory_space<vmem>> -> memref<64x128xf32, #tpu.memory_space<vmem>>
        %get3A_1701 = arith.index_cast %get3A_1698 : i32 to index
        %get3A_1702 = arith.constant 16 : index
        %get3A_1703 = tpu.vector_load %get3A_1700[%get3A_1701, %get3A_1702] {strides = array<i32>} : memref<64x128xf32, #tpu.memory_space<vmem>>, vector<16xf32>,
        %add3A_1704 = arith.addf %add3A_1697, %get3A_1703 : vector<16xf32>
        %get3A_1705 = arith.constant 47 : i32
        %get3A_1706 = arith.constant 0 : i32
        %get3A_1707 = tpu.memref_slice %arg10[%multiple_of3A_374, %get3A_1706] : memref<256x128xf32, #tpu.memory_space<vmem>> -> memref<64x128xf32, #tpu.memory_space<vmem>>
        %get3A_1708 = arith.index_cast %get3A_1705 : i32 to index
        %get3A_1709 = arith.constant 16 : index
        %get3A_1710 = tpu.vector_load %get3A_1707[%get3A_1708, %get3A_1709] {strides = array<i32>} : memref<64x128xf32, #tpu.memory_space<vmem>>, vector<16xf32>,
        %add3A_1711 = arith.addf %add3A_1704, %get3A_1710 : vector<16xf32>
        %swap3A_1712 = arith.constant 5 : i32
        %swap3A_1713 = arith.constant 0 : i32
        %swap3A_1714 = tpu.memref_slice %arg12[%multiple_of3A_377, %swap3A_1713] : memref<32x128xf32, #tpu.memory_space<vmem>> -> memref<8x128xf32, #tpu.memory_space<vmem>>
        %swap3A_1715 = arith.index_cast %swap3A_1712 : i32 to index
        %swap3A_1716 = arith.constant 16 : index
        %swap3A_1717 = tpu.vector_load %swap3A_1714[%swap3A_1715, %swap3A_1716] {strides = array<i32>} : memref<8x128xf32, #tpu.memory_space<vmem>>, vector<16xf32>,
        tpu.vector_store %swap3A_1714[%swap3A_1715, %swap3A_1716], %add3A_1711 {strides = array<i32>} : memref<8x128xf32, #tpu.memory_space<vmem>>, vector<16xf32>,
        %get3A_1718 = arith.constant 40 : i32
        %get3A_1719 = arith.constant 0 : i32
        %get3A_1720 = tpu.memref_slice %arg10[%multiple_of3A_374, %get3A_1719] : memref<256x128xf32, #tpu.memory_space<vmem>> -> memref<64x128xf32, #tpu.memory_space<vmem>>
        %get3A_1721 = arith.index_cast %get3A_1718 : i32 to index
        %get3A_1722 = arith.constant 32 : index
        %get3A_1723 = tpu.vector_load %get3A_1720[%get3A_1721, %get3A_1722] {strides = array<i32>} : memref<64x128xf32, #tpu.memory_space<vmem>>, vector<16xf32>,
        %get3A_1724 = arith.constant 41 : i32
        %get3A_1725 = arith.constant 0 : i32
        %get3A_1726 = tpu.memref_slice %arg10[%multiple_of3A_374, %get3A_1725] : memref<256x128xf32, #tpu.memory_space<vmem>> -> memref<64x128xf32, #tpu.memory_space<vmem>>
        %get3A_1727 = arith.index_cast %get3A_1724 : i32 to index
        %get3A_1728 = arith.constant 32 : index
        %get3A_1729 = tpu.vector_load %get3A_1726[%get3A_1727, %get3A_1728] {strides = array<i32>} : memref<64x128xf32, #tpu.memory_space<vmem>>, vector<16xf32>,
        %add3A_1730 = arith.addf %get3A_1723, %get3A_1729 : vector<16xf32>
        %get3A_1731 = arith.constant 42 : i32
        %get3A_1732 = arith.constant 0 : i32
        %get3A_1733 = tpu.memref_slice %arg10[%multiple_of3A_374, %get3A_1732] : memref<256x128xf32, #tpu.memory_space<vmem>> -> memref<64x128xf32, #tpu.memory_space<vmem>>
        %get3A_1734 = arith.index_cast %get3A_1731 : i32 to index
        %get3A_1735 = arith.constant 32 : index
        %get3A_1736 = tpu.vector_load %get3A_1733[%get3A_1734, %get3A_1735] {strides = array<i32>} : memref<64x128xf32, #tpu.memory_space<vmem>>, vector<16xf32>,
        %add3A_1737 = arith.addf %add3A_1730, %get3A_1736 : vector<16xf32>
        %get3A_1738 = arith.constant 43 : i32
        %get3A_1739 = arith.constant 0 : i32
        %get3A_1740 = tpu.memref_slice %arg10[%multiple_of3A_374, %get3A_1739] : memref<256x128xf32, #tpu.memory_space<vmem>> -> memref<64x128xf32, #tpu.memory_space<vmem>>
        %get3A_1741 = arith.index_cast %get3A_1738 : i32 to index
        %get3A_1742 = arith.constant 32 : index
        %get3A_1743 = tpu.vector_load %get3A_1740[%get3A_1741, %get3A_1742] {strides = array<i32>} : memref<64x128xf32, #tpu.memory_space<vmem>>, vector<16xf32>,
        %add3A_1744 = arith.addf %add3A_1737, %get3A_1743 : vector<16xf32>
        %get3A_1745 = arith.constant 44 : i32
        %get3A_1746 = arith.constant 0 : i32
        %get3A_1747 = tpu.memref_slice %arg10[%multiple_of3A_374, %get3A_1746] : memref<256x128xf32, #tpu.memory_space<vmem>> -> memref<64x128xf32, #tpu.memory_space<vmem>>
        %get3A_1748 = arith.index_cast %get3A_1745 : i32 to index
        %get3A_1749 = arith.constant 32 : index
        %get3A_1750 = tpu.vector_load %get3A_1747[%get3A_1748, %get3A_1749] {strides = array<i32>} : memref<64x128xf32, #tpu.memory_space<vmem>>, vector<16xf32>,
        %add3A_1751 = arith.addf %add3A_1744, %get3A_1750 : vector<16xf32>
        %get3A_1752 = arith.constant 45 : i32
        %get3A_1753 = arith.constant 0 : i32
        %get3A_1754 = tpu.memref_slice %arg10[%multiple_of3A_374, %get3A_1753] : memref<256x128xf32, #tpu.memory_space<vmem>> -> memref<64x128xf32, #tpu.memory_space<vmem>>
        %get3A_1755 = arith.index_cast %get3A_1752 : i32 to index
        %get3A_1756 = arith.constant 32 : index
        %get3A_1757 = tpu.vector_load %get3A_1754[%get3A_1755, %get3A_1756] {strides = array<i32>} : memref<64x128xf32, #tpu.memory_space<vmem>>, vector<16xf32>,
        %add3A_1758 = arith.addf %add3A_1751, %get3A_1757 : vector<16xf32>
        %get3A_1759 = arith.constant 46 : i32
        %get3A_1760 = arith.constant 0 : i32
        %get3A_1761 = tpu.memref_slice %arg10[%multiple_of3A_374, %get3A_1760] : memref<256x128xf32, #tpu.memory_space<vmem>> -> memref<64x128xf32, #tpu.memory_space<vmem>>
        %get3A_1762 = arith.index_cast %get3A_1759 : i32 to index
        %get3A_1763 = arith.constant 32 : index
        %get3A_1764 = tpu.vector_load %get3A_1761[%get3A_1762, %get3A_1763] {strides = array<i32>} : memref<64x128xf32, #tpu.memory_space<vmem>>, vector<16xf32>,
        %add3A_1765 = arith.addf %add3A_1758, %get3A_1764 : vector<16xf32>
        %get3A_1766 = arith.constant 47 : i32
        %get3A_1767 = arith.constant 0 : i32
        %get3A_1768 = tpu.memref_slice %arg10[%multiple_of3A_374, %get3A_1767] : memref<256x128xf32, #tpu.memory_space<vmem>> -> memref<64x128xf32, #tpu.memory_space<vmem>>
        %get3A_1769 = arith.index_cast %get3A_1766 : i32 to index
        %get3A_1770 = arith.constant 32 : index
        %get3A_1771 = tpu.vector_load %get3A_1768[%get3A_1769, %get3A_1770] {strides = array<i32>} : memref<64x128xf32, #tpu.memory_space<vmem>>, vector<16xf32>,
        %add3A_1772 = arith.addf %add3A_1765, %get3A_1771 : vector<16xf32>
        %swap3A_1773 = arith.constant 5 : i32
        %swap3A_1774 = arith.constant 0 : i32
        %swap3A_1775 = tpu.memref_slice %arg12[%multiple_of3A_377, %swap3A_1774] : memref<32x128xf32, #tpu.memory_space<vmem>> -> memref<8x128xf32, #tpu.memory_space<vmem>>
        %swap3A_1776 = arith.index_cast %swap3A_1773 : i32 to index
        %swap3A_1777 = arith.constant 32 : index
        %swap3A_1778 = tpu.vector_load %swap3A_1775[%swap3A_1776, %swap3A_1777] {strides = array<i32>} : memref<8x128xf32, #tpu.memory_space<vmem>>, vector<16xf32>,
        tpu.vector_store %swap3A_1775[%swap3A_1776, %swap3A_1777], %add3A_1772 {strides = array<i32>} : memref<8x128xf32, #tpu.memory_space<vmem>>, vector<16xf32>,
        %get3A_1779 = arith.constant 40 : i32
        %get3A_1780 = arith.constant 0 : i32
        %get3A_1781 = tpu.memref_slice %arg10[%multiple_of3A_374, %get3A_1780] : memref<256x128xf32, #tpu.memory_space<vmem>> -> memref<64x128xf32, #tpu.memory_space<vmem>>
        %get3A_1782 = arith.index_cast %get3A_1779 : i32 to index
        %get3A_1783 = arith.constant 48 : index
        %get3A_1784 = tpu.vector_load %get3A_1781[%get3A_1782, %get3A_1783] {strides = array<i32>} : memref<64x128xf32, #tpu.memory_space<vmem>>, vector<16xf32>,
        %get3A_1785 = arith.constant 41 : i32
        %get3A_1786 = arith.constant 0 : i32
        %get3A_1787 = tpu.memref_slice %arg10[%multiple_of3A_374, %get3A_1786] : memref<256x128xf32, #tpu.memory_space<vmem>> -> memref<64x128xf32, #tpu.memory_space<vmem>>
        %get3A_1788 = arith.index_cast %get3A_1785 : i32 to index
        %get3A_1789 = arith.constant 48 : index
        %get3A_1790 = tpu.vector_load %get3A_1787[%get3A_1788, %get3A_1789] {strides = array<i32>} : memref<64x128xf32, #tpu.memory_space<vmem>>, vector<16xf32>,
        %add3A_1791 = arith.addf %get3A_1784, %get3A_1790 : vector<16xf32>
        %get3A_1792 = arith.constant 42 : i32
        %get3A_1793 = arith.constant 0 : i32
        %get3A_1794 = tpu.memref_slice %arg10[%multiple_of3A_374, %get3A_1793] : memref<256x128xf32, #tpu.memory_space<vmem>> -> memref<64x128xf32, #tpu.memory_space<vmem>>
        %get3A_1795 = arith.index_cast %get3A_1792 : i32 to index
        %get3A_1796 = arith.constant 48 : index
        %get3A_1797 = tpu.vector_load %get3A_1794[%get3A_1795, %get3A_1796] {strides = array<i32>} : memref<64x128xf32, #tpu.memory_space<vmem>>, vector<16xf32>,
        %add3A_1798 = arith.addf %add3A_1791, %get3A_1797 : vector<16xf32>
        %get3A_1799 = arith.constant 43 : i32
        %get3A_1800 = arith.constant 0 : i32
        %get3A_1801 = tpu.memref_slice %arg10[%multiple_of3A_374, %get3A_1800] : memref<256x128xf32, #tpu.memory_space<vmem>> -> memref<64x128xf32, #tpu.memory_space<vmem>>
        %get3A_1802 = arith.index_cast %get3A_1799 : i32 to index
        %get3A_1803 = arith.constant 48 : index
        %get3A_1804 = tpu.vector_load %get3A_1801[%get3A_1802, %get3A_1803] {strides = array<i32>} : memref<64x128xf32, #tpu.memory_space<vmem>>, vector<16xf32>,
        %add3A_1805 = arith.addf %add3A_1798, %get3A_1804 : vector<16xf32>
        %get3A_1806 = arith.constant 44 : i32
        %get3A_1807 = arith.constant 0 : i32
        %get3A_1808 = tpu.memref_slice %arg10[%multiple_of3A_374, %get3A_1807] : memref<256x128xf32, #tpu.memory_space<vmem>> -> memref<64x128xf32, #tpu.memory_space<vmem>>
        %get3A_1809 = arith.index_cast %get3A_1806 : i32 to index
        %get3A_1810 = arith.constant 48 : index
        %get3A_1811 = tpu.vector_load %get3A_1808[%get3A_1809, %get3A_1810] {strides = array<i32>} : memref<64x128xf32, #tpu.memory_space<vmem>>, vector<16xf32>,
        %add3A_1812 = arith.addf %add3A_1805, %get3A_1811 : vector<16xf32>
        %get3A_1813 = arith.constant 45 : i32
        %get3A_1814 = arith.constant 0 : i32
        %get3A_1815 = tpu.memref_slice %arg10[%multiple_of3A_374, %get3A_1814] : memref<256x128xf32, #tpu.memory_space<vmem>> -> memref<64x128xf32, #tpu.memory_space<vmem>>
        %get3A_1816 = arith.index_cast %get3A_1813 : i32 to index
        %get3A_1817 = arith.constant 48 : index
        %get3A_1818 = tpu.vector_load %get3A_1815[%get3A_1816, %get3A_1817] {strides = array<i32>} : memref<64x128xf32, #tpu.memory_space<vmem>>, vector<16xf32>,
        %add3A_1819 = arith.addf %add3A_1812, %get3A_1818 : vector<16xf32>
        %get3A_1820 = arith.constant 46 : i32
        %get3A_1821 = arith.constant 0 : i32
        %get3A_1822 = tpu.memref_slice %arg10[%multiple_of3A_374, %get3A_1821] : memref<256x128xf32, #tpu.memory_space<vmem>> -> memref<64x128xf32, #tpu.memory_space<vmem>>
        %get3A_1823 = arith.index_cast %get3A_1820 : i32 to index
        %get3A_1824 = arith.constant 48 : index
        %get3A_1825 = tpu.vector_load %get3A_1822[%get3A_1823, %get3A_1824] {strides = array<i32>} : memref<64x128xf32, #tpu.memory_space<vmem>>, vector<16xf32>,
        %add3A_1826 = arith.addf %add3A_1819, %get3A_1825 : vector<16xf32>
        %get3A_1827 = arith.constant 47 : i32
        %get3A_1828 = arith.constant 0 : i32
        %get3A_1829 = tpu.memref_slice %arg10[%multiple_of3A_374, %get3A_1828] : memref<256x128xf32, #tpu.memory_space<vmem>> -> memref<64x128xf32, #tpu.memory_space<vmem>>
        %get3A_1830 = arith.index_cast %get3A_1827 : i32 to index
        %get3A_1831 = arith.constant 48 : index
        %get3A_1832 = tpu.vector_load %get3A_1829[%get3A_1830, %get3A_1831] {strides = array<i32>} : memref<64x128xf32, #tpu.memory_space<vmem>>, vector<16xf32>,
        %add3A_1833 = arith.addf %add3A_1826, %get3A_1832 : vector<16xf32>
        %swap3A_1834 = arith.constant 5 : i32
        %swap3A_1835 = arith.constant 0 : i32
        %swap3A_1836 = tpu.memref_slice %arg12[%multiple_of3A_377, %swap3A_1835] : memref<32x128xf32, #tpu.memory_space<vmem>> -> memref<8x128xf32, #tpu.memory_space<vmem>>
        %swap3A_1837 = arith.index_cast %swap3A_1834 : i32 to index
        %swap3A_1838 = arith.constant 48 : index
        %swap3A_1839 = tpu.vector_load %swap3A_1836[%swap3A_1837, %swap3A_1838] {strides = array<i32>} : memref<8x128xf32, #tpu.memory_space<vmem>>, vector<16xf32>,
        tpu.vector_store %swap3A_1836[%swap3A_1837, %swap3A_1838], %add3A_1833 {strides = array<i32>} : memref<8x128xf32, #tpu.memory_space<vmem>>, vector<16xf32>,
        %get3A_1840 = arith.constant 48 : i32
        %get3A_1841 = arith.constant 0 : i32
        %get3A_1842 = tpu.memref_slice %arg10[%multiple_of3A_374, %get3A_1841] : memref<256x128xf32, #tpu.memory_space<vmem>> -> memref<64x128xf32, #tpu.memory_space<vmem>>
        %get3A_1843 = arith.index_cast %get3A_1840 : i32 to index
        %get3A_1844 = arith.constant 0 : index
        %get3A_1845 = tpu.vector_load %get3A_1842[%get3A_1843, %get3A_1844] {strides = array<i32>} : memref<64x128xf32, #tpu.memory_space<vmem>>, vector<16xf32>,
        %get3A_1846 = arith.constant 49 : i32
        %get3A_1847 = arith.constant 0 : i32
        %get3A_1848 = tpu.memref_slice %arg10[%multiple_of3A_374, %get3A_1847] : memref<256x128xf32, #tpu.memory_space<vmem>> -> memref<64x128xf32, #tpu.memory_space<vmem>>
        %get3A_1849 = arith.index_cast %get3A_1846 : i32 to index
        %get3A_1850 = arith.constant 0 : index
        %get3A_1851 = tpu.vector_load %get3A_1848[%get3A_1849, %get3A_1850] {strides = array<i32>} : memref<64x128xf32, #tpu.memory_space<vmem>>, vector<16xf32>,
        %add3A_1852 = arith.addf %get3A_1845, %get3A_1851 : vector<16xf32>
        %get3A_1853 = arith.constant 50 : i32
        %get3A_1854 = arith.constant 0 : i32
        %get3A_1855 = tpu.memref_slice %arg10[%multiple_of3A_374, %get3A_1854] : memref<256x128xf32, #tpu.memory_space<vmem>> -> memref<64x128xf32, #tpu.memory_space<vmem>>
        %get3A_1856 = arith.index_cast %get3A_1853 : i32 to index
        %get3A_1857 = arith.constant 0 : index
        %get3A_1858 = tpu.vector_load %get3A_1855[%get3A_1856, %get3A_1857] {strides = array<i32>} : memref<64x128xf32, #tpu.memory_space<vmem>>, vector<16xf32>,
        %add3A_1859 = arith.addf %add3A_1852, %get3A_1858 : vector<16xf32>
        %get3A_1860 = arith.constant 51 : i32
        %get3A_1861 = arith.constant 0 : i32
        %get3A_1862 = tpu.memref_slice %arg10[%multiple_of3A_374, %get3A_1861] : memref<256x128xf32, #tpu.memory_space<vmem>> -> memref<64x128xf32, #tpu.memory_space<vmem>>
        %get3A_1863 = arith.index_cast %get3A_1860 : i32 to index
        %get3A_1864 = arith.constant 0 : index
        %get3A_1865 = tpu.vector_load %get3A_1862[%get3A_1863, %get3A_1864] {strides = array<i32>} : memref<64x128xf32, #tpu.memory_space<vmem>>, vector<16xf32>,
        %add3A_1866 = arith.addf %add3A_1859, %get3A_1865 : vector<16xf32>
        %get3A_1867 = arith.constant 52 : i32
        %get3A_1868 = arith.constant 0 : i32
        %get3A_1869 = tpu.memref_slice %arg10[%multiple_of3A_374, %get3A_1868] : memref<256x128xf32, #tpu.memory_space<vmem>> -> memref<64x128xf32, #tpu.memory_space<vmem>>
        %get3A_1870 = arith.index_cast %get3A_1867 : i32 to index
        %get3A_1871 = arith.constant 0 : index
        %get3A_1872 = tpu.vector_load %get3A_1869[%get3A_1870, %get3A_1871] {strides = array<i32>} : memref<64x128xf32, #tpu.memory_space<vmem>>, vector<16xf32>,
        %add3A_1873 = arith.addf %add3A_1866, %get3A_1872 : vector<16xf32>
        %get3A_1874 = arith.constant 53 : i32
        %get3A_1875 = arith.constant 0 : i32
        %get3A_1876 = tpu.memref_slice %arg10[%multiple_of3A_374, %get3A_1875] : memref<256x128xf32, #tpu.memory_space<vmem>> -> memref<64x128xf32, #tpu.memory_space<vmem>>
        %get3A_1877 = arith.index_cast %get3A_1874 : i32 to index
        %get3A_1878 = arith.constant 0 : index
        %get3A_1879 = tpu.vector_load %get3A_1876[%get3A_1877, %get3A_1878] {strides = array<i32>} : memref<64x128xf32, #tpu.memory_space<vmem>>, vector<16xf32>,
        %add3A_1880 = arith.addf %add3A_1873, %get3A_1879 : vector<16xf32>
        %get3A_1881 = arith.constant 54 : i32
        %get3A_1882 = arith.constant 0 : i32
        %get3A_1883 = tpu.memref_slice %arg10[%multiple_of3A_374, %get3A_1882] : memref<256x128xf32, #tpu.memory_space<vmem>> -> memref<64x128xf32, #tpu.memory_space<vmem>>
        %get3A_1884 = arith.index_cast %get3A_1881 : i32 to index
        %get3A_1885 = arith.constant 0 : index
        %get3A_1886 = tpu.vector_load %get3A_1883[%get3A_1884, %get3A_1885] {strides = array<i32>} : memref<64x128xf32, #tpu.memory_space<vmem>>, vector<16xf32>,
        %add3A_1887 = arith.addf %add3A_1880, %get3A_1886 : vector<16xf32>
        %get3A_1888 = arith.constant 55 : i32
        %get3A_1889 = arith.constant 0 : i32
        %get3A_1890 = tpu.memref_slice %arg10[%multiple_of3A_374, %get3A_1889] : memref<256x128xf32, #tpu.memory_space<vmem>> -> memref<64x128xf32, #tpu.memory_space<vmem>>
        %get3A_1891 = arith.index_cast %get3A_1888 : i32 to index
        %get3A_1892 = arith.constant 0 : index
        %get3A_1893 = tpu.vector_load %get3A_1890[%get3A_1891, %get3A_1892] {strides = array<i32>} : memref<64x128xf32, #tpu.memory_space<vmem>>, vector<16xf32>,
        %add3A_1894 = arith.addf %add3A_1887, %get3A_1893 : vector<16xf32>
        %swap3A_1895 = arith.constant 6 : i32
        %swap3A_1896 = arith.constant 0 : i32
        %swap3A_1897 = tpu.memref_slice %arg12[%multiple_of3A_377, %swap3A_1896] : memref<32x128xf32, #tpu.memory_space<vmem>> -> memref<8x128xf32, #tpu.memory_space<vmem>>
        %swap3A_1898 = arith.index_cast %swap3A_1895 : i32 to index
        %swap3A_1899 = arith.constant 0 : index
        %swap3A_1900 = tpu.vector_load %swap3A_1897[%swap3A_1898, %swap3A_1899] {strides = array<i32>} : memref<8x128xf32, #tpu.memory_space<vmem>>, vector<16xf32>,
        tpu.vector_store %swap3A_1897[%swap3A_1898, %swap3A_1899], %add3A_1894 {strides = array<i32>} : memref<8x128xf32, #tpu.memory_space<vmem>>, vector<16xf32>,
        %get3A_1901 = arith.constant 48 : i32
        %get3A_1902 = arith.constant 0 : i32
        %get3A_1903 = tpu.memref_slice %arg10[%multiple_of3A_374, %get3A_1902] : memref<256x128xf32, #tpu.memory_space<vmem>> -> memref<64x128xf32, #tpu.memory_space<vmem>>
        %get3A_1904 = arith.index_cast %get3A_1901 : i32 to index
        %get3A_1905 = arith.constant 16 : index
        %get3A_1906 = tpu.vector_load %get3A_1903[%get3A_1904, %get3A_1905] {strides = array<i32>} : memref<64x128xf32, #tpu.memory_space<vmem>>, vector<16xf32>,
        %get3A_1907 = arith.constant 49 : i32
        %get3A_1908 = arith.constant 0 : i32
        %get3A_1909 = tpu.memref_slice %arg10[%multiple_of3A_374, %get3A_1908] : memref<256x128xf32, #tpu.memory_space<vmem>> -> memref<64x128xf32, #tpu.memory_space<vmem>>
        %get3A_1910 = arith.index_cast %get3A_1907 : i32 to index
        %get3A_1911 = arith.constant 16 : index
        %get3A_1912 = tpu.vector_load %get3A_1909[%get3A_1910, %get3A_1911] {strides = array<i32>} : memref<64x128xf32, #tpu.memory_space<vmem>>, vector<16xf32>,
        %add3A_1913 = arith.addf %get3A_1906, %get3A_1912 : vector<16xf32>
        %get3A_1914 = arith.constant 50 : i32
        %get3A_1915 = arith.constant 0 : i32
        %get3A_1916 = tpu.memref_slice %arg10[%multiple_of3A_374, %get3A_1915] : memref<256x128xf32, #tpu.memory_space<vmem>> -> memref<64x128xf32, #tpu.memory_space<vmem>>
        %get3A_1917 = arith.index_cast %get3A_1914 : i32 to index
        %get3A_1918 = arith.constant 16 : index
        %get3A_1919 = tpu.vector_load %get3A_1916[%get3A_1917, %get3A_1918] {strides = array<i32>} : memref<64x128xf32, #tpu.memory_space<vmem>>, vector<16xf32>,
        %add3A_1920 = arith.addf %add3A_1913, %get3A_1919 : vector<16xf32>
        %get3A_1921 = arith.constant 51 : i32
        %get3A_1922 = arith.constant 0 : i32
        %get3A_1923 = tpu.memref_slice %arg10[%multiple_of3A_374, %get3A_1922] : memref<256x128xf32, #tpu.memory_space<vmem>> -> memref<64x128xf32, #tpu.memory_space<vmem>>
        %get3A_1924 = arith.index_cast %get3A_1921 : i32 to index
        %get3A_1925 = arith.constant 16 : index
        %get3A_1926 = tpu.vector_load %get3A_1923[%get3A_1924, %get3A_1925] {strides = array<i32>} : memref<64x128xf32, #tpu.memory_space<vmem>>, vector<16xf32>,
        %add3A_1927 = arith.addf %add3A_1920, %get3A_1926 : vector<16xf32>
        %get3A_1928 = arith.constant 52 : i32
        %get3A_1929 = arith.constant 0 : i32
        %get3A_1930 = tpu.memref_slice %arg10[%multiple_of3A_374, %get3A_1929] : memref<256x128xf32, #tpu.memory_space<vmem>> -> memref<64x128xf32, #tpu.memory_space<vmem>>
        %get3A_1931 = arith.index_cast %get3A_1928 : i32 to index
        %get3A_1932 = arith.constant 16 : index
        %get3A_1933 = tpu.vector_load %get3A_1930[%get3A_1931, %get3A_1932] {strides = array<i32>} : memref<64x128xf32, #tpu.memory_space<vmem>>, vector<16xf32>,
        %add3A_1934 = arith.addf %add3A_1927, %get3A_1933 : vector<16xf32>
        %get3A_1935 = arith.constant 53 : i32
        %get3A_1936 = arith.constant 0 : i32
        %get3A_1937 = tpu.memref_slice %arg10[%multiple_of3A_374, %get3A_1936] : memref<256x128xf32, #tpu.memory_space<vmem>> -> memref<64x128xf32, #tpu.memory_space<vmem>>
        %get3A_1938 = arith.index_cast %get3A_1935 : i32 to index
        %get3A_1939 = arith.constant 16 : index
        %get3A_1940 = tpu.vector_load %get3A_1937[%get3A_1938, %get3A_1939] {strides = array<i32>} : memref<64x128xf32, #tpu.memory_space<vmem>>, vector<16xf32>,
        %add3A_1941 = arith.addf %add3A_1934, %get3A_1940 : vector<16xf32>
        %get3A_1942 = arith.constant 54 : i32
        %get3A_1943 = arith.constant 0 : i32
        %get3A_1944 = tpu.memref_slice %arg10[%multiple_of3A_374, %get3A_1943] : memref<256x128xf32, #tpu.memory_space<vmem>> -> memref<64x128xf32, #tpu.memory_space<vmem>>
        %get3A_1945 = arith.index_cast %get3A_1942 : i32 to index
        %get3A_1946 = arith.constant 16 : index
        %get3A_1947 = tpu.vector_load %get3A_1944[%get3A_1945, %get3A_1946] {strides = array<i32>} : memref<64x128xf32, #tpu.memory_space<vmem>>, vector<16xf32>,
        %add3A_1948 = arith.addf %add3A_1941, %get3A_1947 : vector<16xf32>
        %get3A_1949 = arith.constant 55 : i32
        %get3A_1950 = arith.constant 0 : i32
        %get3A_1951 = tpu.memref_slice %arg10[%multiple_of3A_374, %get3A_1950] : memref<256x128xf32, #tpu.memory_space<vmem>> -> memref<64x128xf32, #tpu.memory_space<vmem>>
        %get3A_1952 = arith.index_cast %get3A_1949 : i32 to index
        %get3A_1953 = arith.constant 16 : index
        %get3A_1954 = tpu.vector_load %get3A_1951[%get3A_1952, %get3A_1953] {strides = array<i32>} : memref<64x128xf32, #tpu.memory_space<vmem>>, vector<16xf32>,
        %add3A_1955 = arith.addf %add3A_1948, %get3A_1954 : vector<16xf32>
        %swap3A_1956 = arith.constant 6 : i32
        %swap3A_1957 = arith.constant 0 : i32
        %swap3A_1958 = tpu.memref_slice %arg12[%multiple_of3A_377, %swap3A_1957] : memref<32x128xf32, #tpu.memory_space<vmem>> -> memref<8x128xf32, #tpu.memory_space<vmem>>
        %swap3A_1959 = arith.index_cast %swap3A_1956 : i32 to index
        %swap3A_1960 = arith.constant 16 : index
        %swap3A_1961 = tpu.vector_load %swap3A_1958[%swap3A_1959, %swap3A_1960] {strides = array<i32>} : memref<8x128xf32, #tpu.memory_space<vmem>>, vector<16xf32>,
        tpu.vector_store %swap3A_1958[%swap3A_1959, %swap3A_1960], %add3A_1955 {strides = array<i32>} : memref<8x128xf32, #tpu.memory_space<vmem>>, vector<16xf32>,
        %get3A_1962 = arith.constant 48 : i32
        %get3A_1963 = arith.constant 0 : i32
        %get3A_1964 = tpu.memref_slice %arg10[%multiple_of3A_374, %get3A_1963] : memref<256x128xf32, #tpu.memory_space<vmem>> -> memref<64x128xf32, #tpu.memory_space<vmem>>
        %get3A_1965 = arith.index_cast %get3A_1962 : i32 to index
        %get3A_1966 = arith.constant 32 : index
        %get3A_1967 = tpu.vector_load %get3A_1964[%get3A_1965, %get3A_1966] {strides = array<i32>} : memref<64x128xf32, #tpu.memory_space<vmem>>, vector<16xf32>,
        %get3A_1968 = arith.constant 49 : i32
        %get3A_1969 = arith.constant 0 : i32
        %get3A_1970 = tpu.memref_slice %arg10[%multiple_of3A_374, %get3A_1969] : memref<256x128xf32, #tpu.memory_space<vmem>> -> memref<64x128xf32, #tpu.memory_space<vmem>>
        %get3A_1971 = arith.index_cast %get3A_1968 : i32 to index
        %get3A_1972 = arith.constant 32 : index
        %get3A_1973 = tpu.vector_load %get3A_1970[%get3A_1971, %get3A_1972] {strides = array<i32>} : memref<64x128xf32, #tpu.memory_space<vmem>>, vector<16xf32>,
        %add3A_1974 = arith.addf %get3A_1967, %get3A_1973 : vector<16xf32>
        %get3A_1975 = arith.constant 50 : i32
        %get3A_1976 = arith.constant 0 : i32
        %get3A_1977 = tpu.memref_slice %arg10[%multiple_of3A_374, %get3A_1976] : memref<256x128xf32, #tpu.memory_space<vmem>> -> memref<64x128xf32, #tpu.memory_space<vmem>>
        %get3A_1978 = arith.index_cast %get3A_1975 : i32 to index
        %get3A_1979 = arith.constant 32 : index
        %get3A_1980 = tpu.vector_load %get3A_1977[%get3A_1978, %get3A_1979] {strides = array<i32>} : memref<64x128xf32, #tpu.memory_space<vmem>>, vector<16xf32>,
        %add3A_1981 = arith.addf %add3A_1974, %get3A_1980 : vector<16xf32>
        %get3A_1982 = arith.constant 51 : i32
        %get3A_1983 = arith.constant 0 : i32
        %get3A_1984 = tpu.memref_slice %arg10[%multiple_of3A_374, %get3A_1983] : memref<256x128xf32, #tpu.memory_space<vmem>> -> memref<64x128xf32, #tpu.memory_space<vmem>>
        %get3A_1985 = arith.index_cast %get3A_1982 : i32 to index
        %get3A_1986 = arith.constant 32 : index
        %get3A_1987 = tpu.vector_load %get3A_1984[%get3A_1985, %get3A_1986] {strides = array<i32>} : memref<64x128xf32, #tpu.memory_space<vmem>>, vector<16xf32>,
        %add3A_1988 = arith.addf %add3A_1981, %get3A_1987 : vector<16xf32>
        %get3A_1989 = arith.constant 52 : i32
        %get3A_1990 = arith.constant 0 : i32
        %get3A_1991 = tpu.memref_slice %arg10[%multiple_of3A_374, %get3A_1990] : memref<256x128xf32, #tpu.memory_space<vmem>> -> memref<64x128xf32, #tpu.memory_space<vmem>>
        %get3A_1992 = arith.index_cast %get3A_1989 : i32 to index
        %get3A_1993 = arith.constant 32 : index
        %get3A_1994 = tpu.vector_load %get3A_1991[%get3A_1992, %get3A_1993] {strides = array<i32>} : memref<64x128xf32, #tpu.memory_space<vmem>>, vector<16xf32>,
        %add3A_1995 = arith.addf %add3A_1988, %get3A_1994 : vector<16xf32>
        %get3A_1996 = arith.constant 53 : i32
        %get3A_1997 = arith.constant 0 : i32
        %get3A_1998 = tpu.memref_slice %arg10[%multiple_of3A_374, %get3A_1997] : memref<256x128xf32, #tpu.memory_space<vmem>> -> memref<64x128xf32, #tpu.memory_space<vmem>>
        %get3A_1999 = arith.index_cast %get3A_1996 : i32 to index
        %get3A_2000 = arith.constant 32 : index
        %get3A_2001 = tpu.vector_load %get3A_1998[%get3A_1999, %get3A_2000] {strides = array<i32>} : memref<64x128xf32, #tpu.memory_space<vmem>>, vector<16xf32>,
        %add3A_2002 = arith.addf %add3A_1995, %get3A_2001 : vector<16xf32>
        %get3A_2003 = arith.constant 54 : i32
        %get3A_2004 = arith.constant 0 : i32
        %get3A_2005 = tpu.memref_slice %arg10[%multiple_of3A_374, %get3A_2004] : memref<256x128xf32, #tpu.memory_space<vmem>> -> memref<64x128xf32, #tpu.memory_space<vmem>>
        %get3A_2006 = arith.index_cast %get3A_2003 : i32 to index
        %get3A_2007 = arith.constant 32 : index
        %get3A_2008 = tpu.vector_load %get3A_2005[%get3A_2006, %get3A_2007] {strides = array<i32>} : memref<64x128xf32, #tpu.memory_space<vmem>>, vector<16xf32>,
        %add3A_2009 = arith.addf %add3A_2002, %get3A_2008 : vector<16xf32>
        %get3A_2010 = arith.constant 55 : i32
        %get3A_2011 = arith.constant 0 : i32
        %get3A_2012 = tpu.memref_slice %arg10[%multiple_of3A_374, %get3A_2011] : memref<256x128xf32, #tpu.memory_space<vmem>> -> memref<64x128xf32, #tpu.memory_space<vmem>>
        %get3A_2013 = arith.index_cast %get3A_2010 : i32 to index
        %get3A_2014 = arith.constant 32 : index
        %get3A_2015 = tpu.vector_load %get3A_2012[%get3A_2013, %get3A_2014] {strides = array<i32>} : memref<64x128xf32, #tpu.memory_space<vmem>>, vector<16xf32>,
        %add3A_2016 = arith.addf %add3A_2009, %get3A_2015 : vector<16xf32>
        %swap3A_2017 = arith.constant 6 : i32
        %swap3A_2018 = arith.constant 0 : i32
        %swap3A_2019 = tpu.memref_slice %arg12[%multiple_of3A_377, %swap3A_2018] : memref<32x128xf32, #tpu.memory_space<vmem>> -> memref<8x128xf32, #tpu.memory_space<vmem>>
        %swap3A_2020 = arith.index_cast %swap3A_2017 : i32 to index
        %swap3A_2021 = arith.constant 32 : index
        %swap3A_2022 = tpu.vector_load %swap3A_2019[%swap3A_2020, %swap3A_2021] {strides = array<i32>} : memref<8x128xf32, #tpu.memory_space<vmem>>, vector<16xf32>,
        tpu.vector_store %swap3A_2019[%swap3A_2020, %swap3A_2021], %add3A_2016 {strides = array<i32>} : memref<8x128xf32, #tpu.memory_space<vmem>>, vector<16xf32>,
        %get3A_2023 = arith.constant 48 : i32
        %get3A_2024 = arith.constant 0 : i32
        %get3A_2025 = tpu.memref_slice %arg10[%multiple_of3A_374, %get3A_2024] : memref<256x128xf32, #tpu.memory_space<vmem>> -> memref<64x128xf32, #tpu.memory_space<vmem>>
        %get3A_2026 = arith.index_cast %get3A_2023 : i32 to index
        %get3A_2027 = arith.constant 48 : index
        %get3A_2028 = tpu.vector_load %get3A_2025[%get3A_2026, %get3A_2027] {strides = array<i32>} : memref<64x128xf32, #tpu.memory_space<vmem>>, vector<16xf32>,
        %get3A_2029 = arith.constant 49 : i32
        %get3A_2030 = arith.constant 0 : i32
        %get3A_2031 = tpu.memref_slice %arg10[%multiple_of3A_374, %get3A_2030] : memref<256x128xf32, #tpu.memory_space<vmem>> -> memref<64x128xf32, #tpu.memory_space<vmem>>
        %get3A_2032 = arith.index_cast %get3A_2029 : i32 to index
        %get3A_2033 = arith.constant 48 : index
        %get3A_2034 = tpu.vector_load %get3A_2031[%get3A_2032, %get3A_2033] {strides = array<i32>} : memref<64x128xf32, #tpu.memory_space<vmem>>, vector<16xf32>,
        %add3A_2035 = arith.addf %get3A_2028, %get3A_2034 : vector<16xf32>
        %get3A_2036 = arith.constant 50 : i32
        %get3A_2037 = arith.constant 0 : i32
        %get3A_2038 = tpu.memref_slice %arg10[%multiple_of3A_374, %get3A_2037] : memref<256x128xf32, #tpu.memory_space<vmem>> -> memref<64x128xf32, #tpu.memory_space<vmem>>
        %get3A_2039 = arith.index_cast %get3A_2036 : i32 to index
        %get3A_2040 = arith.constant 48 : index
        %get3A_2041 = tpu.vector_load %get3A_2038[%get3A_2039, %get3A_2040] {strides = array<i32>} : memref<64x128xf32, #tpu.memory_space<vmem>>, vector<16xf32>,
        %add3A_2042 = arith.addf %add3A_2035, %get3A_2041 : vector<16xf32>
        %get3A_2043 = arith.constant 51 : i32
        %get3A_2044 = arith.constant 0 : i32
        %get3A_2045 = tpu.memref_slice %arg10[%multiple_of3A_374, %get3A_2044] : memref<256x128xf32, #tpu.memory_space<vmem>> -> memref<64x128xf32, #tpu.memory_space<vmem>>
        %get3A_2046 = arith.index_cast %get3A_2043 : i32 to index
        %get3A_2047 = arith.constant 48 : index
        %get3A_2048 = tpu.vector_load %get3A_2045[%get3A_2046, %get3A_2047] {strides = array<i32>} : memref<64x128xf32, #tpu.memory_space<vmem>>, vector<16xf32>,
        %add3A_2049 = arith.addf %add3A_2042, %get3A_2048 : vector<16xf32>
        %get3A_2050 = arith.constant 52 : i32
        %get3A_2051 = arith.constant 0 : i32
        %get3A_2052 = tpu.memref_slice %arg10[%multiple_of3A_374, %get3A_2051] : memref<256x128xf32, #tpu.memory_space<vmem>> -> memref<64x128xf32, #tpu.memory_space<vmem>>
        %get3A_2053 = arith.index_cast %get3A_2050 : i32 to index
        %get3A_2054 = arith.constant 48 : index
        %get3A_2055 = tpu.vector_load %get3A_2052[%get3A_2053, %get3A_2054] {strides = array<i32>} : memref<64x128xf32, #tpu.memory_space<vmem>>, vector<16xf32>,
        %add3A_2056 = arith.addf %add3A_2049, %get3A_2055 : vector<16xf32>
        %get3A_2057 = arith.constant 53 : i32
        %get3A_2058 = arith.constant 0 : i32
        %get3A_2059 = tpu.memref_slice %arg10[%multiple_of3A_374, %get3A_2058] : memref<256x128xf32, #tpu.memory_space<vmem>> -> memref<64x128xf32, #tpu.memory_space<vmem>>
        %get3A_2060 = arith.index_cast %get3A_2057 : i32 to index
        %get3A_2061 = arith.constant 48 : index
        %get3A_2062 = tpu.vector_load %get3A_2059[%get3A_2060, %get3A_2061] {strides = array<i32>} : memref<64x128xf32, #tpu.memory_space<vmem>>, vector<16xf32>,
        %add3A_2063 = arith.addf %add3A_2056, %get3A_2062 : vector<16xf32>
        %get3A_2064 = arith.constant 54 : i32
        %get3A_2065 = arith.constant 0 : i32
        %get3A_2066 = tpu.memref_slice %arg10[%multiple_of3A_374, %get3A_2065] : memref<256x128xf32, #tpu.memory_space<vmem>> -> memref<64x128xf32, #tpu.memory_space<vmem>>
        %get3A_2067 = arith.index_cast %get3A_2064 : i32 to index
        %get3A_2068 = arith.constant 48 : index
        %get3A_2069 = tpu.vector_load %get3A_2066[%get3A_2067, %get3A_2068] {strides = array<i32>} : memref<64x128xf32, #tpu.memory_space<vmem>>, vector<16xf32>,
        %add3A_2070 = arith.addf %add3A_2063, %get3A_2069 : vector<16xf32>
        %get3A_2071 = arith.constant 55 : i32
        %get3A_2072 = arith.constant 0 : i32
        %get3A_2073 = tpu.memref_slice %arg10[%multiple_of3A_374, %get3A_2072] : memref<256x128xf32, #tpu.memory_space<vmem>> -> memref<64x128xf32, #tpu.memory_space<vmem>>
        %get3A_2074 = arith.index_cast %get3A_2071 : i32 to index
        %get3A_2075 = arith.constant 48 : index
        %get3A_2076 = tpu.vector_load %get3A_2073[%get3A_2074, %get3A_2075] {strides = array<i32>} : memref<64x128xf32, #tpu.memory_space<vmem>>, vector<16xf32>,
        %add3A_2077 = arith.addf %add3A_2070, %get3A_2076 : vector<16xf32>
        %swap3A_2078 = arith.constant 6 : i32
        %swap3A_2079 = arith.constant 0 : i32
        %swap3A_2080 = tpu.memref_slice %arg12[%multiple_of3A_377, %swap3A_2079] : memref<32x128xf32, #tpu.memory_space<vmem>> -> memref<8x128xf32, #tpu.memory_space<vmem>>
        %swap3A_2081 = arith.index_cast %swap3A_2078 : i32 to index
        %swap3A_2082 = arith.constant 48 : index
        %swap3A_2083 = tpu.vector_load %swap3A_2080[%swap3A_2081, %swap3A_2082] {strides = array<i32>} : memref<8x128xf32, #tpu.memory_space<vmem>>, vector<16xf32>,
        tpu.vector_store %swap3A_2080[%swap3A_2081, %swap3A_2082], %add3A_2077 {strides = array<i32>} : memref<8x128xf32, #tpu.memory_space<vmem>>, vector<16xf32>,
        %get3A_2084 = arith.constant 56 : i32
        %get3A_2085 = arith.constant 0 : i32
        %get3A_2086 = tpu.memref_slice %arg10[%multiple_of3A_374, %get3A_2085] : memref<256x128xf32, #tpu.memory_space<vmem>> -> memref<64x128xf32, #tpu.memory_space<vmem>>
        %get3A_2087 = arith.index_cast %get3A_2084 : i32 to index
        %get3A_2088 = arith.constant 0 : index
        %get3A_2089 = tpu.vector_load %get3A_2086[%get3A_2087, %get3A_2088] {strides = array<i32>} : memref<64x128xf32, #tpu.memory_space<vmem>>, vector<16xf32>,
        %get3A_2090 = arith.constant 57 : i32
        %get3A_2091 = arith.constant 0 : i32
        %get3A_2092 = tpu.memref_slice %arg10[%multiple_of3A_374, %get3A_2091] : memref<256x128xf32, #tpu.memory_space<vmem>> -> memref<64x128xf32, #tpu.memory_space<vmem>>
        %get3A_2093 = arith.index_cast %get3A_2090 : i32 to index
        %get3A_2094 = arith.constant 0 : index
        %get3A_2095 = tpu.vector_load %get3A_2092[%get3A_2093, %get3A_2094] {strides = array<i32>} : memref<64x128xf32, #tpu.memory_space<vmem>>, vector<16xf32>,
        %add3A_2096 = arith.addf %get3A_2089, %get3A_2095 : vector<16xf32>
        %get3A_2097 = arith.constant 58 : i32
        %get3A_2098 = arith.constant 0 : i32
        %get3A_2099 = tpu.memref_slice %arg10[%multiple_of3A_374, %get3A_2098] : memref<256x128xf32, #tpu.memory_space<vmem>> -> memref<64x128xf32, #tpu.memory_space<vmem>>
        %get3A_2100 = arith.index_cast %get3A_2097 : i32 to index
        %get3A_2101 = arith.constant 0 : index
        %get3A_2102 = tpu.vector_load %get3A_2099[%get3A_2100, %get3A_2101] {strides = array<i32>} : memref<64x128xf32, #tpu.memory_space<vmem>>, vector<16xf32>,
        %add3A_2103 = arith.addf %add3A_2096, %get3A_2102 : vector<16xf32>
        %get3A_2104 = arith.constant 59 : i32
        %get3A_2105 = arith.constant 0 : i32
        %get3A_2106 = tpu.memref_slice %arg10[%multiple_of3A_374, %get3A_2105] : memref<256x128xf32, #tpu.memory_space<vmem>> -> memref<64x128xf32, #tpu.memory_space<vmem>>
        %get3A_2107 = arith.index_cast %get3A_2104 : i32 to index
        %get3A_2108 = arith.constant 0 : index
        %get3A_2109 = tpu.vector_load %get3A_2106[%get3A_2107, %get3A_2108] {strides = array<i32>} : memref<64x128xf32, #tpu.memory_space<vmem>>, vector<16xf32>,
        %add3A_2110 = arith.addf %add3A_2103, %get3A_2109 : vector<16xf32>
        %get3A_2111 = arith.constant 60 : i32
        %get3A_2112 = arith.constant 0 : i32
        %get3A_2113 = tpu.memref_slice %arg10[%multiple_of3A_374, %get3A_2112] : memref<256x128xf32, #tpu.memory_space<vmem>> -> memref<64x128xf32, #tpu.memory_space<vmem>>
        %get3A_2114 = arith.index_cast %get3A_2111 : i32 to index
        %get3A_2115 = arith.constant 0 : index
        %get3A_2116 = tpu.vector_load %get3A_2113[%get3A_2114, %get3A_2115] {strides = array<i32>} : memref<64x128xf32, #tpu.memory_space<vmem>>, vector<16xf32>,
        %add3A_2117 = arith.addf %add3A_2110, %get3A_2116 : vector<16xf32>
        %get3A_2118 = arith.constant 61 : i32
        %get3A_2119 = arith.constant 0 : i32
        %get3A_2120 = tpu.memref_slice %arg10[%multiple_of3A_374, %get3A_2119] : memref<256x128xf32, #tpu.memory_space<vmem>> -> memref<64x128xf32, #tpu.memory_space<vmem>>
        %get3A_2121 = arith.index_cast %get3A_2118 : i32 to index
        %get3A_2122 = arith.constant 0 : index
        %get3A_2123 = tpu.vector_load %get3A_2120[%get3A_2121, %get3A_2122] {strides = array<i32>} : memref<64x128xf32, #tpu.memory_space<vmem>>, vector<16xf32>,
        %add3A_2124 = arith.addf %add3A_2117, %get3A_2123 : vector<16xf32>
        %get3A_2125 = arith.constant 62 : i32
        %get3A_2126 = arith.constant 0 : i32
        %get3A_2127 = tpu.memref_slice %arg10[%multiple_of3A_374, %get3A_2126] : memref<256x128xf32, #tpu.memory_space<vmem>> -> memref<64x128xf32, #tpu.memory_space<vmem>>
        %get3A_2128 = arith.index_cast %get3A_2125 : i32 to index
        %get3A_2129 = arith.constant 0 : index
        %get3A_2130 = tpu.vector_load %get3A_2127[%get3A_2128, %get3A_2129] {strides = array<i32>} : memref<64x128xf32, #tpu.memory_space<vmem>>, vector<16xf32>,
        %add3A_2131 = arith.addf %add3A_2124, %get3A_2130 : vector<16xf32>
        %get3A_2132 = arith.constant 63 : i32
        %get3A_2133 = arith.constant 0 : i32
        %get3A_2134 = tpu.memref_slice %arg10[%multiple_of3A_374, %get3A_2133] : memref<256x128xf32, #tpu.memory_space<vmem>> -> memref<64x128xf32, #tpu.memory_space<vmem>>
        %get3A_2135 = arith.index_cast %get3A_2132 : i32 to index
        %get3A_2136 = arith.constant 0 : index
        %get3A_2137 = tpu.vector_load %get3A_2134[%get3A_2135, %get3A_2136] {strides = array<i32>} : memref<64x128xf32, #tpu.memory_space<vmem>>, vector<16xf32>,
        %add3A_2138 = arith.addf %add3A_2131, %get3A_2137 : vector<16xf32>
        %swap3A_2139 = arith.constant 7 : i32
        %swap3A_2140 = arith.constant 0 : i32
        %swap3A_2141 = tpu.memref_slice %arg12[%multiple_of3A_377, %swap3A_2140] : memref<32x128xf32, #tpu.memory_space<vmem>> -> memref<8x128xf32, #tpu.memory_space<vmem>>
        %swap3A_2142 = arith.index_cast %swap3A_2139 : i32 to index
        %swap3A_2143 = arith.constant 0 : index
        %swap3A_2144 = tpu.vector_load %swap3A_2141[%swap3A_2142, %swap3A_2143] {strides = array<i32>} : memref<8x128xf32, #tpu.memory_space<vmem>>, vector<16xf32>,
        tpu.vector_store %swap3A_2141[%swap3A_2142, %swap3A_2143], %add3A_2138 {strides = array<i32>} : memref<8x128xf32, #tpu.memory_space<vmem>>, vector<16xf32>,
        %get3A_2145 = arith.constant 56 : i32
        %get3A_2146 = arith.constant 0 : i32
        %get3A_2147 = tpu.memref_slice %arg10[%multiple_of3A_374, %get3A_2146] : memref<256x128xf32, #tpu.memory_space<vmem>> -> memref<64x128xf32, #tpu.memory_space<vmem>>
        %get3A_2148 = arith.index_cast %get3A_2145 : i32 to index
        %get3A_2149 = arith.constant 16 : index
        %get3A_2150 = tpu.vector_load %get3A_2147[%get3A_2148, %get3A_2149] {strides = array<i32>} : memref<64x128xf32, #tpu.memory_space<vmem>>, vector<16xf32>,
        %get3A_2151 = arith.constant 57 : i32
        %get3A_2152 = arith.constant 0 : i32
        %get3A_2153 = tpu.memref_slice %arg10[%multiple_of3A_374, %get3A_2152] : memref<256x128xf32, #tpu.memory_space<vmem>> -> memref<64x128xf32, #tpu.memory_space<vmem>>
        %get3A_2154 = arith.index_cast %get3A_2151 : i32 to index
        %get3A_2155 = arith.constant 16 : index
        %get3A_2156 = tpu.vector_load %get3A_2153[%get3A_2154, %get3A_2155] {strides = array<i32>} : memref<64x128xf32, #tpu.memory_space<vmem>>, vector<16xf32>,
        %add3A_2157 = arith.addf %get3A_2150, %get3A_2156 : vector<16xf32>
        %get3A_2158 = arith.constant 58 : i32
        %get3A_2159 = arith.constant 0 : i32
        %get3A_2160 = tpu.memref_slice %arg10[%multiple_of3A_374, %get3A_2159] : memref<256x128xf32, #tpu.memory_space<vmem>> -> memref<64x128xf32, #tpu.memory_space<vmem>>
        %get3A_2161 = arith.index_cast %get3A_2158 : i32 to index
        %get3A_2162 = arith.constant 16 : index
        %get3A_2163 = tpu.vector_load %get3A_2160[%get3A_2161, %get3A_2162] {strides = array<i32>} : memref<64x128xf32, #tpu.memory_space<vmem>>, vector<16xf32>,
        %add3A_2164 = arith.addf %add3A_2157, %get3A_2163 : vector<16xf32>
        %get3A_2165 = arith.constant 59 : i32
        %get3A_2166 = arith.constant 0 : i32
        %get3A_2167 = tpu.memref_slice %arg10[%multiple_of3A_374, %get3A_2166] : memref<256x128xf32, #tpu.memory_space<vmem>> -> memref<64x128xf32, #tpu.memory_space<vmem>>
        %get3A_2168 = arith.index_cast %get3A_2165 : i32 to index
        %get3A_2169 = arith.constant 16 : index
        %get3A_2170 = tpu.vector_load %get3A_2167[%get3A_2168, %get3A_2169] {strides = array<i32>} : memref<64x128xf32, #tpu.memory_space<vmem>>, vector<16xf32>,
        %add3A_2171 = arith.addf %add3A_2164, %get3A_2170 : vector<16xf32>
        %get3A_2172 = arith.constant 60 : i32
        %get3A_2173 = arith.constant 0 : i32
        %get3A_2174 = tpu.memref_slice %arg10[%multiple_of3A_374, %get3A_2173] : memref<256x128xf32, #tpu.memory_space<vmem>> -> memref<64x128xf32, #tpu.memory_space<vmem>>
        %get3A_2175 = arith.index_cast %get3A_2172 : i32 to index
        %get3A_2176 = arith.constant 16 : index
        %get3A_2177 = tpu.vector_load %get3A_2174[%get3A_2175, %get3A_2176] {strides = array<i32>} : memref<64x128xf32, #tpu.memory_space<vmem>>, vector<16xf32>,
        %add3A_2178 = arith.addf %add3A_2171, %get3A_2177 : vector<16xf32>
        %get3A_2179 = arith.constant 61 : i32
        %get3A_2180 = arith.constant 0 : i32
        %get3A_2181 = tpu.memref_slice %arg10[%multiple_of3A_374, %get3A_2180] : memref<256x128xf32, #tpu.memory_space<vmem>> -> memref<64x128xf32, #tpu.memory_space<vmem>>
        %get3A_2182 = arith.index_cast %get3A_2179 : i32 to index
        %get3A_2183 = arith.constant 16 : index
        %get3A_2184 = tpu.vector_load %get3A_2181[%get3A_2182, %get3A_2183] {strides = array<i32>} : memref<64x128xf32, #tpu.memory_space<vmem>>, vector<16xf32>,
        %add3A_2185 = arith.addf %add3A_2178, %get3A_2184 : vector<16xf32>
        %get3A_2186 = arith.constant 62 : i32
        %get3A_2187 = arith.constant 0 : i32
        %get3A_2188 = tpu.memref_slice %arg10[%multiple_of3A_374, %get3A_2187] : memref<256x128xf32, #tpu.memory_space<vmem>> -> memref<64x128xf32, #tpu.memory_space<vmem>>
        %get3A_2189 = arith.index_cast %get3A_2186 : i32 to index
        %get3A_2190 = arith.constant 16 : index
        %get3A_2191 = tpu.vector_load %get3A_2188[%get3A_2189, %get3A_2190] {strides = array<i32>} : memref<64x128xf32, #tpu.memory_space<vmem>>, vector<16xf32>,
        %add3A_2192 = arith.addf %add3A_2185, %get3A_2191 : vector<16xf32>
        %get3A_2193 = arith.constant 63 : i32
        %get3A_2194 = arith.constant 0 : i32
        %get3A_2195 = tpu.memref_slice %arg10[%multiple_of3A_374, %get3A_2194] : memref<256x128xf32, #tpu.memory_space<vmem>> -> memref<64x128xf32, #tpu.memory_space<vmem>>
        %get3A_2196 = arith.index_cast %get3A_2193 : i32 to index
        %get3A_2197 = arith.constant 16 : index
        %get3A_2198 = tpu.vector_load %get3A_2195[%get3A_2196, %get3A_2197] {strides = array<i32>} : memref<64x128xf32, #tpu.memory_space<vmem>>, vector<16xf32>,
        %add3A_2199 = arith.addf %add3A_2192, %get3A_2198 : vector<16xf32>
        %swap3A_2200 = arith.constant 7 : i32
        %swap3A_2201 = arith.constant 0 : i32
        %swap3A_2202 = tpu.memref_slice %arg12[%multiple_of3A_377, %swap3A_2201] : memref<32x128xf32, #tpu.memory_space<vmem>> -> memref<8x128xf32, #tpu.memory_space<vmem>>
        %swap3A_2203 = arith.index_cast %swap3A_2200 : i32 to index
        %swap3A_2204 = arith.constant 16 : index
        %swap3A_2205 = tpu.vector_load %swap3A_2202[%swap3A_2203, %swap3A_2204] {strides = array<i32>} : memref<8x128xf32, #tpu.memory_space<vmem>>, vector<16xf32>,
        tpu.vector_store %swap3A_2202[%swap3A_2203, %swap3A_2204], %add3A_2199 {strides = array<i32>} : memref<8x128xf32, #tpu.memory_space<vmem>>, vector<16xf32>,
        %get3A_2206 = arith.constant 56 : i32
        %get3A_2207 = arith.constant 0 : i32
        %get3A_2208 = tpu.memref_slice %arg10[%multiple_of3A_374, %get3A_2207] : memref<256x128xf32, #tpu.memory_space<vmem>> -> memref<64x128xf32, #tpu.memory_space<vmem>>
        %get3A_2209 = arith.index_cast %get3A_2206 : i32 to index
        %get3A_2210 = arith.constant 32 : index
        %get3A_2211 = tpu.vector_load %get3A_2208[%get3A_2209, %get3A_2210] {strides = array<i32>} : memref<64x128xf32, #tpu.memory_space<vmem>>, vector<16xf32>,
        %get3A_2212 = arith.constant 57 : i32
        %get3A_2213 = arith.constant 0 : i32
        %get3A_2214 = tpu.memref_slice %arg10[%multiple_of3A_374, %get3A_2213] : memref<256x128xf32, #tpu.memory_space<vmem>> -> memref<64x128xf32, #tpu.memory_space<vmem>>
        %get3A_2215 = arith.index_cast %get3A_2212 : i32 to index
        %get3A_2216 = arith.constant 32 : index
        %get3A_2217 = tpu.vector_load %get3A_2214[%get3A_2215, %get3A_2216] {strides = array<i32>} : memref<64x128xf32, #tpu.memory_space<vmem>>, vector<16xf32>,
        %add3A_2218 = arith.addf %get3A_2211, %get3A_2217 : vector<16xf32>
        %get3A_2219 = arith.constant 58 : i32
        %get3A_2220 = arith.constant 0 : i32
        %get3A_2221 = tpu.memref_slice %arg10[%multiple_of3A_374, %get3A_2220] : memref<256x128xf32, #tpu.memory_space<vmem>> -> memref<64x128xf32, #tpu.memory_space<vmem>>
        %get3A_2222 = arith.index_cast %get3A_2219 : i32 to index
        %get3A_2223 = arith.constant 32 : index
        %get3A_2224 = tpu.vector_load %get3A_2221[%get3A_2222, %get3A_2223] {strides = array<i32>} : memref<64x128xf32, #tpu.memory_space<vmem>>, vector<16xf32>,
        %add3A_2225 = arith.addf %add3A_2218, %get3A_2224 : vector<16xf32>
        %get3A_2226 = arith.constant 59 : i32
        %get3A_2227 = arith.constant 0 : i32
        %get3A_2228 = tpu.memref_slice %arg10[%multiple_of3A_374, %get3A_2227] : memref<256x128xf32, #tpu.memory_space<vmem>> -> memref<64x128xf32, #tpu.memory_space<vmem>>
        %get3A_2229 = arith.index_cast %get3A_2226 : i32 to index
        %get3A_2230 = arith.constant 32 : index
        %get3A_2231 = tpu.vector_load %get3A_2228[%get3A_2229, %get3A_2230] {strides = array<i32>} : memref<64x128xf32, #tpu.memory_space<vmem>>, vector<16xf32>,
        %add3A_2232 = arith.addf %add3A_2225, %get3A_2231 : vector<16xf32>
        %get3A_2233 = arith.constant 60 : i32
        %get3A_2234 = arith.constant 0 : i32
        %get3A_2235 = tpu.memref_slice %arg10[%multiple_of3A_374, %get3A_2234] : memref<256x128xf32, #tpu.memory_space<vmem>> -> memref<64x128xf32, #tpu.memory_space<vmem>>
        %get3A_2236 = arith.index_cast %get3A_2233 : i32 to index
        %get3A_2237 = arith.constant 32 : index
        %get3A_2238 = tpu.vector_load %get3A_2235[%get3A_2236, %get3A_2237] {strides = array<i32>} : memref<64x128xf32, #tpu.memory_space<vmem>>, vector<16xf32>,
        %add3A_2239 = arith.addf %add3A_2232, %get3A_2238 : vector<16xf32>
        %get3A_2240 = arith.constant 61 : i32
        %get3A_2241 = arith.constant 0 : i32
        %get3A_2242 = tpu.memref_slice %arg10[%multiple_of3A_374, %get3A_2241] : memref<256x128xf32, #tpu.memory_space<vmem>> -> memref<64x128xf32, #tpu.memory_space<vmem>>
        %get3A_2243 = arith.index_cast %get3A_2240 : i32 to index
        %get3A_2244 = arith.constant 32 : index
        %get3A_2245 = tpu.vector_load %get3A_2242[%get3A_2243, %get3A_2244] {strides = array<i32>} : memref<64x128xf32, #tpu.memory_space<vmem>>, vector<16xf32>,
        %add3A_2246 = arith.addf %add3A_2239, %get3A_2245 : vector<16xf32>
        %get3A_2247 = arith.constant 62 : i32
        %get3A_2248 = arith.constant 0 : i32
        %get3A_2249 = tpu.memref_slice %arg10[%multiple_of3A_374, %get3A_2248] : memref<256x128xf32, #tpu.memory_space<vmem>> -> memref<64x128xf32, #tpu.memory_space<vmem>>
        %get3A_2250 = arith.index_cast %get3A_2247 : i32 to index
        %get3A_2251 = arith.constant 32 : index
        %get3A_2252 = tpu.vector_load %get3A_2249[%get3A_2250, %get3A_2251] {strides = array<i32>} : memref<64x128xf32, #tpu.memory_space<vmem>>, vector<16xf32>,
        %add3A_2253 = arith.addf %add3A_2246, %get3A_2252 : vector<16xf32>
        %get3A_2254 = arith.constant 63 : i32
        %get3A_2255 = arith.constant 0 : i32
        %get3A_2256 = tpu.memref_slice %arg10[%multiple_of3A_374, %get3A_2255] : memref<256x128xf32, #tpu.memory_space<vmem>> -> memref<64x128xf32, #tpu.memory_space<vmem>>
        %get3A_2257 = arith.index_cast %get3A_2254 : i32 to index
        %get3A_2258 = arith.constant 32 : index
        %get3A_2259 = tpu.vector_load %get3A_2256[%get3A_2257, %get3A_2258] {strides = array<i32>} : memref<64x128xf32, #tpu.memory_space<vmem>>, vector<16xf32>,
        %add3A_2260 = arith.addf %add3A_2253, %get3A_2259 : vector<16xf32>
        %swap3A_2261 = arith.constant 7 : i32
        %swap3A_2262 = arith.constant 0 : i32
        %swap3A_2263 = tpu.memref_slice %arg12[%multiple_of3A_377, %swap3A_2262] : memref<32x128xf32, #tpu.memory_space<vmem>> -> memref<8x128xf32, #tpu.memory_space<vmem>>
        %swap3A_2264 = arith.index_cast %swap3A_2261 : i32 to index
        %swap3A_2265 = arith.constant 32 : index
        %swap3A_2266 = tpu.vector_load %swap3A_2263[%swap3A_2264, %swap3A_2265] {strides = array<i32>} : memref<8x128xf32, #tpu.memory_space<vmem>>, vector<16xf32>,
        tpu.vector_store %swap3A_2263[%swap3A_2264, %swap3A_2265], %add3A_2260 {strides = array<i32>} : memref<8x128xf32, #tpu.memory_space<vmem>>, vector<16xf32>,
        %get3A_2267 = arith.constant 56 : i32
        %get3A_2268 = arith.constant 0 : i32
        %get3A_2269 = tpu.memref_slice %arg10[%multiple_of3A_374, %get3A_2268] : memref<256x128xf32, #tpu.memory_space<vmem>> -> memref<64x128xf32, #tpu.memory_space<vmem>>
        %get3A_2270 = arith.index_cast %get3A_2267 : i32 to index
        %get3A_2271 = arith.constant 48 : index
        %get3A_2272 = tpu.vector_load %get3A_2269[%get3A_2270, %get3A_2271] {strides = array<i32>} : memref<64x128xf32, #tpu.memory_space<vmem>>, vector<16xf32>,
        %get3A_2273 = arith.constant 57 : i32
        %get3A_2274 = arith.constant 0 : i32
        %get3A_2275 = tpu.memref_slice %arg10[%multiple_of3A_374, %get3A_2274] : memref<256x128xf32, #tpu.memory_space<vmem>> -> memref<64x128xf32, #tpu.memory_space<vmem>>
        %get3A_2276 = arith.index_cast %get3A_2273 : i32 to index
        %get3A_2277 = arith.constant 48 : index
        %get3A_2278 = tpu.vector_load %get3A_2275[%get3A_2276, %get3A_2277] {strides = array<i32>} : memref<64x128xf32, #tpu.memory_space<vmem>>, vector<16xf32>,
        %add3A_2279 = arith.addf %get3A_2272, %get3A_2278 : vector<16xf32>
        %get3A_2280 = arith.constant 58 : i32
        %get3A_2281 = arith.constant 0 : i32
        %get3A_2282 = tpu.memref_slice %arg10[%multiple_of3A_374, %get3A_2281] : memref<256x128xf32, #tpu.memory_space<vmem>> -> memref<64x128xf32, #tpu.memory_space<vmem>>
        %get3A_2283 = arith.index_cast %get3A_2280 : i32 to index
        %get3A_2284 = arith.constant 48 : index
        %get3A_2285 = tpu.vector_load %get3A_2282[%get3A_2283, %get3A_2284] {strides = array<i32>} : memref<64x128xf32, #tpu.memory_space<vmem>>, vector<16xf32>,
        %add3A_2286 = arith.addf %add3A_2279, %get3A_2285 : vector<16xf32>
        %get3A_2287 = arith.constant 59 : i32
        %get3A_2288 = arith.constant 0 : i32
        %get3A_2289 = tpu.memref_slice %arg10[%multiple_of3A_374, %get3A_2288] : memref<256x128xf32, #tpu.memory_space<vmem>> -> memref<64x128xf32, #tpu.memory_space<vmem>>
        %get3A_2290 = arith.index_cast %get3A_2287 : i32 to index
        %get3A_2291 = arith.constant 48 : index
        %get3A_2292 = tpu.vector_load %get3A_2289[%get3A_2290, %get3A_2291] {strides = array<i32>} : memref<64x128xf32, #tpu.memory_space<vmem>>, vector<16xf32>,
        %add3A_2293 = arith.addf %add3A_2286, %get3A_2292 : vector<16xf32>
        %get3A_2294 = arith.constant 60 : i32
        %get3A_2295 = arith.constant 0 : i32
        %get3A_2296 = tpu.memref_slice %arg10[%multiple_of3A_374, %get3A_2295] : memref<256x128xf32, #tpu.memory_space<vmem>> -> memref<64x128xf32, #tpu.memory_space<vmem>>
        %get3A_2297 = arith.index_cast %get3A_2294 : i32 to index
        %get3A_2298 = arith.constant 48 : index
        %get3A_2299 = tpu.vector_load %get3A_2296[%get3A_2297, %get3A_2298] {strides = array<i32>} : memref<64x128xf32, #tpu.memory_space<vmem>>, vector<16xf32>,
        %add3A_2300 = arith.addf %add3A_2293, %get3A_2299 : vector<16xf32>
        %get3A_2301 = arith.constant 61 : i32
        %get3A_2302 = arith.constant 0 : i32
        %get3A_2303 = tpu.memref_slice %arg10[%multiple_of3A_374, %get3A_2302] : memref<256x128xf32, #tpu.memory_space<vmem>> -> memref<64x128xf32, #tpu.memory_space<vmem>>
        %get3A_2304 = arith.index_cast %get3A_2301 : i32 to index
        %get3A_2305 = arith.constant 48 : index
        %get3A_2306 = tpu.vector_load %get3A_2303[%get3A_2304, %get3A_2305] {strides = array<i32>} : memref<64x128xf32, #tpu.memory_space<vmem>>, vector<16xf32>,
        %add3A_2307 = arith.addf %add3A_2300, %get3A_2306 : vector<16xf32>
        %get3A_2308 = arith.constant 62 : i32
        %get3A_2309 = arith.constant 0 : i32
        %get3A_2310 = tpu.memref_slice %arg10[%multiple_of3A_374, %get3A_2309] : memref<256x128xf32, #tpu.memory_space<vmem>> -> memref<64x128xf32, #tpu.memory_space<vmem>>
        %get3A_2311 = arith.index_cast %get3A_2308 : i32 to index
        %get3A_2312 = arith.constant 48 : index
        %get3A_2313 = tpu.vector_load %get3A_2310[%get3A_2311, %get3A_2312] {strides = array<i32>} : memref<64x128xf32, #tpu.memory_space<vmem>>, vector<16xf32>,
        %add3A_2314 = arith.addf %add3A_2307, %get3A_2313 : vector<16xf32>
        %get3A_2315 = arith.constant 63 : i32
        %get3A_2316 = arith.constant 0 : i32
        %get3A_2317 = tpu.memref_slice %arg10[%multiple_of3A_374, %get3A_2316] : memref<256x128xf32, #tpu.memory_space<vmem>> -> memref<64x128xf32, #tpu.memory_space<vmem>>
        %get3A_2318 = arith.index_cast %get3A_2315 : i32 to index
        %get3A_2319 = arith.constant 48 : index
        %get3A_2320 = tpu.vector_load %get3A_2317[%get3A_2318, %get3A_2319] {strides = array<i32>} : memref<64x128xf32, #tpu.memory_space<vmem>>, vector<16xf32>,
        %add3A_2321 = arith.addf %add3A_2314, %get3A_2320 : vector<16xf32>
        %swap3A_2322 = arith.constant 7 : i32
        %swap3A_2323 = arith.constant 0 : i32
        %swap3A_2324 = tpu.memref_slice %arg12[%multiple_of3A_377, %swap3A_2323] : memref<32x128xf32, #tpu.memory_space<vmem>> -> memref<8x128xf32, #tpu.memory_space<vmem>>
        %swap3A_2325 = arith.index_cast %swap3A_2322 : i32 to index
        %swap3A_2326 = arith.constant 48 : index
        %swap3A_2327 = tpu.vector_load %swap3A_2324[%swap3A_2325, %swap3A_2326] {strides = array<i32>} : memref<8x128xf32, #tpu.memory_space<vmem>>, vector<16xf32>,
        tpu.vector_store %swap3A_2324[%swap3A_2325, %swap3A_2326], %add3A_2321 {strides = array<i32>} : memref<8x128xf32, #tpu.memory_space<vmem>>, vector<16xf32>,
      }
      %scan3A_299 = arith.constant 4 : i32
      %mul3A_300 = arith.constant 2 : i32
      %mul3A_301 = arith.muli %mul3A_300, %scan3A_281 : i32
      %add3A_302 = arith.constant 0 : i32
      %add3A_303 = arith.addi %mul3A_301, %add3A_302 : i32
      %mul3A_304 = arith.constant 32 : i32
      %mul3A_305 = arith.muli %add3A_303, %mul3A_304 : i32
      %add3A_306 = arith.addi %select_n3A, %mul3A_305 : i32
      %multiple_of3A_307 = tpu.assume_multiple %add3A_306, 32 : i32
      %dma_start3A_308 = arith.constant 0 : i32
      %dma_start3A_309 = tpu.memref_slice %arg8[%multiple_of3A_307, %dma_start3A_308] : memref<65536x128xf32, #tpu.memory_space<hbm>> -> memref<32x128xf32, #tpu.memory_space<hbm>>
      %dma_start3A_310 = arith.constant 0 : i32
      %dma_start3A_311 = tpu.memref_slice %arg8[%multiple_of3A_307, %dma_start3A_310] : memref<65536x128xf32, #tpu.memory_space<hbm>> -> memref<32x128xf32, #tpu.memory_space<hbm>>
      tpu.enqueue_dma source(%arg12 : memref<32x128xf32, #tpu.memory_space<vmem>>) target(%dma_start3A_311 : memref<32x128xf32, #tpu.memory_space<hbm>>) target_semaphore(%arg16 : memref<!tpu.dma_semaphore, #tpu.memory_space<semaphore_mem>>)
      %mul3A_312 = arith.constant 2 : i32
      %mul3A_313 = arith.muli %mul3A_312, %scan3A_281 : i32
      %add3A_314 = arith.constant 0 : i32
      %add3A_315 = arith.addi %mul3A_313, %add3A_314 : i32
      %add3A_316 = arith.constant 2 : i32
      %add3A_317 = arith.addi %add3A_315, %add3A_316 : i32
      %mul3A_318 = arith.constant 256 : i32
      %mul3A_319 = arith.muli %add3A_317, %mul3A_318 : i32
      %min3A = arith.constant 16128 : i32
      %min3A_320 = arith.minsi %mul3A_319, %min3A : i32
      %multiple_of3A_321 = tpu.assume_multiple %min3A_320, 256 : i32
      %dma_start3A_322 = tpu.memref_slice %arg9[%multiple_of3A_321] : memref<16384xi32, #tpu.memory_space<vmem>> -> memref<256xi32, #tpu.memory_space<vmem>>
      %dma_start3A_323 = arith.constant 0 : i32
      %dma_start3A_324 = arith.constant 0 : i32
      %dma_start3A_325 = tpu.memref_slice %arg2[%dma_start3A_323, %dma_start3A_324] : memref<100000x128xf32, #tpu.memory_space<hbm>> -> memref<100000x128xf32, #tpu.memory_space<hbm>>
      tpu.enqueue_indirect_dma source(%dma_start3A_325 : memref<100000x128xf32, #tpu.memory_space<hbm>>) target(%arg10 : memref<256x128xf32, #tpu.memory_space<vmem>>) offsets(%dma_start3A_322 : memref<256xi32, #tpu.memory_space<vmem>>) semaphore(%arg14 : memref<!tpu.dma_semaphore, #tpu.memory_space<semaphore_mem>>)
      %dma_wait3A_326 = arith.constant 0 : i32
      %dma_wait3A_327 = arith.constant 0 : i32
      %dma_wait3A_328 = tpu.memref_slice %arg2[%dma_wait3A_326, %dma_wait3A_327] : memref<100000x128xf32, #tpu.memory_space<hbm>> -> memref<256x128xf32, #tpu.memory_space<hbm>>
      %dma_wait3A_329 = arith.constant 0 : i32
      %dma_wait3A_330 = arith.constant 0 : i32
      %dma_wait3A_331 = tpu.memref_slice %arg2[%dma_wait3A_329, %dma_wait3A_330] : memref<100000x128xf32, #tpu.memory_space<hbm>> -> memref<256x128xf32, #tpu.memory_space<hbm>>
      tpu.wait_dma2 semaphore(%arg15 : memref<!tpu.dma_semaphore, #tpu.memory_space<semaphore_mem>>) src(%dma_wait3A_331 : memref<256x128xf32, #tpu.memory_space<hbm>>) dst(%arg11 : memref<256x128xf32, #tpu.memory_space<vmem>>)
      %dma_wait3A_332 = arith.constant 0 : i32
      %dma_wait3A_333 = arith.constant 0 : i32
      %dma_wait3A_334 = tpu.memref_slice %arg8[%dma_wait3A_332, %dma_wait3A_333] : memref<65536x128xf32, #tpu.memory_space<hbm>> -> memref<32x128xf32, #tpu.memory_space<hbm>>
      %dma_wait3A_335 = arith.constant 0 : i32
      %dma_wait3A_336 = arith.constant 0 : i32
      %dma_wait3A_337 = tpu.memref_slice %arg8[%dma_wait3A_335, %dma_wait3A_336] : memref<65536x128xf32, #tpu.memory_space<hbm>> -> memref<32x128xf32, #tpu.memory_space<hbm>>
      tpu.wait_dma2 semaphore(%arg17 : memref<!tpu.dma_semaphore, #tpu.memory_space<semaphore_mem>>) src(%arg13 : memref<32x128xf32, #tpu.memory_space<vmem>>) dst(%dma_wait3A_337 : memref<32x128xf32, #tpu.memory_space<hbm>>)
      %scan3A_338 = arith.constant 0 : i32
      %scan3A_339 = arith.constant 0 : i32
      %scan3A_340 = arith.constant 4 : i32
      %scan3A_341 = arith.addi %scan3A_339, %scan3A_340 : i32
      %scan3A_342 = arith.constant 1 : i32
      scf.for %scan3A_371 = %scan3A_339 to %scan3A_341 step %scan3A_342  : i32 {
        %mul3A_372 = arith.constant 64 : i32
        %mul3A_373 = arith.muli %scan3A_371, %mul3A_372 : i32
        %multiple_of3A_374 = tpu.assume_multiple %mul3A_373, 64 : i32
        %mul3A_375 = arith.constant 8 : i32
        %mul3A_376 = arith.muli %scan3A_371, %mul3A_375 : i32
        %multiple_of3A_377 = tpu.assume_multiple %mul3A_376, 8 : i32
        %get3A = arith.constant 0 : i32
        %get3A_378 = arith.constant 0 : i32
        %get3A_379 = tpu.memref_slice %arg11[%multiple_of3A_374, %get3A_378] : memref<256x128xf32, #tpu.memory_space<vmem>> -> memref<64x128xf32, #tpu.memory_space<vmem>>
        %get3A_380 = arith.index_cast %get3A : i32 to index
        %get3A_381 = arith.constant 0 : index
        %get3A_382 = tpu.vector_load %get3A_379[%get3A_380, %get3A_381] {strides = array<i32>} : memref<64x128xf32, #tpu.memory_space<vmem>>, vector<16xf32>,
        %get3A_383 = arith.constant 1 : i32
        %get3A_384 = arith.constant 0 : i32
        %get3A_385 = tpu.memref_slice %arg11[%multiple_of3A_374, %get3A_384] : memref<256x128xf32, #tpu.memory_space<vmem>> -> memref<64x128xf32, #tpu.memory_space<vmem>>
        %get3A_386 = arith.index_cast %get3A_383 : i32 to index
        %get3A_387 = arith.constant 0 : index
        %get3A_388 = tpu.vector_load %get3A_385[%get3A_386, %get3A_387] {strides = array<i32>} : memref<64x128xf32, #tpu.memory_space<vmem>>, vector<16xf32>,
        %add3A_389 = arith.addf %get3A_382, %get3A_388 : vector<16xf32>
        %get3A_390 = arith.constant 2 : i32
        %get3A_391 = arith.constant 0 : i32
        %get3A_392 = tpu.memref_slice %arg11[%multiple_of3A_374, %get3A_391] : memref<256x128xf32, #tpu.memory_space<vmem>> -> memref<64x128xf32, #tpu.memory_space<vmem>>
        %get3A_393 = arith.index_cast %get3A_390 : i32 to index
        %get3A_394 = arith.constant 0 : index
        %get3A_395 = tpu.vector_load %get3A_392[%get3A_393, %get3A_394] {strides = array<i32>} : memref<64x128xf32, #tpu.memory_space<vmem>>, vector<16xf32>,
        %add3A_396 = arith.addf %add3A_389, %get3A_395 : vector<16xf32>
        %get3A_397 = arith.constant 3 : i32
        %get3A_398 = arith.constant 0 : i32
        %get3A_399 = tpu.memref_slice %arg11[%multiple_of3A_374, %get3A_398] : memref<256x128xf32, #tpu.memory_space<vmem>> -> memref<64x128xf32, #tpu.memory_space<vmem>>
        %get3A_400 = arith.index_cast %get3A_397 : i32 to index
        %get3A_401 = arith.constant 0 : index
        %get3A_402 = tpu.vector_load %get3A_399[%get3A_400, %get3A_401] {strides = array<i32>} : memref<64x128xf32, #tpu.memory_space<vmem>>, vector<16xf32>,
        %add3A_403 = arith.addf %add3A_396, %get3A_402 : vector<16xf32>
        %get3A_404 = arith.constant 4 : i32
        %get3A_405 = arith.constant 0 : i32
        %get3A_406 = tpu.memref_slice %arg11[%multiple_of3A_374, %get3A_405] : memref<256x128xf32, #tpu.memory_space<vmem>> -> memref<64x128xf32, #tpu.memory_space<vmem>>
        %get3A_407 = arith.index_cast %get3A_404 : i32 to index
        %get3A_408 = arith.constant 0 : index
        %get3A_409 = tpu.vector_load %get3A_406[%get3A_407, %get3A_408] {strides = array<i32>} : memref<64x128xf32, #tpu.memory_space<vmem>>, vector<16xf32>,
        %add3A_410 = arith.addf %add3A_403, %get3A_409 : vector<16xf32>
        %get3A_411 = arith.constant 5 : i32
        %get3A_412 = arith.constant 0 : i32
        %get3A_413 = tpu.memref_slice %arg11[%multiple_of3A_374, %get3A_412] : memref<256x128xf32, #tpu.memory_space<vmem>> -> memref<64x128xf32, #tpu.memory_space<vmem>>
        %get3A_414 = arith.index_cast %get3A_411 : i32 to index
        %get3A_415 = arith.constant 0 : index
        %get3A_416 = tpu.vector_load %get3A_413[%get3A_414, %get3A_415] {strides = array<i32>} : memref<64x128xf32, #tpu.memory_space<vmem>>, vector<16xf32>,
        %add3A_417 = arith.addf %add3A_410, %get3A_416 : vector<16xf32>
        %get3A_418 = arith.constant 6 : i32
        %get3A_419 = arith.constant 0 : i32
        %get3A_420 = tpu.memref_slice %arg11[%multiple_of3A_374, %get3A_419] : memref<256x128xf32, #tpu.memory_space<vmem>> -> memref<64x128xf32, #tpu.memory_space<vmem>>
        %get3A_421 = arith.index_cast %get3A_418 : i32 to index
        %get3A_422 = arith.constant 0 : index
        %get3A_423 = tpu.vector_load %get3A_420[%get3A_421, %get3A_422] {strides = array<i32>} : memref<64x128xf32, #tpu.memory_space<vmem>>, vector<16xf32>,
        %add3A_424 = arith.addf %add3A_417, %get3A_423 : vector<16xf32>
        %get3A_425 = arith.constant 7 : i32
        %get3A_426 = arith.constant 0 : i32
        %get3A_427 = tpu.memref_slice %arg11[%multiple_of3A_374, %get3A_426] : memref<256x128xf32, #tpu.memory_space<vmem>> -> memref<64x128xf32, #tpu.memory_space<vmem>>
        %get3A_428 = arith.index_cast %get3A_425 : i32 to index
        %get3A_429 = arith.constant 0 : index
        %get3A_430 = tpu.vector_load %get3A_427[%get3A_428, %get3A_429] {strides = array<i32>} : memref<64x128xf32, #tpu.memory_space<vmem>>, vector<16xf32>,
        %add3A_431 = arith.addf %add3A_424, %get3A_430 : vector<16xf32>
        %swap3A = arith.constant 0 : i32
        %swap3A_432 = arith.constant 0 : i32
        %swap3A_433 = tpu.memref_slice %arg13[%multiple_of3A_377, %swap3A_432] : memref<32x128xf32, #tpu.memory_space<vmem>> -> memref<8x128xf32, #tpu.memory_space<vmem>>
        %swap3A_434 = arith.index_cast %swap3A : i32 to index
        %swap3A_435 = arith.constant 0 : index
        %swap3A_436 = tpu.vector_load %swap3A_433[%swap3A_434, %swap3A_435] {strides = array<i32>} : memref<8x128xf32, #tpu.memory_space<vmem>>, vector<16xf32>,
        tpu.vector_store %swap3A_433[%swap3A_434, %swap3A_435], %add3A_431 {strides = array<i32>} : memref<8x128xf32, #tpu.memory_space<vmem>>, vector<16xf32>,
        %get3A_437 = arith.constant 0 : i32
        %get3A_438 = arith.constant 0 : i32
        %get3A_439 = tpu.memref_slice %arg11[%multiple_of3A_374, %get3A_438] : memref<256x128xf32, #tpu.memory_space<vmem>> -> memref<64x128xf32, #tpu.memory_space<vmem>>
        %get3A_440 = arith.index_cast %get3A_437 : i32 to index
        %get3A_441 = arith.constant 16 : index
        %get3A_442 = tpu.vector_load %get3A_439[%get3A_440, %get3A_441] {strides = array<i32>} : memref<64x128xf32, #tpu.memory_space<vmem>>, vector<16xf32>,
        %get3A_443 = arith.constant 1 : i32
        %get3A_444 = arith.constant 0 : i32
        %get3A_445 = tpu.memref_slice %arg11[%multiple_of3A_374, %get3A_444] : memref<256x128xf32, #tpu.memory_space<vmem>> -> memref<64x128xf32, #tpu.memory_space<vmem>>
        %get3A_446 = arith.index_cast %get3A_443 : i32 to index
        %get3A_447 = arith.constant 16 : index
        %get3A_448 = tpu.vector_load %get3A_445[%get3A_446, %get3A_447] {strides = array<i32>} : memref<64x128xf32, #tpu.memory_space<vmem>>, vector<16xf32>,
        %add3A_449 = arith.addf %get3A_442, %get3A_448 : vector<16xf32>
        %get3A_450 = arith.constant 2 : i32
        %get3A_451 = arith.constant 0 : i32
        %get3A_452 = tpu.memref_slice %arg11[%multiple_of3A_374, %get3A_451] : memref<256x128xf32, #tpu.memory_space<vmem>> -> memref<64x128xf32, #tpu.memory_space<vmem>>
        %get3A_453 = arith.index_cast %get3A_450 : i32 to index
        %get3A_454 = arith.constant 16 : index
        %get3A_455 = tpu.vector_load %get3A_452[%get3A_453, %get3A_454] {strides = array<i32>} : memref<64x128xf32, #tpu.memory_space<vmem>>, vector<16xf32>,
        %add3A_456 = arith.addf %add3A_449, %get3A_455 : vector<16xf32>
        %get3A_457 = arith.constant 3 : i32
        %get3A_458 = arith.constant 0 : i32
        %get3A_459 = tpu.memref_slice %arg11[%multiple_of3A_374, %get3A_458] : memref<256x128xf32, #tpu.memory_space<vmem>> -> memref<64x128xf32, #tpu.memory_space<vmem>>
        %get3A_460 = arith.index_cast %get3A_457 : i32 to index
        %get3A_461 = arith.constant 16 : index
        %get3A_462 = tpu.vector_load %get3A_459[%get3A_460, %get3A_461] {strides = array<i32>} : memref<64x128xf32, #tpu.memory_space<vmem>>, vector<16xf32>,
        %add3A_463 = arith.addf %add3A_456, %get3A_462 : vector<16xf32>
        %get3A_464 = arith.constant 4 : i32
        %get3A_465 = arith.constant 0 : i32
        %get3A_466 = tpu.memref_slice %arg11[%multiple_of3A_374, %get3A_465] : memref<256x128xf32, #tpu.memory_space<vmem>> -> memref<64x128xf32, #tpu.memory_space<vmem>>
        %get3A_467 = arith.index_cast %get3A_464 : i32 to index
        %get3A_468 = arith.constant 16 : index
        %get3A_469 = tpu.vector_load %get3A_466[%get3A_467, %get3A_468] {strides = array<i32>} : memref<64x128xf32, #tpu.memory_space<vmem>>, vector<16xf32>,
        %add3A_470 = arith.addf %add3A_463, %get3A_469 : vector<16xf32>
        %get3A_471 = arith.constant 5 : i32
        %get3A_472 = arith.constant 0 : i32
        %get3A_473 = tpu.memref_slice %arg11[%multiple_of3A_374, %get3A_472] : memref<256x128xf32, #tpu.memory_space<vmem>> -> memref<64x128xf32, #tpu.memory_space<vmem>>
        %get3A_474 = arith.index_cast %get3A_471 : i32 to index
        %get3A_475 = arith.constant 16 : index
        %get3A_476 = tpu.vector_load %get3A_473[%get3A_474, %get3A_475] {strides = array<i32>} : memref<64x128xf32, #tpu.memory_space<vmem>>, vector<16xf32>,
        %add3A_477 = arith.addf %add3A_470, %get3A_476 : vector<16xf32>
        %get3A_478 = arith.constant 6 : i32
        %get3A_479 = arith.constant 0 : i32
        %get3A_480 = tpu.memref_slice %arg11[%multiple_of3A_374, %get3A_479] : memref<256x128xf32, #tpu.memory_space<vmem>> -> memref<64x128xf32, #tpu.memory_space<vmem>>
        %get3A_481 = arith.index_cast %get3A_478 : i32 to index
        %get3A_482 = arith.constant 16 : index
        %get3A_483 = tpu.vector_load %get3A_480[%get3A_481, %get3A_482] {strides = array<i32>} : memref<64x128xf32, #tpu.memory_space<vmem>>, vector<16xf32>,
        %add3A_484 = arith.addf %add3A_477, %get3A_483 : vector<16xf32>
        %get3A_485 = arith.constant 7 : i32
        %get3A_486 = arith.constant 0 : i32
        %get3A_487 = tpu.memref_slice %arg11[%multiple_of3A_374, %get3A_486] : memref<256x128xf32, #tpu.memory_space<vmem>> -> memref<64x128xf32, #tpu.memory_space<vmem>>
        %get3A_488 = arith.index_cast %get3A_485 : i32 to index
        %get3A_489 = arith.constant 16 : index
        %get3A_490 = tpu.vector_load %get3A_487[%get3A_488, %get3A_489] {strides = array<i32>} : memref<64x128xf32, #tpu.memory_space<vmem>>, vector<16xf32>,
        %add3A_491 = arith.addf %add3A_484, %get3A_490 : vector<16xf32>
        %swap3A_492 = arith.constant 0 : i32
        %swap3A_493 = arith.constant 0 : i32
        %swap3A_494 = tpu.memref_slice %arg13[%multiple_of3A_377, %swap3A_493] : memref<32x128xf32, #tpu.memory_space<vmem>> -> memref<8x128xf32, #tpu.memory_space<vmem>>
        %swap3A_495 = arith.index_cast %swap3A_492 : i32 to index
        %swap3A_496 = arith.constant 16 : index
        %swap3A_497 = tpu.vector_load %swap3A_494[%swap3A_495, %swap3A_496] {strides = array<i32>} : memref<8x128xf32, #tpu.memory_space<vmem>>, vector<16xf32>,
        tpu.vector_store %swap3A_494[%swap3A_495, %swap3A_496], %add3A_491 {strides = array<i32>} : memref<8x128xf32, #tpu.memory_space<vmem>>, vector<16xf32>,
        %get3A_498 = arith.constant 0 : i32
        %get3A_499 = arith.constant 0 : i32
        %get3A_500 = tpu.memref_slice %arg11[%multiple_of3A_374, %get3A_499] : memref<256x128xf32, #tpu.memory_space<vmem>> -> memref<64x128xf32, #tpu.memory_space<vmem>>
        %get3A_501 = arith.index_cast %get3A_498 : i32 to index
        %get3A_502 = arith.constant 32 : index
        %get3A_503 = tpu.vector_load %get3A_500[%get3A_501, %get3A_502] {strides = array<i32>} : memref<64x128xf32, #tpu.memory_space<vmem>>, vector<16xf32>,
        %get3A_504 = arith.constant 1 : i32
        %get3A_505 = arith.constant 0 : i32
        %get3A_506 = tpu.memref_slice %arg11[%multiple_of3A_374, %get3A_505] : memref<256x128xf32, #tpu.memory_space<vmem>> -> memref<64x128xf32, #tpu.memory_space<vmem>>
        %get3A_507 = arith.index_cast %get3A_504 : i32 to index
        %get3A_508 = arith.constant 32 : index
        %get3A_509 = tpu.vector_load %get3A_506[%get3A_507, %get3A_508] {strides = array<i32>} : memref<64x128xf32, #tpu.memory_space<vmem>>, vector<16xf32>,
        %add3A_510 = arith.addf %get3A_503, %get3A_509 : vector<16xf32>
        %get3A_511 = arith.constant 2 : i32
        %get3A_512 = arith.constant 0 : i32
        %get3A_513 = tpu.memref_slice %arg11[%multiple_of3A_374, %get3A_512] : memref<256x128xf32, #tpu.memory_space<vmem>> -> memref<64x128xf32, #tpu.memory_space<vmem>>
        %get3A_514 = arith.index_cast %get3A_511 : i32 to index
        %get3A_515 = arith.constant 32 : index
        %get3A_516 = tpu.vector_load %get3A_513[%get3A_514, %get3A_515] {strides = array<i32>} : memref<64x128xf32, #tpu.memory_space<vmem>>, vector<16xf32>,
        %add3A_517 = arith.addf %add3A_510, %get3A_516 : vector<16xf32>
        %get3A_518 = arith.constant 3 : i32
        %get3A_519 = arith.constant 0 : i32
        %get3A_520 = tpu.memref_slice %arg11[%multiple_of3A_374, %get3A_519] : memref<256x128xf32, #tpu.memory_space<vmem>> -> memref<64x128xf32, #tpu.memory_space<vmem>>
        %get3A_521 = arith.index_cast %get3A_518 : i32 to index
        %get3A_522 = arith.constant 32 : index
        %get3A_523 = tpu.vector_load %get3A_520[%get3A_521, %get3A_522] {strides = array<i32>} : memref<64x128xf32, #tpu.memory_space<vmem>>, vector<16xf32>,
        %add3A_524 = arith.addf %add3A_517, %get3A_523 : vector<16xf32>
        %get3A_525 = arith.constant 4 : i32
        %get3A_526 = arith.constant 0 : i32
        %get3A_527 = tpu.memref_slice %arg11[%multiple_of3A_374, %get3A_526] : memref<256x128xf32, #tpu.memory_space<vmem>> -> memref<64x128xf32, #tpu.memory_space<vmem>>
        %get3A_528 = arith.index_cast %get3A_525 : i32 to index
        %get3A_529 = arith.constant 32 : index
        %get3A_530 = tpu.vector_load %get3A_527[%get3A_528, %get3A_529] {strides = array<i32>} : memref<64x128xf32, #tpu.memory_space<vmem>>, vector<16xf32>,
        %add3A_531 = arith.addf %add3A_524, %get3A_530 : vector<16xf32>
        %get3A_532 = arith.constant 5 : i32
        %get3A_533 = arith.constant 0 : i32
        %get3A_534 = tpu.memref_slice %arg11[%multiple_of3A_374, %get3A_533] : memref<256x128xf32, #tpu.memory_space<vmem>> -> memref<64x128xf32, #tpu.memory_space<vmem>>
        %get3A_535 = arith.index_cast %get3A_532 : i32 to index
        %get3A_536 = arith.constant 32 : index
        %get3A_537 = tpu.vector_load %get3A_534[%get3A_535, %get3A_536] {strides = array<i32>} : memref<64x128xf32, #tpu.memory_space<vmem>>, vector<16xf32>,
        %add3A_538 = arith.addf %add3A_531, %get3A_537 : vector<16xf32>
        %get3A_539 = arith.constant 6 : i32
        %get3A_540 = arith.constant 0 : i32
        %get3A_541 = tpu.memref_slice %arg11[%multiple_of3A_374, %get3A_540] : memref<256x128xf32, #tpu.memory_space<vmem>> -> memref<64x128xf32, #tpu.memory_space<vmem>>
        %get3A_542 = arith.index_cast %get3A_539 : i32 to index
        %get3A_543 = arith.constant 32 : index
        %get3A_544 = tpu.vector_load %get3A_541[%get3A_542, %get3A_543] {strides = array<i32>} : memref<64x128xf32, #tpu.memory_space<vmem>>, vector<16xf32>,
        %add3A_545 = arith.addf %add3A_538, %get3A_544 : vector<16xf32>
        %get3A_546 = arith.constant 7 : i32
        %get3A_547 = arith.constant 0 : i32
        %get3A_548 = tpu.memref_slice %arg11[%multiple_of3A_374, %get3A_547] : memref<256x128xf32, #tpu.memory_space<vmem>> -> memref<64x128xf32, #tpu.memory_space<vmem>>
        %get3A_549 = arith.index_cast %get3A_546 : i32 to index
        %get3A_550 = arith.constant 32 : index
        %get3A_551 = tpu.vector_load %get3A_548[%get3A_549, %get3A_550] {strides = array<i32>} : memref<64x128xf32, #tpu.memory_space<vmem>>, vector<16xf32>,
        %add3A_552 = arith.addf %add3A_545, %get3A_551 : vector<16xf32>
        %swap3A_553 = arith.constant 0 : i32
        %swap3A_554 = arith.constant 0 : i32
        %swap3A_555 = tpu.memref_slice %arg13[%multiple_of3A_377, %swap3A_554] : memref<32x128xf32, #tpu.memory_space<vmem>> -> memref<8x128xf32, #tpu.memory_space<vmem>>
        %swap3A_556 = arith.index_cast %swap3A_553 : i32 to index
        %swap3A_557 = arith.constant 32 : index
        %swap3A_558 = tpu.vector_load %swap3A_555[%swap3A_556, %swap3A_557] {strides = array<i32>} : memref<8x128xf32, #tpu.memory_space<vmem>>, vector<16xf32>,
        tpu.vector_store %swap3A_555[%swap3A_556, %swap3A_557], %add3A_552 {strides = array<i32>} : memref<8x128xf32, #tpu.memory_space<vmem>>, vector<16xf32>,
        %get3A_559 = arith.constant 0 : i32
        %get3A_560 = arith.constant 0 : i32
        %get3A_561 = tpu.memref_slice %arg11[%multiple_of3A_374, %get3A_560] : memref<256x128xf32, #tpu.memory_space<vmem>> -> memref<64x128xf32, #tpu.memory_space<vmem>>
        %get3A_562 = arith.index_cast %get3A_559 : i32 to index
        %get3A_563 = arith.constant 48 : index
        %get3A_564 = tpu.vector_load %get3A_561[%get3A_562, %get3A_563] {strides = array<i32>} : memref<64x128xf32, #tpu.memory_space<vmem>>, vector<16xf32>,
        %get3A_565 = arith.constant 1 : i32
        %get3A_566 = arith.constant 0 : i32
        %get3A_567 = tpu.memref_slice %arg11[%multiple_of3A_374, %get3A_566] : memref<256x128xf32, #tpu.memory_space<vmem>> -> memref<64x128xf32, #tpu.memory_space<vmem>>
        %get3A_568 = arith.index_cast %get3A_565 : i32 to index
        %get3A_569 = arith.constant 48 : index
        %get3A_570 = tpu.vector_load %get3A_567[%get3A_568, %get3A_569] {strides = array<i32>} : memref<64x128xf32, #tpu.memory_space<vmem>>, vector<16xf32>,
        %add3A_571 = arith.addf %get3A_564, %get3A_570 : vector<16xf32>
        %get3A_572 = arith.constant 2 : i32
        %get3A_573 = arith.constant 0 : i32
        %get3A_574 = tpu.memref_slice %arg11[%multiple_of3A_374, %get3A_573] : memref<256x128xf32, #tpu.memory_space<vmem>> -> memref<64x128xf32, #tpu.memory_space<vmem>>
        %get3A_575 = arith.index_cast %get3A_572 : i32 to index
        %get3A_576 = arith.constant 48 : index
        %get3A_577 = tpu.vector_load %get3A_574[%get3A_575, %get3A_576] {strides = array<i32>} : memref<64x128xf32, #tpu.memory_space<vmem>>, vector<16xf32>,
        %add3A_578 = arith.addf %add3A_571, %get3A_577 : vector<16xf32>
        %get3A_579 = arith.constant 3 : i32
        %get3A_580 = arith.constant 0 : i32
        %get3A_581 = tpu.memref_slice %arg11[%multiple_of3A_374, %get3A_580] : memref<256x128xf32, #tpu.memory_space<vmem>> -> memref<64x128xf32, #tpu.memory_space<vmem>>
        %get3A_582 = arith.index_cast %get3A_579 : i32 to index
        %get3A_583 = arith.constant 48 : index
        %get3A_584 = tpu.vector_load %get3A_581[%get3A_582, %get3A_583] {strides = array<i32>} : memref<64x128xf32, #tpu.memory_space<vmem>>, vector<16xf32>,
        %add3A_585 = arith.addf %add3A_578, %get3A_584 : vector<16xf32>
        %get3A_586 = arith.constant 4 : i32
        %get3A_587 = arith.constant 0 : i32
        %get3A_588 = tpu.memref_slice %arg11[%multiple_of3A_374, %get3A_587] : memref<256x128xf32, #tpu.memory_space<vmem>> -> memref<64x128xf32, #tpu.memory_space<vmem>>
        %get3A_589 = arith.index_cast %get3A_586 : i32 to index
        %get3A_590 = arith.constant 48 : index
        %get3A_591 = tpu.vector_load %get3A_588[%get3A_589, %get3A_590] {strides = array<i32>} : memref<64x128xf32, #tpu.memory_space<vmem>>, vector<16xf32>,
        %add3A_592 = arith.addf %add3A_585, %get3A_591 : vector<16xf32>
        %get3A_593 = arith.constant 5 : i32
        %get3A_594 = arith.constant 0 : i32
        %get3A_595 = tpu.memref_slice %arg11[%multiple_of3A_374, %get3A_594] : memref<256x128xf32, #tpu.memory_space<vmem>> -> memref<64x128xf32, #tpu.memory_space<vmem>>
        %get3A_596 = arith.index_cast %get3A_593 : i32 to index
        %get3A_597 = arith.constant 48 : index
        %get3A_598 = tpu.vector_load %get3A_595[%get3A_596, %get3A_597] {strides = array<i32>} : memref<64x128xf32, #tpu.memory_space<vmem>>, vector<16xf32>,
        %add3A_599 = arith.addf %add3A_592, %get3A_598 : vector<16xf32>
        %get3A_600 = arith.constant 6 : i32
        %get3A_601 = arith.constant 0 : i32
        %get3A_602 = tpu.memref_slice %arg11[%multiple_of3A_374, %get3A_601] : memref<256x128xf32, #tpu.memory_space<vmem>> -> memref<64x128xf32, #tpu.memory_space<vmem>>
        %get3A_603 = arith.index_cast %get3A_600 : i32 to index
        %get3A_604 = arith.constant 48 : index
        %get3A_605 = tpu.vector_load %get3A_602[%get3A_603, %get3A_604] {strides = array<i32>} : memref<64x128xf32, #tpu.memory_space<vmem>>, vector<16xf32>,
        %add3A_606 = arith.addf %add3A_599, %get3A_605 : vector<16xf32>
        %get3A_607 = arith.constant 7 : i32
        %get3A_608 = arith.constant 0 : i32
        %get3A_609 = tpu.memref_slice %arg11[%multiple_of3A_374, %get3A_608] : memref<256x128xf32, #tpu.memory_space<vmem>> -> memref<64x128xf32, #tpu.memory_space<vmem>>
        %get3A_610 = arith.index_cast %get3A_607 : i32 to index
        %get3A_611 = arith.constant 48 : index
        %get3A_612 = tpu.vector_load %get3A_609[%get3A_610, %get3A_611] {strides = array<i32>} : memref<64x128xf32, #tpu.memory_space<vmem>>, vector<16xf32>,
        %add3A_613 = arith.addf %add3A_606, %get3A_612 : vector<16xf32>
        %swap3A_614 = arith.constant 0 : i32
        %swap3A_615 = arith.constant 0 : i32
        %swap3A_616 = tpu.memref_slice %arg13[%multiple_of3A_377, %swap3A_615] : memref<32x128xf32, #tpu.memory_space<vmem>> -> memref<8x128xf32, #tpu.memory_space<vmem>>
        %swap3A_617 = arith.index_cast %swap3A_614 : i32 to index
        %swap3A_618 = arith.constant 48 : index
        %swap3A_619 = tpu.vector_load %swap3A_616[%swap3A_617, %swap3A_618] {strides = array<i32>} : memref<8x128xf32, #tpu.memory_space<vmem>>, vector<16xf32>,
        tpu.vector_store %swap3A_616[%swap3A_617, %swap3A_618], %add3A_613 {strides = array<i32>} : memref<8x128xf32, #tpu.memory_space<vmem>>, vector<16xf32>,
        %get3A_620 = arith.constant 8 : i32
        %get3A_621 = arith.constant 0 : i32
        %get3A_622 = tpu.memref_slice %arg11[%multiple_of3A_374, %get3A_621] : memref<256x128xf32, #tpu.memory_space<vmem>> -> memref<64x128xf32, #tpu.memory_space<vmem>>
        %get3A_623 = arith.index_cast %get3A_620 : i32 to index
        %get3A_624 = arith.constant 0 : index
        %get3A_625 = tpu.vector_load %get3A_622[%get3A_623, %get3A_624] {strides = array<i32>} : memref<64x128xf32, #tpu.memory_space<vmem>>, vector<16xf32>,
        %get3A_626 = arith.constant 9 : i32
        %get3A_627 = arith.constant 0 : i32
        %get3A_628 = tpu.memref_slice %arg11[%multiple_of3A_374, %get3A_627] : memref<256x128xf32, #tpu.memory_space<vmem>> -> memref<64x128xf32, #tpu.memory_space<vmem>>
        %get3A_629 = arith.index_cast %get3A_626 : i32 to index
        %get3A_630 = arith.constant 0 : index
        %get3A_631 = tpu.vector_load %get3A_628[%get3A_629, %get3A_630] {strides = array<i32>} : memref<64x128xf32, #tpu.memory_space<vmem>>, vector<16xf32>,
        %add3A_632 = arith.addf %get3A_625, %get3A_631 : vector<16xf32>
        %get3A_633 = arith.constant 10 : i32
        %get3A_634 = arith.constant 0 : i32
        %get3A_635 = tpu.memref_slice %arg11[%multiple_of3A_374, %get3A_634] : memref<256x128xf32, #tpu.memory_space<vmem>> -> memref<64x128xf32, #tpu.memory_space<vmem>>
        %get3A_636 = arith.index_cast %get3A_633 : i32 to index
        %get3A_637 = arith.constant 0 : index
        %get3A_638 = tpu.vector_load %get3A_635[%get3A_636, %get3A_637] {strides = array<i32>} : memref<64x128xf32, #tpu.memory_space<vmem>>, vector<16xf32>,
        %add3A_639 = arith.addf %add3A_632, %get3A_638 : vector<16xf32>
        %get3A_640 = arith.constant 11 : i32
        %get3A_641 = arith.constant 0 : i32
        %get3A_642 = tpu.memref_slice %arg11[%multiple_of3A_374, %get3A_641] : memref<256x128xf32, #tpu.memory_space<vmem>> -> memref<64x128xf32, #tpu.memory_space<vmem>>
        %get3A_643 = arith.index_cast %get3A_640 : i32 to index
        %get3A_644 = arith.constant 0 : index
        %get3A_645 = tpu.vector_load %get3A_642[%get3A_643, %get3A_644] {strides = array<i32>} : memref<64x128xf32, #tpu.memory_space<vmem>>, vector<16xf32>,
        %add3A_646 = arith.addf %add3A_639, %get3A_645 : vector<16xf32>
        %get3A_647 = arith.constant 12 : i32
        %get3A_648 = arith.constant 0 : i32
        %get3A_649 = tpu.memref_slice %arg11[%multiple_of3A_374, %get3A_648] : memref<256x128xf32, #tpu.memory_space<vmem>> -> memref<64x128xf32, #tpu.memory_space<vmem>>
        %get3A_650 = arith.index_cast %get3A_647 : i32 to index
        %get3A_651 = arith.constant 0 : index
        %get3A_652 = tpu.vector_load %get3A_649[%get3A_650, %get3A_651] {strides = array<i32>} : memref<64x128xf32, #tpu.memory_space<vmem>>, vector<16xf32>,
        %add3A_653 = arith.addf %add3A_646, %get3A_652 : vector<16xf32>
        %get3A_654 = arith.constant 13 : i32
        %get3A_655 = arith.constant 0 : i32
        %get3A_656 = tpu.memref_slice %arg11[%multiple_of3A_374, %get3A_655] : memref<256x128xf32, #tpu.memory_space<vmem>> -> memref<64x128xf32, #tpu.memory_space<vmem>>
        %get3A_657 = arith.index_cast %get3A_654 : i32 to index
        %get3A_658 = arith.constant 0 : index
        %get3A_659 = tpu.vector_load %get3A_656[%get3A_657, %get3A_658] {strides = array<i32>} : memref<64x128xf32, #tpu.memory_space<vmem>>, vector<16xf32>,
        %add3A_660 = arith.addf %add3A_653, %get3A_659 : vector<16xf32>
        %get3A_661 = arith.constant 14 : i32
        %get3A_662 = arith.constant 0 : i32
        %get3A_663 = tpu.memref_slice %arg11[%multiple_of3A_374, %get3A_662] : memref<256x128xf32, #tpu.memory_space<vmem>> -> memref<64x128xf32, #tpu.memory_space<vmem>>
        %get3A_664 = arith.index_cast %get3A_661 : i32 to index
        %get3A_665 = arith.constant 0 : index
        %get3A_666 = tpu.vector_load %get3A_663[%get3A_664, %get3A_665] {strides = array<i32>} : memref<64x128xf32, #tpu.memory_space<vmem>>, vector<16xf32>,
        %add3A_667 = arith.addf %add3A_660, %get3A_666 : vector<16xf32>
        %get3A_668 = arith.constant 15 : i32
        %get3A_669 = arith.constant 0 : i32
        %get3A_670 = tpu.memref_slice %arg11[%multiple_of3A_374, %get3A_669] : memref<256x128xf32, #tpu.memory_space<vmem>> -> memref<64x128xf32, #tpu.memory_space<vmem>>
        %get3A_671 = arith.index_cast %get3A_668 : i32 to index
        %get3A_672 = arith.constant 0 : index
        %get3A_673 = tpu.vector_load %get3A_670[%get3A_671, %get3A_672] {strides = array<i32>} : memref<64x128xf32, #tpu.memory_space<vmem>>, vector<16xf32>,
        %add3A_674 = arith.addf %add3A_667, %get3A_673 : vector<16xf32>
        %swap3A_675 = arith.constant 1 : i32
        %swap3A_676 = arith.constant 0 : i32
        %swap3A_677 = tpu.memref_slice %arg13[%multiple_of3A_377, %swap3A_676] : memref<32x128xf32, #tpu.memory_space<vmem>> -> memref<8x128xf32, #tpu.memory_space<vmem>>
        %swap3A_678 = arith.index_cast %swap3A_675 : i32 to index
        %swap3A_679 = arith.constant 0 : index
        %swap3A_680 = tpu.vector_load %swap3A_677[%swap3A_678, %swap3A_679] {strides = array<i32>} : memref<8x128xf32, #tpu.memory_space<vmem>>, vector<16xf32>,
        tpu.vector_store %swap3A_677[%swap3A_678, %swap3A_679], %add3A_674 {strides = array<i32>} : memref<8x128xf32, #tpu.memory_space<vmem>>, vector<16xf32>,
        %get3A_681 = arith.constant 8 : i32
        %get3A_682 = arith.constant 0 : i32
        %get3A_683 = tpu.memref_slice %arg11[%multiple_of3A_374, %get3A_682] : memref<256x128xf32, #tpu.memory_space<vmem>> -> memref<64x128xf32, #tpu.memory_space<vmem>>
        %get3A_684 = arith.index_cast %get3A_681 : i32 to index
        %get3A_685 = arith.constant 16 : index
        %get3A_686 = tpu.vector_load %get3A_683[%get3A_684, %get3A_685] {strides = array<i32>} : memref<64x128xf32, #tpu.memory_space<vmem>>, vector<16xf32>,
        %get3A_687 = arith.constant 9 : i32
        %get3A_688 = arith.constant 0 : i32
        %get3A_689 = tpu.memref_slice %arg11[%multiple_of3A_374, %get3A_688] : memref<256x128xf32, #tpu.memory_space<vmem>> -> memref<64x128xf32, #tpu.memory_space<vmem>>
        %get3A_690 = arith.index_cast %get3A_687 : i32 to index
        %get3A_691 = arith.constant 16 : index
        %get3A_692 = tpu.vector_load %get3A_689[%get3A_690, %get3A_691] {strides = array<i32>} : memref<64x128xf32, #tpu.memory_space<vmem>>, vector<16xf32>,
        %add3A_693 = arith.addf %get3A_686, %get3A_692 : vector<16xf32>
        %get3A_694 = arith.constant 10 : i32
        %get3A_695 = arith.constant 0 : i32
        %get3A_696 = tpu.memref_slice %arg11[%multiple_of3A_374, %get3A_695] : memref<256x128xf32, #tpu.memory_space<vmem>> -> memref<64x128xf32, #tpu.memory_space<vmem>>
        %get3A_697 = arith.index_cast %get3A_694 : i32 to index
        %get3A_698 = arith.constant 16 : index
        %get3A_699 = tpu.vector_load %get3A_696[%get3A_697, %get3A_698] {strides = array<i32>} : memref<64x128xf32, #tpu.memory_space<vmem>>, vector<16xf32>,
        %add3A_700 = arith.addf %add3A_693, %get3A_699 : vector<16xf32>
        %get3A_701 = arith.constant 11 : i32
        %get3A_702 = arith.constant 0 : i32
        %get3A_703 = tpu.memref_slice %arg11[%multiple_of3A_374, %get3A_702] : memref<256x128xf32, #tpu.memory_space<vmem>> -> memref<64x128xf32, #tpu.memory_space<vmem>>
        %get3A_704 = arith.index_cast %get3A_701 : i32 to index
        %get3A_705 = arith.constant 16 : index
        %get3A_706 = tpu.vector_load %get3A_703[%get3A_704, %get3A_705] {strides = array<i32>} : memref<64x128xf32, #tpu.memory_space<vmem>>, vector<16xf32>,
        %add3A_707 = arith.addf %add3A_700, %get3A_706 : vector<16xf32>
        %get3A_708 = arith.constant 12 : i32
        %get3A_709 = arith.constant 0 : i32
        %get3A_710 = tpu.memref_slice %arg11[%multiple_of3A_374, %get3A_709] : memref<256x128xf32, #tpu.memory_space<vmem>> -> memref<64x128xf32, #tpu.memory_space<vmem>>
        %get3A_711 = arith.index_cast %get3A_708 : i32 to index
        %get3A_712 = arith.constant 16 : index
        %get3A_713 = tpu.vector_load %get3A_710[%get3A_711, %get3A_712] {strides = array<i32>} : memref<64x128xf32, #tpu.memory_space<vmem>>, vector<16xf32>,
        %add3A_714 = arith.addf %add3A_707, %get3A_713 : vector<16xf32>
        %get3A_715 = arith.constant 13 : i32
        %get3A_716 = arith.constant 0 : i32
        %get3A_717 = tpu.memref_slice %arg11[%multiple_of3A_374, %get3A_716] : memref<256x128xf32, #tpu.memory_space<vmem>> -> memref<64x128xf32, #tpu.memory_space<vmem>>
        %get3A_718 = arith.index_cast %get3A_715 : i32 to index
        %get3A_719 = arith.constant 16 : index
        %get3A_720 = tpu.vector_load %get3A_717[%get3A_718, %get3A_719] {strides = array<i32>} : memref<64x128xf32, #tpu.memory_space<vmem>>, vector<16xf32>,
        %add3A_721 = arith.addf %add3A_714, %get3A_720 : vector<16xf32>
        %get3A_722 = arith.constant 14 : i32
        %get3A_723 = arith.constant 0 : i32
        %get3A_724 = tpu.memref_slice %arg11[%multiple_of3A_374, %get3A_723] : memref<256x128xf32, #tpu.memory_space<vmem>> -> memref<64x128xf32, #tpu.memory_space<vmem>>
        %get3A_725 = arith.index_cast %get3A_722 : i32 to index
        %get3A_726 = arith.constant 16 : index
        %get3A_727 = tpu.vector_load %get3A_724[%get3A_725, %get3A_726] {strides = array<i32>} : memref<64x128xf32, #tpu.memory_space<vmem>>, vector<16xf32>,
        %add3A_728 = arith.addf %add3A_721, %get3A_727 : vector<16xf32>
        %get3A_729 = arith.constant 15 : i32
        %get3A_730 = arith.constant 0 : i32
        %get3A_731 = tpu.memref_slice %arg11[%multiple_of3A_374, %get3A_730] : memref<256x128xf32, #tpu.memory_space<vmem>> -> memref<64x128xf32, #tpu.memory_space<vmem>>
        %get3A_732 = arith.index_cast %get3A_729 : i32 to index
        %get3A_733 = arith.constant 16 : index
        %get3A_734 = tpu.vector_load %get3A_731[%get3A_732, %get3A_733] {strides = array<i32>} : memref<64x128xf32, #tpu.memory_space<vmem>>, vector<16xf32>,
        %add3A_735 = arith.addf %add3A_728, %get3A_734 : vector<16xf32>
        %swap3A_736 = arith.constant 1 : i32
        %swap3A_737 = arith.constant 0 : i32
        %swap3A_738 = tpu.memref_slice %arg13[%multiple_of3A_377, %swap3A_737] : memref<32x128xf32, #tpu.memory_space<vmem>> -> memref<8x128xf32, #tpu.memory_space<vmem>>
        %swap3A_739 = arith.index_cast %swap3A_736 : i32 to index
        %swap3A_740 = arith.constant 16 : index
        %swap3A_741 = tpu.vector_load %swap3A_738[%swap3A_739, %swap3A_740] {strides = array<i32>} : memref<8x128xf32, #tpu.memory_space<vmem>>, vector<16xf32>,
        tpu.vector_store %swap3A_738[%swap3A_739, %swap3A_740], %add3A_735 {strides = array<i32>} : memref<8x128xf32, #tpu.memory_space<vmem>>, vector<16xf32>,
        %get3A_742 = arith.constant 8 : i32
        %get3A_743 = arith.constant 0 : i32
        %get3A_744 = tpu.memref_slice %arg11[%multiple_of3A_374, %get3A_743] : memref<256x128xf32, #tpu.memory_space<vmem>> -> memref<64x128xf32, #tpu.memory_space<vmem>>
        %get3A_745 = arith.index_cast %get3A_742 : i32 to index
        %get3A_746 = arith.constant 32 : index
        %get3A_747 = tpu.vector_load %get3A_744[%get3A_745, %get3A_746] {strides = array<i32>} : memref<64x128xf32, #tpu.memory_space<vmem>>, vector<16xf32>,
        %get3A_748 = arith.constant 9 : i32
        %get3A_749 = arith.constant 0 : i32
        %get3A_750 = tpu.memref_slice %arg11[%multiple_of3A_374, %get3A_749] : memref<256x128xf32, #tpu.memory_space<vmem>> -> memref<64x128xf32, #tpu.memory_space<vmem>>
        %get3A_751 = arith.index_cast %get3A_748 : i32 to index
        %get3A_752 = arith.constant 32 : index
        %get3A_753 = tpu.vector_load %get3A_750[%get3A_751, %get3A_752] {strides = array<i32>} : memref<64x128xf32, #tpu.memory_space<vmem>>, vector<16xf32>,
        %add3A_754 = arith.addf %get3A_747, %get3A_753 : vector<16xf32>
        %get3A_755 = arith.constant 10 : i32
        %get3A_756 = arith.constant 0 : i32
        %get3A_757 = tpu.memref_slice %arg11[%multiple_of3A_374, %get3A_756] : memref<256x128xf32, #tpu.memory_space<vmem>> -> memref<64x128xf32, #tpu.memory_space<vmem>>
        %get3A_758 = arith.index_cast %get3A_755 : i32 to index
        %get3A_759 = arith.constant 32 : index
        %get3A_760 = tpu.vector_load %get3A_757[%get3A_758, %get3A_759] {strides = array<i32>} : memref<64x128xf32, #tpu.memory_space<vmem>>, vector<16xf32>,
        %add3A_761 = arith.addf %add3A_754, %get3A_760 : vector<16xf32>
        %get3A_762 = arith.constant 11 : i32
        %get3A_763 = arith.constant 0 : i32
        %get3A_764 = tpu.memref_slice %arg11[%multiple_of3A_374, %get3A_763] : memref<256x128xf32, #tpu.memory_space<vmem>> -> memref<64x128xf32, #tpu.memory_space<vmem>>
        %get3A_765 = arith.index_cast %get3A_762 : i32 to index
        %get3A_766 = arith.constant 32 : index
        %get3A_767 = tpu.vector_load %get3A_764[%get3A_765, %get3A_766] {strides = array<i32>} : memref<64x128xf32, #tpu.memory_space<vmem>>, vector<16xf32>,
        %add3A_768 = arith.addf %add3A_761, %get3A_767 : vector<16xf32>
        %get3A_769 = arith.constant 12 : i32
        %get3A_770 = arith.constant 0 : i32
        %get3A_771 = tpu.memref_slice %arg11[%multiple_of3A_374, %get3A_770] : memref<256x128xf32, #tpu.memory_space<vmem>> -> memref<64x128xf32, #tpu.memory_space<vmem>>
        %get3A_772 = arith.index_cast %get3A_769 : i32 to index
        %get3A_773 = arith.constant 32 : index
        %get3A_774 = tpu.vector_load %get3A_771[%get3A_772, %get3A_773] {strides = array<i32>} : memref<64x128xf32, #tpu.memory_space<vmem>>, vector<16xf32>,
        %add3A_775 = arith.addf %add3A_768, %get3A_774 : vector<16xf32>
        %get3A_776 = arith.constant 13 : i32
        %get3A_777 = arith.constant 0 : i32
        %get3A_778 = tpu.memref_slice %arg11[%multiple_of3A_374, %get3A_777] : memref<256x128xf32, #tpu.memory_space<vmem>> -> memref<64x128xf32, #tpu.memory_space<vmem>>
        %get3A_779 = arith.index_cast %get3A_776 : i32 to index
        %get3A_780 = arith.constant 32 : index
        %get3A_781 = tpu.vector_load %get3A_778[%get3A_779, %get3A_780] {strides = array<i32>} : memref<64x128xf32, #tpu.memory_space<vmem>>, vector<16xf32>,
        %add3A_782 = arith.addf %add3A_775, %get3A_781 : vector<16xf32>
        %get3A_783 = arith.constant 14 : i32
        %get3A_784 = arith.constant 0 : i32
        %get3A_785 = tpu.memref_slice %arg11[%multiple_of3A_374, %get3A_784] : memref<256x128xf32, #tpu.memory_space<vmem>> -> memref<64x128xf32, #tpu.memory_space<vmem>>
        %get3A_786 = arith.index_cast %get3A_783 : i32 to index
        %get3A_787 = arith.constant 32 : index
        %get3A_788 = tpu.vector_load %get3A_785[%get3A_786, %get3A_787] {strides = array<i32>} : memref<64x128xf32, #tpu.memory_space<vmem>>, vector<16xf32>,
        %add3A_789 = arith.addf %add3A_782, %get3A_788 : vector<16xf32>
        %get3A_790 = arith.constant 15 : i32
        %get3A_791 = arith.constant 0 : i32
        %get3A_792 = tpu.memref_slice %arg11[%multiple_of3A_374, %get3A_791] : memref<256x128xf32, #tpu.memory_space<vmem>> -> memref<64x128xf32, #tpu.memory_space<vmem>>
        %get3A_793 = arith.index_cast %get3A_790 : i32 to index
        %get3A_794 = arith.constant 32 : index
        %get3A_795 = tpu.vector_load %get3A_792[%get3A_793, %get3A_794] {strides = array<i32>} : memref<64x128xf32, #tpu.memory_space<vmem>>, vector<16xf32>,
        %add3A_796 = arith.addf %add3A_789, %get3A_795 : vector<16xf32>
        %swap3A_797 = arith.constant 1 : i32
        %swap3A_798 = arith.constant 0 : i32
        %swap3A_799 = tpu.memref_slice %arg13[%multiple_of3A_377, %swap3A_798] : memref<32x128xf32, #tpu.memory_space<vmem>> -> memref<8x128xf32, #tpu.memory_space<vmem>>
        %swap3A_800 = arith.index_cast %swap3A_797 : i32 to index
        %swap3A_801 = arith.constant 32 : index
        %swap3A_802 = tpu.vector_load %swap3A_799[%swap3A_800, %swap3A_801] {strides = array<i32>} : memref<8x128xf32, #tpu.memory_space<vmem>>, vector<16xf32>,
        tpu.vector_store %swap3A_799[%swap3A_800, %swap3A_801], %add3A_796 {strides = array<i32>} : memref<8x128xf32, #tpu.memory_space<vmem>>, vector<16xf32>,
        %get3A_803 = arith.constant 8 : i32
        %get3A_804 = arith.constant 0 : i32
        %get3A_805 = tpu.memref_slice %arg11[%multiple_of3A_374, %get3A_804] : memref<256x128xf32, #tpu.memory_space<vmem>> -> memref<64x128xf32, #tpu.memory_space<vmem>>
        %get3A_806 = arith.index_cast %get3A_803 : i32 to index
        %get3A_807 = arith.constant 48 : index
        %get3A_808 = tpu.vector_load %get3A_805[%get3A_806, %get3A_807] {strides = array<i32>} : memref<64x128xf32, #tpu.memory_space<vmem>>, vector<16xf32>,
        %get3A_809 = arith.constant 9 : i32
        %get3A_810 = arith.constant 0 : i32
        %get3A_811 = tpu.memref_slice %arg11[%multiple_of3A_374, %get3A_810] : memref<256x128xf32, #tpu.memory_space<vmem>> -> memref<64x128xf32, #tpu.memory_space<vmem>>
        %get3A_812 = arith.index_cast %get3A_809 : i32 to index
        %get3A_813 = arith.constant 48 : index
        %get3A_814 = tpu.vector_load %get3A_811[%get3A_812, %get3A_813] {strides = array<i32>} : memref<64x128xf32, #tpu.memory_space<vmem>>, vector<16xf32>,
        %add3A_815 = arith.addf %get3A_808, %get3A_814 : vector<16xf32>
        %get3A_816 = arith.constant 10 : i32
        %get3A_817 = arith.constant 0 : i32
        %get3A_818 = tpu.memref_slice %arg11[%multiple_of3A_374, %get3A_817] : memref<256x128xf32, #tpu.memory_space<vmem>> -> memref<64x128xf32, #tpu.memory_space<vmem>>
        %get3A_819 = arith.index_cast %get3A_816 : i32 to index
        %get3A_820 = arith.constant 48 : index
        %get3A_821 = tpu.vector_load %get3A_818[%get3A_819, %get3A_820] {strides = array<i32>} : memref<64x128xf32, #tpu.memory_space<vmem>>, vector<16xf32>,
        %add3A_822 = arith.addf %add3A_815, %get3A_821 : vector<16xf32>
        %get3A_823 = arith.constant 11 : i32
        %get3A_824 = arith.constant 0 : i32
        %get3A_825 = tpu.memref_slice %arg11[%multiple_of3A_374, %get3A_824] : memref<256x128xf32, #tpu.memory_space<vmem>> -> memref<64x128xf32, #tpu.memory_space<vmem>>
        %get3A_826 = arith.index_cast %get3A_823 : i32 to index
        %get3A_827 = arith.constant 48 : index
        %get3A_828 = tpu.vector_load %get3A_825[%get3A_826, %get3A_827] {strides = array<i32>} : memref<64x128xf32, #tpu.memory_space<vmem>>, vector<16xf32>,
        %add3A_829 = arith.addf %add3A_822, %get3A_828 : vector<16xf32>
        %get3A_830 = arith.constant 12 : i32
        %get3A_831 = arith.constant 0 : i32
        %get3A_832 = tpu.memref_slice %arg11[%multiple_of3A_374, %get3A_831] : memref<256x128xf32, #tpu.memory_space<vmem>> -> memref<64x128xf32, #tpu.memory_space<vmem>>
        %get3A_833 = arith.index_cast %get3A_830 : i32 to index
        %get3A_834 = arith.constant 48 : index
        %get3A_835 = tpu.vector_load %get3A_832[%get3A_833, %get3A_834] {strides = array<i32>} : memref<64x128xf32, #tpu.memory_space<vmem>>, vector<16xf32>,
        %add3A_836 = arith.addf %add3A_829, %get3A_835 : vector<16xf32>
        %get3A_837 = arith.constant 13 : i32
        %get3A_838 = arith.constant 0 : i32
        %get3A_839 = tpu.memref_slice %arg11[%multiple_of3A_374, %get3A_838] : memref<256x128xf32, #tpu.memory_space<vmem>> -> memref<64x128xf32, #tpu.memory_space<vmem>>
        %get3A_840 = arith.index_cast %get3A_837 : i32 to index
        %get3A_841 = arith.constant 48 : index
        %get3A_842 = tpu.vector_load %get3A_839[%get3A_840, %get3A_841] {strides = array<i32>} : memref<64x128xf32, #tpu.memory_space<vmem>>, vector<16xf32>,
        %add3A_843 = arith.addf %add3A_836, %get3A_842 : vector<16xf32>
        %get3A_844 = arith.constant 14 : i32
        %get3A_845 = arith.constant 0 : i32
        %get3A_846 = tpu.memref_slice %arg11[%multiple_of3A_374, %get3A_845] : memref<256x128xf32, #tpu.memory_space<vmem>> -> memref<64x128xf32, #tpu.memory_space<vmem>>
        %get3A_847 = arith.index_cast %get3A_844 : i32 to index
        %get3A_848 = arith.constant 48 : index
        %get3A_849 = tpu.vector_load %get3A_846[%get3A_847, %get3A_848] {strides = array<i32>} : memref<64x128xf32, #tpu.memory_space<vmem>>, vector<16xf32>,
        %add3A_850 = arith.addf %add3A_843, %get3A_849 : vector<16xf32>
        %get3A_851 = arith.constant 15 : i32
        %get3A_852 = arith.constant 0 : i32
        %get3A_853 = tpu.memref_slice %arg11[%multiple_of3A_374, %get3A_852] : memref<256x128xf32, #tpu.memory_space<vmem>> -> memref<64x128xf32, #tpu.memory_space<vmem>>
        %get3A_854 = arith.index_cast %get3A_851 : i32 to index
        %get3A_855 = arith.constant 48 : index
        %get3A_856 = tpu.vector_load %get3A_853[%get3A_854, %get3A_855] {strides = array<i32>} : memref<64x128xf32, #tpu.memory_space<vmem>>, vector<16xf32>,
        %add3A_857 = arith.addf %add3A_850, %get3A_856 : vector<16xf32>
        %swap3A_858 = arith.constant 1 : i32
        %swap3A_859 = arith.constant 0 : i32
        %swap3A_860 = tpu.memref_slice %arg13[%multiple_of3A_377, %swap3A_859] : memref<32x128xf32, #tpu.memory_space<vmem>> -> memref<8x128xf32, #tpu.memory_space<vmem>>
        %swap3A_861 = arith.index_cast %swap3A_858 : i32 to index
        %swap3A_862 = arith.constant 48 : index
        %swap3A_863 = tpu.vector_load %swap3A_860[%swap3A_861, %swap3A_862] {strides = array<i32>} : memref<8x128xf32, #tpu.memory_space<vmem>>, vector<16xf32>,
        tpu.vector_store %swap3A_860[%swap3A_861, %swap3A_862], %add3A_857 {strides = array<i32>} : memref<8x128xf32, #tpu.memory_space<vmem>>, vector<16xf32>,
        %get3A_864 = arith.constant 16 : i32
        %get3A_865 = arith.constant 0 : i32
        %get3A_866 = tpu.memref_slice %arg11[%multiple_of3A_374, %get3A_865] : memref<256x128xf32, #tpu.memory_space<vmem>> -> memref<64x128xf32, #tpu.memory_space<vmem>>
        %get3A_867 = arith.index_cast %get3A_864 : i32 to index
        %get3A_868 = arith.constant 0 : index
        %get3A_869 = tpu.vector_load %get3A_866[%get3A_867, %get3A_868] {strides = array<i32>} : memref<64x128xf32, #tpu.memory_space<vmem>>, vector<16xf32>,
        %get3A_870 = arith.constant 17 : i32
        %get3A_871 = arith.constant 0 : i32
        %get3A_872 = tpu.memref_slice %arg11[%multiple_of3A_374, %get3A_871] : memref<256x128xf32, #tpu.memory_space<vmem>> -> memref<64x128xf32, #tpu.memory_space<vmem>>
        %get3A_873 = arith.index_cast %get3A_870 : i32 to index
        %get3A_874 = arith.constant 0 : index
        %get3A_875 = tpu.vector_load %get3A_872[%get3A_873, %get3A_874] {strides = array<i32>} : memref<64x128xf32, #tpu.memory_space<vmem>>, vector<16xf32>,
        %add3A_876 = arith.addf %get3A_869, %get3A_875 : vector<16xf32>
        %get3A_877 = arith.constant 18 : i32
        %get3A_878 = arith.constant 0 : i32
        %get3A_879 = tpu.memref_slice %arg11[%multiple_of3A_374, %get3A_878] : memref<256x128xf32, #tpu.memory_space<vmem>> -> memref<64x128xf32, #tpu.memory_space<vmem>>
        %get3A_880 = arith.index_cast %get3A_877 : i32 to index
        %get3A_881 = arith.constant 0 : index
        %get3A_882 = tpu.vector_load %get3A_879[%get3A_880, %get3A_881] {strides = array<i32>} : memref<64x128xf32, #tpu.memory_space<vmem>>, vector<16xf32>,
        %add3A_883 = arith.addf %add3A_876, %get3A_882 : vector<16xf32>
        %get3A_884 = arith.constant 19 : i32
        %get3A_885 = arith.constant 0 : i32
        %get3A_886 = tpu.memref_slice %arg11[%multiple_of3A_374, %get3A_885] : memref<256x128xf32, #tpu.memory_space<vmem>> -> memref<64x128xf32, #tpu.memory_space<vmem>>
        %get3A_887 = arith.index_cast %get3A_884 : i32 to index
        %get3A_888 = arith.constant 0 : index
        %get3A_889 = tpu.vector_load %get3A_886[%get3A_887, %get3A_888] {strides = array<i32>} : memref<64x128xf32, #tpu.memory_space<vmem>>, vector<16xf32>,
        %add3A_890 = arith.addf %add3A_883, %get3A_889 : vector<16xf32>
        %get3A_891 = arith.constant 20 : i32
        %get3A_892 = arith.constant 0 : i32
        %get3A_893 = tpu.memref_slice %arg11[%multiple_of3A_374, %get3A_892] : memref<256x128xf32, #tpu.memory_space<vmem>> -> memref<64x128xf32, #tpu.memory_space<vmem>>
        %get3A_894 = arith.index_cast %get3A_891 : i32 to index
        %get3A_895 = arith.constant 0 : index
        %get3A_896 = tpu.vector_load %get3A_893[%get3A_894, %get3A_895] {strides = array<i32>} : memref<64x128xf32, #tpu.memory_space<vmem>>, vector<16xf32>,
        %add3A_897 = arith.addf %add3A_890, %get3A_896 : vector<16xf32>
        %get3A_898 = arith.constant 21 : i32
        %get3A_899 = arith.constant 0 : i32
        %get3A_900 = tpu.memref_slice %arg11[%multiple_of3A_374, %get3A_899] : memref<256x128xf32, #tpu.memory_space<vmem>> -> memref<64x128xf32, #tpu.memory_space<vmem>>
        %get3A_901 = arith.index_cast %get3A_898 : i32 to index
        %get3A_902 = arith.constant 0 : index
        %get3A_903 = tpu.vector_load %get3A_900[%get3A_901, %get3A_902] {strides = array<i32>} : memref<64x128xf32, #tpu.memory_space<vmem>>, vector<16xf32>,
        %add3A_904 = arith.addf %add3A_897, %get3A_903 : vector<16xf32>
        %get3A_905 = arith.constant 22 : i32
        %get3A_906 = arith.constant 0 : i32
        %get3A_907 = tpu.memref_slice %arg11[%multiple_of3A_374, %get3A_906] : memref<256x128xf32, #tpu.memory_space<vmem>> -> memref<64x128xf32, #tpu.memory_space<vmem>>
        %get3A_908 = arith.index_cast %get3A_905 : i32 to index
        %get3A_909 = arith.constant 0 : index
        %get3A_910 = tpu.vector_load %get3A_907[%get3A_908, %get3A_909] {strides = array<i32>} : memref<64x128xf32, #tpu.memory_space<vmem>>, vector<16xf32>,
        %add3A_911 = arith.addf %add3A_904, %get3A_910 : vector<16xf32>
        %get3A_912 = arith.constant 23 : i32
        %get3A_913 = arith.constant 0 : i32
        %get3A_914 = tpu.memref_slice %arg11[%multiple_of3A_374, %get3A_913] : memref<256x128xf32, #tpu.memory_space<vmem>> -> memref<64x128xf32, #tpu.memory_space<vmem>>
        %get3A_915 = arith.index_cast %get3A_912 : i32 to index
        %get3A_916 = arith.constant 0 : index
        %get3A_917 = tpu.vector_load %get3A_914[%get3A_915, %get3A_916] {strides = array<i32>} : memref<64x128xf32, #tpu.memory_space<vmem>>, vector<16xf32>,
        %add3A_918 = arith.addf %add3A_911, %get3A_917 : vector<16xf32>
        %swap3A_919 = arith.constant 2 : i32
        %swap3A_920 = arith.constant 0 : i32
        %swap3A_921 = tpu.memref_slice %arg13[%multiple_of3A_377, %swap3A_920] : memref<32x128xf32, #tpu.memory_space<vmem>> -> memref<8x128xf32, #tpu.memory_space<vmem>>
        %swap3A_922 = arith.index_cast %swap3A_919 : i32 to index
        %swap3A_923 = arith.constant 0 : index
        %swap3A_924 = tpu.vector_load %swap3A_921[%swap3A_922, %swap3A_923] {strides = array<i32>} : memref<8x128xf32, #tpu.memory_space<vmem>>, vector<16xf32>,
        tpu.vector_store %swap3A_921[%swap3A_922, %swap3A_923], %add3A_918 {strides = array<i32>} : memref<8x128xf32, #tpu.memory_space<vmem>>, vector<16xf32>,
        %get3A_925 = arith.constant 16 : i32
        %get3A_926 = arith.constant 0 : i32
        %get3A_927 = tpu.memref_slice %arg11[%multiple_of3A_374, %get3A_926] : memref<256x128xf32, #tpu.memory_space<vmem>> -> memref<64x128xf32, #tpu.memory_space<vmem>>
        %get3A_928 = arith.index_cast %get3A_925 : i32 to index
        %get3A_929 = arith.constant 16 : index
        %get3A_930 = tpu.vector_load %get3A_927[%get3A_928, %get3A_929] {strides = array<i32>} : memref<64x128xf32, #tpu.memory_space<vmem>>, vector<16xf32>,
        %get3A_931 = arith.constant 17 : i32
        %get3A_932 = arith.constant 0 : i32
        %get3A_933 = tpu.memref_slice %arg11[%multiple_of3A_374, %get3A_932] : memref<256x128xf32, #tpu.memory_space<vmem>> -> memref<64x128xf32, #tpu.memory_space<vmem>>
        %get3A_934 = arith.index_cast %get3A_931 : i32 to index
        %get3A_935 = arith.constant 16 : index
        %get3A_936 = tpu.vector_load %get3A_933[%get3A_934, %get3A_935] {strides = array<i32>} : memref<64x128xf32, #tpu.memory_space<vmem>>, vector<16xf32>,
        %add3A_937 = arith.addf %get3A_930, %get3A_936 : vector<16xf32>
        %get3A_938 = arith.constant 18 : i32
        %get3A_939 = arith.constant 0 : i32
        %get3A_940 = tpu.memref_slice %arg11[%multiple_of3A_374, %get3A_939] : memref<256x128xf32, #tpu.memory_space<vmem>> -> memref<64x128xf32, #tpu.memory_space<vmem>>
        %get3A_941 = arith.index_cast %get3A_938 : i32 to index
        %get3A_942 = arith.constant 16 : index
        %get3A_943 = tpu.vector_load %get3A_940[%get3A_941, %get3A_942] {strides = array<i32>} : memref<64x128xf32, #tpu.memory_space<vmem>>, vector<16xf32>,
        %add3A_944 = arith.addf %add3A_937, %get3A_943 : vector<16xf32>
        %get3A_945 = arith.constant 19 : i32
        %get3A_946 = arith.constant 0 : i32
        %get3A_947 = tpu.memref_slice %arg11[%multiple_of3A_374, %get3A_946] : memref<256x128xf32, #tpu.memory_space<vmem>> -> memref<64x128xf32, #tpu.memory_space<vmem>>
        %get3A_948 = arith.index_cast %get3A_945 : i32 to index
        %get3A_949 = arith.constant 16 : index
        %get3A_950 = tpu.vector_load %get3A_947[%get3A_948, %get3A_949] {strides = array<i32>} : memref<64x128xf32, #tpu.memory_space<vmem>>, vector<16xf32>,
        %add3A_951 = arith.addf %add3A_944, %get3A_950 : vector<16xf32>
        %get3A_952 = arith.constant 20 : i32
        %get3A_953 = arith.constant 0 : i32
        %get3A_954 = tpu.memref_slice %arg11[%multiple_of3A_374, %get3A_953] : memref<256x128xf32, #tpu.memory_space<vmem>> -> memref<64x128xf32, #tpu.memory_space<vmem>>
        %get3A_955 = arith.index_cast %get3A_952 : i32 to index
        %get3A_956 = arith.constant 16 : index
        %get3A_957 = tpu.vector_load %get3A_954[%get3A_955, %get3A_956] {strides = array<i32>} : memref<64x128xf32, #tpu.memory_space<vmem>>, vector<16xf32>,
        %add3A_958 = arith.addf %add3A_951, %get3A_957 : vector<16xf32>
        %get3A_959 = arith.constant 21 : i32
        %get3A_960 = arith.constant 0 : i32
        %get3A_961 = tpu.memref_slice %arg11[%multiple_of3A_374, %get3A_960] : memref<256x128xf32, #tpu.memory_space<vmem>> -> memref<64x128xf32, #tpu.memory_space<vmem>>
        %get3A_962 = arith.index_cast %get3A_959 : i32 to index
        %get3A_963 = arith.constant 16 : index
        %get3A_964 = tpu.vector_load %get3A_961[%get3A_962, %get3A_963] {strides = array<i32>} : memref<64x128xf32, #tpu.memory_space<vmem>>, vector<16xf32>,
        %add3A_965 = arith.addf %add3A_958, %get3A_964 : vector<16xf32>
        %get3A_966 = arith.constant 22 : i32
        %get3A_967 = arith.constant 0 : i32
        %get3A_968 = tpu.memref_slice %arg11[%multiple_of3A_374, %get3A_967] : memref<256x128xf32, #tpu.memory_space<vmem>> -> memref<64x128xf32, #tpu.memory_space<vmem>>
        %get3A_969 = arith.index_cast %get3A_966 : i32 to index
        %get3A_970 = arith.constant 16 : index
        %get3A_971 = tpu.vector_load %get3A_968[%get3A_969, %get3A_970] {strides = array<i32>} : memref<64x128xf32, #tpu.memory_space<vmem>>, vector<16xf32>,
        %add3A_972 = arith.addf %add3A_965, %get3A_971 : vector<16xf32>
        %get3A_973 = arith.constant 23 : i32
        %get3A_974 = arith.constant 0 : i32
        %get3A_975 = tpu.memref_slice %arg11[%multiple_of3A_374, %get3A_974] : memref<256x128xf32, #tpu.memory_space<vmem>> -> memref<64x128xf32, #tpu.memory_space<vmem>>
        %get3A_976 = arith.index_cast %get3A_973 : i32 to index
        %get3A_977 = arith.constant 16 : index
        %get3A_978 = tpu.vector_load %get3A_975[%get3A_976, %get3A_977] {strides = array<i32>} : memref<64x128xf32, #tpu.memory_space<vmem>>, vector<16xf32>,
        %add3A_979 = arith.addf %add3A_972, %get3A_978 : vector<16xf32>
        %swap3A_980 = arith.constant 2 : i32
        %swap3A_981 = arith.constant 0 : i32
        %swap3A_982 = tpu.memref_slice %arg13[%multiple_of3A_377, %swap3A_981] : memref<32x128xf32, #tpu.memory_space<vmem>> -> memref<8x128xf32, #tpu.memory_space<vmem>>
        %swap3A_983 = arith.index_cast %swap3A_980 : i32 to index
        %swap3A_984 = arith.constant 16 : index
        %swap3A_985 = tpu.vector_load %swap3A_982[%swap3A_983, %swap3A_984] {strides = array<i32>} : memref<8x128xf32, #tpu.memory_space<vmem>>, vector<16xf32>,
        tpu.vector_store %swap3A_982[%swap3A_983, %swap3A_984], %add3A_979 {strides = array<i32>} : memref<8x128xf32, #tpu.memory_space<vmem>>, vector<16xf32>,
        %get3A_986 = arith.constant 16 : i32
        %get3A_987 = arith.constant 0 : i32
        %get3A_988 = tpu.memref_slice %arg11[%multiple_of3A_374, %get3A_987] : memref<256x128xf32, #tpu.memory_space<vmem>> -> memref<64x128xf32, #tpu.memory_space<vmem>>
        %get3A_989 = arith.index_cast %get3A_986 : i32 to index
        %get3A_990 = arith.constant 32 : index
        %get3A_991 = tpu.vector_load %get3A_988[%get3A_989, %get3A_990] {strides = array<i32>} : memref<64x128xf32, #tpu.memory_space<vmem>>, vector<16xf32>,
        %get3A_992 = arith.constant 17 : i32
        %get3A_993 = arith.constant 0 : i32
        %get3A_994 = tpu.memref_slice %arg11[%multiple_of3A_374, %get3A_993] : memref<256x128xf32, #tpu.memory_space<vmem>> -> memref<64x128xf32, #tpu.memory_space<vmem>>
        %get3A_995 = arith.index_cast %get3A_992 : i32 to index
        %get3A_996 = arith.constant 32 : index
        %get3A_997 = tpu.vector_load %get3A_994[%get3A_995, %get3A_996] {strides = array<i32>} : memref<64x128xf32, #tpu.memory_space<vmem>>, vector<16xf32>,
        %add3A_998 = arith.addf %get3A_991, %get3A_997 : vector<16xf32>
        %get3A_999 = arith.constant 18 : i32
        %get3A_1000 = arith.constant 0 : i32
        %get3A_1001 = tpu.memref_slice %arg11[%multiple_of3A_374, %get3A_1000] : memref<256x128xf32, #tpu.memory_space<vmem>> -> memref<64x128xf32, #tpu.memory_space<vmem>>
        %get3A_1002 = arith.index_cast %get3A_999 : i32 to index
        %get3A_1003 = arith.constant 32 : index
        %get3A_1004 = tpu.vector_load %get3A_1001[%get3A_1002, %get3A_1003] {strides = array<i32>} : memref<64x128xf32, #tpu.memory_space<vmem>>, vector<16xf32>,
        %add3A_1005 = arith.addf %add3A_998, %get3A_1004 : vector<16xf32>
        %get3A_1006 = arith.constant 19 : i32
        %get3A_1007 = arith.constant 0 : i32
        %get3A_1008 = tpu.memref_slice %arg11[%multiple_of3A_374, %get3A_1007] : memref<256x128xf32, #tpu.memory_space<vmem>> -> memref<64x128xf32, #tpu.memory_space<vmem>>
        %get3A_1009 = arith.index_cast %get3A_1006 : i32 to index
        %get3A_1010 = arith.constant 32 : index
        %get3A_1011 = tpu.vector_load %get3A_1008[%get3A_1009, %get3A_1010] {strides = array<i32>} : memref<64x128xf32, #tpu.memory_space<vmem>>, vector<16xf32>,
        %add3A_1012 = arith.addf %add3A_1005, %get3A_1011 : vector<16xf32>
        %get3A_1013 = arith.constant 20 : i32
        %get3A_1014 = arith.constant 0 : i32
        %get3A_1015 = tpu.memref_slice %arg11[%multiple_of3A_374, %get3A_1014] : memref<256x128xf32, #tpu.memory_space<vmem>> -> memref<64x128xf32, #tpu.memory_space<vmem>>
        %get3A_1016 = arith.index_cast %get3A_1013 : i32 to index
        %get3A_1017 = arith.constant 32 : index
        %get3A_1018 = tpu.vector_load %get3A_1015[%get3A_1016, %get3A_1017] {strides = array<i32>} : memref<64x128xf32, #tpu.memory_space<vmem>>, vector<16xf32>,
        %add3A_1019 = arith.addf %add3A_1012, %get3A_1018 : vector<16xf32>
        %get3A_1020 = arith.constant 21 : i32
        %get3A_1021 = arith.constant 0 : i32
        %get3A_1022 = tpu.memref_slice %arg11[%multiple_of3A_374, %get3A_1021] : memref<256x128xf32, #tpu.memory_space<vmem>> -> memref<64x128xf32, #tpu.memory_space<vmem>>
        %get3A_1023 = arith.index_cast %get3A_1020 : i32 to index
        %get3A_1024 = arith.constant 32 : index
        %get3A_1025 = tpu.vector_load %get3A_1022[%get3A_1023, %get3A_1024] {strides = array<i32>} : memref<64x128xf32, #tpu.memory_space<vmem>>, vector<16xf32>,
        %add3A_1026 = arith.addf %add3A_1019, %get3A_1025 : vector<16xf32>
        %get3A_1027 = arith.constant 22 : i32
        %get3A_1028 = arith.constant 0 : i32
        %get3A_1029 = tpu.memref_slice %arg11[%multiple_of3A_374, %get3A_1028] : memref<256x128xf32, #tpu.memory_space<vmem>> -> memref<64x128xf32, #tpu.memory_space<vmem>>
        %get3A_1030 = arith.index_cast %get3A_1027 : i32 to index
        %get3A_1031 = arith.constant 32 : index
        %get3A_1032 = tpu.vector_load %get3A_1029[%get3A_1030, %get3A_1031] {strides = array<i32>} : memref<64x128xf32, #tpu.memory_space<vmem>>, vector<16xf32>,
        %add3A_1033 = arith.addf %add3A_1026, %get3A_1032 : vector<16xf32>
        %get3A_1034 = arith.constant 23 : i32
        %get3A_1035 = arith.constant 0 : i32
        %get3A_1036 = tpu.memref_slice %arg11[%multiple_of3A_374, %get3A_1035] : memref<256x128xf32, #tpu.memory_space<vmem>> -> memref<64x128xf32, #tpu.memory_space<vmem>>
        %get3A_1037 = arith.index_cast %get3A_1034 : i32 to index
        %get3A_1038 = arith.constant 32 : index
        %get3A_1039 = tpu.vector_load %get3A_1036[%get3A_1037, %get3A_1038] {strides = array<i32>} : memref<64x128xf32, #tpu.memory_space<vmem>>, vector<16xf32>,
        %add3A_1040 = arith.addf %add3A_1033, %get3A_1039 : vector<16xf32>
        %swap3A_1041 = arith.constant 2 : i32
        %swap3A_1042 = arith.constant 0 : i32
        %swap3A_1043 = tpu.memref_slice %arg13[%multiple_of3A_377, %swap3A_1042] : memref<32x128xf32, #tpu.memory_space<vmem>> -> memref<8x128xf32, #tpu.memory_space<vmem>>
        %swap3A_1044 = arith.index_cast %swap3A_1041 : i32 to index
        %swap3A_1045 = arith.constant 32 : index
        %swap3A_1046 = tpu.vector_load %swap3A_1043[%swap3A_1044, %swap3A_1045] {strides = array<i32>} : memref<8x128xf32, #tpu.memory_space<vmem>>, vector<16xf32>,
        tpu.vector_store %swap3A_1043[%swap3A_1044, %swap3A_1045], %add3A_1040 {strides = array<i32>} : memref<8x128xf32, #tpu.memory_space<vmem>>, vector<16xf32>,
        %get3A_1047 = arith.constant 16 : i32
        %get3A_1048 = arith.constant 0 : i32
        %get3A_1049 = tpu.memref_slice %arg11[%multiple_of3A_374, %get3A_1048] : memref<256x128xf32, #tpu.memory_space<vmem>> -> memref<64x128xf32, #tpu.memory_space<vmem>>
        %get3A_1050 = arith.index_cast %get3A_1047 : i32 to index
        %get3A_1051 = arith.constant 48 : index
        %get3A_1052 = tpu.vector_load %get3A_1049[%get3A_1050, %get3A_1051] {strides = array<i32>} : memref<64x128xf32, #tpu.memory_space<vmem>>, vector<16xf32>,
        %get3A_1053 = arith.constant 17 : i32
        %get3A_1054 = arith.constant 0 : i32
        %get3A_1055 = tpu.memref_slice %arg11[%multiple_of3A_374, %get3A_1054] : memref<256x128xf32, #tpu.memory_space<vmem>> -> memref<64x128xf32, #tpu.memory_space<vmem>>
        %get3A_1056 = arith.index_cast %get3A_1053 : i32 to index
        %get3A_1057 = arith.constant 48 : index
        %get3A_1058 = tpu.vector_load %get3A_1055[%get3A_1056, %get3A_1057] {strides = array<i32>} : memref<64x128xf32, #tpu.memory_space<vmem>>, vector<16xf32>,
        %add3A_1059 = arith.addf %get3A_1052, %get3A_1058 : vector<16xf32>
        %get3A_1060 = arith.constant 18 : i32
        %get3A_1061 = arith.constant 0 : i32
        %get3A_1062 = tpu.memref_slice %arg11[%multiple_of3A_374, %get3A_1061] : memref<256x128xf32, #tpu.memory_space<vmem>> -> memref<64x128xf32, #tpu.memory_space<vmem>>
        %get3A_1063 = arith.index_cast %get3A_1060 : i32 to index
        %get3A_1064 = arith.constant 48 : index
        %get3A_1065 = tpu.vector_load %get3A_1062[%get3A_1063, %get3A_1064] {strides = array<i32>} : memref<64x128xf32, #tpu.memory_space<vmem>>, vector<16xf32>,
        %add3A_1066 = arith.addf %add3A_1059, %get3A_1065 : vector<16xf32>
        %get3A_1067 = arith.constant 19 : i32
        %get3A_1068 = arith.constant 0 : i32
        %get3A_1069 = tpu.memref_slice %arg11[%multiple_of3A_374, %get3A_1068] : memref<256x128xf32, #tpu.memory_space<vmem>> -> memref<64x128xf32, #tpu.memory_space<vmem>>
        %get3A_1070 = arith.index_cast %get3A_1067 : i32 to index
        %get3A_1071 = arith.constant 48 : index
        %get3A_1072 = tpu.vector_load %get3A_1069[%get3A_1070, %get3A_1071] {strides = array<i32>} : memref<64x128xf32, #tpu.memory_space<vmem>>, vector<16xf32>,
        %add3A_1073 = arith.addf %add3A_1066, %get3A_1072 : vector<16xf32>
        %get3A_1074 = arith.constant 20 : i32
        %get3A_1075 = arith.constant 0 : i32
        %get3A_1076 = tpu.memref_slice %arg11[%multiple_of3A_374, %get3A_1075] : memref<256x128xf32, #tpu.memory_space<vmem>> -> memref<64x128xf32, #tpu.memory_space<vmem>>
        %get3A_1077 = arith.index_cast %get3A_1074 : i32 to index
        %get3A_1078 = arith.constant 48 : index
        %get3A_1079 = tpu.vector_load %get3A_1076[%get3A_1077, %get3A_1078] {strides = array<i32>} : memref<64x128xf32, #tpu.memory_space<vmem>>, vector<16xf32>,
        %add3A_1080 = arith.addf %add3A_1073, %get3A_1079 : vector<16xf32>
        %get3A_1081 = arith.constant 21 : i32
        %get3A_1082 = arith.constant 0 : i32
        %get3A_1083 = tpu.memref_slice %arg11[%multiple_of3A_374, %get3A_1082] : memref<256x128xf32, #tpu.memory_space<vmem>> -> memref<64x128xf32, #tpu.memory_space<vmem>>
        %get3A_1084 = arith.index_cast %get3A_1081 : i32 to index
        %get3A_1085 = arith.constant 48 : index
        %get3A_1086 = tpu.vector_load %get3A_1083[%get3A_1084, %get3A_1085] {strides = array<i32>} : memref<64x128xf32, #tpu.memory_space<vmem>>, vector<16xf32>,
        %add3A_1087 = arith.addf %add3A_1080, %get3A_1086 : vector<16xf32>
        %get3A_1088 = arith.constant 22 : i32
        %get3A_1089 = arith.constant 0 : i32
        %get3A_1090 = tpu.memref_slice %arg11[%multiple_of3A_374, %get3A_1089] : memref<256x128xf32, #tpu.memory_space<vmem>> -> memref<64x128xf32, #tpu.memory_space<vmem>>
        %get3A_1091 = arith.index_cast %get3A_1088 : i32 to index
        %get3A_1092 = arith.constant 48 : index
        %get3A_1093 = tpu.vector_load %get3A_1090[%get3A_1091, %get3A_1092] {strides = array<i32>} : memref<64x128xf32, #tpu.memory_space<vmem>>, vector<16xf32>,
        %add3A_1094 = arith.addf %add3A_1087, %get3A_1093 : vector<16xf32>
        %get3A_1095 = arith.constant 23 : i32
        %get3A_1096 = arith.constant 0 : i32
        %get3A_1097 = tpu.memref_slice %arg11[%multiple_of3A_374, %get3A_1096] : memref<256x128xf32, #tpu.memory_space<vmem>> -> memref<64x128xf32, #tpu.memory_space<vmem>>
        %get3A_1098 = arith.index_cast %get3A_1095 : i32 to index
        %get3A_1099 = arith.constant 48 : index
        %get3A_1100 = tpu.vector_load %get3A_1097[%get3A_1098, %get3A_1099] {strides = array<i32>} : memref<64x128xf32, #tpu.memory_space<vmem>>, vector<16xf32>,
        %add3A_1101 = arith.addf %add3A_1094, %get3A_1100 : vector<16xf32>
        %swap3A_1102 = arith.constant 2 : i32
        %swap3A_1103 = arith.constant 0 : i32
        %swap3A_1104 = tpu.memref_slice %arg13[%multiple_of3A_377, %swap3A_1103] : memref<32x128xf32, #tpu.memory_space<vmem>> -> memref<8x128xf32, #tpu.memory_space<vmem>>
        %swap3A_1105 = arith.index_cast %swap3A_1102 : i32 to index
        %swap3A_1106 = arith.constant 48 : index
        %swap3A_1107 = tpu.vector_load %swap3A_1104[%swap3A_1105, %swap3A_1106] {strides = array<i32>} : memref<8x128xf32, #tpu.memory_space<vmem>>, vector<16xf32>,
        tpu.vector_store %swap3A_1104[%swap3A_1105, %swap3A_1106], %add3A_1101 {strides = array<i32>} : memref<8x128xf32, #tpu.memory_space<vmem>>, vector<16xf32>,
        %get3A_1108 = arith.constant 24 : i32
        %get3A_1109 = arith.constant 0 : i32
        %get3A_1110 = tpu.memref_slice %arg11[%multiple_of3A_374, %get3A_1109] : memref<256x128xf32, #tpu.memory_space<vmem>> -> memref<64x128xf32, #tpu.memory_space<vmem>>
        %get3A_1111 = arith.index_cast %get3A_1108 : i32 to index
        %get3A_1112 = arith.constant 0 : index
        %get3A_1113 = tpu.vector_load %get3A_1110[%get3A_1111, %get3A_1112] {strides = array<i32>} : memref<64x128xf32, #tpu.memory_space<vmem>>, vector<16xf32>,
        %get3A_1114 = arith.constant 25 : i32
        %get3A_1115 = arith.constant 0 : i32
        %get3A_1116 = tpu.memref_slice %arg11[%multiple_of3A_374, %get3A_1115] : memref<256x128xf32, #tpu.memory_space<vmem>> -> memref<64x128xf32, #tpu.memory_space<vmem>>
        %get3A_1117 = arith.index_cast %get3A_1114 : i32 to index
        %get3A_1118 = arith.constant 0 : index
        %get3A_1119 = tpu.vector_load %get3A_1116[%get3A_1117, %get3A_1118] {strides = array<i32>} : memref<64x128xf32, #tpu.memory_space<vmem>>, vector<16xf32>,
        %add3A_1120 = arith.addf %get3A_1113, %get3A_1119 : vector<16xf32>
        %get3A_1121 = arith.constant 26 : i32
        %get3A_1122 = arith.constant 0 : i32
        %get3A_1123 = tpu.memref_slice %arg11[%multiple_of3A_374, %get3A_1122] : memref<256x128xf32, #tpu.memory_space<vmem>> -> memref<64x128xf32, #tpu.memory_space<vmem>>
        %get3A_1124 = arith.index_cast %get3A_1121 : i32 to index
        %get3A_1125 = arith.constant 0 : index
        %get3A_1126 = tpu.vector_load %get3A_1123[%get3A_1124, %get3A_1125] {strides = array<i32>} : memref<64x128xf32, #tpu.memory_space<vmem>>, vector<16xf32>,
        %add3A_1127 = arith.addf %add3A_1120, %get3A_1126 : vector<16xf32>
        %get3A_1128 = arith.constant 27 : i32
        %get3A_1129 = arith.constant 0 : i32
        %get3A_1130 = tpu.memref_slice %arg11[%multiple_of3A_374, %get3A_1129] : memref<256x128xf32, #tpu.memory_space<vmem>> -> memref<64x128xf32, #tpu.memory_space<vmem>>
        %get3A_1131 = arith.index_cast %get3A_1128 : i32 to index
        %get3A_1132 = arith.constant 0 : index
        %get3A_1133 = tpu.vector_load %get3A_1130[%get3A_1131, %get3A_1132] {strides = array<i32>} : memref<64x128xf32, #tpu.memory_space<vmem>>, vector<16xf32>,
        %add3A_1134 = arith.addf %add3A_1127, %get3A_1133 : vector<16xf32>
        %get3A_1135 = arith.constant 28 : i32
        %get3A_1136 = arith.constant 0 : i32
        %get3A_1137 = tpu.memref_slice %arg11[%multiple_of3A_374, %get3A_1136] : memref<256x128xf32, #tpu.memory_space<vmem>> -> memref<64x128xf32, #tpu.memory_space<vmem>>
        %get3A_1138 = arith.index_cast %get3A_1135 : i32 to index
        %get3A_1139 = arith.constant 0 : index
        %get3A_1140 = tpu.vector_load %get3A_1137[%get3A_1138, %get3A_1139] {strides = array<i32>} : memref<64x128xf32, #tpu.memory_space<vmem>>, vector<16xf32>,
        %add3A_1141 = arith.addf %add3A_1134, %get3A_1140 : vector<16xf32>
        %get3A_1142 = arith.constant 29 : i32
        %get3A_1143 = arith.constant 0 : i32
        %get3A_1144 = tpu.memref_slice %arg11[%multiple_of3A_374, %get3A_1143] : memref<256x128xf32, #tpu.memory_space<vmem>> -> memref<64x128xf32, #tpu.memory_space<vmem>>
        %get3A_1145 = arith.index_cast %get3A_1142 : i32 to index
        %get3A_1146 = arith.constant 0 : index
        %get3A_1147 = tpu.vector_load %get3A_1144[%get3A_1145, %get3A_1146] {strides = array<i32>} : memref<64x128xf32, #tpu.memory_space<vmem>>, vector<16xf32>,
        %add3A_1148 = arith.addf %add3A_1141, %get3A_1147 : vector<16xf32>
        %get3A_1149 = arith.constant 30 : i32
        %get3A_1150 = arith.constant 0 : i32
        %get3A_1151 = tpu.memref_slice %arg11[%multiple_of3A_374, %get3A_1150] : memref<256x128xf32, #tpu.memory_space<vmem>> -> memref<64x128xf32, #tpu.memory_space<vmem>>
        %get3A_1152 = arith.index_cast %get3A_1149 : i32 to index
        %get3A_1153 = arith.constant 0 : index
        %get3A_1154 = tpu.vector_load %get3A_1151[%get3A_1152, %get3A_1153] {strides = array<i32>} : memref<64x128xf32, #tpu.memory_space<vmem>>, vector<16xf32>,
        %add3A_1155 = arith.addf %add3A_1148, %get3A_1154 : vector<16xf32>
        %get3A_1156 = arith.constant 31 : i32
        %get3A_1157 = arith.constant 0 : i32
        %get3A_1158 = tpu.memref_slice %arg11[%multiple_of3A_374, %get3A_1157] : memref<256x128xf32, #tpu.memory_space<vmem>> -> memref<64x128xf32, #tpu.memory_space<vmem>>
        %get3A_1159 = arith.index_cast %get3A_1156 : i32 to index
        %get3A_1160 = arith.constant 0 : index
        %get3A_1161 = tpu.vector_load %get3A_1158[%get3A_1159, %get3A_1160] {strides = array<i32>} : memref<64x128xf32, #tpu.memory_space<vmem>>, vector<16xf32>,
        %add3A_1162 = arith.addf %add3A_1155, %get3A_1161 : vector<16xf32>
        %swap3A_1163 = arith.constant 3 : i32
        %swap3A_1164 = arith.constant 0 : i32
        %swap3A_1165 = tpu.memref_slice %arg13[%multiple_of3A_377, %swap3A_1164] : memref<32x128xf32, #tpu.memory_space<vmem>> -> memref<8x128xf32, #tpu.memory_space<vmem>>
        %swap3A_1166 = arith.index_cast %swap3A_1163 : i32 to index
        %swap3A_1167 = arith.constant 0 : index
        %swap3A_1168 = tpu.vector_load %swap3A_1165[%swap3A_1166, %swap3A_1167] {strides = array<i32>} : memref<8x128xf32, #tpu.memory_space<vmem>>, vector<16xf32>,
        tpu.vector_store %swap3A_1165[%swap3A_1166, %swap3A_1167], %add3A_1162 {strides = array<i32>} : memref<8x128xf32, #tpu.memory_space<vmem>>, vector<16xf32>,
        %get3A_1169 = arith.constant 24 : i32
        %get3A_1170 = arith.constant 0 : i32
        %get3A_1171 = tpu.memref_slice %arg11[%multiple_of3A_374, %get3A_1170] : memref<256x128xf32, #tpu.memory_space<vmem>> -> memref<64x128xf32, #tpu.memory_space<vmem>>
        %get3A_1172 = arith.index_cast %get3A_1169 : i32 to index
        %get3A_1173 = arith.constant 16 : index
        %get3A_1174 = tpu.vector_load %get3A_1171[%get3A_1172, %get3A_1173] {strides = array<i32>} : memref<64x128xf32, #tpu.memory_space<vmem>>, vector<16xf32>,
        %get3A_1175 = arith.constant 25 : i32
        %get3A_1176 = arith.constant 0 : i32
        %get3A_1177 = tpu.memref_slice %arg11[%multiple_of3A_374, %get3A_1176] : memref<256x128xf32, #tpu.memory_space<vmem>> -> memref<64x128xf32, #tpu.memory_space<vmem>>
        %get3A_1178 = arith.index_cast %get3A_1175 : i32 to index
        %get3A_1179 = arith.constant 16 : index
        %get3A_1180 = tpu.vector_load %get3A_1177[%get3A_1178, %get3A_1179] {strides = array<i32>} : memref<64x128xf32, #tpu.memory_space<vmem>>, vector<16xf32>,
        %add3A_1181 = arith.addf %get3A_1174, %get3A_1180 : vector<16xf32>
        %get3A_1182 = arith.constant 26 : i32
        %get3A_1183 = arith.constant 0 : i32
        %get3A_1184 = tpu.memref_slice %arg11[%multiple_of3A_374, %get3A_1183] : memref<256x128xf32, #tpu.memory_space<vmem>> -> memref<64x128xf32, #tpu.memory_space<vmem>>
        %get3A_1185 = arith.index_cast %get3A_1182 : i32 to index
        %get3A_1186 = arith.constant 16 : index
        %get3A_1187 = tpu.vector_load %get3A_1184[%get3A_1185, %get3A_1186] {strides = array<i32>} : memref<64x128xf32, #tpu.memory_space<vmem>>, vector<16xf32>,
        %add3A_1188 = arith.addf %add3A_1181, %get3A_1187 : vector<16xf32>
        %get3A_1189 = arith.constant 27 : i32
        %get3A_1190 = arith.constant 0 : i32
        %get3A_1191 = tpu.memref_slice %arg11[%multiple_of3A_374, %get3A_1190] : memref<256x128xf32, #tpu.memory_space<vmem>> -> memref<64x128xf32, #tpu.memory_space<vmem>>
        %get3A_1192 = arith.index_cast %get3A_1189 : i32 to index
        %get3A_1193 = arith.constant 16 : index
        %get3A_1194 = tpu.vector_load %get3A_1191[%get3A_1192, %get3A_1193] {strides = array<i32>} : memref<64x128xf32, #tpu.memory_space<vmem>>, vector<16xf32>,
        %add3A_1195 = arith.addf %add3A_1188, %get3A_1194 : vector<16xf32>
        %get3A_1196 = arith.constant 28 : i32
        %get3A_1197 = arith.constant 0 : i32
        %get3A_1198 = tpu.memref_slice %arg11[%multiple_of3A_374, %get3A_1197] : memref<256x128xf32, #tpu.memory_space<vmem>> -> memref<64x128xf32, #tpu.memory_space<vmem>>
        %get3A_1199 = arith.index_cast %get3A_1196 : i32 to index
        %get3A_1200 = arith.constant 16 : index
        %get3A_1201 = tpu.vector_load %get3A_1198[%get3A_1199, %get3A_1200] {strides = array<i32>} : memref<64x128xf32, #tpu.memory_space<vmem>>, vector<16xf32>,
        %add3A_1202 = arith.addf %add3A_1195, %get3A_1201 : vector<16xf32>
        %get3A_1203 = arith.constant 29 : i32
        %get3A_1204 = arith.constant 0 : i32
        %get3A_1205 = tpu.memref_slice %arg11[%multiple_of3A_374, %get3A_1204] : memref<256x128xf32, #tpu.memory_space<vmem>> -> memref<64x128xf32, #tpu.memory_space<vmem>>
        %get3A_1206 = arith.index_cast %get3A_1203 : i32 to index
        %get3A_1207 = arith.constant 16 : index
        %get3A_1208 = tpu.vector_load %get3A_1205[%get3A_1206, %get3A_1207] {strides = array<i32>} : memref<64x128xf32, #tpu.memory_space<vmem>>, vector<16xf32>,
        %add3A_1209 = arith.addf %add3A_1202, %get3A_1208 : vector<16xf32>
        %get3A_1210 = arith.constant 30 : i32
        %get3A_1211 = arith.constant 0 : i32
        %get3A_1212 = tpu.memref_slice %arg11[%multiple_of3A_374, %get3A_1211] : memref<256x128xf32, #tpu.memory_space<vmem>> -> memref<64x128xf32, #tpu.memory_space<vmem>>
        %get3A_1213 = arith.index_cast %get3A_1210 : i32 to index
        %get3A_1214 = arith.constant 16 : index
        %get3A_1215 = tpu.vector_load %get3A_1212[%get3A_1213, %get3A_1214] {strides = array<i32>} : memref<64x128xf32, #tpu.memory_space<vmem>>, vector<16xf32>,
        %add3A_1216 = arith.addf %add3A_1209, %get3A_1215 : vector<16xf32>
        %get3A_1217 = arith.constant 31 : i32
        %get3A_1218 = arith.constant 0 : i32
        %get3A_1219 = tpu.memref_slice %arg11[%multiple_of3A_374, %get3A_1218] : memref<256x128xf32, #tpu.memory_space<vmem>> -> memref<64x128xf32, #tpu.memory_space<vmem>>
        %get3A_1220 = arith.index_cast %get3A_1217 : i32 to index
        %get3A_1221 = arith.constant 16 : index
        %get3A_1222 = tpu.vector_load %get3A_1219[%get3A_1220, %get3A_1221] {strides = array<i32>} : memref<64x128xf32, #tpu.memory_space<vmem>>, vector<16xf32>,
        %add3A_1223 = arith.addf %add3A_1216, %get3A_1222 : vector<16xf32>
        %swap3A_1224 = arith.constant 3 : i32
        %swap3A_1225 = arith.constant 0 : i32
        %swap3A_1226 = tpu.memref_slice %arg13[%multiple_of3A_377, %swap3A_1225] : memref<32x128xf32, #tpu.memory_space<vmem>> -> memref<8x128xf32, #tpu.memory_space<vmem>>
        %swap3A_1227 = arith.index_cast %swap3A_1224 : i32 to index
        %swap3A_1228 = arith.constant 16 : index
        %swap3A_1229 = tpu.vector_load %swap3A_1226[%swap3A_1227, %swap3A_1228] {strides = array<i32>} : memref<8x128xf32, #tpu.memory_space<vmem>>, vector<16xf32>,
        tpu.vector_store %swap3A_1226[%swap3A_1227, %swap3A_1228], %add3A_1223 {strides = array<i32>} : memref<8x128xf32, #tpu.memory_space<vmem>>, vector<16xf32>,
        %get3A_1230 = arith.constant 24 : i32
        %get3A_1231 = arith.constant 0 : i32
        %get3A_1232 = tpu.memref_slice %arg11[%multiple_of3A_374, %get3A_1231] : memref<256x128xf32, #tpu.memory_space<vmem>> -> memref<64x128xf32, #tpu.memory_space<vmem>>
        %get3A_1233 = arith.index_cast %get3A_1230 : i32 to index
        %get3A_1234 = arith.constant 32 : index
        %get3A_1235 = tpu.vector_load %get3A_1232[%get3A_1233, %get3A_1234] {strides = array<i32>} : memref<64x128xf32, #tpu.memory_space<vmem>>, vector<16xf32>,
        %get3A_1236 = arith.constant 25 : i32
        %get3A_1237 = arith.constant 0 : i32
        %get3A_1238 = tpu.memref_slice %arg11[%multiple_of3A_374, %get3A_1237] : memref<256x128xf32, #tpu.memory_space<vmem>> -> memref<64x128xf32, #tpu.memory_space<vmem>>
        %get3A_1239 = arith.index_cast %get3A_1236 : i32 to index
        %get3A_1240 = arith.constant 32 : index
        %get3A_1241 = tpu.vector_load %get3A_1238[%get3A_1239, %get3A_1240] {strides = array<i32>} : memref<64x128xf32, #tpu.memory_space<vmem>>, vector<16xf32>,
        %add3A_1242 = arith.addf %get3A_1235, %get3A_1241 : vector<16xf32>
        %get3A_1243 = arith.constant 26 : i32
        %get3A_1244 = arith.constant 0 : i32
        %get3A_1245 = tpu.memref_slice %arg11[%multiple_of3A_374, %get3A_1244] : memref<256x128xf32, #tpu.memory_space<vmem>> -> memref<64x128xf32, #tpu.memory_space<vmem>>
        %get3A_1246 = arith.index_cast %get3A_1243 : i32 to index
        %get3A_1247 = arith.constant 32 : index
        %get3A_1248 = tpu.vector_load %get3A_1245[%get3A_1246, %get3A_1247] {strides = array<i32>} : memref<64x128xf32, #tpu.memory_space<vmem>>, vector<16xf32>,
        %add3A_1249 = arith.addf %add3A_1242, %get3A_1248 : vector<16xf32>
        %get3A_1250 = arith.constant 27 : i32
        %get3A_1251 = arith.constant 0 : i32
        %get3A_1252 = tpu.memref_slice %arg11[%multiple_of3A_374, %get3A_1251] : memref<256x128xf32, #tpu.memory_space<vmem>> -> memref<64x128xf32, #tpu.memory_space<vmem>>
        %get3A_1253 = arith.index_cast %get3A_1250 : i32 to index
        %get3A_1254 = arith.constant 32 : index
        %get3A_1255 = tpu.vector_load %get3A_1252[%get3A_1253, %get3A_1254] {strides = array<i32>} : memref<64x128xf32, #tpu.memory_space<vmem>>, vector<16xf32>,
        %add3A_1256 = arith.addf %add3A_1249, %get3A_1255 : vector<16xf32>
        %get3A_1257 = arith.constant 28 : i32
        %get3A_1258 = arith.constant 0 : i32
        %get3A_1259 = tpu.memref_slice %arg11[%multiple_of3A_374, %get3A_1258] : memref<256x128xf32, #tpu.memory_space<vmem>> -> memref<64x128xf32, #tpu.memory_space<vmem>>
        %get3A_1260 = arith.index_cast %get3A_1257 : i32 to index
        %get3A_1261 = arith.constant 32 : index
        %get3A_1262 = tpu.vector_load %get3A_1259[%get3A_1260, %get3A_1261] {strides = array<i32>} : memref<64x128xf32, #tpu.memory_space<vmem>>, vector<16xf32>,
        %add3A_1263 = arith.addf %add3A_1256, %get3A_1262 : vector<16xf32>
        %get3A_1264 = arith.constant 29 : i32
        %get3A_1265 = arith.constant 0 : i32
        %get3A_1266 = tpu.memref_slice %arg11[%multiple_of3A_374, %get3A_1265] : memref<256x128xf32, #tpu.memory_space<vmem>> -> memref<64x128xf32, #tpu.memory_space<vmem>>
        %get3A_1267 = arith.index_cast %get3A_1264 : i32 to index
        %get3A_1268 = arith.constant 32 : index
        %get3A_1269 = tpu.vector_load %get3A_1266[%get3A_1267, %get3A_1268] {strides = array<i32>} : memref<64x128xf32, #tpu.memory_space<vmem>>, vector<16xf32>,
        %add3A_1270 = arith.addf %add3A_1263, %get3A_1269 : vector<16xf32>
        %get3A_1271 = arith.constant 30 : i32
        %get3A_1272 = arith.constant 0 : i32
        %get3A_1273 = tpu.memref_slice %arg11[%multiple_of3A_374, %get3A_1272] : memref<256x128xf32, #tpu.memory_space<vmem>> -> memref<64x128xf32, #tpu.memory_space<vmem>>
        %get3A_1274 = arith.index_cast %get3A_1271 : i32 to index
        %get3A_1275 = arith.constant 32 : index
        %get3A_1276 = tpu.vector_load %get3A_1273[%get3A_1274, %get3A_1275] {strides = array<i32>} : memref<64x128xf32, #tpu.memory_space<vmem>>, vector<16xf32>,
        %add3A_1277 = arith.addf %add3A_1270, %get3A_1276 : vector<16xf32>
        %get3A_1278 = arith.constant 31 : i32
        %get3A_1279 = arith.constant 0 : i32
        %get3A_1280 = tpu.memref_slice %arg11[%multiple_of3A_374, %get3A_1279] : memref<256x128xf32, #tpu.memory_space<vmem>> -> memref<64x128xf32, #tpu.memory_space<vmem>>
        %get3A_1281 = arith.index_cast %get3A_1278 : i32 to index
        %get3A_1282 = arith.constant 32 : index
        %get3A_1283 = tpu.vector_load %get3A_1280[%get3A_1281, %get3A_1282] {strides = array<i32>} : memref<64x128xf32, #tpu.memory_space<vmem>>, vector<16xf32>,
        %add3A_1284 = arith.addf %add3A_1277, %get3A_1283 : vector<16xf32>
        %swap3A_1285 = arith.constant 3 : i32
        %swap3A_1286 = arith.constant 0 : i32
        %swap3A_1287 = tpu.memref_slice %arg13[%multiple_of3A_377, %swap3A_1286] : memref<32x128xf32, #tpu.memory_space<vmem>> -> memref<8x128xf32, #tpu.memory_space<vmem>>
        %swap3A_1288 = arith.index_cast %swap3A_1285 : i32 to index
        %swap3A_1289 = arith.constant 32 : index
        %swap3A_1290 = tpu.vector_load %swap3A_1287[%swap3A_1288, %swap3A_1289] {strides = array<i32>} : memref<8x128xf32, #tpu.memory_space<vmem>>, vector<16xf32>,
        tpu.vector_store %swap3A_1287[%swap3A_1288, %swap3A_1289], %add3A_1284 {strides = array<i32>} : memref<8x128xf32, #tpu.memory_space<vmem>>, vector<16xf32>,
        %get3A_1291 = arith.constant 24 : i32
        %get3A_1292 = arith.constant 0 : i32
        %get3A_1293 = tpu.memref_slice %arg11[%multiple_of3A_374, %get3A_1292] : memref<256x128xf32, #tpu.memory_space<vmem>> -> memref<64x128xf32, #tpu.memory_space<vmem>>
        %get3A_1294 = arith.index_cast %get3A_1291 : i32 to index
        %get3A_1295 = arith.constant 48 : index
        %get3A_1296 = tpu.vector_load %get3A_1293[%get3A_1294, %get3A_1295] {strides = array<i32>} : memref<64x128xf32, #tpu.memory_space<vmem>>, vector<16xf32>,
        %get3A_1297 = arith.constant 25 : i32
        %get3A_1298 = arith.constant 0 : i32
        %get3A_1299 = tpu.memref_slice %arg11[%multiple_of3A_374, %get3A_1298] : memref<256x128xf32, #tpu.memory_space<vmem>> -> memref<64x128xf32, #tpu.memory_space<vmem>>
        %get3A_1300 = arith.index_cast %get3A_1297 : i32 to index
        %get3A_1301 = arith.constant 48 : index
        %get3A_1302 = tpu.vector_load %get3A_1299[%get3A_1300, %get3A_1301] {strides = array<i32>} : memref<64x128xf32, #tpu.memory_space<vmem>>, vector<16xf32>,
        %add3A_1303 = arith.addf %get3A_1296, %get3A_1302 : vector<16xf32>
        %get3A_1304 = arith.constant 26 : i32
        %get3A_1305 = arith.constant 0 : i32
        %get3A_1306 = tpu.memref_slice %arg11[%multiple_of3A_374, %get3A_1305] : memref<256x128xf32, #tpu.memory_space<vmem>> -> memref<64x128xf32, #tpu.memory_space<vmem>>
        %get3A_1307 = arith.index_cast %get3A_1304 : i32 to index
        %get3A_1308 = arith.constant 48 : index
        %get3A_1309 = tpu.vector_load %get3A_1306[%get3A_1307, %get3A_1308] {strides = array<i32>} : memref<64x128xf32, #tpu.memory_space<vmem>>, vector<16xf32>,
        %add3A_1310 = arith.addf %add3A_1303, %get3A_1309 : vector<16xf32>
        %get3A_1311 = arith.constant 27 : i32
        %get3A_1312 = arith.constant 0 : i32
        %get3A_1313 = tpu.memref_slice %arg11[%multiple_of3A_374, %get3A_1312] : memref<256x128xf32, #tpu.memory_space<vmem>> -> memref<64x128xf32, #tpu.memory_space<vmem>>
        %get3A_1314 = arith.index_cast %get3A_1311 : i32 to index
        %get3A_1315 = arith.constant 48 : index
        %get3A_1316 = tpu.vector_load %get3A_1313[%get3A_1314, %get3A_1315] {strides = array<i32>} : memref<64x128xf32, #tpu.memory_space<vmem>>, vector<16xf32>,
        %add3A_1317 = arith.addf %add3A_1310, %get3A_1316 : vector<16xf32>
        %get3A_1318 = arith.constant 28 : i32
        %get3A_1319 = arith.constant 0 : i32
        %get3A_1320 = tpu.memref_slice %arg11[%multiple_of3A_374, %get3A_1319] : memref<256x128xf32, #tpu.memory_space<vmem>> -> memref<64x128xf32, #tpu.memory_space<vmem>>
        %get3A_1321 = arith.index_cast %get3A_1318 : i32 to index
        %get3A_1322 = arith.constant 48 : index
        %get3A_1323 = tpu.vector_load %get3A_1320[%get3A_1321, %get3A_1322] {strides = array<i32>} : memref<64x128xf32, #tpu.memory_space<vmem>>, vector<16xf32>,
        %add3A_1324 = arith.addf %add3A_1317, %get3A_1323 : vector<16xf32>
        %get3A_1325 = arith.constant 29 : i32
        %get3A_1326 = arith.constant 0 : i32
        %get3A_1327 = tpu.memref_slice %arg11[%multiple_of3A_374, %get3A_1326] : memref<256x128xf32, #tpu.memory_space<vmem>> -> memref<64x128xf32, #tpu.memory_space<vmem>>
        %get3A_1328 = arith.index_cast %get3A_1325 : i32 to index
        %get3A_1329 = arith.constant 48 : index
        %get3A_1330 = tpu.vector_load %get3A_1327[%get3A_1328, %get3A_1329] {strides = array<i32>} : memref<64x128xf32, #tpu.memory_space<vmem>>, vector<16xf32>,
        %add3A_1331 = arith.addf %add3A_1324, %get3A_1330 : vector<16xf32>
        %get3A_1332 = arith.constant 30 : i32
        %get3A_1333 = arith.constant 0 : i32
        %get3A_1334 = tpu.memref_slice %arg11[%multiple_of3A_374, %get3A_1333] : memref<256x128xf32, #tpu.memory_space<vmem>> -> memref<64x128xf32, #tpu.memory_space<vmem>>
        %get3A_1335 = arith.index_cast %get3A_1332 : i32 to index
        %get3A_1336 = arith.constant 48 : index
        %get3A_1337 = tpu.vector_load %get3A_1334[%get3A_1335, %get3A_1336] {strides = array<i32>} : memref<64x128xf32, #tpu.memory_space<vmem>>, vector<16xf32>,
        %add3A_1338 = arith.addf %add3A_1331, %get3A_1337 : vector<16xf32>
        %get3A_1339 = arith.constant 31 : i32
        %get3A_1340 = arith.constant 0 : i32
        %get3A_1341 = tpu.memref_slice %arg11[%multiple_of3A_374, %get3A_1340] : memref<256x128xf32, #tpu.memory_space<vmem>> -> memref<64x128xf32, #tpu.memory_space<vmem>>
        %get3A_1342 = arith.index_cast %get3A_1339 : i32 to index
        %get3A_1343 = arith.constant 48 : index
        %get3A_1344 = tpu.vector_load %get3A_1341[%get3A_1342, %get3A_1343] {strides = array<i32>} : memref<64x128xf32, #tpu.memory_space<vmem>>, vector<16xf32>,
        %add3A_1345 = arith.addf %add3A_1338, %get3A_1344 : vector<16xf32>
        %swap3A_1346 = arith.constant 3 : i32
        %swap3A_1347 = arith.constant 0 : i32
        %swap3A_1348 = tpu.memref_slice %arg13[%multiple_of3A_377, %swap3A_1347] : memref<32x128xf32, #tpu.memory_space<vmem>> -> memref<8x128xf32, #tpu.memory_space<vmem>>
        %swap3A_1349 = arith.index_cast %swap3A_1346 : i32 to index
        %swap3A_1350 = arith.constant 48 : index
        %swap3A_1351 = tpu.vector_load %swap3A_1348[%swap3A_1349, %swap3A_1350] {strides = array<i32>} : memref<8x128xf32, #tpu.memory_space<vmem>>, vector<16xf32>,
        tpu.vector_store %swap3A_1348[%swap3A_1349, %swap3A_1350], %add3A_1345 {strides = array<i32>} : memref<8x128xf32, #tpu.memory_space<vmem>>, vector<16xf32>,
        %get3A_1352 = arith.constant 32 : i32
        %get3A_1353 = arith.constant 0 : i32
        %get3A_1354 = tpu.memref_slice %arg11[%multiple_of3A_374, %get3A_1353] : memref<256x128xf32, #tpu.memory_space<vmem>> -> memref<64x128xf32, #tpu.memory_space<vmem>>
        %get3A_1355 = arith.index_cast %get3A_1352 : i32 to index
        %get3A_1356 = arith.constant 0 : index
        %get3A_1357 = tpu.vector_load %get3A_1354[%get3A_1355, %get3A_1356] {strides = array<i32>} : memref<64x128xf32, #tpu.memory_space<vmem>>, vector<16xf32>,
        %get3A_1358 = arith.constant 33 : i32
        %get3A_1359 = arith.constant 0 : i32
        %get3A_1360 = tpu.memref_slice %arg11[%multiple_of3A_374, %get3A_1359] : memref<256x128xf32, #tpu.memory_space<vmem>> -> memref<64x128xf32, #tpu.memory_space<vmem>>
        %get3A_1361 = arith.index_cast %get3A_1358 : i32 to index
        %get3A_1362 = arith.constant 0 : index
        %get3A_1363 = tpu.vector_load %get3A_1360[%get3A_1361, %get3A_1362] {strides = array<i32>} : memref<64x128xf32, #tpu.memory_space<vmem>>, vector<16xf32>,
        %add3A_1364 = arith.addf %get3A_1357, %get3A_1363 : vector<16xf32>
        %get3A_1365 = arith.constant 34 : i32
        %get3A_1366 = arith.constant 0 : i32
        %get3A_1367 = tpu.memref_slice %arg11[%multiple_of3A_374, %get3A_1366] : memref<256x128xf32, #tpu.memory_space<vmem>> -> memref<64x128xf32, #tpu.memory_space<vmem>>
        %get3A_1368 = arith.index_cast %get3A_1365 : i32 to index
        %get3A_1369 = arith.constant 0 : index
        %get3A_1370 = tpu.vector_load %get3A_1367[%get3A_1368, %get3A_1369] {strides = array<i32>} : memref<64x128xf32, #tpu.memory_space<vmem>>, vector<16xf32>,
        %add3A_1371 = arith.addf %add3A_1364, %get3A_1370 : vector<16xf32>
        %get3A_1372 = arith.constant 35 : i32
        %get3A_1373 = arith.constant 0 : i32
        %get3A_1374 = tpu.memref_slice %arg11[%multiple_of3A_374, %get3A_1373] : memref<256x128xf32, #tpu.memory_space<vmem>> -> memref<64x128xf32, #tpu.memory_space<vmem>>
        %get3A_1375 = arith.index_cast %get3A_1372 : i32 to index
        %get3A_1376 = arith.constant 0 : index
        %get3A_1377 = tpu.vector_load %get3A_1374[%get3A_1375, %get3A_1376] {strides = array<i32>} : memref<64x128xf32, #tpu.memory_space<vmem>>, vector<16xf32>,
        %add3A_1378 = arith.addf %add3A_1371, %get3A_1377 : vector<16xf32>
        %get3A_1379 = arith.constant 36 : i32
        %get3A_1380 = arith.constant 0 : i32
        %get3A_1381 = tpu.memref_slice %arg11[%multiple_of3A_374, %get3A_1380] : memref<256x128xf32, #tpu.memory_space<vmem>> -> memref<64x128xf32, #tpu.memory_space<vmem>>
        %get3A_1382 = arith.index_cast %get3A_1379 : i32 to index
        %get3A_1383 = arith.constant 0 : index
        %get3A_1384 = tpu.vector_load %get3A_1381[%get3A_1382, %get3A_1383] {strides = array<i32>} : memref<64x128xf32, #tpu.memory_space<vmem>>, vector<16xf32>,
        %add3A_1385 = arith.addf %add3A_1378, %get3A_1384 : vector<16xf32>
        %get3A_1386 = arith.constant 37 : i32
        %get3A_1387 = arith.constant 0 : i32
        %get3A_1388 = tpu.memref_slice %arg11[%multiple_of3A_374, %get3A_1387] : memref<256x128xf32, #tpu.memory_space<vmem>> -> memref<64x128xf32, #tpu.memory_space<vmem>>
        %get3A_1389 = arith.index_cast %get3A_1386 : i32 to index
        %get3A_1390 = arith.constant 0 : index
        %get3A_1391 = tpu.vector_load %get3A_1388[%get3A_1389, %get3A_1390] {strides = array<i32>} : memref<64x128xf32, #tpu.memory_space<vmem>>, vector<16xf32>,
        %add3A_1392 = arith.addf %add3A_1385, %get3A_1391 : vector<16xf32>
        %get3A_1393 = arith.constant 38 : i32
        %get3A_1394 = arith.constant 0 : i32
        %get3A_1395 = tpu.memref_slice %arg11[%multiple_of3A_374, %get3A_1394] : memref<256x128xf32, #tpu.memory_space<vmem>> -> memref<64x128xf32, #tpu.memory_space<vmem>>
        %get3A_1396 = arith.index_cast %get3A_1393 : i32 to index
        %get3A_1397 = arith.constant 0 : index
        %get3A_1398 = tpu.vector_load %get3A_1395[%get3A_1396, %get3A_1397] {strides = array<i32>} : memref<64x128xf32, #tpu.memory_space<vmem>>, vector<16xf32>,
        %add3A_1399 = arith.addf %add3A_1392, %get3A_1398 : vector<16xf32>
        %get3A_1400 = arith.constant 39 : i32
        %get3A_1401 = arith.constant 0 : i32
        %get3A_1402 = tpu.memref_slice %arg11[%multiple_of3A_374, %get3A_1401] : memref<256x128xf32, #tpu.memory_space<vmem>> -> memref<64x128xf32, #tpu.memory_space<vmem>>
        %get3A_1403 = arith.index_cast %get3A_1400 : i32 to index
        %get3A_1404 = arith.constant 0 : index
        %get3A_1405 = tpu.vector_load %get3A_1402[%get3A_1403, %get3A_1404] {strides = array<i32>} : memref<64x128xf32, #tpu.memory_space<vmem>>, vector<16xf32>,
        %add3A_1406 = arith.addf %add3A_1399, %get3A_1405 : vector<16xf32>
        %swap3A_1407 = arith.constant 4 : i32
        %swap3A_1408 = arith.constant 0 : i32
        %swap3A_1409 = tpu.memref_slice %arg13[%multiple_of3A_377, %swap3A_1408] : memref<32x128xf32, #tpu.memory_space<vmem>> -> memref<8x128xf32, #tpu.memory_space<vmem>>
        %swap3A_1410 = arith.index_cast %swap3A_1407 : i32 to index
        %swap3A_1411 = arith.constant 0 : index
        %swap3A_1412 = tpu.vector_load %swap3A_1409[%swap3A_1410, %swap3A_1411] {strides = array<i32>} : memref<8x128xf32, #tpu.memory_space<vmem>>, vector<16xf32>,
        tpu.vector_store %swap3A_1409[%swap3A_1410, %swap3A_1411], %add3A_1406 {strides = array<i32>} : memref<8x128xf32, #tpu.memory_space<vmem>>, vector<16xf32>,
        %get3A_1413 = arith.constant 32 : i32
        %get3A_1414 = arith.constant 0 : i32
        %get3A_1415 = tpu.memref_slice %arg11[%multiple_of3A_374, %get3A_1414] : memref<256x128xf32, #tpu.memory_space<vmem>> -> memref<64x128xf32, #tpu.memory_space<vmem>>
        %get3A_1416 = arith.index_cast %get3A_1413 : i32 to index
        %get3A_1417 = arith.constant 16 : index
        %get3A_1418 = tpu.vector_load %get3A_1415[%get3A_1416, %get3A_1417] {strides = array<i32>} : memref<64x128xf32, #tpu.memory_space<vmem>>, vector<16xf32>,
        %get3A_1419 = arith.constant 33 : i32
        %get3A_1420 = arith.constant 0 : i32
        %get3A_1421 = tpu.memref_slice %arg11[%multiple_of3A_374, %get3A_1420] : memref<256x128xf32, #tpu.memory_space<vmem>> -> memref<64x128xf32, #tpu.memory_space<vmem>>
        %get3A_1422 = arith.index_cast %get3A_1419 : i32 to index
        %get3A_1423 = arith.constant 16 : index
        %get3A_1424 = tpu.vector_load %get3A_1421[%get3A_1422, %get3A_1423] {strides = array<i32>} : memref<64x128xf32, #tpu.memory_space<vmem>>, vector<16xf32>,
        %add3A_1425 = arith.addf %get3A_1418, %get3A_1424 : vector<16xf32>
        %get3A_1426 = arith.constant 34 : i32
        %get3A_1427 = arith.constant 0 : i32
        %get3A_1428 = tpu.memref_slice %arg11[%multiple_of3A_374, %get3A_1427] : memref<256x128xf32, #tpu.memory_space<vmem>> -> memref<64x128xf32, #tpu.memory_space<vmem>>
        %get3A_1429 = arith.index_cast %get3A_1426 : i32 to index
        %get3A_1430 = arith.constant 16 : index
        %get3A_1431 = tpu.vector_load %get3A_1428[%get3A_1429, %get3A_1430] {strides = array<i32>} : memref<64x128xf32, #tpu.memory_space<vmem>>, vector<16xf32>,
        %add3A_1432 = arith.addf %add3A_1425, %get3A_1431 : vector<16xf32>
        %get3A_1433 = arith.constant 35 : i32
        %get3A_1434 = arith.constant 0 : i32
        %get3A_1435 = tpu.memref_slice %arg11[%multiple_of3A_374, %get3A_1434] : memref<256x128xf32, #tpu.memory_space<vmem>> -> memref<64x128xf32, #tpu.memory_space<vmem>>
        %get3A_1436 = arith.index_cast %get3A_1433 : i32 to index
        %get3A_1437 = arith.constant 16 : index
        %get3A_1438 = tpu.vector_load %get3A_1435[%get3A_1436, %get3A_1437] {strides = array<i32>} : memref<64x128xf32, #tpu.memory_space<vmem>>, vector<16xf32>,
        %add3A_1439 = arith.addf %add3A_1432, %get3A_1438 : vector<16xf32>
        %get3A_1440 = arith.constant 36 : i32
        %get3A_1441 = arith.constant 0 : i32
        %get3A_1442 = tpu.memref_slice %arg11[%multiple_of3A_374, %get3A_1441] : memref<256x128xf32, #tpu.memory_space<vmem>> -> memref<64x128xf32, #tpu.memory_space<vmem>>
        %get3A_1443 = arith.index_cast %get3A_1440 : i32 to index
        %get3A_1444 = arith.constant 16 : index
        %get3A_1445 = tpu.vector_load %get3A_1442[%get3A_1443, %get3A_1444] {strides = array<i32>} : memref<64x128xf32, #tpu.memory_space<vmem>>, vector<16xf32>,
        %add3A_1446 = arith.addf %add3A_1439, %get3A_1445 : vector<16xf32>
        %get3A_1447 = arith.constant 37 : i32
        %get3A_1448 = arith.constant 0 : i32
        %get3A_1449 = tpu.memref_slice %arg11[%multiple_of3A_374, %get3A_1448] : memref<256x128xf32, #tpu.memory_space<vmem>> -> memref<64x128xf32, #tpu.memory_space<vmem>>
        %get3A_1450 = arith.index_cast %get3A_1447 : i32 to index
        %get3A_1451 = arith.constant 16 : index
        %get3A_1452 = tpu.vector_load %get3A_1449[%get3A_1450, %get3A_1451] {strides = array<i32>} : memref<64x128xf32, #tpu.memory_space<vmem>>, vector<16xf32>,
        %add3A_1453 = arith.addf %add3A_1446, %get3A_1452 : vector<16xf32>
        %get3A_1454 = arith.constant 38 : i32
        %get3A_1455 = arith.constant 0 : i32
        %get3A_1456 = tpu.memref_slice %arg11[%multiple_of3A_374, %get3A_1455] : memref<256x128xf32, #tpu.memory_space<vmem>> -> memref<64x128xf32, #tpu.memory_space<vmem>>
        %get3A_1457 = arith.index_cast %get3A_1454 : i32 to index
        %get3A_1458 = arith.constant 16 : index
        %get3A_1459 = tpu.vector_load %get3A_1456[%get3A_1457, %get3A_1458] {strides = array<i32>} : memref<64x128xf32, #tpu.memory_space<vmem>>, vector<16xf32>,
        %add3A_1460 = arith.addf %add3A_1453, %get3A_1459 : vector<16xf32>
        %get3A_1461 = arith.constant 39 : i32
        %get3A_1462 = arith.constant 0 : i32
        %get3A_1463 = tpu.memref_slice %arg11[%multiple_of3A_374, %get3A_1462] : memref<256x128xf32, #tpu.memory_space<vmem>> -> memref<64x128xf32, #tpu.memory_space<vmem>>
        %get3A_1464 = arith.index_cast %get3A_1461 : i32 to index
        %get3A_1465 = arith.constant 16 : index
        %get3A_1466 = tpu.vector_load %get3A_1463[%get3A_1464, %get3A_1465] {strides = array<i32>} : memref<64x128xf32, #tpu.memory_space<vmem>>, vector<16xf32>,
        %add3A_1467 = arith.addf %add3A_1460, %get3A_1466 : vector<16xf32>
        %swap3A_1468 = arith.constant 4 : i32
        %swap3A_1469 = arith.constant 0 : i32
        %swap3A_1470 = tpu.memref_slice %arg13[%multiple_of3A_377, %swap3A_1469] : memref<32x128xf32, #tpu.memory_space<vmem>> -> memref<8x128xf32, #tpu.memory_space<vmem>>
        %swap3A_1471 = arith.index_cast %swap3A_1468 : i32 to index
        %swap3A_1472 = arith.constant 16 : index
        %swap3A_1473 = tpu.vector_load %swap3A_1470[%swap3A_1471, %swap3A_1472] {strides = array<i32>} : memref<8x128xf32, #tpu.memory_space<vmem>>, vector<16xf32>,
        tpu.vector_store %swap3A_1470[%swap3A_1471, %swap3A_1472], %add3A_1467 {strides = array<i32>} : memref<8x128xf32, #tpu.memory_space<vmem>>, vector<16xf32>,
        %get3A_1474 = arith.constant 32 : i32
        %get3A_1475 = arith.constant 0 : i32
        %get3A_1476 = tpu.memref_slice %arg11[%multiple_of3A_374, %get3A_1475] : memref<256x128xf32, #tpu.memory_space<vmem>> -> memref<64x128xf32, #tpu.memory_space<vmem>>
        %get3A_1477 = arith.index_cast %get3A_1474 : i32 to index
        %get3A_1478 = arith.constant 32 : index
        %get3A_1479 = tpu.vector_load %get3A_1476[%get3A_1477, %get3A_1478] {strides = array<i32>} : memref<64x128xf32, #tpu.memory_space<vmem>>, vector<16xf32>,
        %get3A_1480 = arith.constant 33 : i32
        %get3A_1481 = arith.constant 0 : i32
        %get3A_1482 = tpu.memref_slice %arg11[%multiple_of3A_374, %get3A_1481] : memref<256x128xf32, #tpu.memory_space<vmem>> -> memref<64x128xf32, #tpu.memory_space<vmem>>
        %get3A_1483 = arith.index_cast %get3A_1480 : i32 to index
        %get3A_1484 = arith.constant 32 : index
        %get3A_1485 = tpu.vector_load %get3A_1482[%get3A_1483, %get3A_1484] {strides = array<i32>} : memref<64x128xf32, #tpu.memory_space<vmem>>, vector<16xf32>,
        %add3A_1486 = arith.addf %get3A_1479, %get3A_1485 : vector<16xf32>
        %get3A_1487 = arith.constant 34 : i32
        %get3A_1488 = arith.constant 0 : i32
        %get3A_1489 = tpu.memref_slice %arg11[%multiple_of3A_374, %get3A_1488] : memref<256x128xf32, #tpu.memory_space<vmem>> -> memref<64x128xf32, #tpu.memory_space<vmem>>
        %get3A_1490 = arith.index_cast %get3A_1487 : i32 to index
        %get3A_1491 = arith.constant 32 : index
        %get3A_1492 = tpu.vector_load %get3A_1489[%get3A_1490, %get3A_1491] {strides = array<i32>} : memref<64x128xf32, #tpu.memory_space<vmem>>, vector<16xf32>,
        %add3A_1493 = arith.addf %add3A_1486, %get3A_1492 : vector<16xf32>
        %get3A_1494 = arith.constant 35 : i32
        %get3A_1495 = arith.constant 0 : i32
        %get3A_1496 = tpu.memref_slice %arg11[%multiple_of3A_374, %get3A_1495] : memref<256x128xf32, #tpu.memory_space<vmem>> -> memref<64x128xf32, #tpu.memory_space<vmem>>
        %get3A_1497 = arith.index_cast %get3A_1494 : i32 to index
        %get3A_1498 = arith.constant 32 : index
        %get3A_1499 = tpu.vector_load %get3A_1496[%get3A_1497, %get3A_1498] {strides = array<i32>} : memref<64x128xf32, #tpu.memory_space<vmem>>, vector<16xf32>,
        %add3A_1500 = arith.addf %add3A_1493, %get3A_1499 : vector<16xf32>
        %get3A_1501 = arith.constant 36 : i32
        %get3A_1502 = arith.constant 0 : i32
        %get3A_1503 = tpu.memref_slice %arg11[%multiple_of3A_374, %get3A_1502] : memref<256x128xf32, #tpu.memory_space<vmem>> -> memref<64x128xf32, #tpu.memory_space<vmem>>
        %get3A_1504 = arith.index_cast %get3A_1501 : i32 to index
        %get3A_1505 = arith.constant 32 : index
        %get3A_1506 = tpu.vector_load %get3A_1503[%get3A_1504, %get3A_1505] {strides = array<i32>} : memref<64x128xf32, #tpu.memory_space<vmem>>, vector<16xf32>,
        %add3A_1507 = arith.addf %add3A_1500, %get3A_1506 : vector<16xf32>
        %get3A_1508 = arith.constant 37 : i32
        %get3A_1509 = arith.constant 0 : i32
        %get3A_1510 = tpu.memref_slice %arg11[%multiple_of3A_374, %get3A_1509] : memref<256x128xf32, #tpu.memory_space<vmem>> -> memref<64x128xf32, #tpu.memory_space<vmem>>
        %get3A_1511 = arith.index_cast %get3A_1508 : i32 to index
        %get3A_1512 = arith.constant 32 : index
        %get3A_1513 = tpu.vector_load %get3A_1510[%get3A_1511, %get3A_1512] {strides = array<i32>} : memref<64x128xf32, #tpu.memory_space<vmem>>, vector<16xf32>,
        %add3A_1514 = arith.addf %add3A_1507, %get3A_1513 : vector<16xf32>
        %get3A_1515 = arith.constant 38 : i32
        %get3A_1516 = arith.constant 0 : i32
        %get3A_1517 = tpu.memref_slice %arg11[%multiple_of3A_374, %get3A_1516] : memref<256x128xf32, #tpu.memory_space<vmem>> -> memref<64x128xf32, #tpu.memory_space<vmem>>
        %get3A_1518 = arith.index_cast %get3A_1515 : i32 to index
        %get3A_1519 = arith.constant 32 : index
        %get3A_1520 = tpu.vector_load %get3A_1517[%get3A_1518, %get3A_1519] {strides = array<i32>} : memref<64x128xf32, #tpu.memory_space<vmem>>, vector<16xf32>,
        %add3A_1521 = arith.addf %add3A_1514, %get3A_1520 : vector<16xf32>
        %get3A_1522 = arith.constant 39 : i32
        %get3A_1523 = arith.constant 0 : i32
        %get3A_1524 = tpu.memref_slice %arg11[%multiple_of3A_374, %get3A_1523] : memref<256x128xf32, #tpu.memory_space<vmem>> -> memref<64x128xf32, #tpu.memory_space<vmem>>
        %get3A_1525 = arith.index_cast %get3A_1522 : i32 to index
        %get3A_1526 = arith.constant 32 : index
        %get3A_1527 = tpu.vector_load %get3A_1524[%get3A_1525, %get3A_1526] {strides = array<i32>} : memref<64x128xf32, #tpu.memory_space<vmem>>, vector<16xf32>,
        %add3A_1528 = arith.addf %add3A_1521, %get3A_1527 : vector<16xf32>
        %swap3A_1529 = arith.constant 4 : i32
        %swap3A_1530 = arith.constant 0 : i32
        %swap3A_1531 = tpu.memref_slice %arg13[%multiple_of3A_377, %swap3A_1530] : memref<32x128xf32, #tpu.memory_space<vmem>> -> memref<8x128xf32, #tpu.memory_space<vmem>>
        %swap3A_1532 = arith.index_cast %swap3A_1529 : i32 to index
        %swap3A_1533 = arith.constant 32 : index
        %swap3A_1534 = tpu.vector_load %swap3A_1531[%swap3A_1532, %swap3A_1533] {strides = array<i32>} : memref<8x128xf32, #tpu.memory_space<vmem>>, vector<16xf32>,
        tpu.vector_store %swap3A_1531[%swap3A_1532, %swap3A_1533], %add3A_1528 {strides = array<i32>} : memref<8x128xf32, #tpu.memory_space<vmem>>, vector<16xf32>,
        %get3A_1535 = arith.constant 32 : i32
        %get3A_1536 = arith.constant 0 : i32
        %get3A_1537 = tpu.memref_slice %arg11[%multiple_of3A_374, %get3A_1536] : memref<256x128xf32, #tpu.memory_space<vmem>> -> memref<64x128xf32, #tpu.memory_space<vmem>>
        %get3A_1538 = arith.index_cast %get3A_1535 : i32 to index
        %get3A_1539 = arith.constant 48 : index
        %get3A_1540 = tpu.vector_load %get3A_1537[%get3A_1538, %get3A_1539] {strides = array<i32>} : memref<64x128xf32, #tpu.memory_space<vmem>>, vector<16xf32>,
        %get3A_1541 = arith.constant 33 : i32
        %get3A_1542 = arith.constant 0 : i32
        %get3A_1543 = tpu.memref_slice %arg11[%multiple_of3A_374, %get3A_1542] : memref<256x128xf32, #tpu.memory_space<vmem>> -> memref<64x128xf32, #tpu.memory_space<vmem>>
        %get3A_1544 = arith.index_cast %get3A_1541 : i32 to index
        %get3A_1545 = arith.constant 48 : index
        %get3A_1546 = tpu.vector_load %get3A_1543[%get3A_1544, %get3A_1545] {strides = array<i32>} : memref<64x128xf32, #tpu.memory_space<vmem>>, vector<16xf32>,
        %add3A_1547 = arith.addf %get3A_1540, %get3A_1546 : vector<16xf32>
        %get3A_1548 = arith.constant 34 : i32
        %get3A_1549 = arith.constant 0 : i32
        %get3A_1550 = tpu.memref_slice %arg11[%multiple_of3A_374, %get3A_1549] : memref<256x128xf32, #tpu.memory_space<vmem>> -> memref<64x128xf32, #tpu.memory_space<vmem>>
        %get3A_1551 = arith.index_cast %get3A_1548 : i32 to index
        %get3A_1552 = arith.constant 48 : index
        %get3A_1553 = tpu.vector_load %get3A_1550[%get3A_1551, %get3A_1552] {strides = array<i32>} : memref<64x128xf32, #tpu.memory_space<vmem>>, vector<16xf32>,
        %add3A_1554 = arith.addf %add3A_1547, %get3A_1553 : vector<16xf32>
        %get3A_1555 = arith.constant 35 : i32
        %get3A_1556 = arith.constant 0 : i32
        %get3A_1557 = tpu.memref_slice %arg11[%multiple_of3A_374, %get3A_1556] : memref<256x128xf32, #tpu.memory_space<vmem>> -> memref<64x128xf32, #tpu.memory_space<vmem>>
        %get3A_1558 = arith.index_cast %get3A_1555 : i32 to index
        %get3A_1559 = arith.constant 48 : index
        %get3A_1560 = tpu.vector_load %get3A_1557[%get3A_1558, %get3A_1559] {strides = array<i32>} : memref<64x128xf32, #tpu.memory_space<vmem>>, vector<16xf32>,
        %add3A_1561 = arith.addf %add3A_1554, %get3A_1560 : vector<16xf32>
        %get3A_1562 = arith.constant 36 : i32
        %get3A_1563 = arith.constant 0 : i32
        %get3A_1564 = tpu.memref_slice %arg11[%multiple_of3A_374, %get3A_1563] : memref<256x128xf32, #tpu.memory_space<vmem>> -> memref<64x128xf32, #tpu.memory_space<vmem>>
        %get3A_1565 = arith.index_cast %get3A_1562 : i32 to index
        %get3A_1566 = arith.constant 48 : index
        %get3A_1567 = tpu.vector_load %get3A_1564[%get3A_1565, %get3A_1566] {strides = array<i32>} : memref<64x128xf32, #tpu.memory_space<vmem>>, vector<16xf32>,
        %add3A_1568 = arith.addf %add3A_1561, %get3A_1567 : vector<16xf32>
        %get3A_1569 = arith.constant 37 : i32
        %get3A_1570 = arith.constant 0 : i32
        %get3A_1571 = tpu.memref_slice %arg11[%multiple_of3A_374, %get3A_1570] : memref<256x128xf32, #tpu.memory_space<vmem>> -> memref<64x128xf32, #tpu.memory_space<vmem>>
        %get3A_1572 = arith.index_cast %get3A_1569 : i32 to index
        %get3A_1573 = arith.constant 48 : index
        %get3A_1574 = tpu.vector_load %get3A_1571[%get3A_1572, %get3A_1573] {strides = array<i32>} : memref<64x128xf32, #tpu.memory_space<vmem>>, vector<16xf32>,
        %add3A_1575 = arith.addf %add3A_1568, %get3A_1574 : vector<16xf32>
        %get3A_1576 = arith.constant 38 : i32
        %get3A_1577 = arith.constant 0 : i32
        %get3A_1578 = tpu.memref_slice %arg11[%multiple_of3A_374, %get3A_1577] : memref<256x128xf32, #tpu.memory_space<vmem>> -> memref<64x128xf32, #tpu.memory_space<vmem>>
        %get3A_1579 = arith.index_cast %get3A_1576 : i32 to index
        %get3A_1580 = arith.constant 48 : index
        %get3A_1581 = tpu.vector_load %get3A_1578[%get3A_1579, %get3A_1580] {strides = array<i32>} : memref<64x128xf32, #tpu.memory_space<vmem>>, vector<16xf32>,
        %add3A_1582 = arith.addf %add3A_1575, %get3A_1581 : vector<16xf32>
        %get3A_1583 = arith.constant 39 : i32
        %get3A_1584 = arith.constant 0 : i32
        %get3A_1585 = tpu.memref_slice %arg11[%multiple_of3A_374, %get3A_1584] : memref<256x128xf32, #tpu.memory_space<vmem>> -> memref<64x128xf32, #tpu.memory_space<vmem>>
        %get3A_1586 = arith.index_cast %get3A_1583 : i32 to index
        %get3A_1587 = arith.constant 48 : index
        %get3A_1588 = tpu.vector_load %get3A_1585[%get3A_1586, %get3A_1587] {strides = array<i32>} : memref<64x128xf32, #tpu.memory_space<vmem>>, vector<16xf32>,
        %add3A_1589 = arith.addf %add3A_1582, %get3A_1588 : vector<16xf32>
        %swap3A_1590 = arith.constant 4 : i32
        %swap3A_1591 = arith.constant 0 : i32
        %swap3A_1592 = tpu.memref_slice %arg13[%multiple_of3A_377, %swap3A_1591] : memref<32x128xf32, #tpu.memory_space<vmem>> -> memref<8x128xf32, #tpu.memory_space<vmem>>
        %swap3A_1593 = arith.index_cast %swap3A_1590 : i32 to index
        %swap3A_1594 = arith.constant 48 : index
        %swap3A_1595 = tpu.vector_load %swap3A_1592[%swap3A_1593, %swap3A_1594] {strides = array<i32>} : memref<8x128xf32, #tpu.memory_space<vmem>>, vector<16xf32>,
        tpu.vector_store %swap3A_1592[%swap3A_1593, %swap3A_1594], %add3A_1589 {strides = array<i32>} : memref<8x128xf32, #tpu.memory_space<vmem>>, vector<16xf32>,
        %get3A_1596 = arith.constant 40 : i32
        %get3A_1597 = arith.constant 0 : i32
        %get3A_1598 = tpu.memref_slice %arg11[%multiple_of3A_374, %get3A_1597] : memref<256x128xf32, #tpu.memory_space<vmem>> -> memref<64x128xf32, #tpu.memory_space<vmem>>
        %get3A_1599 = arith.index_cast %get3A_1596 : i32 to index
        %get3A_1600 = arith.constant 0 : index
        %get3A_1601 = tpu.vector_load %get3A_1598[%get3A_1599, %get3A_1600] {strides = array<i32>} : memref<64x128xf32, #tpu.memory_space<vmem>>, vector<16xf32>,
        %get3A_1602 = arith.constant 41 : i32
        %get3A_1603 = arith.constant 0 : i32
        %get3A_1604 = tpu.memref_slice %arg11[%multiple_of3A_374, %get3A_1603] : memref<256x128xf32, #tpu.memory_space<vmem>> -> memref<64x128xf32, #tpu.memory_space<vmem>>
        %get3A_1605 = arith.index_cast %get3A_1602 : i32 to index
        %get3A_1606 = arith.constant 0 : index
        %get3A_1607 = tpu.vector_load %get3A_1604[%get3A_1605, %get3A_1606] {strides = array<i32>} : memref<64x128xf32, #tpu.memory_space<vmem>>, vector<16xf32>,
        %add3A_1608 = arith.addf %get3A_1601, %get3A_1607 : vector<16xf32>
        %get3A_1609 = arith.constant 42 : i32
        %get3A_1610 = arith.constant 0 : i32
        %get3A_1611 = tpu.memref_slice %arg11[%multiple_of3A_374, %get3A_1610] : memref<256x128xf32, #tpu.memory_space<vmem>> -> memref<64x128xf32, #tpu.memory_space<vmem>>
        %get3A_1612 = arith.index_cast %get3A_1609 : i32 to index
        %get3A_1613 = arith.constant 0 : index
        %get3A_1614 = tpu.vector_load %get3A_1611[%get3A_1612, %get3A_1613] {strides = array<i32>} : memref<64x128xf32, #tpu.memory_space<vmem>>, vector<16xf32>,
        %add3A_1615 = arith.addf %add3A_1608, %get3A_1614 : vector<16xf32>
        %get3A_1616 = arith.constant 43 : i32
        %get3A_1617 = arith.constant 0 : i32
        %get3A_1618 = tpu.memref_slice %arg11[%multiple_of3A_374, %get3A_1617] : memref<256x128xf32, #tpu.memory_space<vmem>> -> memref<64x128xf32, #tpu.memory_space<vmem>>
        %get3A_1619 = arith.index_cast %get3A_1616 : i32 to index
        %get3A_1620 = arith.constant 0 : index
        %get3A_1621 = tpu.vector_load %get3A_1618[%get3A_1619, %get3A_1620] {strides = array<i32>} : memref<64x128xf32, #tpu.memory_space<vmem>>, vector<16xf32>,
        %add3A_1622 = arith.addf %add3A_1615, %get3A_1621 : vector<16xf32>
        %get3A_1623 = arith.constant 44 : i32
        %get3A_1624 = arith.constant 0 : i32
        %get3A_1625 = tpu.memref_slice %arg11[%multiple_of3A_374, %get3A_1624] : memref<256x128xf32, #tpu.memory_space<vmem>> -> memref<64x128xf32, #tpu.memory_space<vmem>>
        %get3A_1626 = arith.index_cast %get3A_1623 : i32 to index
        %get3A_1627 = arith.constant 0 : index
        %get3A_1628 = tpu.vector_load %get3A_1625[%get3A_1626, %get3A_1627] {strides = array<i32>} : memref<64x128xf32, #tpu.memory_space<vmem>>, vector<16xf32>,
        %add3A_1629 = arith.addf %add3A_1622, %get3A_1628 : vector<16xf32>
        %get3A_1630 = arith.constant 45 : i32
        %get3A_1631 = arith.constant 0 : i32
        %get3A_1632 = tpu.memref_slice %arg11[%multiple_of3A_374, %get3A_1631] : memref<256x128xf32, #tpu.memory_space<vmem>> -> memref<64x128xf32, #tpu.memory_space<vmem>>
        %get3A_1633 = arith.index_cast %get3A_1630 : i32 to index
        %get3A_1634 = arith.constant 0 : index
        %get3A_1635 = tpu.vector_load %get3A_1632[%get3A_1633, %get3A_1634] {strides = array<i32>} : memref<64x128xf32, #tpu.memory_space<vmem>>, vector<16xf32>,
        %add3A_1636 = arith.addf %add3A_1629, %get3A_1635 : vector<16xf32>
        %get3A_1637 = arith.constant 46 : i32
        %get3A_1638 = arith.constant 0 : i32
        %get3A_1639 = tpu.memref_slice %arg11[%multiple_of3A_374, %get3A_1638] : memref<256x128xf32, #tpu.memory_space<vmem>> -> memref<64x128xf32, #tpu.memory_space<vmem>>
        %get3A_1640 = arith.index_cast %get3A_1637 : i32 to index
        %get3A_1641 = arith.constant 0 : index
        %get3A_1642 = tpu.vector_load %get3A_1639[%get3A_1640, %get3A_1641] {strides = array<i32>} : memref<64x128xf32, #tpu.memory_space<vmem>>, vector<16xf32>,
        %add3A_1643 = arith.addf %add3A_1636, %get3A_1642 : vector<16xf32>
        %get3A_1644 = arith.constant 47 : i32
        %get3A_1645 = arith.constant 0 : i32
        %get3A_1646 = tpu.memref_slice %arg11[%multiple_of3A_374, %get3A_1645] : memref<256x128xf32, #tpu.memory_space<vmem>> -> memref<64x128xf32, #tpu.memory_space<vmem>>
        %get3A_1647 = arith.index_cast %get3A_1644 : i32 to index
        %get3A_1648 = arith.constant 0 : index
        %get3A_1649 = tpu.vector_load %get3A_1646[%get3A_1647, %get3A_1648] {strides = array<i32>} : memref<64x128xf32, #tpu.memory_space<vmem>>, vector<16xf32>,
        %add3A_1650 = arith.addf %add3A_1643, %get3A_1649 : vector<16xf32>
        %swap3A_1651 = arith.constant 5 : i32
        %swap3A_1652 = arith.constant 0 : i32
        %swap3A_1653 = tpu.memref_slice %arg13[%multiple_of3A_377, %swap3A_1652] : memref<32x128xf32, #tpu.memory_space<vmem>> -> memref<8x128xf32, #tpu.memory_space<vmem>>
        %swap3A_1654 = arith.index_cast %swap3A_1651 : i32 to index
        %swap3A_1655 = arith.constant 0 : index
        %swap3A_1656 = tpu.vector_load %swap3A_1653[%swap3A_1654, %swap3A_1655] {strides = array<i32>} : memref<8x128xf32, #tpu.memory_space<vmem>>, vector<16xf32>,
        tpu.vector_store %swap3A_1653[%swap3A_1654, %swap3A_1655], %add3A_1650 {strides = array<i32>} : memref<8x128xf32, #tpu.memory_space<vmem>>, vector<16xf32>,
        %get3A_1657 = arith.constant 40 : i32
        %get3A_1658 = arith.constant 0 : i32
        %get3A_1659 = tpu.memref_slice %arg11[%multiple_of3A_374, %get3A_1658] : memref<256x128xf32, #tpu.memory_space<vmem>> -> memref<64x128xf32, #tpu.memory_space<vmem>>
        %get3A_1660 = arith.index_cast %get3A_1657 : i32 to index
        %get3A_1661 = arith.constant 16 : index
        %get3A_1662 = tpu.vector_load %get3A_1659[%get3A_1660, %get3A_1661] {strides = array<i32>} : memref<64x128xf32, #tpu.memory_space<vmem>>, vector<16xf32>,
        %get3A_1663 = arith.constant 41 : i32
        %get3A_1664 = arith.constant 0 : i32
        %get3A_1665 = tpu.memref_slice %arg11[%multiple_of3A_374, %get3A_1664] : memref<256x128xf32, #tpu.memory_space<vmem>> -> memref<64x128xf32, #tpu.memory_space<vmem>>
        %get3A_1666 = arith.index_cast %get3A_1663 : i32 to index
        %get3A_1667 = arith.constant 16 : index
        %get3A_1668 = tpu.vector_load %get3A_1665[%get3A_1666, %get3A_1667] {strides = array<i32>} : memref<64x128xf32, #tpu.memory_space<vmem>>, vector<16xf32>,
        %add3A_1669 = arith.addf %get3A_1662, %get3A_1668 : vector<16xf32>
        %get3A_1670 = arith.constant 42 : i32
        %get3A_1671 = arith.constant 0 : i32
        %get3A_1672 = tpu.memref_slice %arg11[%multiple_of3A_374, %get3A_1671] : memref<256x128xf32, #tpu.memory_space<vmem>> -> memref<64x128xf32, #tpu.memory_space<vmem>>
        %get3A_1673 = arith.index_cast %get3A_1670 : i32 to index
        %get3A_1674 = arith.constant 16 : index
        %get3A_1675 = tpu.vector_load %get3A_1672[%get3A_1673, %get3A_1674] {strides = array<i32>} : memref<64x128xf32, #tpu.memory_space<vmem>>, vector<16xf32>,
        %add3A_1676 = arith.addf %add3A_1669, %get3A_1675 : vector<16xf32>
        %get3A_1677 = arith.constant 43 : i32
        %get3A_1678 = arith.constant 0 : i32
        %get3A_1679 = tpu.memref_slice %arg11[%multiple_of3A_374, %get3A_1678] : memref<256x128xf32, #tpu.memory_space<vmem>> -> memref<64x128xf32, #tpu.memory_space<vmem>>
        %get3A_1680 = arith.index_cast %get3A_1677 : i32 to index
        %get3A_1681 = arith.constant 16 : index
        %get3A_1682 = tpu.vector_load %get3A_1679[%get3A_1680, %get3A_1681] {strides = array<i32>} : memref<64x128xf32, #tpu.memory_space<vmem>>, vector<16xf32>,
        %add3A_1683 = arith.addf %add3A_1676, %get3A_1682 : vector<16xf32>
        %get3A_1684 = arith.constant 44 : i32
        %get3A_1685 = arith.constant 0 : i32
        %get3A_1686 = tpu.memref_slice %arg11[%multiple_of3A_374, %get3A_1685] : memref<256x128xf32, #tpu.memory_space<vmem>> -> memref<64x128xf32, #tpu.memory_space<vmem>>
        %get3A_1687 = arith.index_cast %get3A_1684 : i32 to index
        %get3A_1688 = arith.constant 16 : index
        %get3A_1689 = tpu.vector_load %get3A_1686[%get3A_1687, %get3A_1688] {strides = array<i32>} : memref<64x128xf32, #tpu.memory_space<vmem>>, vector<16xf32>,
        %add3A_1690 = arith.addf %add3A_1683, %get3A_1689 : vector<16xf32>
        %get3A_1691 = arith.constant 45 : i32
        %get3A_1692 = arith.constant 0 : i32
        %get3A_1693 = tpu.memref_slice %arg11[%multiple_of3A_374, %get3A_1692] : memref<256x128xf32, #tpu.memory_space<vmem>> -> memref<64x128xf32, #tpu.memory_space<vmem>>
        %get3A_1694 = arith.index_cast %get3A_1691 : i32 to index
        %get3A_1695 = arith.constant 16 : index
        %get3A_1696 = tpu.vector_load %get3A_1693[%get3A_1694, %get3A_1695] {strides = array<i32>} : memref<64x128xf32, #tpu.memory_space<vmem>>, vector<16xf32>,
        %add3A_1697 = arith.addf %add3A_1690, %get3A_1696 : vector<16xf32>
        %get3A_1698 = arith.constant 46 : i32
        %get3A_1699 = arith.constant 0 : i32
        %get3A_1700 = tpu.memref_slice %arg11[%multiple_of3A_374, %get3A_1699] : memref<256x128xf32, #tpu.memory_space<vmem>> -> memref<64x128xf32, #tpu.memory_space<vmem>>
        %get3A_1701 = arith.index_cast %get3A_1698 : i32 to index
        %get3A_1702 = arith.constant 16 : index
        %get3A_1703 = tpu.vector_load %get3A_1700[%get3A_1701, %get3A_1702] {strides = array<i32>} : memref<64x128xf32, #tpu.memory_space<vmem>>, vector<16xf32>,
        %add3A_1704 = arith.addf %add3A_1697, %get3A_1703 : vector<16xf32>
        %get3A_1705 = arith.constant 47 : i32
        %get3A_1706 = arith.constant 0 : i32
        %get3A_1707 = tpu.memref_slice %arg11[%multiple_of3A_374, %get3A_1706] : memref<256x128xf32, #tpu.memory_space<vmem>> -> memref<64x128xf32, #tpu.memory_space<vmem>>
        %get3A_1708 = arith.index_cast %get3A_1705 : i32 to index
        %get3A_1709 = arith.constant 16 : index
        %get3A_1710 = tpu.vector_load %get3A_1707[%get3A_1708, %get3A_1709] {strides = array<i32>} : memref<64x128xf32, #tpu.memory_space<vmem>>, vector<16xf32>,
        %add3A_1711 = arith.addf %add3A_1704, %get3A_1710 : vector<16xf32>
        %swap3A_1712 = arith.constant 5 : i32
        %swap3A_1713 = arith.constant 0 : i32
        %swap3A_1714 = tpu.memref_slice %arg13[%multiple_of3A_377, %swap3A_1713] : memref<32x128xf32, #tpu.memory_space<vmem>> -> memref<8x128xf32, #tpu.memory_space<vmem>>
        %swap3A_1715 = arith.index_cast %swap3A_1712 : i32 to index
        %swap3A_1716 = arith.constant 16 : index
        %swap3A_1717 = tpu.vector_load %swap3A_1714[%swap3A_1715, %swap3A_1716] {strides = array<i32>} : memref<8x128xf32, #tpu.memory_space<vmem>>, vector<16xf32>,
        tpu.vector_store %swap3A_1714[%swap3A_1715, %swap3A_1716], %add3A_1711 {strides = array<i32>} : memref<8x128xf32, #tpu.memory_space<vmem>>, vector<16xf32>,
        %get3A_1718 = arith.constant 40 : i32
        %get3A_1719 = arith.constant 0 : i32
        %get3A_1720 = tpu.memref_slice %arg11[%multiple_of3A_374, %get3A_1719] : memref<256x128xf32, #tpu.memory_space<vmem>> -> memref<64x128xf32, #tpu.memory_space<vmem>>
        %get3A_1721 = arith.index_cast %get3A_1718 : i32 to index
        %get3A_1722 = arith.constant 32 : index
        %get3A_1723 = tpu.vector_load %get3A_1720[%get3A_1721, %get3A_1722] {strides = array<i32>} : memref<64x128xf32, #tpu.memory_space<vmem>>, vector<16xf32>,
        %get3A_1724 = arith.constant 41 : i32
        %get3A_1725 = arith.constant 0 : i32
        %get3A_1726 = tpu.memref_slice %arg11[%multiple_of3A_374, %get3A_1725] : memref<256x128xf32, #tpu.memory_space<vmem>> -> memref<64x128xf32, #tpu.memory_space<vmem>>
        %get3A_1727 = arith.index_cast %get3A_1724 : i32 to index
        %get3A_1728 = arith.constant 32 : index
        %get3A_1729 = tpu.vector_load %get3A_1726[%get3A_1727, %get3A_1728] {strides = array<i32>} : memref<64x128xf32, #tpu.memory_space<vmem>>, vector<16xf32>,
        %add3A_1730 = arith.addf %get3A_1723, %get3A_1729 : vector<16xf32>
        %get3A_1731 = arith.constant 42 : i32
        %get3A_1732 = arith.constant 0 : i32
        %get3A_1733 = tpu.memref_slice %arg11[%multiple_of3A_374, %get3A_1732] : memref<256x128xf32, #tpu.memory_space<vmem>> -> memref<64x128xf32, #tpu.memory_space<vmem>>
        %get3A_1734 = arith.index_cast %get3A_1731 : i32 to index
        %get3A_1735 = arith.constant 32 : index
        %get3A_1736 = tpu.vector_load %get3A_1733[%get3A_1734, %get3A_1735] {strides = array<i32>} : memref<64x128xf32, #tpu.memory_space<vmem>>, vector<16xf32>,
        %add3A_1737 = arith.addf %add3A_1730, %get3A_1736 : vector<16xf32>
        %get3A_1738 = arith.constant 43 : i32
        %get3A_1739 = arith.constant 0 : i32
        %get3A_1740 = tpu.memref_slice %arg11[%multiple_of3A_374, %get3A_1739] : memref<256x128xf32, #tpu.memory_space<vmem>> -> memref<64x128xf32, #tpu.memory_space<vmem>>
        %get3A_1741 = arith.index_cast %get3A_1738 : i32 to index
        %get3A_1742 = arith.constant 32 : index
        %get3A_1743 = tpu.vector_load %get3A_1740[%get3A_1741, %get3A_1742] {strides = array<i32>} : memref<64x128xf32, #tpu.memory_space<vmem>>, vector<16xf32>,
        %add3A_1744 = arith.addf %add3A_1737, %get3A_1743 : vector<16xf32>
        %get3A_1745 = arith.constant 44 : i32
        %get3A_1746 = arith.constant 0 : i32
        %get3A_1747 = tpu.memref_slice %arg11[%multiple_of3A_374, %get3A_1746] : memref<256x128xf32, #tpu.memory_space<vmem>> -> memref<64x128xf32, #tpu.memory_space<vmem>>
        %get3A_1748 = arith.index_cast %get3A_1745 : i32 to index
        %get3A_1749 = arith.constant 32 : index
        %get3A_1750 = tpu.vector_load %get3A_1747[%get3A_1748, %get3A_1749] {strides = array<i32>} : memref<64x128xf32, #tpu.memory_space<vmem>>, vector<16xf32>,
        %add3A_1751 = arith.addf %add3A_1744, %get3A_1750 : vector<16xf32>
        %get3A_1752 = arith.constant 45 : i32
        %get3A_1753 = arith.constant 0 : i32
        %get3A_1754 = tpu.memref_slice %arg11[%multiple_of3A_374, %get3A_1753] : memref<256x128xf32, #tpu.memory_space<vmem>> -> memref<64x128xf32, #tpu.memory_space<vmem>>
        %get3A_1755 = arith.index_cast %get3A_1752 : i32 to index
        %get3A_1756 = arith.constant 32 : index
        %get3A_1757 = tpu.vector_load %get3A_1754[%get3A_1755, %get3A_1756] {strides = array<i32>} : memref<64x128xf32, #tpu.memory_space<vmem>>, vector<16xf32>,
        %add3A_1758 = arith.addf %add3A_1751, %get3A_1757 : vector<16xf32>
        %get3A_1759 = arith.constant 46 : i32
        %get3A_1760 = arith.constant 0 : i32
        %get3A_1761 = tpu.memref_slice %arg11[%multiple_of3A_374, %get3A_1760] : memref<256x128xf32, #tpu.memory_space<vmem>> -> memref<64x128xf32, #tpu.memory_space<vmem>>
        %get3A_1762 = arith.index_cast %get3A_1759 : i32 to index
        %get3A_1763 = arith.constant 32 : index
        %get3A_1764 = tpu.vector_load %get3A_1761[%get3A_1762, %get3A_1763] {strides = array<i32>} : memref<64x128xf32, #tpu.memory_space<vmem>>, vector<16xf32>,
        %add3A_1765 = arith.addf %add3A_1758, %get3A_1764 : vector<16xf32>
        %get3A_1766 = arith.constant 47 : i32
        %get3A_1767 = arith.constant 0 : i32
        %get3A_1768 = tpu.memref_slice %arg11[%multiple_of3A_374, %get3A_1767] : memref<256x128xf32, #tpu.memory_space<vmem>> -> memref<64x128xf32, #tpu.memory_space<vmem>>
        %get3A_1769 = arith.index_cast %get3A_1766 : i32 to index
        %get3A_1770 = arith.constant 32 : index
        %get3A_1771 = tpu.vector_load %get3A_1768[%get3A_1769, %get3A_1770] {strides = array<i32>} : memref<64x128xf32, #tpu.memory_space<vmem>>, vector<16xf32>,
        %add3A_1772 = arith.addf %add3A_1765, %get3A_1771 : vector<16xf32>
        %swap3A_1773 = arith.constant 5 : i32
        %swap3A_1774 = arith.constant 0 : i32
        %swap3A_1775 = tpu.memref_slice %arg13[%multiple_of3A_377, %swap3A_1774] : memref<32x128xf32, #tpu.memory_space<vmem>> -> memref<8x128xf32, #tpu.memory_space<vmem>>
        %swap3A_1776 = arith.index_cast %swap3A_1773 : i32 to index
        %swap3A_1777 = arith.constant 32 : index
        %swap3A_1778 = tpu.vector_load %swap3A_1775[%swap3A_1776, %swap3A_1777] {strides = array<i32>} : memref<8x128xf32, #tpu.memory_space<vmem>>, vector<16xf32>,
        tpu.vector_store %swap3A_1775[%swap3A_1776, %swap3A_1777], %add3A_1772 {strides = array<i32>} : memref<8x128xf32, #tpu.memory_space<vmem>>, vector<16xf32>,
        %get3A_1779 = arith.constant 40 : i32
        %get3A_1780 = arith.constant 0 : i32
        %get3A_1781 = tpu.memref_slice %arg11[%multiple_of3A_374, %get3A_1780] : memref<256x128xf32, #tpu.memory_space<vmem>> -> memref<64x128xf32, #tpu.memory_space<vmem>>
        %get3A_1782 = arith.index_cast %get3A_1779 : i32 to index
        %get3A_1783 = arith.constant 48 : index
        %get3A_1784 = tpu.vector_load %get3A_1781[%get3A_1782, %get3A_1783] {strides = array<i32>} : memref<64x128xf32, #tpu.memory_space<vmem>>, vector<16xf32>,
        %get3A_1785 = arith.constant 41 : i32
        %get3A_1786 = arith.constant 0 : i32
        %get3A_1787 = tpu.memref_slice %arg11[%multiple_of3A_374, %get3A_1786] : memref<256x128xf32, #tpu.memory_space<vmem>> -> memref<64x128xf32, #tpu.memory_space<vmem>>
        %get3A_1788 = arith.index_cast %get3A_1785 : i32 to index
        %get3A_1789 = arith.constant 48 : index
        %get3A_1790 = tpu.vector_load %get3A_1787[%get3A_1788, %get3A_1789] {strides = array<i32>} : memref<64x128xf32, #tpu.memory_space<vmem>>, vector<16xf32>,
        %add3A_1791 = arith.addf %get3A_1784, %get3A_1790 : vector<16xf32>
        %get3A_1792 = arith.constant 42 : i32
        %get3A_1793 = arith.constant 0 : i32
        %get3A_1794 = tpu.memref_slice %arg11[%multiple_of3A_374, %get3A_1793] : memref<256x128xf32, #tpu.memory_space<vmem>> -> memref<64x128xf32, #tpu.memory_space<vmem>>
        %get3A_1795 = arith.index_cast %get3A_1792 : i32 to index
        %get3A_1796 = arith.constant 48 : index
        %get3A_1797 = tpu.vector_load %get3A_1794[%get3A_1795, %get3A_1796] {strides = array<i32>} : memref<64x128xf32, #tpu.memory_space<vmem>>, vector<16xf32>,
        %add3A_1798 = arith.addf %add3A_1791, %get3A_1797 : vector<16xf32>
        %get3A_1799 = arith.constant 43 : i32
        %get3A_1800 = arith.constant 0 : i32
        %get3A_1801 = tpu.memref_slice %arg11[%multiple_of3A_374, %get3A_1800] : memref<256x128xf32, #tpu.memory_space<vmem>> -> memref<64x128xf32, #tpu.memory_space<vmem>>
        %get3A_1802 = arith.index_cast %get3A_1799 : i32 to index
        %get3A_1803 = arith.constant 48 : index
        %get3A_1804 = tpu.vector_load %get3A_1801[%get3A_1802, %get3A_1803] {strides = array<i32>} : memref<64x128xf32, #tpu.memory_space<vmem>>, vector<16xf32>,
        %add3A_1805 = arith.addf %add3A_1798, %get3A_1804 : vector<16xf32>
        %get3A_1806 = arith.constant 44 : i32
        %get3A_1807 = arith.constant 0 : i32
        %get3A_1808 = tpu.memref_slice %arg11[%multiple_of3A_374, %get3A_1807] : memref<256x128xf32, #tpu.memory_space<vmem>> -> memref<64x128xf32, #tpu.memory_space<vmem>>
        %get3A_1809 = arith.index_cast %get3A_1806 : i32 to index
        %get3A_1810 = arith.constant 48 : index
        %get3A_1811 = tpu.vector_load %get3A_1808[%get3A_1809, %get3A_1810] {strides = array<i32>} : memref<64x128xf32, #tpu.memory_space<vmem>>, vector<16xf32>,
        %add3A_1812 = arith.addf %add3A_1805, %get3A_1811 : vector<16xf32>
        %get3A_1813 = arith.constant 45 : i32
        %get3A_1814 = arith.constant 0 : i32
        %get3A_1815 = tpu.memref_slice %arg11[%multiple_of3A_374, %get3A_1814] : memref<256x128xf32, #tpu.memory_space<vmem>> -> memref<64x128xf32, #tpu.memory_space<vmem>>
        %get3A_1816 = arith.index_cast %get3A_1813 : i32 to index
        %get3A_1817 = arith.constant 48 : index
        %get3A_1818 = tpu.vector_load %get3A_1815[%get3A_1816, %get3A_1817] {strides = array<i32>} : memref<64x128xf32, #tpu.memory_space<vmem>>, vector<16xf32>,
        %add3A_1819 = arith.addf %add3A_1812, %get3A_1818 : vector<16xf32>
        %get3A_1820 = arith.constant 46 : i32
        %get3A_1821 = arith.constant 0 : i32
        %get3A_1822 = tpu.memref_slice %arg11[%multiple_of3A_374, %get3A_1821] : memref<256x128xf32, #tpu.memory_space<vmem>> -> memref<64x128xf32, #tpu.memory_space<vmem>>
        %get3A_1823 = arith.index_cast %get3A_1820 : i32 to index
        %get3A_1824 = arith.constant 48 : index
        %get3A_1825 = tpu.vector_load %get3A_1822[%get3A_1823, %get3A_1824] {strides = array<i32>} : memref<64x128xf32, #tpu.memory_space<vmem>>, vector<16xf32>,
        %add3A_1826 = arith.addf %add3A_1819, %get3A_1825 : vector<16xf32>
        %get3A_1827 = arith.constant 47 : i32
        %get3A_1828 = arith.constant 0 : i32
        %get3A_1829 = tpu.memref_slice %arg11[%multiple_of3A_374, %get3A_1828] : memref<256x128xf32, #tpu.memory_space<vmem>> -> memref<64x128xf32, #tpu.memory_space<vmem>>
        %get3A_1830 = arith.index_cast %get3A_1827 : i32 to index
        %get3A_1831 = arith.constant 48 : index
        %get3A_1832 = tpu.vector_load %get3A_1829[%get3A_1830, %get3A_1831] {strides = array<i32>} : memref<64x128xf32, #tpu.memory_space<vmem>>, vector<16xf32>,
        %add3A_1833 = arith.addf %add3A_1826, %get3A_1832 : vector<16xf32>
        %swap3A_1834 = arith.constant 5 : i32
        %swap3A_1835 = arith.constant 0 : i32
        %swap3A_1836 = tpu.memref_slice %arg13[%multiple_of3A_377, %swap3A_1835] : memref<32x128xf32, #tpu.memory_space<vmem>> -> memref<8x128xf32, #tpu.memory_space<vmem>>
        %swap3A_1837 = arith.index_cast %swap3A_1834 : i32 to index
        %swap3A_1838 = arith.constant 48 : index
        %swap3A_1839 = tpu.vector_load %swap3A_1836[%swap3A_1837, %swap3A_1838] {strides = array<i32>} : memref<8x128xf32, #tpu.memory_space<vmem>>, vector<16xf32>,
        tpu.vector_store %swap3A_1836[%swap3A_1837, %swap3A_1838], %add3A_1833 {strides = array<i32>} : memref<8x128xf32, #tpu.memory_space<vmem>>, vector<16xf32>,
        %get3A_1840 = arith.constant 48 : i32
        %get3A_1841 = arith.constant 0 : i32
        %get3A_1842 = tpu.memref_slice %arg11[%multiple_of3A_374, %get3A_1841] : memref<256x128xf32, #tpu.memory_space<vmem>> -> memref<64x128xf32, #tpu.memory_space<vmem>>
        %get3A_1843 = arith.index_cast %get3A_1840 : i32 to index
        %get3A_1844 = arith.constant 0 : index
        %get3A_1845 = tpu.vector_load %get3A_1842[%get3A_1843, %get3A_1844] {strides = array<i32>} : memref<64x128xf32, #tpu.memory_space<vmem>>, vector<16xf32>,
        %get3A_1846 = arith.constant 49 : i32
        %get3A_1847 = arith.constant 0 : i32
        %get3A_1848 = tpu.memref_slice %arg11[%multiple_of3A_374, %get3A_1847] : memref<256x128xf32, #tpu.memory_space<vmem>> -> memref<64x128xf32, #tpu.memory_space<vmem>>
        %get3A_1849 = arith.index_cast %get3A_1846 : i32 to index
        %get3A_1850 = arith.constant 0 : index
        %get3A_1851 = tpu.vector_load %get3A_1848[%get3A_1849, %get3A_1850] {strides = array<i32>} : memref<64x128xf32, #tpu.memory_space<vmem>>, vector<16xf32>,
        %add3A_1852 = arith.addf %get3A_1845, %get3A_1851 : vector<16xf32>
        %get3A_1853 = arith.constant 50 : i32
        %get3A_1854 = arith.constant 0 : i32
        %get3A_1855 = tpu.memref_slice %arg11[%multiple_of3A_374, %get3A_1854] : memref<256x128xf32, #tpu.memory_space<vmem>> -> memref<64x128xf32, #tpu.memory_space<vmem>>
        %get3A_1856 = arith.index_cast %get3A_1853 : i32 to index
        %get3A_1857 = arith.constant 0 : index
        %get3A_1858 = tpu.vector_load %get3A_1855[%get3A_1856, %get3A_1857] {strides = array<i32>} : memref<64x128xf32, #tpu.memory_space<vmem>>, vector<16xf32>,
        %add3A_1859 = arith.addf %add3A_1852, %get3A_1858 : vector<16xf32>
        %get3A_1860 = arith.constant 51 : i32
        %get3A_1861 = arith.constant 0 : i32
        %get3A_1862 = tpu.memref_slice %arg11[%multiple_of3A_374, %get3A_1861] : memref<256x128xf32, #tpu.memory_space<vmem>> -> memref<64x128xf32, #tpu.memory_space<vmem>>
        %get3A_1863 = arith.index_cast %get3A_1860 : i32 to index
        %get3A_1864 = arith.constant 0 : index
        %get3A_1865 = tpu.vector_load %get3A_1862[%get3A_1863, %get3A_1864] {strides = array<i32>} : memref<64x128xf32, #tpu.memory_space<vmem>>, vector<16xf32>,
        %add3A_1866 = arith.addf %add3A_1859, %get3A_1865 : vector<16xf32>
        %get3A_1867 = arith.constant 52 : i32
        %get3A_1868 = arith.constant 0 : i32
        %get3A_1869 = tpu.memref_slice %arg11[%multiple_of3A_374, %get3A_1868] : memref<256x128xf32, #tpu.memory_space<vmem>> -> memref<64x128xf32, #tpu.memory_space<vmem>>
        %get3A_1870 = arith.index_cast %get3A_1867 : i32 to index
        %get3A_1871 = arith.constant 0 : index
        %get3A_1872 = tpu.vector_load %get3A_1869[%get3A_1870, %get3A_1871] {strides = array<i32>} : memref<64x128xf32, #tpu.memory_space<vmem>>, vector<16xf32>,
        %add3A_1873 = arith.addf %add3A_1866, %get3A_1872 : vector<16xf32>
        %get3A_1874 = arith.constant 53 : i32
        %get3A_1875 = arith.constant 0 : i32
        %get3A_1876 = tpu.memref_slice %arg11[%multiple_of3A_374, %get3A_1875] : memref<256x128xf32, #tpu.memory_space<vmem>> -> memref<64x128xf32, #tpu.memory_space<vmem>>
        %get3A_1877 = arith.index_cast %get3A_1874 : i32 to index
        %get3A_1878 = arith.constant 0 : index
        %get3A_1879 = tpu.vector_load %get3A_1876[%get3A_1877, %get3A_1878] {strides = array<i32>} : memref<64x128xf32, #tpu.memory_space<vmem>>, vector<16xf32>,
        %add3A_1880 = arith.addf %add3A_1873, %get3A_1879 : vector<16xf32>
        %get3A_1881 = arith.constant 54 : i32
        %get3A_1882 = arith.constant 0 : i32
        %get3A_1883 = tpu.memref_slice %arg11[%multiple_of3A_374, %get3A_1882] : memref<256x128xf32, #tpu.memory_space<vmem>> -> memref<64x128xf32, #tpu.memory_space<vmem>>
        %get3A_1884 = arith.index_cast %get3A_1881 : i32 to index
        %get3A_1885 = arith.constant 0 : index
        %get3A_1886 = tpu.vector_load %get3A_1883[%get3A_1884, %get3A_1885] {strides = array<i32>} : memref<64x128xf32, #tpu.memory_space<vmem>>, vector<16xf32>,
        %add3A_1887 = arith.addf %add3A_1880, %get3A_1886 : vector<16xf32>
        %get3A_1888 = arith.constant 55 : i32
        %get3A_1889 = arith.constant 0 : i32
        %get3A_1890 = tpu.memref_slice %arg11[%multiple_of3A_374, %get3A_1889] : memref<256x128xf32, #tpu.memory_space<vmem>> -> memref<64x128xf32, #tpu.memory_space<vmem>>
        %get3A_1891 = arith.index_cast %get3A_1888 : i32 to index
        %get3A_1892 = arith.constant 0 : index
        %get3A_1893 = tpu.vector_load %get3A_1890[%get3A_1891, %get3A_1892] {strides = array<i32>} : memref<64x128xf32, #tpu.memory_space<vmem>>, vector<16xf32>,
        %add3A_1894 = arith.addf %add3A_1887, %get3A_1893 : vector<16xf32>
        %swap3A_1895 = arith.constant 6 : i32
        %swap3A_1896 = arith.constant 0 : i32
        %swap3A_1897 = tpu.memref_slice %arg13[%multiple_of3A_377, %swap3A_1896] : memref<32x128xf32, #tpu.memory_space<vmem>> -> memref<8x128xf32, #tpu.memory_space<vmem>>
        %swap3A_1898 = arith.index_cast %swap3A_1895 : i32 to index
        %swap3A_1899 = arith.constant 0 : index
        %swap3A_1900 = tpu.vector_load %swap3A_1897[%swap3A_1898, %swap3A_1899] {strides = array<i32>} : memref<8x128xf32, #tpu.memory_space<vmem>>, vector<16xf32>,
        tpu.vector_store %swap3A_1897[%swap3A_1898, %swap3A_1899], %add3A_1894 {strides = array<i32>} : memref<8x128xf32, #tpu.memory_space<vmem>>, vector<16xf32>,
        %get3A_1901 = arith.constant 48 : i32
        %get3A_1902 = arith.constant 0 : i32
        %get3A_1903 = tpu.memref_slice %arg11[%multiple_of3A_374, %get3A_1902] : memref<256x128xf32, #tpu.memory_space<vmem>> -> memref<64x128xf32, #tpu.memory_space<vmem>>
        %get3A_1904 = arith.index_cast %get3A_1901 : i32 to index
        %get3A_1905 = arith.constant 16 : index
        %get3A_1906 = tpu.vector_load %get3A_1903[%get3A_1904, %get3A_1905] {strides = array<i32>} : memref<64x128xf32, #tpu.memory_space<vmem>>, vector<16xf32>,
        %get3A_1907 = arith.constant 49 : i32
        %get3A_1908 = arith.constant 0 : i32
        %get3A_1909 = tpu.memref_slice %arg11[%multiple_of3A_374, %get3A_1908] : memref<256x128xf32, #tpu.memory_space<vmem>> -> memref<64x128xf32, #tpu.memory_space<vmem>>
        %get3A_1910 = arith.index_cast %get3A_1907 : i32 to index
        %get3A_1911 = arith.constant 16 : index
        %get3A_1912 = tpu.vector_load %get3A_1909[%get3A_1910, %get3A_1911] {strides = array<i32>} : memref<64x128xf32, #tpu.memory_space<vmem>>, vector<16xf32>,
        %add3A_1913 = arith.addf %get3A_1906, %get3A_1912 : vector<16xf32>
        %get3A_1914 = arith.constant 50 : i32
        %get3A_1915 = arith.constant 0 : i32
        %get3A_1916 = tpu.memref_slice %arg11[%multiple_of3A_374, %get3A_1915] : memref<256x128xf32, #tpu.memory_space<vmem>> -> memref<64x128xf32, #tpu.memory_space<vmem>>
        %get3A_1917 = arith.index_cast %get3A_1914 : i32 to index
        %get3A_1918 = arith.constant 16 : index
        %get3A_1919 = tpu.vector_load %get3A_1916[%get3A_1917, %get3A_1918] {strides = array<i32>} : memref<64x128xf32, #tpu.memory_space<vmem>>, vector<16xf32>,
        %add3A_1920 = arith.addf %add3A_1913, %get3A_1919 : vector<16xf32>
        %get3A_1921 = arith.constant 51 : i32
        %get3A_1922 = arith.constant 0 : i32
        %get3A_1923 = tpu.memref_slice %arg11[%multiple_of3A_374, %get3A_1922] : memref<256x128xf32, #tpu.memory_space<vmem>> -> memref<64x128xf32, #tpu.memory_space<vmem>>
        %get3A_1924 = arith.index_cast %get3A_1921 : i32 to index
        %get3A_1925 = arith.constant 16 : index
        %get3A_1926 = tpu.vector_load %get3A_1923[%get3A_1924, %get3A_1925] {strides = array<i32>} : memref<64x128xf32, #tpu.memory_space<vmem>>, vector<16xf32>,
        %add3A_1927 = arith.addf %add3A_1920, %get3A_1926 : vector<16xf32>
        %get3A_1928 = arith.constant 52 : i32
        %get3A_1929 = arith.constant 0 : i32
        %get3A_1930 = tpu.memref_slice %arg11[%multiple_of3A_374, %get3A_1929] : memref<256x128xf32, #tpu.memory_space<vmem>> -> memref<64x128xf32, #tpu.memory_space<vmem>>
        %get3A_1931 = arith.index_cast %get3A_1928 : i32 to index
        %get3A_1932 = arith.constant 16 : index
        %get3A_1933 = tpu.vector_load %get3A_1930[%get3A_1931, %get3A_1932] {strides = array<i32>} : memref<64x128xf32, #tpu.memory_space<vmem>>, vector<16xf32>,
        %add3A_1934 = arith.addf %add3A_1927, %get3A_1933 : vector<16xf32>
        %get3A_1935 = arith.constant 53 : i32
        %get3A_1936 = arith.constant 0 : i32
        %get3A_1937 = tpu.memref_slice %arg11[%multiple_of3A_374, %get3A_1936] : memref<256x128xf32, #tpu.memory_space<vmem>> -> memref<64x128xf32, #tpu.memory_space<vmem>>
        %get3A_1938 = arith.index_cast %get3A_1935 : i32 to index
        %get3A_1939 = arith.constant 16 : index
        %get3A_1940 = tpu.vector_load %get3A_1937[%get3A_1938, %get3A_1939] {strides = array<i32>} : memref<64x128xf32, #tpu.memory_space<vmem>>, vector<16xf32>,
        %add3A_1941 = arith.addf %add3A_1934, %get3A_1940 : vector<16xf32>
        %get3A_1942 = arith.constant 54 : i32
        %get3A_1943 = arith.constant 0 : i32
        %get3A_1944 = tpu.memref_slice %arg11[%multiple_of3A_374, %get3A_1943] : memref<256x128xf32, #tpu.memory_space<vmem>> -> memref<64x128xf32, #tpu.memory_space<vmem>>
        %get3A_1945 = arith.index_cast %get3A_1942 : i32 to index
        %get3A_1946 = arith.constant 16 : index
        %get3A_1947 = tpu.vector_load %get3A_1944[%get3A_1945, %get3A_1946] {strides = array<i32>} : memref<64x128xf32, #tpu.memory_space<vmem>>, vector<16xf32>,
        %add3A_1948 = arith.addf %add3A_1941, %get3A_1947 : vector<16xf32>
        %get3A_1949 = arith.constant 55 : i32
        %get3A_1950 = arith.constant 0 : i32
        %get3A_1951 = tpu.memref_slice %arg11[%multiple_of3A_374, %get3A_1950] : memref<256x128xf32, #tpu.memory_space<vmem>> -> memref<64x128xf32, #tpu.memory_space<vmem>>
        %get3A_1952 = arith.index_cast %get3A_1949 : i32 to index
        %get3A_1953 = arith.constant 16 : index
        %get3A_1954 = tpu.vector_load %get3A_1951[%get3A_1952, %get3A_1953] {strides = array<i32>} : memref<64x128xf32, #tpu.memory_space<vmem>>, vector<16xf32>,
        %add3A_1955 = arith.addf %add3A_1948, %get3A_1954 : vector<16xf32>
        %swap3A_1956 = arith.constant 6 : i32
        %swap3A_1957 = arith.constant 0 : i32
        %swap3A_1958 = tpu.memref_slice %arg13[%multiple_of3A_377, %swap3A_1957] : memref<32x128xf32, #tpu.memory_space<vmem>> -> memref<8x128xf32, #tpu.memory_space<vmem>>
        %swap3A_1959 = arith.index_cast %swap3A_1956 : i32 to index
        %swap3A_1960 = arith.constant 16 : index
        %swap3A_1961 = tpu.vector_load %swap3A_1958[%swap3A_1959, %swap3A_1960] {strides = array<i32>} : memref<8x128xf32, #tpu.memory_space<vmem>>, vector<16xf32>,
        tpu.vector_store %swap3A_1958[%swap3A_1959, %swap3A_1960], %add3A_1955 {strides = array<i32>} : memref<8x128xf32, #tpu.memory_space<vmem>>, vector<16xf32>,
        %get3A_1962 = arith.constant 48 : i32
        %get3A_1963 = arith.constant 0 : i32
        %get3A_1964 = tpu.memref_slice %arg11[%multiple_of3A_374, %get3A_1963] : memref<256x128xf32, #tpu.memory_space<vmem>> -> memref<64x128xf32, #tpu.memory_space<vmem>>
        %get3A_1965 = arith.index_cast %get3A_1962 : i32 to index
        %get3A_1966 = arith.constant 32 : index
        %get3A_1967 = tpu.vector_load %get3A_1964[%get3A_1965, %get3A_1966] {strides = array<i32>} : memref<64x128xf32, #tpu.memory_space<vmem>>, vector<16xf32>,
        %get3A_1968 = arith.constant 49 : i32
        %get3A_1969 = arith.constant 0 : i32
        %get3A_1970 = tpu.memref_slice %arg11[%multiple_of3A_374, %get3A_1969] : memref<256x128xf32, #tpu.memory_space<vmem>> -> memref<64x128xf32, #tpu.memory_space<vmem>>
        %get3A_1971 = arith.index_cast %get3A_1968 : i32 to index
        %get3A_1972 = arith.constant 32 : index
        %get3A_1973 = tpu.vector_load %get3A_1970[%get3A_1971, %get3A_1972] {strides = array<i32>} : memref<64x128xf32, #tpu.memory_space<vmem>>, vector<16xf32>,
        %add3A_1974 = arith.addf %get3A_1967, %get3A_1973 : vector<16xf32>
        %get3A_1975 = arith.constant 50 : i32
        %get3A_1976 = arith.constant 0 : i32
        %get3A_1977 = tpu.memref_slice %arg11[%multiple_of3A_374, %get3A_1976] : memref<256x128xf32, #tpu.memory_space<vmem>> -> memref<64x128xf32, #tpu.memory_space<vmem>>
        %get3A_1978 = arith.index_cast %get3A_1975 : i32 to index
        %get3A_1979 = arith.constant 32 : index
        %get3A_1980 = tpu.vector_load %get3A_1977[%get3A_1978, %get3A_1979] {strides = array<i32>} : memref<64x128xf32, #tpu.memory_space<vmem>>, vector<16xf32>,
        %add3A_1981 = arith.addf %add3A_1974, %get3A_1980 : vector<16xf32>
        %get3A_1982 = arith.constant 51 : i32
        %get3A_1983 = arith.constant 0 : i32
        %get3A_1984 = tpu.memref_slice %arg11[%multiple_of3A_374, %get3A_1983] : memref<256x128xf32, #tpu.memory_space<vmem>> -> memref<64x128xf32, #tpu.memory_space<vmem>>
        %get3A_1985 = arith.index_cast %get3A_1982 : i32 to index
        %get3A_1986 = arith.constant 32 : index
        %get3A_1987 = tpu.vector_load %get3A_1984[%get3A_1985, %get3A_1986] {strides = array<i32>} : memref<64x128xf32, #tpu.memory_space<vmem>>, vector<16xf32>,
        %add3A_1988 = arith.addf %add3A_1981, %get3A_1987 : vector<16xf32>
        %get3A_1989 = arith.constant 52 : i32
        %get3A_1990 = arith.constant 0 : i32
        %get3A_1991 = tpu.memref_slice %arg11[%multiple_of3A_374, %get3A_1990] : memref<256x128xf32, #tpu.memory_space<vmem>> -> memref<64x128xf32, #tpu.memory_space<vmem>>
        %get3A_1992 = arith.index_cast %get3A_1989 : i32 to index
        %get3A_1993 = arith.constant 32 : index
        %get3A_1994 = tpu.vector_load %get3A_1991[%get3A_1992, %get3A_1993] {strides = array<i32>} : memref<64x128xf32, #tpu.memory_space<vmem>>, vector<16xf32>,
        %add3A_1995 = arith.addf %add3A_1988, %get3A_1994 : vector<16xf32>
        %get3A_1996 = arith.constant 53 : i32
        %get3A_1997 = arith.constant 0 : i32
        %get3A_1998 = tpu.memref_slice %arg11[%multiple_of3A_374, %get3A_1997] : memref<256x128xf32, #tpu.memory_space<vmem>> -> memref<64x128xf32, #tpu.memory_space<vmem>>
        %get3A_1999 = arith.index_cast %get3A_1996 : i32 to index
        %get3A_2000 = arith.constant 32 : index
        %get3A_2001 = tpu.vector_load %get3A_1998[%get3A_1999, %get3A_2000] {strides = array<i32>} : memref<64x128xf32, #tpu.memory_space<vmem>>, vector<16xf32>,
        %add3A_2002 = arith.addf %add3A_1995, %get3A_2001 : vector<16xf32>
        %get3A_2003 = arith.constant 54 : i32
        %get3A_2004 = arith.constant 0 : i32
        %get3A_2005 = tpu.memref_slice %arg11[%multiple_of3A_374, %get3A_2004] : memref<256x128xf32, #tpu.memory_space<vmem>> -> memref<64x128xf32, #tpu.memory_space<vmem>>
        %get3A_2006 = arith.index_cast %get3A_2003 : i32 to index
        %get3A_2007 = arith.constant 32 : index
        %get3A_2008 = tpu.vector_load %get3A_2005[%get3A_2006, %get3A_2007] {strides = array<i32>} : memref<64x128xf32, #tpu.memory_space<vmem>>, vector<16xf32>,
        %add3A_2009 = arith.addf %add3A_2002, %get3A_2008 : vector<16xf32>
        %get3A_2010 = arith.constant 55 : i32
        %get3A_2011 = arith.constant 0 : i32
        %get3A_2012 = tpu.memref_slice %arg11[%multiple_of3A_374, %get3A_2011] : memref<256x128xf32, #tpu.memory_space<vmem>> -> memref<64x128xf32, #tpu.memory_space<vmem>>
        %get3A_2013 = arith.index_cast %get3A_2010 : i32 to index
        %get3A_2014 = arith.constant 32 : index
        %get3A_2015 = tpu.vector_load %get3A_2012[%get3A_2013, %get3A_2014] {strides = array<i32>} : memref<64x128xf32, #tpu.memory_space<vmem>>, vector<16xf32>,
        %add3A_2016 = arith.addf %add3A_2009, %get3A_2015 : vector<16xf32>
        %swap3A_2017 = arith.constant 6 : i32
        %swap3A_2018 = arith.constant 0 : i32
        %swap3A_2019 = tpu.memref_slice %arg13[%multiple_of3A_377, %swap3A_2018] : memref<32x128xf32, #tpu.memory_space<vmem>> -> memref<8x128xf32, #tpu.memory_space<vmem>>
        %swap3A_2020 = arith.index_cast %swap3A_2017 : i32 to index
        %swap3A_2021 = arith.constant 32 : index
        %swap3A_2022 = tpu.vector_load %swap3A_2019[%swap3A_2020, %swap3A_2021] {strides = array<i32>} : memref<8x128xf32, #tpu.memory_space<vmem>>, vector<16xf32>,
        tpu.vector_store %swap3A_2019[%swap3A_2020, %swap3A_2021], %add3A_2016 {strides = array<i32>} : memref<8x128xf32, #tpu.memory_space<vmem>>, vector<16xf32>,
        %get3A_2023 = arith.constant 48 : i32
        %get3A_2024 = arith.constant 0 : i32
        %get3A_2025 = tpu.memref_slice %arg11[%multiple_of3A_374, %get3A_2024] : memref<256x128xf32, #tpu.memory_space<vmem>> -> memref<64x128xf32, #tpu.memory_space<vmem>>
        %get3A_2026 = arith.index_cast %get3A_2023 : i32 to index
        %get3A_2027 = arith.constant 48 : index
        %get3A_2028 = tpu.vector_load %get3A_2025[%get3A_2026, %get3A_2027] {strides = array<i32>} : memref<64x128xf32, #tpu.memory_space<vmem>>, vector<16xf32>,
        %get3A_2029 = arith.constant 49 : i32
        %get3A_2030 = arith.constant 0 : i32
        %get3A_2031 = tpu.memref_slice %arg11[%multiple_of3A_374, %get3A_2030] : memref<256x128xf32, #tpu.memory_space<vmem>> -> memref<64x128xf32, #tpu.memory_space<vmem>>
        %get3A_2032 = arith.index_cast %get3A_2029 : i32 to index
        %get3A_2033 = arith.constant 48 : index
        %get3A_2034 = tpu.vector_load %get3A_2031[%get3A_2032, %get3A_2033] {strides = array<i32>} : memref<64x128xf32, #tpu.memory_space<vmem>>, vector<16xf32>,
        %add3A_2035 = arith.addf %get3A_2028, %get3A_2034 : vector<16xf32>
        %get3A_2036 = arith.constant 50 : i32
        %get3A_2037 = arith.constant 0 : i32
        %get3A_2038 = tpu.memref_slice %arg11[%multiple_of3A_374, %get3A_2037] : memref<256x128xf32, #tpu.memory_space<vmem>> -> memref<64x128xf32, #tpu.memory_space<vmem>>
        %get3A_2039 = arith.index_cast %get3A_2036 : i32 to index
        %get3A_2040 = arith.constant 48 : index
        %get3A_2041 = tpu.vector_load %get3A_2038[%get3A_2039, %get3A_2040] {strides = array<i32>} : memref<64x128xf32, #tpu.memory_space<vmem>>, vector<16xf32>,
        %add3A_2042 = arith.addf %add3A_2035, %get3A_2041 : vector<16xf32>
        %get3A_2043 = arith.constant 51 : i32
        %get3A_2044 = arith.constant 0 : i32
        %get3A_2045 = tpu.memref_slice %arg11[%multiple_of3A_374, %get3A_2044] : memref<256x128xf32, #tpu.memory_space<vmem>> -> memref<64x128xf32, #tpu.memory_space<vmem>>
        %get3A_2046 = arith.index_cast %get3A_2043 : i32 to index
        %get3A_2047 = arith.constant 48 : index
        %get3A_2048 = tpu.vector_load %get3A_2045[%get3A_2046, %get3A_2047] {strides = array<i32>} : memref<64x128xf32, #tpu.memory_space<vmem>>, vector<16xf32>,
        %add3A_2049 = arith.addf %add3A_2042, %get3A_2048 : vector<16xf32>
        %get3A_2050 = arith.constant 52 : i32
        %get3A_2051 = arith.constant 0 : i32
        %get3A_2052 = tpu.memref_slice %arg11[%multiple_of3A_374, %get3A_2051] : memref<256x128xf32, #tpu.memory_space<vmem>> -> memref<64x128xf32, #tpu.memory_space<vmem>>
        %get3A_2053 = arith.index_cast %get3A_2050 : i32 to index
        %get3A_2054 = arith.constant 48 : index
        %get3A_2055 = tpu.vector_load %get3A_2052[%get3A_2053, %get3A_2054] {strides = array<i32>} : memref<64x128xf32, #tpu.memory_space<vmem>>, vector<16xf32>,
        %add3A_2056 = arith.addf %add3A_2049, %get3A_2055 : vector<16xf32>
        %get3A_2057 = arith.constant 53 : i32
        %get3A_2058 = arith.constant 0 : i32
        %get3A_2059 = tpu.memref_slice %arg11[%multiple_of3A_374, %get3A_2058] : memref<256x128xf32, #tpu.memory_space<vmem>> -> memref<64x128xf32, #tpu.memory_space<vmem>>
        %get3A_2060 = arith.index_cast %get3A_2057 : i32 to index
        %get3A_2061 = arith.constant 48 : index
        %get3A_2062 = tpu.vector_load %get3A_2059[%get3A_2060, %get3A_2061] {strides = array<i32>} : memref<64x128xf32, #tpu.memory_space<vmem>>, vector<16xf32>,
        %add3A_2063 = arith.addf %add3A_2056, %get3A_2062 : vector<16xf32>
        %get3A_2064 = arith.constant 54 : i32
        %get3A_2065 = arith.constant 0 : i32
        %get3A_2066 = tpu.memref_slice %arg11[%multiple_of3A_374, %get3A_2065] : memref<256x128xf32, #tpu.memory_space<vmem>> -> memref<64x128xf32, #tpu.memory_space<vmem>>
        %get3A_2067 = arith.index_cast %get3A_2064 : i32 to index
        %get3A_2068 = arith.constant 48 : index
        %get3A_2069 = tpu.vector_load %get3A_2066[%get3A_2067, %get3A_2068] {strides = array<i32>} : memref<64x128xf32, #tpu.memory_space<vmem>>, vector<16xf32>,
        %add3A_2070 = arith.addf %add3A_2063, %get3A_2069 : vector<16xf32>
        %get3A_2071 = arith.constant 55 : i32
        %get3A_2072 = arith.constant 0 : i32
        %get3A_2073 = tpu.memref_slice %arg11[%multiple_of3A_374, %get3A_2072] : memref<256x128xf32, #tpu.memory_space<vmem>> -> memref<64x128xf32, #tpu.memory_space<vmem>>
        %get3A_2074 = arith.index_cast %get3A_2071 : i32 to index
        %get3A_2075 = arith.constant 48 : index
        %get3A_2076 = tpu.vector_load %get3A_2073[%get3A_2074, %get3A_2075] {strides = array<i32>} : memref<64x128xf32, #tpu.memory_space<vmem>>, vector<16xf32>,
        %add3A_2077 = arith.addf %add3A_2070, %get3A_2076 : vector<16xf32>
        %swap3A_2078 = arith.constant 6 : i32
        %swap3A_2079 = arith.constant 0 : i32
        %swap3A_2080 = tpu.memref_slice %arg13[%multiple_of3A_377, %swap3A_2079] : memref<32x128xf32, #tpu.memory_space<vmem>> -> memref<8x128xf32, #tpu.memory_space<vmem>>
        %swap3A_2081 = arith.index_cast %swap3A_2078 : i32 to index
        %swap3A_2082 = arith.constant 48 : index
        %swap3A_2083 = tpu.vector_load %swap3A_2080[%swap3A_2081, %swap3A_2082] {strides = array<i32>} : memref<8x128xf32, #tpu.memory_space<vmem>>, vector<16xf32>,
        tpu.vector_store %swap3A_2080[%swap3A_2081, %swap3A_2082], %add3A_2077 {strides = array<i32>} : memref<8x128xf32, #tpu.memory_space<vmem>>, vector<16xf32>,
        %get3A_2084 = arith.constant 56 : i32
        %get3A_2085 = arith.constant 0 : i32
        %get3A_2086 = tpu.memref_slice %arg11[%multiple_of3A_374, %get3A_2085] : memref<256x128xf32, #tpu.memory_space<vmem>> -> memref<64x128xf32, #tpu.memory_space<vmem>>
        %get3A_2087 = arith.index_cast %get3A_2084 : i32 to index
        %get3A_2088 = arith.constant 0 : index
        %get3A_2089 = tpu.vector_load %get3A_2086[%get3A_2087, %get3A_2088] {strides = array<i32>} : memref<64x128xf32, #tpu.memory_space<vmem>>, vector<16xf32>,
        %get3A_2090 = arith.constant 57 : i32
        %get3A_2091 = arith.constant 0 : i32
        %get3A_2092 = tpu.memref_slice %arg11[%multiple_of3A_374, %get3A_2091] : memref<256x128xf32, #tpu.memory_space<vmem>> -> memref<64x128xf32, #tpu.memory_space<vmem>>
        %get3A_2093 = arith.index_cast %get3A_2090 : i32 to index
        %get3A_2094 = arith.constant 0 : index
        %get3A_2095 = tpu.vector_load %get3A_2092[%get3A_2093, %get3A_2094] {strides = array<i32>} : memref<64x128xf32, #tpu.memory_space<vmem>>, vector<16xf32>,
        %add3A_2096 = arith.addf %get3A_2089, %get3A_2095 : vector<16xf32>
        %get3A_2097 = arith.constant 58 : i32
        %get3A_2098 = arith.constant 0 : i32
        %get3A_2099 = tpu.memref_slice %arg11[%multiple_of3A_374, %get3A_2098] : memref<256x128xf32, #tpu.memory_space<vmem>> -> memref<64x128xf32, #tpu.memory_space<vmem>>
        %get3A_2100 = arith.index_cast %get3A_2097 : i32 to index
        %get3A_2101 = arith.constant 0 : index
        %get3A_2102 = tpu.vector_load %get3A_2099[%get3A_2100, %get3A_2101] {strides = array<i32>} : memref<64x128xf32, #tpu.memory_space<vmem>>, vector<16xf32>,
        %add3A_2103 = arith.addf %add3A_2096, %get3A_2102 : vector<16xf32>
        %get3A_2104 = arith.constant 59 : i32
        %get3A_2105 = arith.constant 0 : i32
        %get3A_2106 = tpu.memref_slice %arg11[%multiple_of3A_374, %get3A_2105] : memref<256x128xf32, #tpu.memory_space<vmem>> -> memref<64x128xf32, #tpu.memory_space<vmem>>
        %get3A_2107 = arith.index_cast %get3A_2104 : i32 to index
        %get3A_2108 = arith.constant 0 : index
        %get3A_2109 = tpu.vector_load %get3A_2106[%get3A_2107, %get3A_2108] {strides = array<i32>} : memref<64x128xf32, #tpu.memory_space<vmem>>, vector<16xf32>,
        %add3A_2110 = arith.addf %add3A_2103, %get3A_2109 : vector<16xf32>
        %get3A_2111 = arith.constant 60 : i32
        %get3A_2112 = arith.constant 0 : i32
        %get3A_2113 = tpu.memref_slice %arg11[%multiple_of3A_374, %get3A_2112] : memref<256x128xf32, #tpu.memory_space<vmem>> -> memref<64x128xf32, #tpu.memory_space<vmem>>
        %get3A_2114 = arith.index_cast %get3A_2111 : i32 to index
        %get3A_2115 = arith.constant 0 : index
        %get3A_2116 = tpu.vector_load %get3A_2113[%get3A_2114, %get3A_2115] {strides = array<i32>} : memref<64x128xf32, #tpu.memory_space<vmem>>, vector<16xf32>,
        %add3A_2117 = arith.addf %add3A_2110, %get3A_2116 : vector<16xf32>
        %get3A_2118 = arith.constant 61 : i32
        %get3A_2119 = arith.constant 0 : i32
        %get3A_2120 = tpu.memref_slice %arg11[%multiple_of3A_374, %get3A_2119] : memref<256x128xf32, #tpu.memory_space<vmem>> -> memref<64x128xf32, #tpu.memory_space<vmem>>
        %get3A_2121 = arith.index_cast %get3A_2118 : i32 to index
        %get3A_2122 = arith.constant 0 : index
        %get3A_2123 = tpu.vector_load %get3A_2120[%get3A_2121, %get3A_2122] {strides = array<i32>} : memref<64x128xf32, #tpu.memory_space<vmem>>, vector<16xf32>,
        %add3A_2124 = arith.addf %add3A_2117, %get3A_2123 : vector<16xf32>
        %get3A_2125 = arith.constant 62 : i32
        %get3A_2126 = arith.constant 0 : i32
        %get3A_2127 = tpu.memref_slice %arg11[%multiple_of3A_374, %get3A_2126] : memref<256x128xf32, #tpu.memory_space<vmem>> -> memref<64x128xf32, #tpu.memory_space<vmem>>
        %get3A_2128 = arith.index_cast %get3A_2125 : i32 to index
        %get3A_2129 = arith.constant 0 : index
        %get3A_2130 = tpu.vector_load %get3A_2127[%get3A_2128, %get3A_2129] {strides = array<i32>} : memref<64x128xf32, #tpu.memory_space<vmem>>, vector<16xf32>,
        %add3A_2131 = arith.addf %add3A_2124, %get3A_2130 : vector<16xf32>
        %get3A_2132 = arith.constant 63 : i32
        %get3A_2133 = arith.constant 0 : i32
        %get3A_2134 = tpu.memref_slice %arg11[%multiple_of3A_374, %get3A_2133] : memref<256x128xf32, #tpu.memory_space<vmem>> -> memref<64x128xf32, #tpu.memory_space<vmem>>
        %get3A_2135 = arith.index_cast %get3A_2132 : i32 to index
        %get3A_2136 = arith.constant 0 : index
        %get3A_2137 = tpu.vector_load %get3A_2134[%get3A_2135, %get3A_2136] {strides = array<i32>} : memref<64x128xf32, #tpu.memory_space<vmem>>, vector<16xf32>,
        %add3A_2138 = arith.addf %add3A_2131, %get3A_2137 : vector<16xf32>
        %swap3A_2139 = arith.constant 7 : i32
        %swap3A_2140 = arith.constant 0 : i32
        %swap3A_2141 = tpu.memref_slice %arg13[%multiple_of3A_377, %swap3A_2140] : memref<32x128xf32, #tpu.memory_space<vmem>> -> memref<8x128xf32, #tpu.memory_space<vmem>>
        %swap3A_2142 = arith.index_cast %swap3A_2139 : i32 to index
        %swap3A_2143 = arith.constant 0 : index
        %swap3A_2144 = tpu.vector_load %swap3A_2141[%swap3A_2142, %swap3A_2143] {strides = array<i32>} : memref<8x128xf32, #tpu.memory_space<vmem>>, vector<16xf32>,
        tpu.vector_store %swap3A_2141[%swap3A_2142, %swap3A_2143], %add3A_2138 {strides = array<i32>} : memref<8x128xf32, #tpu.memory_space<vmem>>, vector<16xf32>,
        %get3A_2145 = arith.constant 56 : i32
        %get3A_2146 = arith.constant 0 : i32
        %get3A_2147 = tpu.memref_slice %arg11[%multiple_of3A_374, %get3A_2146] : memref<256x128xf32, #tpu.memory_space<vmem>> -> memref<64x128xf32, #tpu.memory_space<vmem>>
        %get3A_2148 = arith.index_cast %get3A_2145 : i32 to index
        %get3A_2149 = arith.constant 16 : index
        %get3A_2150 = tpu.vector_load %get3A_2147[%get3A_2148, %get3A_2149] {strides = array<i32>} : memref<64x128xf32, #tpu.memory_space<vmem>>, vector<16xf32>,
        %get3A_2151 = arith.constant 57 : i32
        %get3A_2152 = arith.constant 0 : i32
        %get3A_2153 = tpu.memref_slice %arg11[%multiple_of3A_374, %get3A_2152] : memref<256x128xf32, #tpu.memory_space<vmem>> -> memref<64x128xf32, #tpu.memory_space<vmem>>
        %get3A_2154 = arith.index_cast %get3A_2151 : i32 to index
        %get3A_2155 = arith.constant 16 : index
        %get3A_2156 = tpu.vector_load %get3A_2153[%get3A_2154, %get3A_2155] {strides = array<i32>} : memref<64x128xf32, #tpu.memory_space<vmem>>, vector<16xf32>,
        %add3A_2157 = arith.addf %get3A_2150, %get3A_2156 : vector<16xf32>
        %get3A_2158 = arith.constant 58 : i32
        %get3A_2159 = arith.constant 0 : i32
        %get3A_2160 = tpu.memref_slice %arg11[%multiple_of3A_374, %get3A_2159] : memref<256x128xf32, #tpu.memory_space<vmem>> -> memref<64x128xf32, #tpu.memory_space<vmem>>
        %get3A_2161 = arith.index_cast %get3A_2158 : i32 to index
        %get3A_2162 = arith.constant 16 : index
        %get3A_2163 = tpu.vector_load %get3A_2160[%get3A_2161, %get3A_2162] {strides = array<i32>} : memref<64x128xf32, #tpu.memory_space<vmem>>, vector<16xf32>,
        %add3A_2164 = arith.addf %add3A_2157, %get3A_2163 : vector<16xf32>
        %get3A_2165 = arith.constant 59 : i32
        %get3A_2166 = arith.constant 0 : i32
        %get3A_2167 = tpu.memref_slice %arg11[%multiple_of3A_374, %get3A_2166] : memref<256x128xf32, #tpu.memory_space<vmem>> -> memref<64x128xf32, #tpu.memory_space<vmem>>
        %get3A_2168 = arith.index_cast %get3A_2165 : i32 to index
        %get3A_2169 = arith.constant 16 : index
        %get3A_2170 = tpu.vector_load %get3A_2167[%get3A_2168, %get3A_2169] {strides = array<i32>} : memref<64x128xf32, #tpu.memory_space<vmem>>, vector<16xf32>,
        %add3A_2171 = arith.addf %add3A_2164, %get3A_2170 : vector<16xf32>
        %get3A_2172 = arith.constant 60 : i32
        %get3A_2173 = arith.constant 0 : i32
        %get3A_2174 = tpu.memref_slice %arg11[%multiple_of3A_374, %get3A_2173] : memref<256x128xf32, #tpu.memory_space<vmem>> -> memref<64x128xf32, #tpu.memory_space<vmem>>
        %get3A_2175 = arith.index_cast %get3A_2172 : i32 to index
        %get3A_2176 = arith.constant 16 : index
        %get3A_2177 = tpu.vector_load %get3A_2174[%get3A_2175, %get3A_2176] {strides = array<i32>} : memref<64x128xf32, #tpu.memory_space<vmem>>, vector<16xf32>,
        %add3A_2178 = arith.addf %add3A_2171, %get3A_2177 : vector<16xf32>
        %get3A_2179 = arith.constant 61 : i32
        %get3A_2180 = arith.constant 0 : i32
        %get3A_2181 = tpu.memref_slice %arg11[%multiple_of3A_374, %get3A_2180] : memref<256x128xf32, #tpu.memory_space<vmem>> -> memref<64x128xf32, #tpu.memory_space<vmem>>
        %get3A_2182 = arith.index_cast %get3A_2179 : i32 to index
        %get3A_2183 = arith.constant 16 : index
        %get3A_2184 = tpu.vector_load %get3A_2181[%get3A_2182, %get3A_2183] {strides = array<i32>} : memref<64x128xf32, #tpu.memory_space<vmem>>, vector<16xf32>,
        %add3A_2185 = arith.addf %add3A_2178, %get3A_2184 : vector<16xf32>
        %get3A_2186 = arith.constant 62 : i32
        %get3A_2187 = arith.constant 0 : i32
        %get3A_2188 = tpu.memref_slice %arg11[%multiple_of3A_374, %get3A_2187] : memref<256x128xf32, #tpu.memory_space<vmem>> -> memref<64x128xf32, #tpu.memory_space<vmem>>
        %get3A_2189 = arith.index_cast %get3A_2186 : i32 to index
        %get3A_2190 = arith.constant 16 : index
        %get3A_2191 = tpu.vector_load %get3A_2188[%get3A_2189, %get3A_2190] {strides = array<i32>} : memref<64x128xf32, #tpu.memory_space<vmem>>, vector<16xf32>,
        %add3A_2192 = arith.addf %add3A_2185, %get3A_2191 : vector<16xf32>
        %get3A_2193 = arith.constant 63 : i32
        %get3A_2194 = arith.constant 0 : i32
        %get3A_2195 = tpu.memref_slice %arg11[%multiple_of3A_374, %get3A_2194] : memref<256x128xf32, #tpu.memory_space<vmem>> -> memref<64x128xf32, #tpu.memory_space<vmem>>
        %get3A_2196 = arith.index_cast %get3A_2193 : i32 to index
        %get3A_2197 = arith.constant 16 : index
        %get3A_2198 = tpu.vector_load %get3A_2195[%get3A_2196, %get3A_2197] {strides = array<i32>} : memref<64x128xf32, #tpu.memory_space<vmem>>, vector<16xf32>,
        %add3A_2199 = arith.addf %add3A_2192, %get3A_2198 : vector<16xf32>
        %swap3A_2200 = arith.constant 7 : i32
        %swap3A_2201 = arith.constant 0 : i32
        %swap3A_2202 = tpu.memref_slice %arg13[%multiple_of3A_377, %swap3A_2201] : memref<32x128xf32, #tpu.memory_space<vmem>> -> memref<8x128xf32, #tpu.memory_space<vmem>>
        %swap3A_2203 = arith.index_cast %swap3A_2200 : i32 to index
        %swap3A_2204 = arith.constant 16 : index
        %swap3A_2205 = tpu.vector_load %swap3A_2202[%swap3A_2203, %swap3A_2204] {strides = array<i32>} : memref<8x128xf32, #tpu.memory_space<vmem>>, vector<16xf32>,
        tpu.vector_store %swap3A_2202[%swap3A_2203, %swap3A_2204], %add3A_2199 {strides = array<i32>} : memref<8x128xf32, #tpu.memory_space<vmem>>, vector<16xf32>,
        %get3A_2206 = arith.constant 56 : i32
        %get3A_2207 = arith.constant 0 : i32
        %get3A_2208 = tpu.memref_slice %arg11[%multiple_of3A_374, %get3A_2207] : memref<256x128xf32, #tpu.memory_space<vmem>> -> memref<64x128xf32, #tpu.memory_space<vmem>>
        %get3A_2209 = arith.index_cast %get3A_2206 : i32 to index
        %get3A_2210 = arith.constant 32 : index
        %get3A_2211 = tpu.vector_load %get3A_2208[%get3A_2209, %get3A_2210] {strides = array<i32>} : memref<64x128xf32, #tpu.memory_space<vmem>>, vector<16xf32>,
        %get3A_2212 = arith.constant 57 : i32
        %get3A_2213 = arith.constant 0 : i32
        %get3A_2214 = tpu.memref_slice %arg11[%multiple_of3A_374, %get3A_2213] : memref<256x128xf32, #tpu.memory_space<vmem>> -> memref<64x128xf32, #tpu.memory_space<vmem>>
        %get3A_2215 = arith.index_cast %get3A_2212 : i32 to index
        %get3A_2216 = arith.constant 32 : index
        %get3A_2217 = tpu.vector_load %get3A_2214[%get3A_2215, %get3A_2216] {strides = array<i32>} : memref<64x128xf32, #tpu.memory_space<vmem>>, vector<16xf32>,
        %add3A_2218 = arith.addf %get3A_2211, %get3A_2217 : vector<16xf32>
        %get3A_2219 = arith.constant 58 : i32
        %get3A_2220 = arith.constant 0 : i32
        %get3A_2221 = tpu.memref_slice %arg11[%multiple_of3A_374, %get3A_2220] : memref<256x128xf32, #tpu.memory_space<vmem>> -> memref<64x128xf32, #tpu.memory_space<vmem>>
        %get3A_2222 = arith.index_cast %get3A_2219 : i32 to index
        %get3A_2223 = arith.constant 32 : index
        %get3A_2224 = tpu.vector_load %get3A_2221[%get3A_2222, %get3A_2223] {strides = array<i32>} : memref<64x128xf32, #tpu.memory_space<vmem>>, vector<16xf32>,
        %add3A_2225 = arith.addf %add3A_2218, %get3A_2224 : vector<16xf32>
        %get3A_2226 = arith.constant 59 : i32
        %get3A_2227 = arith.constant 0 : i32
        %get3A_2228 = tpu.memref_slice %arg11[%multiple_of3A_374, %get3A_2227] : memref<256x128xf32, #tpu.memory_space<vmem>> -> memref<64x128xf32, #tpu.memory_space<vmem>>
        %get3A_2229 = arith.index_cast %get3A_2226 : i32 to index
        %get3A_2230 = arith.constant 32 : index
        %get3A_2231 = tpu.vector_load %get3A_2228[%get3A_2229, %get3A_2230] {strides = array<i32>} : memref<64x128xf32, #tpu.memory_space<vmem>>, vector<16xf32>,
        %add3A_2232 = arith.addf %add3A_2225, %get3A_2231 : vector<16xf32>
        %get3A_2233 = arith.constant 60 : i32
        %get3A_2234 = arith.constant 0 : i32
        %get3A_2235 = tpu.memref_slice %arg11[%multiple_of3A_374, %get3A_2234] : memref<256x128xf32, #tpu.memory_space<vmem>> -> memref<64x128xf32, #tpu.memory_space<vmem>>
        %get3A_2236 = arith.index_cast %get3A_2233 : i32 to index
        %get3A_2237 = arith.constant 32 : index
        %get3A_2238 = tpu.vector_load %get3A_2235[%get3A_2236, %get3A_2237] {strides = array<i32>} : memref<64x128xf32, #tpu.memory_space<vmem>>, vector<16xf32>,
        %add3A_2239 = arith.addf %add3A_2232, %get3A_2238 : vector<16xf32>
        %get3A_2240 = arith.constant 61 : i32
        %get3A_2241 = arith.constant 0 : i32
        %get3A_2242 = tpu.memref_slice %arg11[%multiple_of3A_374, %get3A_2241] : memref<256x128xf32, #tpu.memory_space<vmem>> -> memref<64x128xf32, #tpu.memory_space<vmem>>
        %get3A_2243 = arith.index_cast %get3A_2240 : i32 to index
        %get3A_2244 = arith.constant 32 : index
        %get3A_2245 = tpu.vector_load %get3A_2242[%get3A_2243, %get3A_2244] {strides = array<i32>} : memref<64x128xf32, #tpu.memory_space<vmem>>, vector<16xf32>,
        %add3A_2246 = arith.addf %add3A_2239, %get3A_2245 : vector<16xf32>
        %get3A_2247 = arith.constant 62 : i32
        %get3A_2248 = arith.constant 0 : i32
        %get3A_2249 = tpu.memref_slice %arg11[%multiple_of3A_374, %get3A_2248] : memref<256x128xf32, #tpu.memory_space<vmem>> -> memref<64x128xf32, #tpu.memory_space<vmem>>
        %get3A_2250 = arith.index_cast %get3A_2247 : i32 to index
        %get3A_2251 = arith.constant 32 : index
        %get3A_2252 = tpu.vector_load %get3A_2249[%get3A_2250, %get3A_2251] {strides = array<i32>} : memref<64x128xf32, #tpu.memory_space<vmem>>, vector<16xf32>,
        %add3A_2253 = arith.addf %add3A_2246, %get3A_2252 : vector<16xf32>
        %get3A_2254 = arith.constant 63 : i32
        %get3A_2255 = arith.constant 0 : i32
        %get3A_2256 = tpu.memref_slice %arg11[%multiple_of3A_374, %get3A_2255] : memref<256x128xf32, #tpu.memory_space<vmem>> -> memref<64x128xf32, #tpu.memory_space<vmem>>
        %get3A_2257 = arith.index_cast %get3A_2254 : i32 to index
        %get3A_2258 = arith.constant 32 : index
        %get3A_2259 = tpu.vector_load %get3A_2256[%get3A_2257, %get3A_2258] {strides = array<i32>} : memref<64x128xf32, #tpu.memory_space<vmem>>, vector<16xf32>,
        %add3A_2260 = arith.addf %add3A_2253, %get3A_2259 : vector<16xf32>
        %swap3A_2261 = arith.constant 7 : i32
        %swap3A_2262 = arith.constant 0 : i32
        %swap3A_2263 = tpu.memref_slice %arg13[%multiple_of3A_377, %swap3A_2262] : memref<32x128xf32, #tpu.memory_space<vmem>> -> memref<8x128xf32, #tpu.memory_space<vmem>>
        %swap3A_2264 = arith.index_cast %swap3A_2261 : i32 to index
        %swap3A_2265 = arith.constant 32 : index
        %swap3A_2266 = tpu.vector_load %swap3A_2263[%swap3A_2264, %swap3A_2265] {strides = array<i32>} : memref<8x128xf32, #tpu.memory_space<vmem>>, vector<16xf32>,
        tpu.vector_store %swap3A_2263[%swap3A_2264, %swap3A_2265], %add3A_2260 {strides = array<i32>} : memref<8x128xf32, #tpu.memory_space<vmem>>, vector<16xf32>,
        %get3A_2267 = arith.constant 56 : i32
        %get3A_2268 = arith.constant 0 : i32
        %get3A_2269 = tpu.memref_slice %arg11[%multiple_of3A_374, %get3A_2268] : memref<256x128xf32, #tpu.memory_space<vmem>> -> memref<64x128xf32, #tpu.memory_space<vmem>>
        %get3A_2270 = arith.index_cast %get3A_2267 : i32 to index
        %get3A_2271 = arith.constant 48 : index
        %get3A_2272 = tpu.vector_load %get3A_2269[%get3A_2270, %get3A_2271] {strides = array<i32>} : memref<64x128xf32, #tpu.memory_space<vmem>>, vector<16xf32>,
        %get3A_2273 = arith.constant 57 : i32
        %get3A_2274 = arith.constant 0 : i32
        %get3A_2275 = tpu.memref_slice %arg11[%multiple_of3A_374, %get3A_2274] : memref<256x128xf32, #tpu.memory_space<vmem>> -> memref<64x128xf32, #tpu.memory_space<vmem>>
        %get3A_2276 = arith.index_cast %get3A_2273 : i32 to index
        %get3A_2277 = arith.constant 48 : index
        %get3A_2278 = tpu.vector_load %get3A_2275[%get3A_2276, %get3A_2277] {strides = array<i32>} : memref<64x128xf32, #tpu.memory_space<vmem>>, vector<16xf32>,
        %add3A_2279 = arith.addf %get3A_2272, %get3A_2278 : vector<16xf32>
        %get3A_2280 = arith.constant 58 : i32
        %get3A_2281 = arith.constant 0 : i32
        %get3A_2282 = tpu.memref_slice %arg11[%multiple_of3A_374, %get3A_2281] : memref<256x128xf32, #tpu.memory_space<vmem>> -> memref<64x128xf32, #tpu.memory_space<vmem>>
        %get3A_2283 = arith.index_cast %get3A_2280 : i32 to index
        %get3A_2284 = arith.constant 48 : index
        %get3A_2285 = tpu.vector_load %get3A_2282[%get3A_2283, %get3A_2284] {strides = array<i32>} : memref<64x128xf32, #tpu.memory_space<vmem>>, vector<16xf32>,
        %add3A_2286 = arith.addf %add3A_2279, %get3A_2285 : vector<16xf32>
        %get3A_2287 = arith.constant 59 : i32
        %get3A_2288 = arith.constant 0 : i32
        %get3A_2289 = tpu.memref_slice %arg11[%multiple_of3A_374, %get3A_2288] : memref<256x128xf32, #tpu.memory_space<vmem>> -> memref<64x128xf32, #tpu.memory_space<vmem>>
        %get3A_2290 = arith.index_cast %get3A_2287 : i32 to index
        %get3A_2291 = arith.constant 48 : index
        %get3A_2292 = tpu.vector_load %get3A_2289[%get3A_2290, %get3A_2291] {strides = array<i32>} : memref<64x128xf32, #tpu.memory_space<vmem>>, vector<16xf32>,
        %add3A_2293 = arith.addf %add3A_2286, %get3A_2292 : vector<16xf32>
        %get3A_2294 = arith.constant 60 : i32
        %get3A_2295 = arith.constant 0 : i32
        %get3A_2296 = tpu.memref_slice %arg11[%multiple_of3A_374, %get3A_2295] : memref<256x128xf32, #tpu.memory_space<vmem>> -> memref<64x128xf32, #tpu.memory_space<vmem>>
        %get3A_2297 = arith.index_cast %get3A_2294 : i32 to index
        %get3A_2298 = arith.constant 48 : index
        %get3A_2299 = tpu.vector_load %get3A_2296[%get3A_2297, %get3A_2298] {strides = array<i32>} : memref<64x128xf32, #tpu.memory_space<vmem>>, vector<16xf32>,
        %add3A_2300 = arith.addf %add3A_2293, %get3A_2299 : vector<16xf32>
        %get3A_2301 = arith.constant 61 : i32
        %get3A_2302 = arith.constant 0 : i32
        %get3A_2303 = tpu.memref_slice %arg11[%multiple_of3A_374, %get3A_2302] : memref<256x128xf32, #tpu.memory_space<vmem>> -> memref<64x128xf32, #tpu.memory_space<vmem>>
        %get3A_2304 = arith.index_cast %get3A_2301 : i32 to index
        %get3A_2305 = arith.constant 48 : index
        %get3A_2306 = tpu.vector_load %get3A_2303[%get3A_2304, %get3A_2305] {strides = array<i32>} : memref<64x128xf32, #tpu.memory_space<vmem>>, vector<16xf32>,
        %add3A_2307 = arith.addf %add3A_2300, %get3A_2306 : vector<16xf32>
        %get3A_2308 = arith.constant 62 : i32
        %get3A_2309 = arith.constant 0 : i32
        %get3A_2310 = tpu.memref_slice %arg11[%multiple_of3A_374, %get3A_2309] : memref<256x128xf32, #tpu.memory_space<vmem>> -> memref<64x128xf32, #tpu.memory_space<vmem>>
        %get3A_2311 = arith.index_cast %get3A_2308 : i32 to index
        %get3A_2312 = arith.constant 48 : index
        %get3A_2313 = tpu.vector_load %get3A_2310[%get3A_2311, %get3A_2312] {strides = array<i32>} : memref<64x128xf32, #tpu.memory_space<vmem>>, vector<16xf32>,
        %add3A_2314 = arith.addf %add3A_2307, %get3A_2313 : vector<16xf32>
        %get3A_2315 = arith.constant 63 : i32
        %get3A_2316 = arith.constant 0 : i32
        %get3A_2317 = tpu.memref_slice %arg11[%multiple_of3A_374, %get3A_2316] : memref<256x128xf32, #tpu.memory_space<vmem>> -> memref<64x128xf32, #tpu.memory_space<vmem>>
        %get3A_2318 = arith.index_cast %get3A_2315 : i32 to index
        %get3A_2319 = arith.constant 48 : index
        %get3A_2320 = tpu.vector_load %get3A_2317[%get3A_2318, %get3A_2319] {strides = array<i32>} : memref<64x128xf32, #tpu.memory_space<vmem>>, vector<16xf32>,
        %add3A_2321 = arith.addf %add3A_2314, %get3A_2320 : vector<16xf32>
        %swap3A_2322 = arith.constant 7 : i32
        %swap3A_2323 = arith.constant 0 : i32
        %swap3A_2324 = tpu.memref_slice %arg13[%multiple_of3A_377, %swap3A_2323] : memref<32x128xf32, #tpu.memory_space<vmem>> -> memref<8x128xf32, #tpu.memory_space<vmem>>
        %swap3A_2325 = arith.index_cast %swap3A_2322 : i32 to index
        %swap3A_2326 = arith.constant 48 : index
        %swap3A_2327 = tpu.vector_load %swap3A_2324[%swap3A_2325, %swap3A_2326] {strides = array<i32>} : memref<8x128xf32, #tpu.memory_space<vmem>>, vector<16xf32>,
        tpu.vector_store %swap3A_2324[%swap3A_2325, %swap3A_2326], %add3A_2321 {strides = array<i32>} : memref<8x128xf32, #tpu.memory_space<vmem>>, vector<16xf32>,
      }
      %scan3A_343 = arith.constant 4 : i32
      %mul3A_344 = arith.constant 2 : i32
      %mul3A_345 = arith.muli %mul3A_344, %scan3A_281 : i32
      %add3A_346 = arith.constant 1 : i32
      %add3A_347 = arith.addi %mul3A_345, %add3A_346 : i32
      %mul3A_348 = arith.constant 32 : i32
      %mul3A_349 = arith.muli %add3A_347, %mul3A_348 : i32
      %add3A_350 = arith.addi %select_n3A, %mul3A_349 : i32
      %multiple_of3A_351 = tpu.assume_multiple %add3A_350, 32 : i32
      %dma_start3A_352 = arith.constant 0 : i32
      %dma_start3A_353 = tpu.memref_slice %arg8[%multiple_of3A_351, %dma_start3A_352] : memref<65536x128xf32, #tpu.memory_space<hbm>> -> memref<32x128xf32, #tpu.memory_space<hbm>>
      %dma_start3A_354 = arith.constant 0 : i32
      %dma_start3A_355 = tpu.memref_slice %arg8[%multiple_of3A_351, %dma_start3A_354] : memref<65536x128xf32, #tpu.memory_space<hbm>> -> memref<32x128xf32, #tpu.memory_space<hbm>>
      tpu.enqueue_dma source(%arg13 : memref<32x128xf32, #tpu.memory_space<vmem>>) target(%dma_start3A_355 : memref<32x128xf32, #tpu.memory_space<hbm>>) target_semaphore(%arg17 : memref<!tpu.dma_semaphore, #tpu.memory_space<semaphore_mem>>)
      %mul3A_356 = arith.constant 2 : i32
      %mul3A_357 = arith.muli %mul3A_356, %scan3A_281 : i32
      %add3A_358 = arith.constant 1 : i32
      %add3A_359 = arith.addi %mul3A_357, %add3A_358 : i32
      %add3A_360 = arith.constant 2 : i32
      %add3A_361 = arith.addi %add3A_359, %add3A_360 : i32
      %mul3A_362 = arith.constant 256 : i32
      %mul3A_363 = arith.muli %add3A_361, %mul3A_362 : i32
      %min3A_364 = arith.constant 16128 : i32
      %min3A_365 = arith.minsi %mul3A_363, %min3A_364 : i32
      %multiple_of3A_366 = tpu.assume_multiple %min3A_365, 256 : i32
      %dma_start3A_367 = tpu.memref_slice %arg9[%multiple_of3A_366] : memref<16384xi32, #tpu.memory_space<vmem>> -> memref<256xi32, #tpu.memory_space<vmem>>
      %dma_start3A_368 = arith.constant 0 : i32
      %dma_start3A_369 = arith.constant 0 : i32
      %dma_start3A_370 = tpu.memref_slice %arg2[%dma_start3A_368, %dma_start3A_369] : memref<100000x128xf32, #tpu.memory_space<hbm>> -> memref<100000x128xf32, #tpu.memory_space<hbm>>
      tpu.enqueue_indirect_dma source(%dma_start3A_370 : memref<100000x128xf32, #tpu.memory_space<hbm>>) target(%arg11 : memref<256x128xf32, #tpu.memory_space<vmem>>) offsets(%dma_start3A_367 : memref<256xi32, #tpu.memory_space<vmem>>) semaphore(%arg15 : memref<!tpu.dma_semaphore, #tpu.memory_space<semaphore_mem>>)
    }
    %scan3A_256 = arith.constant 32 : i32
    %dma_wait3A_257 = arith.constant 0 : i32
    %dma_wait3A_258 = arith.constant 0 : i32
    %dma_wait3A_259 = tpu.memref_slice %arg2[%dma_wait3A_257, %dma_wait3A_258] : memref<100000x128xf32, #tpu.memory_space<hbm>> -> memref<256x128xf32, #tpu.memory_space<hbm>>
    %dma_wait3A_260 = arith.constant 0 : i32
    %dma_wait3A_261 = arith.constant 0 : i32
    %dma_wait3A_262 = tpu.memref_slice %arg2[%dma_wait3A_260, %dma_wait3A_261] : memref<100000x128xf32, #tpu.memory_space<hbm>> -> memref<256x128xf32, #tpu.memory_space<hbm>>
    tpu.wait_dma2 semaphore(%arg14 : memref<!tpu.dma_semaphore, #tpu.memory_space<semaphore_mem>>) src(%dma_wait3A_262 : memref<256x128xf32, #tpu.memory_space<hbm>>) dst(%arg10 : memref<256x128xf32, #tpu.memory_space<vmem>>)
    %dma_wait3A_263 = arith.constant 0 : i32
    %dma_wait3A_264 = arith.constant 0 : i32
    %dma_wait3A_265 = tpu.memref_slice %arg8[%dma_wait3A_263, %dma_wait3A_264] : memref<65536x128xf32, #tpu.memory_space<hbm>> -> memref<32x128xf32, #tpu.memory_space<hbm>>
    %dma_wait3A_266 = arith.constant 0 : i32
    %dma_wait3A_267 = arith.constant 0 : i32
    %dma_wait3A_268 = tpu.memref_slice %arg8[%dma_wait3A_266, %dma_wait3A_267] : memref<65536x128xf32, #tpu.memory_space<hbm>> -> memref<32x128xf32, #tpu.memory_space<hbm>>
    tpu.wait_dma2 semaphore(%arg16 : memref<!tpu.dma_semaphore, #tpu.memory_space<semaphore_mem>>) src(%arg12 : memref<32x128xf32, #tpu.memory_space<vmem>>) dst(%dma_wait3A_268 : memref<32x128xf32, #tpu.memory_space<hbm>>)
    %dma_wait3A_269 = arith.constant 0 : i32
    %dma_wait3A_270 = arith.constant 0 : i32
    %dma_wait3A_271 = tpu.memref_slice %arg2[%dma_wait3A_269, %dma_wait3A_270] : memref<100000x128xf32, #tpu.memory_space<hbm>> -> memref<256x128xf32, #tpu.memory_space<hbm>>
    %dma_wait3A_272 = arith.constant 0 : i32
    %dma_wait3A_273 = arith.constant 0 : i32
    %dma_wait3A_274 = tpu.memref_slice %arg2[%dma_wait3A_272, %dma_wait3A_273] : memref<100000x128xf32, #tpu.memory_space<hbm>> -> memref<256x128xf32, #tpu.memory_space<hbm>>
    tpu.wait_dma2 semaphore(%arg15 : memref<!tpu.dma_semaphore, #tpu.memory_space<semaphore_mem>>) src(%dma_wait3A_274 : memref<256x128xf32, #tpu.memory_space<hbm>>) dst(%arg11 : memref<256x128xf32, #tpu.memory_space<vmem>>)
    %dma_wait3A_275 = arith.constant 0 : i32
    %dma_wait3A_276 = arith.constant 0 : i32
    %dma_wait3A_277 = tpu.memref_slice %arg8[%dma_wait3A_275, %dma_wait3A_276] : memref<65536x128xf32, #tpu.memory_space<hbm>> -> memref<32x128xf32, #tpu.memory_space<hbm>>
    %dma_wait3A_278 = arith.constant 0 : i32
    %dma_wait3A_279 = arith.constant 0 : i32
    %dma_wait3A_280 = tpu.memref_slice %arg8[%dma_wait3A_278, %dma_wait3A_279] : memref<65536x128xf32, #tpu.memory_space<hbm>> -> memref<32x128xf32, #tpu.memory_space<hbm>>
    tpu.wait_dma2 semaphore(%arg17 : memref<!tpu.dma_semaphore, #tpu.memory_space<semaphore_mem>>) src(%arg13 : memref<32x128xf32, #tpu.memory_space<vmem>>) dst(%dma_wait3A_280 : memref<32x128xf32, #tpu.memory_space<hbm>>)
    return
  }
}

module attributes {stable_mosaic.version = 14 : i64} {
  func.func @body(%arg0: i32, %arg1: memref<1024x128xf32, #tpu.memory_space<vmem>>, %arg2: memref<8192x128xf32, #tpu.memory_space<vmem>>, %arg3: memref<8192x128xf32, #tpu.memory_space<vmem>>, %arg4: memref<128x64xf32, #tpu.memory_space<vmem>>, %arg5: memref<1x64xf32, #tpu.memory_space<vmem>>, %arg6: memref<8x64xf32, #tpu.memory_space<vmem>>, %arg7: memref<128x64xf32, #tpu.memory_space<vmem>>) attributes {dimension_semantics = [#tpu.dimension_semantics<arbitrary>], iteration_bounds = array<i64: 8>, scalar_prefetch = 0 : i64, scratch_operands = 0 : i64, tpu.core_type = #tpu.core_type<tc>, window_params = [{transform_indices = @transform_0, window_bounds = array<i64: 1024, 128>}, {transform_indices = @transform_1, window_bounds = array<i64: 8192, 128>}, {transform_indices = @transform_2, window_bounds = array<i64: 8192, 128>}, {pipeline_mode = #tpu.pipeline_mode<synchronous>, transform_indices = @transform_3, window_bounds = array<i64: 128, 64>}, {pipeline_mode = #tpu.pipeline_mode<synchronous>, transform_indices = @transform_4, window_bounds = array<i64: 1, 64>}, {pipeline_mode = #tpu.pipeline_mode<synchronous>, transform_indices = @transform_5, window_bounds = array<i64: 8, 64>}, {transform_indices = @transform_6, window_bounds = array<i64: 128, 64>}]} {
    %get3A = arith.constant 0 : index
    %get3A_0 = arith.constant 0 : index
    %get3A_1 = vector.load %arg4[%get3A, %get3A_0] : memref<128x64xf32, #tpu.memory_space<vmem>>, vector<128x64xf32>
    %convert_element_type3A = arith.truncf %get3A_1 : vector<128x64xf32> to vector<128x64xbf16>
    %get3A_2 = arith.constant 0 : index
    %get3A_3 = arith.constant 0 : index
    %get3A_4 = vector.load %arg5[%get3A_2, %get3A_3] : memref<1x64xf32, #tpu.memory_space<vmem>>, vector<1x64xf32>
    %get3A_5 = arith.constant 0 : index
    %get3A_6 = arith.constant 0 : index
    %get3A_7 = vector.load %arg2[%get3A_5, %get3A_6] : memref<8192x128xf32, #tpu.memory_space<vmem>>, vector<8192x64xf32>
    %get3A_8 = arith.constant 0 : index
    %get3A_9 = arith.constant 0 : index
    %get3A_10 = vector.load %arg3[%get3A_8, %get3A_9] : memref<8192x128xf32, #tpu.memory_space<vmem>>, vector<8192x64xf32>
    %mul3A = arith.constant 1.250000e-01 : f32
    %mul3A_11 = vector.broadcast %mul3A : f32 to vector<8192x64xf32>
    %mul3A_12 = arith.mulf %get3A_10, %mul3A_11 : vector<8192x64xf32>
    %concatenate3A = tpu.concatenate %get3A_7, %mul3A_12 in 1 : vector<8192x64xf32>, vector<8192x64xf32> -> vector<8192x128xf32>
    %convert_element_type3A_13 = arith.truncf %concatenate3A : vector<8192x128xf32> to vector<8192x128xbf16>
    %dot_general3A = arith.constant dense<0.000000e+00> : vector<8192x64xf32>
    %dot_general3A_14 = tpu.matmul %convert_element_type3A_13, %convert_element_type3A, %dot_general3A {dimension_numbers = #tpu.dot_dimension_numbers<[1], [0], [0], [1], [0, 0, 1, 1], [], []>, transpose_lhs_hint = false} : vector<8192x128xbf16>, vector<128x64xbf16>, vector<8192x64xf32> -> vector<8192x64xf32>
    %add3A = vector.broadcast %get3A_4 : vector<1x64xf32> to vector<8192x64xf32>
    %add3A_15 = arith.addf %dot_general3A_14, %add3A : vector<8192x64xf32>
    %max3A = arith.constant 0.000000e+00 : f32
    %max3A_16 = vector.broadcast %max3A : f32 to vector<8192x64xf32>
    %max3A_17 = arith.maximumf %add3A_15, %max3A_16 : vector<8192x64xf32>
    %reshape3A = vector.shape_cast %max3A_17 : vector<8192x64xf32> to vector<1024x8x64xf32>
    %reduce_sum3A = arith.constant dense<0.000000e+00> : vector<1024x64xf32>
    %reduce_sum3A_18 = vector.multi_reduction <add>, %reshape3A, %reduce_sum3A [1] : vector<1024x8x64xf32> to vector<1024x64xf32>
    %mul3A_19 = arith.constant 1.250000e-01 : f32
    %mul3A_20 = vector.broadcast %mul3A_19 : f32 to vector<1024x64xf32>
    %mul3A_21 = arith.mulf %reduce_sum3A_18, %mul3A_20 : vector<1024x64xf32>
    %reshape3A_22 = vector.shape_cast %get3A_7 : vector<8192x64xf32> to vector<1024x8x64xf32>
    %reduce_sum3A_23 = arith.constant dense<0.000000e+00> : vector<1024x64xf32>
    %reduce_sum3A_24 = vector.multi_reduction <add>, %reshape3A_22, %reduce_sum3A_23 [1] : vector<1024x8x64xf32> to vector<1024x64xf32>
    %mul3A_25 = arith.constant 1.250000e-01 : f32
    %mul3A_26 = vector.broadcast %mul3A_25 : f32 to vector<1024x64xf32>
    %mul3A_27 = arith.mulf %reduce_sum3A_24, %mul3A_26 : vector<1024x64xf32>
    %get3A_28 = arith.constant 0 : index
    %get3A_29 = arith.constant 0 : index
    %get3A_30 = vector.load %arg1[%get3A_28, %get3A_29] : memref<1024x128xf32, #tpu.memory_space<vmem>>, vector<1024x64xf32>
    %concatenate3A_31 = tpu.concatenate %get3A_30, %mul3A_27 in 1 : vector<1024x64xf32>, vector<1024x64xf32> -> vector<1024x128xf32>
    %convert_element_type3A_32 = arith.truncf %concatenate3A_31 : vector<1024x128xf32> to vector<1024x128xbf16>
    %dot_general3A_33 = arith.constant dense<0.000000e+00> : vector<1024x64xf32>
    %dot_general3A_34 = tpu.matmul %convert_element_type3A_32, %convert_element_type3A, %dot_general3A_33 {dimension_numbers = #tpu.dot_dimension_numbers<[1], [0], [0], [1], [0, 0, 1, 1], [], []>, transpose_lhs_hint = false} : vector<1024x128xbf16>, vector<128x64xbf16>, vector<1024x64xf32> -> vector<1024x64xf32>
    %add3A_35 = vector.broadcast %get3A_4 : vector<1x64xf32> to vector<1024x64xf32>
    %add3A_36 = arith.addf %dot_general3A_34, %add3A_35 : vector<1024x64xf32>
    %max3A_37 = arith.constant 0.000000e+00 : f32
    %max3A_38 = vector.broadcast %max3A_37 : f32 to vector<1024x64xf32>
    %max3A_39 = arith.maximumf %add3A_36, %max3A_38 : vector<1024x64xf32>
    %concatenate3A_40 = tpu.concatenate %max3A_39, %mul3A_21 in 1 : vector<1024x64xf32>, vector<1024x64xf32> -> vector<1024x128xf32>
    %convert_element_type3A_41 = arith.truncf %concatenate3A_40 : vector<1024x128xf32> to vector<1024x128xbf16>
    %dot_general3A_42 = arith.constant dense<0.000000e+00> : vector<1024x64xf32>
    %dot_general3A_43 = tpu.matmul %convert_element_type3A_41, %convert_element_type3A, %dot_general3A_42 {dimension_numbers = #tpu.dot_dimension_numbers<[1], [0], [0], [1], [0, 0, 1, 1], [], []>, transpose_lhs_hint = false} : vector<1024x128xbf16>, vector<128x64xbf16>, vector<1024x64xf32> -> vector<1024x64xf32>
    %add3A_44 = vector.broadcast %get3A_4 : vector<1x64xf32> to vector<1024x64xf32>
    %add3A_45 = arith.addf %dot_general3A_43, %add3A_44 : vector<1024x64xf32>
    %tanh3A = math.tanh %add3A_45 : vector<1024x64xf32>
    %reshape3A_46 = vector.shape_cast %tanh3A : vector<1024x64xf32> to vector<128x8x64xf32>
    %get3A_47 = arith.constant 0 : index
    %get3A_48 = arith.constant 0 : index
    %get3A_49 = vector.load %arg6[%get3A_47, %get3A_48] : memref<8x64xf32, #tpu.memory_space<vmem>>, vector<8x64xf32>
    %reshape3A_50 = vector.shape_cast %get3A_49 : vector<8x64xf32> to vector<1x8x64xf32>
    %mul3A_51 = vector.broadcast %reshape3A_50 : vector<1x8x64xf32> to vector<128x8x64xf32>
    %mul3A_52 = arith.mulf %reshape3A_46, %mul3A_51 : vector<128x8x64xf32>
    %reduce_sum3A_53 = arith.constant dense<0.000000e+00> : vector<128x64xf32>
    %reduce_sum3A_54 = vector.multi_reduction <add>, %mul3A_52, %reduce_sum3A_53 [1] : vector<128x8x64xf32> to vector<128x64xf32>
    %swap3A = arith.constant 0 : index
    %swap3A_55 = arith.constant 0 : index
    %swap3A_56 = vector.load %arg7[%swap3A, %swap3A_55] : memref<128x64xf32, #tpu.memory_space<vmem>>, vector<128x64xf32>
    tpu.vector_store %arg7[%swap3A, %swap3A_55], %reduce_sum3A_54 {strides = array<i32>} : memref<128x64xf32, #tpu.memory_space<vmem>>, vector<128x64xf32>,
    return
  }
  func.func @transform_0(%arg0: i32) -> (i32, i32) {
    %c0_i32 = arith.constant 0 : i32
    %c0_i32_0 = arith.constant 0 : i32
    return %arg0, %c0_i32 : i32, i32
  }
  func.func @transform_1(%arg0: i32) -> (i32, i32) {
    %c0_i32 = arith.constant 0 : i32
    %c0_i32_0 = arith.constant 0 : i32
    return %arg0, %c0_i32 : i32, i32
  }
  func.func @transform_2(%arg0: i32) -> (i32, i32) {
    %c0_i32 = arith.constant 0 : i32
    %c0_i32_0 = arith.constant 0 : i32
    return %arg0, %c0_i32 : i32, i32
  }
  func.func @transform_3(%arg0: i32) -> (i32, i32) {
    %c0_i32 = arith.constant 0 : i32
    %c0_i32_0 = arith.constant 0 : i32
    %c0_i32_1 = arith.constant 0 : i32
    return %c0_i32, %c0_i32_0 : i32, i32
  }
  func.func @transform_4(%arg0: i32) -> (i32, i32) {
    %c0_i32 = arith.constant 0 : i32
    %c0_i32_0 = arith.constant 0 : i32
    %c0_i32_1 = arith.constant 0 : i32
    return %c0_i32, %c0_i32_0 : i32, i32
  }
  func.func @transform_5(%arg0: i32) -> (i32, i32) {
    %c0_i32 = arith.constant 0 : i32
    %c0_i32_0 = arith.constant 0 : i32
    %c0_i32_1 = arith.constant 0 : i32
    return %c0_i32, %c0_i32_0 : i32, i32
  }
  func.func @transform_6(%arg0: i32) -> (i32, i32) {
    %c0_i32 = arith.constant 0 : i32
    %c0_i32_0 = arith.constant 0 : i32
    return %arg0, %c0_i32 : i32, i32
  }
}

</mosaic_0001>

<sc_bundles>
// kernel: kernel.4.cloned.1.call-start
scs
__scs_entry_jumppad:
0x0: {  	(pc) =	sbr.rel $0x88, $3  }
0x1: {  	(tag) =	ssettag $0x0;
	lr =	simm.s32 $0x1  }
0x2: {  	[smem:$0x3F9A] =	sst lr;
	_ =	strace $0xD0000000  }
0x3: {  	_ = 	snop  }
0x4: {  	_ = 	snop  }
0x5: {  	_ = 	snop  }
0x6: {  	_ = 	snop  }
0x7: {  	_ = 	snop  }
__scs_overlays_trampoline_lowered:
0x8: {  	[smem:$0x3FA9] =	sst s0  }
0x9: {  	[smem:$0x3FAA] =	sst s1  }
0xa: {  	[smem:$0x3FAB] =	sst s2  }
0xb: {  	[smem:$0x3FAC] =	sst s3  }
0xc: {  	[smem:$0x3FAD] =	sst s4  }
0xd: {  	[smem:$0x3FAE] =	sst s5  }
0xe: {  	[smem:$0x3FAF] =	sst s6  }
0xf: {  	[smem:$0x3FB0] =	sst s7  }
0x10: {  	[smem:$0x3FB1] =	sst s8  }
0x11: {  	[smem:$0x3FB2] =	sst s9;
	s0 =	simm.s32 @!p0 $0x0  }
0x12: {  	s1 =	sld [smem:$0x3F98];
	s0 =	simm.s32 @p0 $0x1  }
0x13: {  	[smem:$0x3FB3] =	sst s0;
	s0 =	simm.s32 @!p1 $0x0  }
0x14: {  	s2 =	sld [smem:$0x3F97];
	s0 =	simm.s32 @p1 $0x1  }
0x15: {  	[smem:$0x3FB4] =	sst s0;
	s0 =	simm.s32 @!p2 $0x0  }
0x16: {  	s3 =	sld [smem:$0x3FDB];
	s0 =	simm.s32 @p2 $0x1  }
0x17: {  	s4 =	simm.s32 $0x1BF5;
	[smem:$0x3FB6] =	sst s0  }
0x18: {  	s0 =	sld [smem:$0x3F99];
	_ =	swait.ge [sflag:s4], $0x0  }
0x19: {  	s7 =	sld [smem:$0x3F9A]  }
0x1a: {  	s8 =	sadd.s32 $0xFFFFE003, lr  }
0x1b: {  	s9 =	sadd.s32 $0xFFFFFEF7, lr;
	s5 =	simm.s32 $0xFFFFFFFF;
	p2 =	slt.u32 s8, $0xFFFFF086  }
0x1c: {  	p1 =	slt.u32 s9, $0xF7A;
	s5 =	simm.s32 @!p2 $0x0  }
0x1d: {  	s5 =	simm.s32 @p1 $0x1;
	p0 =	seq.s32 s7, s2  }
0x1e: {  	s7 =	smul.u32 @!p0 $0xF7A, s2;
	p2 =	seq.s32 @!p0 s5, $0x0  }
0x1f: {  	s9 =	smul.u32 $0xF7A, s1;
	s8 =	simm.s32 @!p0 $0x1BF5;
	p2 =	por !p2, p0  }
0x20: {  	[sflag:s8] =	ssyncset.s32 @!p0 $0xFFFFF086;
	s6 =	sadd.s32 @!p0 s3, s7;
	s7 =	simm.s32 @!p0 $0x108  }
0x21: {  	s3 =	sadd.s32 s3, s9;
	s6 =	sadd.s32 @!p0 $0x88, s6;
	s7 =	simm.s32 @p2 $0x1082  }
0x22: {  	[simem:s7], [sflag:s8] =	dma.local @!p0 [hbm:s6], $0xF7A  }
0x23: {  	s9 =	sor.u32 $0xD0000000, s2;
	s6 =	simm.s32 $0x108;
	_ =	swait.ge @!p0 [sflag:s8], $0x0  }
0x24: {  	s3 =	sadd.s32 $0x88, s3;
	s6 =	simm.s32 @!p1 $0x1082;
	[sflag:s4] =	ssyncset.s32 $0xFFFFF086  }
0x25: {  	[simem:s6], [sflag:s4] =	dma.local [hbm:s3], $0xF7A  }
0x26: {  	[smem:$0x3F9A] =	sst s1;
	(tag) =	ssettag s2;
	_ =	strace s9  }
0x27: {  	s1 =	sld [smem:$0x3FAA]  }
0x28: {  	s2 =	sld [smem:$0x3FAB]  }
0x29: {  	s4 =	sld [smem:$0x3FAD]  }
0x2a: {  	p0 =	seq.s32 s5, $0x0;
	s5 =	sld [smem:$0x3FAE]  }
0x2b: {  	s6 =	sld [smem:$0x3FAF]  }
0x2c: {  	s7 =	sld [smem:$0x3FB0]  }
0x2d: {  	s3 =	simm.s32 $0x108;
	s8 =	sld [smem:$0x3FB1]  }
0x2e: {  	s3 =	simm.s32 @!p0 $0x1082;
	s9 =	sld [smem:$0x3FB2]  }
0x2f: {  	lr =	sadd.s32 s0, s3;
	s0 =	sld [smem:$0x3FA9]  }
0x30: {  	s3 =	sld [smem:$0x3FAC]  }
0x31: {  	[smem:$0x3FB5] =	sst s10  }
0x32: {  	s10 =	sld [smem:$0x3FB3];
	_ =	sdelay $0x3  }
0x33: {  	p0 =	seq.s32 s10, $0x1;
	s10 =	sld [smem:$0x3FB5];
	_ =	sdelay $0x3  }
0x34: {  	[smem:$0x3FB5] =	sst s10  }
0x35: {  	s10 =	sld [smem:$0x3FB4];
	_ =	sdelay $0x3  }
0x36: {  	p1 =	seq.s32 s10, $0x1;
	s10 =	sld [smem:$0x3FB5];
	_ =	sdelay $0x3  }
0x37: {  	[smem:$0x3FB5] =	sst s10  }
0x38: {  	s10 =	sld [smem:$0x3FB6]  }
0x39: {  	_ = 	snop;
	(pc) =	sbr.ind lr, $3  }
0x3a: {  	_ = 	snop  }
0x3b: {  	_ = 	snop  }
0x3c: {  	p2 =	seq.s32 s10, $0x1;
	s10 =	sld [smem:$0x3FB5]  }
0x3d: {  	_ =	shalt  }
0x3e: {  	_ =	shalt  }
0x3f: {  	_ =	shalt  }
0x40: {  	_ =	shalt  }
0x41: {  	_ =	shalt  }
0x42: {  	_ =	shalt  }
0x43: {  	_ =	shalt  }
0x44: {  	_ =	shalt  }
0x45: {  	_ =	shalt  }
0x46: {  	_ =	shalt  }
0x47: {  	_ =	shalt  }
0x48: {  	_ =	shalt  }
0x49: {  	_ =	shalt  }
0x4a: {  	_ =	shalt  }
0x4b: {  	_ =	shalt  }
0x4c: {  	_ =	shalt  }
0x4d: {  	_ =	shalt  }
0x4e: {  	_ =	shalt  }
0x4f: {  	_ =	shalt  }
0x50: {  	_ =	shalt  }
0x51: {  	_ =	shalt  }
0x52: {  	_ =	shalt  }
0x53: {  	_ =	shalt  }
0x54: {  	_ =	shalt  }
0x55: {  	_ =	shalt  }
0x56: {  	_ =	shalt  }
0x57: {  	_ =	shalt  }
0x58: {  	_ =	shalt  }
0x59: {  	_ =	shalt  }
0x5a: {  	_ =	shalt  }
0x5b: {  	_ =	shalt  }
0x5c: {  	_ =	shalt  }
0x5d: {  	_ =	shalt  }
0x5e: {  	_ =	shalt  }
0x5f: {  	_ =	shalt  }
0x60: {  	_ =	shalt  }
0x61: {  	_ =	shalt  }
0x62: {  	_ =	shalt  }
0x63: {  	_ =	shalt  }
0x64: {  	_ =	shalt  }
0x65: {  	_ =	shalt  }
0x66: {  	_ =	shalt  }
0x67: {  	_ =	shalt  }
0x68: {  	_ =	shalt  }
0x69: {  	_ =	shalt  }
0x6a: {  	_ =	shalt  }
0x6b: {  	_ =	shalt  }
0x6c: {  	_ =	shalt  }
0x6d: {  	_ =	shalt  }
0x6e: {  	_ =	shalt  }
0x6f: {  	_ =	shalt  }
0x70: {  	_ =	shalt  }
0x71: {  	_ =	shalt  }
0x72: {  	_ =	shalt  }
0x73: {  	_ =	shalt  }
0x74: {  	_ =	shalt  }
0x75: {  	_ =	shalt  }
0x76: {  	_ =	shalt  }
0x77: {  	_ =	shalt  }
0x78: {  	_ =	shalt  }
0x79: {  	_ =	shalt  }
0x7a: {  	_ =	shalt  }
0x7b: {  	_ =	shalt  }
0x7c: {  	_ =	shalt  }
0x7d: {  	_ =	shalt  }
0x7e: {  	_ =	shalt  }
0x7f: {  	_ =	shalt  }
0x80: {  	_ =	shalt  }
0x81: {  	_ =	shalt  }
0x82: {  	_ =	shalt  }
0x83: {  	_ =	shalt  }
0x84: {  	_ =	shalt  }
0x85: {  	_ =	shalt  }
0x86: {  	_ =	shalt  }
0x87: {  	_ =	shalt  }
.Lfunc_end0:
.L_simem_size_0:
called_computation_lowered:
.L_overlay_start_0:
0x88: {  	s2 =	sld [smem:$0x3FD9]  }
0x89: {  	s3 =	sld [smem:$0x3FFE];
	_ =	sdelay $0x1  }
0x8a: {  	s1 =	srdreg.scid  }
0x8b: {  	s0 =	sand.u32 $0x1, s1  }
0x8c: {  	s17 =	sshll.u32 s0, $0xA;
	s2 =	sadd.s32 s3, s2  }
0x8d: {  	s2 =	sadd.s32 s2, s17  }
0x8e: {  	[smem:$0x3FC1] =	sst s2  }
0x8f: {  	_ = 	snop  }
0x90: {  	s2 =	sld [smem:$0x3FD0];
	(tm) =	ssettm $0x1  }
0x91: {  	s18 =	sld [smem:$0x3FFB];
	_ =	sdelay $0x3  }
0x92: {  	_ =	strace s18  }
0x93: {  	s3 =	sld [smem:$0x3FFC];
	_ =	sdelay $0x3  }
0x94: {  	_ =	strace s3  }
0x95: {  	s3 =	sld [smem:$0x3FFD];
	_ =	sdelay $0x3  }
0x96: {  	_ =	strace s3  }
0x97: {  	_ =	strace $0x8FFFFFFF  }
0x98: {  	s19 =	sld [smem:$0x3FDB];
	_ =	sdelay $0x1  }
0x99: {  	s4 =	simm.s32 $_scs_section_size  }
0x9a: {  	s5 =	simm.s32 $_size__tile_overlayer_lowered;
	s6 =	simm.s32 $_tile_overlayer_lowered  }
0x9b: {  	s22 =	simm.s32 $0x1BFF;
	s21 =	sshll.u32 s6, $0x1;
	s3 =	sadd.s32 s4, s19  }
0x9c: {  	s7 =	simm.s32 $0x0;
	s20 =	sshll.u32 s5, $0x1;
	s5 =	sadd.s32 s21, s3  }
0x9d: {  	[timem:s7], [sflag:s22] =	dma.local [hbm:s5], s20  }
0x9e: {  	_ =	swait.ge [sflag:s22], s20  }
0x9f: {  	s4 =	ssub.s32 $0x0, s20;
	[sflag:s22] =	ssyncset.done $0x0  }
0xa0: {  	[sflag:s22] =	ssyncadd.s32 s4;
	_ =	sdelay $0x1  }
0xa1: {  	s23 =	simm.s32 $0x1B8B  }
0xa2: {  	_ =	swait.ge [sflag:s23], $0x1  }
0xa3: {  	[sflag:s23] =	ssyncset.done $0x0  }
0xa4: {  	s25 =	simm.s32 $0x1B8E;
	s24 =	sld [smem:$0x3FFE];
	[sflag:s23] =	ssyncadd.s32 $0xFFFFFFFF  }
0xa5: {  	s26 =	simm.s32 $execute0_lowered;
	[smem:$0x3FD2] =	sst s25  }
0xa6: {  	s5 =	sshll.u32 s26, $0x1;
	_ =	strace $0x80000046;
	[dreg:$0x1] =	wrdreg $0xFFFFFFFF  }
0xa7: {  	s28 =	simm.s32 $_size_execute0_lowered;
	s3 =	sadd.s32 s3, s5;
	[dreg:$0x0] =	wrdreg $0x0  }
0xa8: {  	s5 =	sshll.u32 s28, $0x1;
	[dreg:$0x2] =	wrdreg s3  }
0xa9: {  	[dreg:$0x3] =	wrdreg s5  }
0xaa: {  	[dreg:$0x4] =	wrdreg $0xC0  }
0xab: {  	_ =	task [dreg:s7], $0x5FFFF  }
0xac: {  	[dreg:$0x1] =	wrdreg $0xFFFFFFFF  }
0xad: {  	[dreg:$0x0] =	wrdreg $0x60  }
0xae: {  	[dreg:$0x2] =	wrdreg s24  }
0xaf: {  	[dreg:$0x3] =	wrdreg s2  }
0xb0: {  	[dreg:$0x4] =	wrdreg $0x9  }
0xb1: {  	_ =	task.clear_ibuf [dreg:s7], $0x5FFFF;
	_ =	strace $0x90000046  }
0xb2: {  	s29 =	simm.s32 $0x9;
	_ =	strace $0x80000048  }
0xb3: {  	_ =	swait.ge [sflag:s29], $0x1  }
0xb4: {  	[sflag:s29] =	ssyncadd.s32 $0xFFFFFFFF  }
0xb5: {  	_ =	strace $0x90000048  }
0xb6: {  	_ =	sfence  }
0xb7: {  	s30 =	sld [smem:$0x0];
	_ =	sdelay $0x2  }
0xb8: {  	s31 =	sshll.u32 s1, $0xD;
	s1 =	sshrl.u32 s1, $0x2  }
0xb9: {  	s3 =	sand.u32 $0x4000, s31;
	s1 =	sadd.s32 s1, s30  }
0xba: {  	s0 =	sor.u32 s3, s0;
	s1 =	sshll.u32 s1, $0x11  }
0xbb: {  	s0 =	sor.u32 s1, s0  }
0xbc: {  	s0 =	sadd.s32 $0x8F2B, s0  }
0xbd: {  	[sflag:s0] =	ssyncadd.remote.s32 $0x1  }
0xbe: {  	_ =	sfence.sel $0xFFFF  }
0xbf: {  	[dreg:$0x0] =	wrdreg $0xFFFFFFFF;
	(pc) =	sbr.abs _section_cstart, $3  }
0xc0: {  	[dreg:$0x1] =	wrdreg $0xFFFFFFFF  }
0xc1: {  	_ =	task.clear_ibuf [dreg:s7], $0x2FFFF;
	_ =	strace $0x9FFFFFFF  }
0xc2: {  	(tm) =	ssettm $0x7FFFFFFF  }
0xc3: {  	_ =	shalt  }
tec
execute0_lowered:
.L_overlay_start_1:
0x0: {  	(tag) =	ssettag $0x1  }
0x1: {  	s0 =	rddreg [dreg:$0x0]  }
0x2: {  	s1 =	rddreg [dreg:$0x1];
	s2 =	simm.s32 $0x0;
	s3 =	srdreg.scid  }
0x3: {  	s5 =	stileid.u32;
	s19 =	simm.s32 $0x5;
	s20 =	simm.s32 $0x100  }
0x4: {  	s21 =	simm.s32 $0x4000;
	s22 =	simm.s32 $0x1;
	s23 =	simm.s32 $0x3  }
0x5: {  	s24 =	simm.s32 $0xC000;
	s28 =	simm.s32 $0x4;
	s29 =	simm.s32 $0x15000  }
0x6: {  	s30 =	simm.s32 $0x0;
	[smem:$0x7FF] =	sst s2;
	s4 =	sand.u32 $0x1, s3  }
0x7: {  	s25 =	sshll.u32 s5, $0x1;
	s3 =	sadd.s32 $0x198400, s0;
	_ =	strace $0x80000047  }
0x8: {  	s5 =	sor.u32 s4, s25;
	s4 =	ssub.s32 $0x2, s4;
	s25 =	simm.s32 $0x2  }
0x9: {  	s6 =	sshll.u32 s5, $0x5;
	s7 =	sshll.u32 s5, $0xB;
	s26 =	sshll.u32 s5, $0xC  }
0xa: {  	s8 =	sshll.u32 s5, $0xF;
	s9 =	sshrl.u32 s4, $0x1;
	s5 =	sshll.u32 s5, $0x8  }
0xb: {  	s6 =	sadd.s32 s6, s0;
	s15 =	sadd.s32 s7, s0;
	s7 =	sadd.s32 s26, s0  }
0xc: {  	s0 =	sadd.s32 s8, s0;
	s4 =	ssub.s32 s4, s9;
	s1 =	sadd.s32 s1, s5  }
0xd: {  	s26 =	simm.s32 $0x14000;
	s6 =	sadd.s32 $0x198000, s6;
	s31 =	sadd.s32 $0x1600, s7  }
0xe: {  	[dreg:$0x5] =	wrdreg s1;
	s7 =	sadd.s32 $0x21600, s0;
	s8 =	sadd.s32 $0x22600, s0  }
0xf: {  	s9 =	sadd.s32 $0x23600, s0;
	s10 =	sadd.s32 $0x24600, s0;
	s11 =	sadd.s32 $0x25600, s0  }
0x10: {  	s12 =	sadd.s32 $0x26600, s0;
	s13 =	sadd.s32 $0x27600, s0;
	s14 =	sadd.s32 $0x28600, s0  }
0x11: {  	s15 =	sadd.s32 $0x188000, s15;
	s16 =	sadd.s32 $0x31EE00, s0;
	[dreg:$0x3] =	wrdreg s6  }
0x12: {  	s17 =	sadd.s32 $0x31F000, s0;
	s18 =	smax.u32 s4, $0x1;
	[dreg:$0x4] =	wrdreg s31  }
.LBB2_1:
0x13: {  	s0 =	rddreg [dreg:$0x3]  }
0x14: {  	[tilespmem:s2], [sflag:$0x5] =	stream.linear.gather [hbm4b:s0+s2], $0x100, $0x38;
	[tilespmem:$0x16000] =	vst v63  }
0x15: {  	_ =	swait.ge [sflag:s19], $0x100  }
0x16: {  	[sflag:s19] =	ssyncset.done $0x0  }
0x17: {  	[sflag:s19] =	ssyncadd.s32 $0xFFFFFF00  }
0x18: {  	[tilespmem:s21], [sflag:$0x1] =	stream.indirect.gather [hbm4b:s3+s20], $0x80, s2, s20, $0xb8;
	[tilespmem:$0x16000] =	vst v63  }
0x19: {  	_ =	swait.ge [sflag:s22], $0x8000  }
0x1a: {  	[sflag:s22] =	ssyncset.done $0x0  }
0x1b: {  	s1 =	rddreg [dreg:$0x4];
	[sflag:s22] =	ssyncadd.s32 $0xFFFF8000  }
0x1c: {  	[hbm4b:s1+s2] =	stream.linear.scatter [tilespmem:s21], [sflag:$0x3], $0x8000, $0x38;
	[tilespmem:$0x16000] =	vst v63  }
0x1d: {  	s4 =	rddreg [dreg:$0x5]  }
0x1e: {  	[tilespmem:s2], [sflag:$0x5] =	stream.linear.gather [hbm4b:s4+s2], $0x800, $0x38;
	[tilespmem:$0x16000] =	vst v63  }
0x1f: {  	_ =	swait.ge [sflag:s19], $0x800  }
0x20: {  	[sflag:s19] =	ssyncset.done $0x0  }
0x21: {  	[sflag:s19] =	ssyncadd.s32 $0xFFFFF800  }
0x22: {  	_ =	swait.ge [sflag:s23], $0x8000  }
0x23: {  	[sflag:s23] =	ssyncset.done $0x0  }
0x24: {  	[sflag:s23] =	ssyncadd.s32 $0xFFFF8000  }
0x25: {  	[tilespmem:s21], [sflag:$0x1] =	stream.indirect.gather [hbm4b:s3+s20], $0x80, s2, s20, $0xb8;
	[tilespmem:$0x16000] =	vst v63  }
0x26: {  	_ =	swait.ge [sflag:s22], $0x8000  }
0x27: {  	[sflag:s22] =	ssyncset.done $0x0  }
0x28: {  	[sflag:s22] =	ssyncadd.s32 $0xFFFF8000  }
0x29: {  	[tilespmem:s24], [sflag:$0x2] =	stream.indirect.gather [hbm4b:s3+s20], $0x80, s20, s20, $0xb8;
	[tilespmem:$0x16000] =	vst v63  }
0x2a: {  	_ = 	snop  }
0x2b: {  	[hbm4b:s7+s2] =	stream.linear.scatter [tilespmem:s21], [sflag:$0x3], $0x8000, $0x38;
	[tilespmem:$0x16000] =	vst v63  }
0x2c: {  	_ =	swait.ge [sflag:s25], $0x8000  }
0x2d: {  	[sflag:s25] =	ssyncset.done $0x0  }
0x2e: {  	[sflag:s25] =	ssyncadd.s32 $0xFFFF8000  }
0x2f: {  	_ =	swait.ge [sflag:s23], $0x8000  }
0x30: {  	[sflag:s23] =	ssyncset.done $0x0  }
0x31: {  	s5 =	simm.s32 $0x200;
	[sflag:s23] =	ssyncadd.s32 $0xFFFF8000  }
0x32: {  	[tilespmem:s21], [sflag:$0x1] =	stream.indirect.gather [hbm4b:s3+s20], $0x80, s5, s20, $0xb8;
	[tilespmem:$0x16000] =	vst v63  }
0x33: {  	_ = 	snop  }
0x34: {  	[hbm4b:s8+s2] =	stream.linear.scatter [tilespmem:s24], [sflag:$0x4], $0x8000, $0x38;
	[tilespmem:$0x16000] =	vst v63  }
0x35: {  	_ =	swait.ge [sflag:s22], $0x8000  }
0x36: {  	[sflag:s22] =	ssyncset.done $0x0  }
0x37: {  	[sflag:s22] =	ssyncadd.s32 $0xFFFF8000  }
0x38: {  	_ =	swait.ge [sflag:s28], $0x8000  }
0x39: {  	[sflag:s28] =	ssyncset.done $0x0  }
0x3a: {  	s6 =	simm.s32 $0x300;
	[sflag:s28] =	ssyncadd.s32 $0xFFFF8000  }
0x3b: {  	[tilespmem:s24], [sflag:$0x2] =	stream.indirect.gather [hbm4b:s3+s20], $0x80, s6, s20, $0xb8;
	[tilespmem:$0x16000] =	vst v63  }
0x3c: {  	_ = 	snop  }
0x3d: {  	[hbm4b:s9+s2] =	stream.linear.scatter [tilespmem:s21], [sflag:$0x3], $0x8000, $0x38;
	[tilespmem:$0x16000] =	vst v63  }
0x3e: {  	_ =	swait.ge [sflag:s25], $0x8000  }
0x3f: {  	[sflag:s25] =	ssyncset.done $0x0  }
0x40: {  	[sflag:s25] =	ssyncadd.s32 $0xFFFF8000  }
0x41: {  	_ =	swait.ge [sflag:s23], $0x8000  }
0x42: {  	[sflag:s23] =	ssyncset.done $0x0  }
0x43: {  	s1 =	simm.s32 $0x400;
	[sflag:s23] =	ssyncadd.s32 $0xFFFF8000  }
0x44: {  	[tilespmem:s21], [sflag:$0x1] =	stream.indirect.gather [hbm4b:s3+s20], $0x80, s1, s20, $0xb8;
	[tilespmem:$0x16000] =	vst v63  }
0x45: {  	_ = 	snop  }
0x46: {  	[hbm4b:s10+s2] =	stream.linear.scatter [tilespmem:s24], [sflag:$0x4], $0x8000, $0x38;
	[tilespmem:$0x16000] =	vst v63  }
0x47: {  	_ =	swait.ge [sflag:s22], $0x8000  }
0x48: {  	[sflag:s22] =	ssyncset.done $0x0  }
0x49: {  	[sflag:s22] =	ssyncadd.s32 $0xFFFF8000  }
0x4a: {  	_ =	swait.ge [sflag:s28], $0x8000  }
0x4b: {  	[sflag:s28] =	ssyncset.done $0x0  }
0x4c: {  	s4 =	simm.s32 $0x500;
	[sflag:s28] =	ssyncadd.s32 $0xFFFF8000  }
0x4d: {  	[tilespmem:s24], [sflag:$0x2] =	stream.indirect.gather [hbm4b:s3+s20], $0x80, s4, s20, $0xb8;
	[tilespmem:$0x16000] =	vst v63  }
0x4e: {  	_ = 	snop  }
0x4f: {  	[hbm4b:s11+s2] =	stream.linear.scatter [tilespmem:s21], [sflag:$0x3], $0x8000, $0x38;
	[tilespmem:$0x16000] =	vst v63  }
0x50: {  	_ =	swait.ge [sflag:s25], $0x8000  }
0x51: {  	[sflag:s25] =	ssyncset.done $0x0  }
0x52: {  	[sflag:s25] =	ssyncadd.s32 $0xFFFF8000  }
0x53: {  	_ =	swait.ge [sflag:s23], $0x8000  }
0x54: {  	[sflag:s23] =	ssyncset.done $0x0  }
0x55: {  	s5 =	simm.s32 $0x600;
	[sflag:s23] =	ssyncadd.s32 $0xFFFF8000  }
0x56: {  	[tilespmem:s21], [sflag:$0x1] =	stream.indirect.gather [hbm4b:s3+s20], $0x80, s5, s20, $0xb8;
	[tilespmem:$0x16000] =	vst v63  }
0x57: {  	_ = 	snop  }
0x58: {  	[hbm4b:s12+s2] =	stream.linear.scatter [tilespmem:s24], [sflag:$0x4], $0x8000, $0x38;
	[tilespmem:$0x16000] =	vst v63  }
0x59: {  	_ =	swait.ge [sflag:s22], $0x8000  }
0x5a: {  	[sflag:s22] =	ssyncset.done $0x0  }
0x5b: {  	[sflag:s22] =	ssyncadd.s32 $0xFFFF8000  }
0x5c: {  	_ =	swait.ge [sflag:s28], $0x8000  }
0x5d: {  	[sflag:s28] =	ssyncset.done $0x0  }
0x5e: {  	s6 =	simm.s32 $0x700;
	[sflag:s28] =	ssyncadd.s32 $0xFFFF8000  }
0x5f: {  	[tilespmem:s24], [sflag:$0x2] =	stream.indirect.gather [hbm4b:s3+s20], $0x80, s6, s20, $0xb8;
	[tilespmem:$0x16000] =	vst v63  }
0x60: {  	_ = 	snop  }
0x61: {  	[hbm4b:s13+s2] =	stream.linear.scatter [tilespmem:s21], [sflag:$0x3], $0x8000, $0x38;
	[tilespmem:$0x16000] =	vst v63  }
0x62: {  	_ =	swait.ge [sflag:s25], $0x8000  }
0x63: {  	[sflag:s25] =	ssyncset.done $0x0  }
0x64: {  	[sflag:s25] =	ssyncadd.s32 $0xFFFF8000  }
0x65: {  	[hbm4b:s14+s2] =	stream.linear.scatter [tilespmem:s24], [sflag:$0x4], $0x8000, $0x38;
	[tilespmem:$0x16000] =	vst v63  }
0x66: {  	_ =	swait.ge [sflag:s23], $0x8000  }
0x67: {  	[sflag:s23] =	ssyncset.done $0x0  }
0x68: {  	[sflag:s23] =	ssyncadd.s32 $0xFFFF8000  }
0x69: {  	_ =	swait.ge [sflag:s28], $0x8000  }
0x6a: {  	[sflag:s28] =	ssyncset.done $0x0  }
0x6b: {  	[sflag:s28] =	ssyncadd.s32 $0xFFFF8000  }
0x6c: {  	[tilespmem:s2], [sflag:$0x5] =	stream.linear.gather [hbm4b:s15+s2], $0x4000, $0x38;
	[tilespmem:$0x16000] =	vst v63  }
0x6d: {  	_ =	swait.ge [sflag:s19], $0x4000  }
0x6e: {  	[sflag:s19] =	ssyncset.done $0x0  }
0x6f: {  	[sflag:s19] =	ssyncadd.s32 $0xFFFFC000  }
0x70: {  	[hbm4b:s16+s2] =	stream.linear.scatter [tilespmem:s26], [sflag:$0x3], $0x1000, $0x38;
	[tilespmem:$0x16000] =	vst v63  }
0x71: {  	_ = 	snop  }
0x72: {  	[hbm4b:s17+s2] =	stream.linear.scatter [tilespmem:s29], [sflag:$0x4], $0x1000, $0x38;
	[tilespmem:$0x16000] =	vst v63  }
0x73: {  	_ = 	snop  }
0x74: {  	[tilespmem:s21], [sflag:$0x1] =	stream.indirect.gather [hbm4b:s3+s20], $0x80, s2, s20, $0xb8;
	[tilespmem:$0x16000] =	vst v63  }
0x75: {  	s31 =	simm.s32 $0x0  }
0x76: {  	[tilespmem:s24], [sflag:$0x2] =	stream.indirect.gather [hbm4b:s3+s20], $0x80, s20, s20, $0xb8;
	[tilespmem:$0x16000] =	vst v63  }
.LBB2_2:
0x77: {  	_ =	swait.ge [sflag:s22], $0x8000  }
0x78: {  	[sflag:s22] =	ssyncset.done $0x0  }
0x79: {  	[sflag:s22] =	ssyncadd.s32 $0xFFFF8000  }
0x7a: {  	_ =	swait.ge [sflag:s23], $0x1000  }
0x7b: {  	[sflag:s23] =	ssyncset.done $0x0  }
0x7c: {  	s0 =	simm.s32 $0x0;
	[sflag:s23] =	ssyncadd.s32 $0xFFFFF000  }
.LBB2_3:
0x7d: {  	s1 =	sshll.u32 s0, $0xD  }
0x7e: {  	s1 =	sand.u32 $0x3FFFE000, s1  }
0x7f: {  	v0 =	vld [tilespmem:s1+$0x4000]  }
0x80: {  	v1 =	vld [tilespmem:s1+$0x4080];
	_ =	sdelay $0x1  }
0x81: {  	v2 =	vld [tilespmem:s1+$0x4100];
	_ =	sdelay $0x1  }
0x82: {  	v3 =	vld [tilespmem:s1+$0x4180]  }
0x83: {  	v0 =	vadd.f32 v1, v0  }
0x84: {  	v17 =	vld [tilespmem:s1+$0x4200]  }
0x85: {  	v0 =	vadd.f32 v2, v0  }
0x86: {  	v18 =	vld [tilespmem:s1+$0x4280]  }
0x87: {  	v0 =	vadd.f32 v3, v0  }
0x88: {  	v19 =	vld [tilespmem:s1+$0x4300]  }
0x89: {  	v0 =	vadd.f32 v17, v0  }
0x8a: {  	v20 =	vld [tilespmem:s1+$0x4380]  }
0x8b: {  	v0 =	vadd.f32 v18, v0;
	_ =	sdelay $0x1  }
0x8c: {  	v0 =	vadd.f32 v19, v0;
	_ =	sdelay $0x1  }
0x8d: {  	s4 =	sshll.u32 s0, $0xA;
	v0 =	vadd.f32 v20, v0  }
0x8e: {  	s4 =	sand.u32 $0x3FFFFC00, s4  }
0x8f: {  	[tilespmem:s4+$0x14000] =	vst v0  }
0x90: {  	v0 =	vld [tilespmem:s1+$0x4010]  }
0x91: {  	v21 =	vld [tilespmem:s1+$0x4090];
	_ =	sdelay $0x1  }
0x92: {  	v22 =	vld [tilespmem:s1+$0x4110];
	_ =	sdelay $0x1  }
0x93: {  	v23 =	vld [tilespmem:s1+$0x4190]  }
0x94: {  	v0 =	vadd.f32 v21, v0  }
0x95: {  	v24 =	vld [tilespmem:s1+$0x4210]  }
0x96: {  	v0 =	vadd.f32 v22, v0  }
0x97: {  	v25 =	vld [tilespmem:s1+$0x4290]  }
0x98: {  	v0 =	vadd.f32 v23, v0  }
0x99: {  	v26 =	vld [tilespmem:s1+$0x4310]  }
0x9a: {  	v0 =	vadd.f32 v24, v0  }
0x9b: {  	v27 =	vld [tilespmem:s1+$0x4390]  }
0x9c: {  	v0 =	vadd.f32 v25, v0;
	_ =	sdelay $0x1  }
0x9d: {  	v0 =	vadd.f32 v26, v0;
	_ =	sdelay $0x1  }
0x9e: {  	v0 =	vadd.f32 v27, v0;
	_ =	sdelay $0x1  }
0x9f: {  	[tilespmem:s4+$0x14010] =	vst v0  }
0xa0: {  	v0 =	vld [tilespmem:s1+$0x4020]  }
0xa1: {  	v28 =	vld [tilespmem:s1+$0x40A0];
	_ =	sdelay $0x1  }
0xa2: {  	v29 =	vld [tilespmem:s1+$0x4120];
	_ =	sdelay $0x1  }
0xa3: {  	v30 =	vld [tilespmem:s1+$0x41A0]  }
0xa4: {  	v0 =	vadd.f32 v28, v0  }
0xa5: {  	v31 =	vld [tilespmem:s1+$0x4220]  }
0xa6: {  	v0 =	vadd.f32 v29, v0  }
0xa7: {  	v32 =	vld [tilespmem:s1+$0x42A0]  }
0xa8: {  	v0 =	vadd.f32 v30, v0  }
0xa9: {  	v33 =	vld [tilespmem:s1+$0x4320]  }
0xaa: {  	v0 =	vadd.f32 v31, v0  }
0xab: {  	v34 =	vld [tilespmem:s1+$0x43A0]  }
0xac: {  	v0 =	vadd.f32 v32, v0;
	_ =	sdelay $0x1  }
0xad: {  	v0 =	vadd.f32 v33, v0;
	_ =	sdelay $0x1  }
0xae: {  	v0 =	vadd.f32 v34, v0;
	_ =	sdelay $0x1  }
0xaf: {  	[tilespmem:s4+$0x14020] =	vst v0  }
0xb0: {  	v0 =	vld [tilespmem:s1+$0x4030]  }
0xb1: {  	v35 =	vld [tilespmem:s1+$0x40B0];
	_ =	sdelay $0x1  }
0xb2: {  	v36 =	vld [tilespmem:s1+$0x4130];
	_ =	sdelay $0x1  }
0xb3: {  	v37 =	vld [tilespmem:s1+$0x41B0]  }
0xb4: {  	v0 =	vadd.f32 v35, v0  }
0xb5: {  	v38 =	vld [tilespmem:s1+$0x4230]  }
0xb6: {  	v0 =	vadd.f32 v36, v0  }
0xb7: {  	v39 =	vld [tilespmem:s1+$0x42B0]  }
0xb8: {  	v0 =	vadd.f32 v37, v0  }
0xb9: {  	v40 =	vld [tilespmem:s1+$0x4330]  }
0xba: {  	v0 =	vadd.f32 v38, v0  }
0xbb: {  	v41 =	vld [tilespmem:s1+$0x43B0]  }
0xbc: {  	v0 =	vadd.f32 v39, v0;
	_ =	sdelay $0x1  }
0xbd: {  	v0 =	vadd.f32 v40, v0;
	_ =	sdelay $0x1  }
0xbe: {  	v0 =	vadd.f32 v41, v0;
	_ =	sdelay $0x1  }
0xbf: {  	[tilespmem:s4+$0x14030] =	vst v0  }
0xc0: {  	v0 =	vld [tilespmem:s1+$0x4400]  }
0xc1: {  	v42 =	vld [tilespmem:s1+$0x4480];
	_ =	sdelay $0x1  }
0xc2: {  	v43 =	vld [tilespmem:s1+$0x4500];
	_ =	sdelay $0x1  }
0xc3: {  	v44 =	vld [tilespmem:s1+$0x4580]  }
0xc4: {  	v0 =	vadd.f32 v42, v0  }
0xc5: {  	v45 =	vld [tilespmem:s1+$0x4600]  }
0xc6: {  	v0 =	vadd.f32 v43, v0  }
0xc7: {  	v46 =	vld [tilespmem:s1+$0x4680]  }
0xc8: {  	v0 =	vadd.f32 v44, v0  }
0xc9: {  	v47 =	vld [tilespmem:s1+$0x4700]  }
0xca: {  	v0 =	vadd.f32 v45, v0  }
0xcb: {  	v48 =	vld [tilespmem:s1+$0x4780]  }
0xcc: {  	v0 =	vadd.f32 v46, v0;
	_ =	sdelay $0x1  }
0xcd: {  	v0 =	vadd.f32 v47, v0;
	_ =	sdelay $0x1  }
0xce: {  	v0 =	vadd.f32 v48, v0;
	_ =	sdelay $0x1  }
0xcf: {  	[tilespmem:s4+$0x14080] =	vst v0  }
0xd0: {  	v0 =	vld [tilespmem:s1+$0x4410]  }
0xd1: {  	v49 =	vld [tilespmem:s1+$0x4490];
	_ =	sdelay $0x1  }
0xd2: {  	v50 =	vld [tilespmem:s1+$0x4510];
	_ =	sdelay $0x1  }
0xd3: {  	v51 =	vld [tilespmem:s1+$0x4590]  }
0xd4: {  	v0 =	vadd.f32 v49, v0  }
0xd5: {  	v52 =	vld [tilespmem:s1+$0x4610]  }
0xd6: {  	v0 =	vadd.f32 v50, v0  }
0xd7: {  	v53 =	vld [tilespmem:s1+$0x4690]  }
0xd8: {  	v0 =	vadd.f32 v51, v0  }
0xd9: {  	v54 =	vld [tilespmem:s1+$0x4710]  }
0xda: {  	v0 =	vadd.f32 v52, v0  }
0xdb: {  	v55 =	vld [tilespmem:s1+$0x4790]  }
0xdc: {  	v0 =	vadd.f32 v53, v0;
	_ =	sdelay $0x1  }
0xdd: {  	v0 =	vadd.f32 v54, v0;
	_ =	sdelay $0x1  }
0xde: {  	v0 =	vadd.f32 v55, v0;
	_ =	sdelay $0x1  }
0xdf: {  	[tilespmem:s4+$0x14090] =	vst v0  }
0xe0: {  	v0 =	vld [tilespmem:s1+$0x4420]  }
0xe1: {  	v56 =	vld [tilespmem:s1+$0x44A0];
	_ =	sdelay $0x1  }
0xe2: {  	v57 =	vld [tilespmem:s1+$0x4520];
	_ =	sdelay $0x1  }
0xe3: {  	v58 =	vld [tilespmem:s1+$0x45A0]  }
0xe4: {  	v0 =	vadd.f32 v56, v0  }
0xe5: {  	v59 =	vld [tilespmem:s1+$0x4620]  }
0xe6: {  	v0 =	vadd.f32 v57, v0  }
0xe7: {  	v60 =	vld [tilespmem:s1+$0x46A0]  }
0xe8: {  	v0 =	vadd.f32 v58, v0  }
0xe9: {  	v61 =	vld [tilespmem:s1+$0x4720]  }
0xea: {  	v0 =	vadd.f32 v59, v0  }
0xeb: {  	v62 =	vld [tilespmem:s1+$0x47A0]  }
0xec: {  	v0 =	vadd.f32 v60, v0;
	_ =	sdelay $0x1  }
0xed: {  	v0 =	vadd.f32 v61, v0;
	_ =	sdelay $0x1  }
0xee: {  	v0 =	vadd.f32 v62, v0;
	_ =	sdelay $0x1  }
0xef: {  	[tilespmem:s4+$0x140A0] =	vst v0  }
0xf0: {  	v0 =	vld [tilespmem:s1+$0x4430]  }
0xf1: {  	v63 =	vld [tilespmem:s1+$0x44B0];
	_ =	sdelay $0x1  }
0xf2: {  	v6 =	vld [tilespmem:s1+$0x4530];
	_ =	sdelay $0x1  }
0xf3: {  	v7 =	vld [tilespmem:s1+$0x45B0]  }
0xf4: {  	v0 =	vadd.f32 v63, v0  }
0xf5: {  	v8 =	vld [tilespmem:s1+$0x4630]  }
0xf6: {  	v0 =	vadd.f32 v6, v0  }
0xf7: {  	v9 =	vld [tilespmem:s1+$0x46B0]  }
0xf8: {  	v0 =	vadd.f32 v7, v0  }
0xf9: {  	v10 =	vld [tilespmem:s1+$0x4730]  }
0xfa: {  	v0 =	vadd.f32 v8, v0  }
0xfb: {  	v11 =	vld [tilespmem:s1+$0x47B0]  }
0xfc: {  	v0 =	vadd.f32 v9, v0;
	_ =	sdelay $0x1  }
0xfd: {  	v0 =	vadd.f32 v10, v0;
	_ =	sdelay $0x1  }
0xfe: {  	v0 =	vadd.f32 v11, v0;
	_ =	sdelay $0x1  }
0xff: {  	[tilespmem:s4+$0x140B0] =	vst v0  }
0x100: {  	v0 =	vld [tilespmem:s1+$0x4800]  }
0x101: {  	v12 =	vld [tilespmem:s1+$0x4880];
	_ =	sdelay $0x1  }
0x102: {  	v13 =	vld [tilespmem:s1+$0x4900];
	_ =	sdelay $0x1  }
0x103: {  	v14 =	vld [tilespmem:s1+$0x4980]  }
0x104: {  	v0 =	vadd.f32 v12, v0  }
0x105: {  	v15 =	vld [tilespmem:s1+$0x4A00]  }
0x106: {  	v0 =	vadd.f32 v13, v0  }
0x107: {  	v16 =	vld [tilespmem:s1+$0x4A80]  }
0x108: {  	v0 =	vadd.f32 v14, v0  }
0x109: {  	v17 =	vld [tilespmem:s1+$0x4B00]  }
0x10a: {  	v0 =	vadd.f32 v15, v0  }
0x10b: {  	v18 =	vld [tilespmem:s1+$0x4B80]  }
0x10c: {  	v0 =	vadd.f32 v16, v0;
	_ =	sdelay $0x1  }
0x10d: {  	v0 =	vadd.f32 v17, v0;
	_ =	sdelay $0x1  }
0x10e: {  	v0 =	vadd.f32 v18, v0;
	_ =	sdelay $0x1  }
0x10f: {  	[tilespmem:s4+$0x14100] =	vst v0  }
0x110: {  	v0 =	vld [tilespmem:s1+$0x4810]  }
0x111: {  	v19 =	vld [tilespmem:s1+$0x4890];
	_ =	sdelay $0x1  }
0x112: {  	v20 =	vld [tilespmem:s1+$0x4910];
	_ =	sdelay $0x1  }
0x113: {  	v21 =	vld [tilespmem:s1+$0x4990]  }
0x114: {  	v0 =	vadd.f32 v19, v0  }
0x115: {  	v22 =	vld [tilespmem:s1+$0x4A10]  }
0x116: {  	v0 =	vadd.f32 v20, v0  }
0x117: {  	v23 =	vld [tilespmem:s1+$0x4A90]  }
0x118: {  	v0 =	vadd.f32 v21, v0  }
0x119: {  	v24 =	vld [tilespmem:s1+$0x4B10]  }
0x11a: {  	v0 =	vadd.f32 v22, v0  }
0x11b: {  	v25 =	vld [tilespmem:s1+$0x4B90]  }
0x11c: {  	v0 =	vadd.f32 v23, v0;
	_ =	sdelay $0x1  }
0x11d: {  	v0 =	vadd.f32 v24, v0;
	_ =	sdelay $0x1  }
0x11e: {  	v0 =	vadd.f32 v25, v0;
	_ =	sdelay $0x1  }
0x11f: {  	[tilespmem:s4+$0x14110] =	vst v0  }
0x120: {  	v0 =	vld [tilespmem:s1+$0x4820]  }
0x121: {  	v26 =	vld [tilespmem:s1+$0x48A0];
	_ =	sdelay $0x1  }
0x122: {  	v27 =	vld [tilespmem:s1+$0x4920];
	_ =	sdelay $0x1  }
0x123: {  	v28 =	vld [tilespmem:s1+$0x49A0]  }
0x124: {  	v0 =	vadd.f32 v26, v0  }
0x125: {  	v29 =	vld [tilespmem:s1+$0x4A20]  }
0x126: {  	v0 =	vadd.f32 v27, v0  }
0x127: {  	v30 =	vld [tilespmem:s1+$0x4AA0]  }
0x128: {  	v0 =	vadd.f32 v28, v0  }
0x129: {  	v31 =	vld [tilespmem:s1+$0x4B20]  }
0x12a: {  	v0 =	vadd.f32 v29, v0  }
0x12b: {  	v32 =	vld [tilespmem:s1+$0x4BA0]  }
0x12c: {  	v0 =	vadd.f32 v30, v0;
	_ =	sdelay $0x1  }
0x12d: {  	v0 =	vadd.f32 v31, v0;
	_ =	sdelay $0x1  }
0x12e: {  	v0 =	vadd.f32 v32, v0;
	_ =	sdelay $0x1  }
0x12f: {  	[tilespmem:s4+$0x14120] =	vst v0  }
0x130: {  	v0 =	vld [tilespmem:s1+$0x4830]  }
0x131: {  	v33 =	vld [tilespmem:s1+$0x48B0];
	_ =	sdelay $0x1  }
0x132: {  	v34 =	vld [tilespmem:s1+$0x4930];
	_ =	sdelay $0x1  }
0x133: {  	v35 =	vld [tilespmem:s1+$0x49B0]  }
0x134: {  	v0 =	vadd.f32 v33, v0  }
0x135: {  	v36 =	vld [tilespmem:s1+$0x4A30]  }
0x136: {  	v0 =	vadd.f32 v34, v0  }
0x137: {  	v37 =	vld [tilespmem:s1+$0x4AB0]  }
0x138: {  	v0 =	vadd.f32 v35, v0  }
0x139: {  	v38 =	vld [tilespmem:s1+$0x4B30]  }
0x13a: {  	v0 =	vadd.f32 v36, v0  }
0x13b: {  	v39 =	vld [tilespmem:s1+$0x4BB0]  }
0x13c: {  	v0 =	vadd.f32 v37, v0;
	_ =	sdelay $0x1  }
0x13d: {  	v0 =	vadd.f32 v38, v0;
	_ =	sdelay $0x1  }
0x13e: {  	v0 =	vadd.f32 v39, v0;
	_ =	sdelay $0x1  }
0x13f: {  	[tilespmem:s4+$0x14130] =	vst v0  }
0x140: {  	v0 =	vld [tilespmem:s1+$0x4C00]  }
0x141: {  	v40 =	vld [tilespmem:s1+$0x4C80];
	_ =	sdelay $0x1  }
0x142: {  	v41 =	vld [tilespmem:s1+$0x4D00];
	_ =	sdelay $0x1  }
0x143: {  	v42 =	vld [tilespmem:s1+$0x4D80]  }
0x144: {  	v0 =	vadd.f32 v40, v0  }
0x145: {  	v43 =	vld [tilespmem:s1+$0x4E00]  }
0x146: {  	v0 =	vadd.f32 v41, v0  }
0x147: {  	v44 =	vld [tilespmem:s1+$0x4E80]  }
0x148: {  	v0 =	vadd.f32 v42, v0  }
0x149: {  	v45 =	vld [tilespmem:s1+$0x4F00]  }
0x14a: {  	v0 =	vadd.f32 v43, v0  }
0x14b: {  	v46 =	vld [tilespmem:s1+$0x4F80]  }
0x14c: {  	v0 =	vadd.f32 v44, v0;
	_ =	sdelay $0x1  }
0x14d: {  	v0 =	vadd.f32 v45, v0;
	_ =	sdelay $0x1  }
0x14e: {  	v0 =	vadd.f32 v46, v0;
	_ =	sdelay $0x1  }
0x14f: {  	[tilespmem:s4+$0x14180] =	vst v0  }
0x150: {  	v0 =	vld [tilespmem:s1+$0x4C10]  }
0x151: {  	v47 =	vld [tilespmem:s1+$0x4C90];
	_ =	sdelay $0x1  }
0x152: {  	v48 =	vld [tilespmem:s1+$0x4D10];
	_ =	sdelay $0x1  }
0x153: {  	v49 =	vld [tilespmem:s1+$0x4D90]  }
0x154: {  	v0 =	vadd.f32 v47, v0  }
0x155: {  	v50 =	vld [tilespmem:s1+$0x4E10]  }
0x156: {  	v0 =	vadd.f32 v48, v0  }
0x157: {  	v51 =	vld [tilespmem:s1+$0x4E90]  }
0x158: {  	v0 =	vadd.f32 v49, v0  }
0x159: {  	v52 =	vld [tilespmem:s1+$0x4F10]  }
0x15a: {  	v0 =	vadd.f32 v50, v0  }
0x15b: {  	v53 =	vld [tilespmem:s1+$0x4F90]  }
0x15c: {  	v0 =	vadd.f32 v51, v0;
	_ =	sdelay $0x1  }
0x15d: {  	v0 =	vadd.f32 v52, v0;
	_ =	sdelay $0x1  }
0x15e: {  	v0 =	vadd.f32 v53, v0;
	_ =	sdelay $0x1  }
0x15f: {  	[tilespmem:s4+$0x14190] =	vst v0  }
0x160: {  	v0 =	vld [tilespmem:s1+$0x4C20]  }
0x161: {  	v54 =	vld [tilespmem:s1+$0x4CA0];
	_ =	sdelay $0x1  }
0x162: {  	v55 =	vld [tilespmem:s1+$0x4D20];
	_ =	sdelay $0x1  }
0x163: {  	v56 =	vld [tilespmem:s1+$0x4DA0]  }
0x164: {  	v0 =	vadd.f32 v54, v0  }
0x165: {  	v57 =	vld [tilespmem:s1+$0x4E20]  }
0x166: {  	v0 =	vadd.f32 v55, v0  }
0x167: {  	v58 =	vld [tilespmem:s1+$0x4EA0]  }
0x168: {  	v0 =	vadd.f32 v56, v0  }
0x169: {  	v59 =	vld [tilespmem:s1+$0x4F20]  }
0x16a: {  	v0 =	vadd.f32 v57, v0  }
0x16b: {  	v60 =	vld [tilespmem:s1+$0x4FA0]  }
0x16c: {  	v0 =	vadd.f32 v58, v0;
	_ =	sdelay $0x1  }
0x16d: {  	v0 =	vadd.f32 v59, v0;
	_ =	sdelay $0x1  }
0x16e: {  	v0 =	vadd.f32 v60, v0;
	_ =	sdelay $0x1  }
0x16f: {  	[tilespmem:s4+$0x141A0] =	vst v0  }
0x170: {  	v0 =	vld [tilespmem:s1+$0x4C30]  }
0x171: {  	v61 =	vld [tilespmem:s1+$0x4CB0];
	_ =	sdelay $0x1  }
0x172: {  	v62 =	vld [tilespmem:s1+$0x4D30];
	_ =	sdelay $0x1  }
0x173: {  	v63 =	vld [tilespmem:s1+$0x4DB0]  }
0x174: {  	v0 =	vadd.f32 v61, v0  }
0x175: {  	v6 =	vld [tilespmem:s1+$0x4E30]  }
0x176: {  	v0 =	vadd.f32 v62, v0  }
0x177: {  	v7 =	vld [tilespmem:s1+$0x4EB0]  }
0x178: {  	v0 =	vadd.f32 v63, v0  }
0x179: {  	v8 =	vld [tilespmem:s1+$0x4F30]  }
0x17a: {  	v0 =	vadd.f32 v6, v0  }
0x17b: {  	v9 =	vld [tilespmem:s1+$0x4FB0]  }
0x17c: {  	v0 =	vadd.f32 v7, v0;
	_ =	sdelay $0x1  }
0x17d: {  	v0 =	vadd.f32 v8, v0;
	_ =	sdelay $0x1  }
0x17e: {  	v0 =	vadd.f32 v9, v0;
	_ =	sdelay $0x1  }
0x17f: {  	[tilespmem:s4+$0x141B0] =	vst v0  }
0x180: {  	v0 =	vld [tilespmem:s1+$0x5000]  }
0x181: {  	v10 =	vld [tilespmem:s1+$0x5080];
	_ =	sdelay $0x1  }
0x182: {  	v11 =	vld [tilespmem:s1+$0x5100];
	_ =	sdelay $0x1  }
0x183: {  	v12 =	vld [tilespmem:s1+$0x5180]  }
0x184: {  	v0 =	vadd.f32 v10, v0  }
0x185: {  	v13 =	vld [tilespmem:s1+$0x5200]  }
0x186: {  	v0 =	vadd.f32 v11, v0  }
0x187: {  	v14 =	vld [tilespmem:s1+$0x5280]  }
0x188: {  	v0 =	vadd.f32 v12, v0  }
0x189: {  	v15 =	vld [tilespmem:s1+$0x5300]  }
0x18a: {  	v0 =	vadd.f32 v13, v0  }
0x18b: {  	v16 =	vld [tilespmem:s1+$0x5380]  }
0x18c: {  	v0 =	vadd.f32 v14, v0;
	_ =	sdelay $0x1  }
0x18d: {  	v0 =	vadd.f32 v15, v0;
	_ =	sdelay $0x1  }
0x18e: {  	v0 =	vadd.f32 v16, v0;
	_ =	sdelay $0x1  }
0x18f: {  	[tilespmem:s4+$0x14200] =	vst v0  }
0x190: {  	v0 =	vld [tilespmem:s1+$0x5010]  }
0x191: {  	v17 =	vld [tilespmem:s1+$0x5090];
	_ =	sdelay $0x1  }
0x192: {  	v18 =	vld [tilespmem:s1+$0x5110];
	_ =	sdelay $0x1  }
0x193: {  	v19 =	vld [tilespmem:s1+$0x5190]  }
0x194: {  	v0 =	vadd.f32 v17, v0  }
0x195: {  	v20 =	vld [tilespmem:s1+$0x5210]  }
0x196: {  	v0 =	vadd.f32 v18, v0  }
0x197: {  	v21 =	vld [tilespmem:s1+$0x5290]  }
0x198: {  	v0 =	vadd.f32 v19, v0  }
0x199: {  	v22 =	vld [tilespmem:s1+$0x5310]  }
0x19a: {  	v0 =	vadd.f32 v20, v0  }
0x19b: {  	v23 =	vld [tilespmem:s1+$0x5390]  }
0x19c: {  	v0 =	vadd.f32 v21, v0;
	_ =	sdelay $0x1  }
0x19d: {  	v0 =	vadd.f32 v22, v0;
	_ =	sdelay $0x1  }
0x19e: {  	v0 =	vadd.f32 v23, v0;
	_ =	sdelay $0x1  }
0x19f: {  	[tilespmem:s4+$0x14210] =	vst v0  }
0x1a0: {  	v0 =	vld [tilespmem:s1+$0x5020]  }
0x1a1: {  	v24 =	vld [tilespmem:s1+$0x50A0];
	_ =	sdelay $0x1  }
0x1a2: {  	v25 =	vld [tilespmem:s1+$0x5120];
	_ =	sdelay $0x1  }
0x1a3: {  	v26 =	vld [tilespmem:s1+$0x51A0]  }
0x1a4: {  	v0 =	vadd.f32 v24, v0  }
0x1a5: {  	v27 =	vld [tilespmem:s1+$0x5220]  }
0x1a6: {  	v0 =	vadd.f32 v25, v0  }
0x1a7: {  	v28 =	vld [tilespmem:s1+$0x52A0]  }
0x1a8: {  	v0 =	vadd.f32 v26, v0  }
0x1a9: {  	v29 =	vld [tilespmem:s1+$0x5320]  }
0x1aa: {  	v0 =	vadd.f32 v27, v0  }
0x1ab: {  	v30 =	vld [tilespmem:s1+$0x53A0]  }
0x1ac: {  	v0 =	vadd.f32 v28, v0;
	_ =	sdelay $0x1  }
0x1ad: {  	v0 =	vadd.f32 v29, v0;
	_ =	sdelay $0x1  }
0x1ae: {  	v0 =	vadd.f32 v30, v0;
	_ =	sdelay $0x1  }
0x1af: {  	[tilespmem:s4+$0x14220] =	vst v0  }
0x1b0: {  	v0 =	vld [tilespmem:s1+$0x5030]  }
0x1b1: {  	v31 =	vld [tilespmem:s1+$0x50B0];
	_ =	sdelay $0x1  }
0x1b2: {  	v32 =	vld [tilespmem:s1+$0x5130];
	_ =	sdelay $0x1  }
0x1b3: {  	v33 =	vld [tilespmem:s1+$0x51B0]  }
0x1b4: {  	v0 =	vadd.f32 v31, v0  }
0x1b5: {  	v34 =	vld [tilespmem:s1+$0x5230]  }
0x1b6: {  	v0 =	vadd.f32 v32, v0  }
0x1b7: {  	v35 =	vld [tilespmem:s1+$0x52B0]  }
0x1b8: {  	v0 =	vadd.f32 v33, v0  }
0x1b9: {  	v36 =	vld [tilespmem:s1+$0x5330]  }
0x1ba: {  	v0 =	vadd.f32 v34, v0  }
0x1bb: {  	v37 =	vld [tilespmem:s1+$0x53B0]  }
0x1bc: {  	v0 =	vadd.f32 v35, v0;
	_ =	sdelay $0x1  }
0x1bd: {  	v0 =	vadd.f32 v36, v0;
	_ =	sdelay $0x1  }
0x1be: {  	v0 =	vadd.f32 v37, v0;
	_ =	sdelay $0x1  }
0x1bf: {  	[tilespmem:s4+$0x14230] =	vst v0  }
0x1c0: {  	v0 =	vld [tilespmem:s1+$0x5400]  }
0x1c1: {  	v38 =	vld [tilespmem:s1+$0x5480];
	_ =	sdelay $0x1  }
0x1c2: {  	v39 =	vld [tilespmem:s1+$0x5500];
	_ =	sdelay $0x1  }
0x1c3: {  	v40 =	vld [tilespmem:s1+$0x5580]  }
0x1c4: {  	v0 =	vadd.f32 v38, v0  }
0x1c5: {  	v41 =	vld [tilespmem:s1+$0x5600]  }
0x1c6: {  	v0 =	vadd.f32 v39, v0  }
0x1c7: {  	v42 =	vld [tilespmem:s1+$0x5680]  }
0x1c8: {  	v0 =	vadd.f32 v40, v0  }
0x1c9: {  	v43 =	vld [tilespmem:s1+$0x5700]  }
0x1ca: {  	v0 =	vadd.f32 v41, v0  }
0x1cb: {  	v44 =	vld [tilespmem:s1+$0x5780]  }
0x1cc: {  	v0 =	vadd.f32 v42, v0;
	_ =	sdelay $0x1  }
0x1cd: {  	v0 =	vadd.f32 v43, v0;
	_ =	sdelay $0x1  }
0x1ce: {  	v0 =	vadd.f32 v44, v0;
	_ =	sdelay $0x1  }
0x1cf: {  	[tilespmem:s4+$0x14280] =	vst v0  }
0x1d0: {  	v0 =	vld [tilespmem:s1+$0x5410]  }
0x1d1: {  	v45 =	vld [tilespmem:s1+$0x5490];
	_ =	sdelay $0x1  }
0x1d2: {  	v46 =	vld [tilespmem:s1+$0x5510];
	_ =	sdelay $0x1  }
0x1d3: {  	v47 =	vld [tilespmem:s1+$0x5590]  }
0x1d4: {  	v0 =	vadd.f32 v45, v0  }
0x1d5: {  	v48 =	vld [tilespmem:s1+$0x5610]  }
0x1d6: {  	v0 =	vadd.f32 v46, v0  }
0x1d7: {  	v49 =	vld [tilespmem:s1+$0x5690]  }
0x1d8: {  	v0 =	vadd.f32 v47, v0  }
0x1d9: {  	v50 =	vld [tilespmem:s1+$0x5710]  }
0x1da: {  	v0 =	vadd.f32 v48, v0  }
0x1db: {  	v51 =	vld [tilespmem:s1+$0x5790]  }
0x1dc: {  	v0 =	vadd.f32 v49, v0;
	_ =	sdelay $0x1  }
0x1dd: {  	v0 =	vadd.f32 v50, v0;
	_ =	sdelay $0x1  }
0x1de: {  	v0 =	vadd.f32 v51, v0;
	_ =	sdelay $0x1  }
0x1df: {  	[tilespmem:s4+$0x14290] =	vst v0  }
0x1e0: {  	v0 =	vld [tilespmem:s1+$0x5420]  }
0x1e1: {  	v52 =	vld [tilespmem:s1+$0x54A0];
	_ =	sdelay $0x1  }
0x1e2: {  	v53 =	vld [tilespmem:s1+$0x5520];
	_ =	sdelay $0x1  }
0x1e3: {  	v54 =	vld [tilespmem:s1+$0x55A0]  }
0x1e4: {  	v0 =	vadd.f32 v52, v0  }
0x1e5: {  	v55 =	vld [tilespmem:s1+$0x5620]  }
0x1e6: {  	v0 =	vadd.f32 v53, v0  }
0x1e7: {  	v56 =	vld [tilespmem:s1+$0x56A0]  }
0x1e8: {  	v0 =	vadd.f32 v54, v0  }
0x1e9: {  	v57 =	vld [tilespmem:s1+$0x5720]  }
0x1ea: {  	v0 =	vadd.f32 v55, v0  }
0x1eb: {  	v58 =	vld [tilespmem:s1+$0x57A0]  }
0x1ec: {  	v0 =	vadd.f32 v56, v0;
	_ =	sdelay $0x1  }
0x1ed: {  	v0 =	vadd.f32 v57, v0;
	_ =	sdelay $0x1  }
0x1ee: {  	v0 =	vadd.f32 v58, v0;
	_ =	sdelay $0x1  }
0x1ef: {  	[tilespmem:s4+$0x142A0] =	vst v0  }
0x1f0: {  	v0 =	vld [tilespmem:s1+$0x5430]  }
0x1f1: {  	v59 =	vld [tilespmem:s1+$0x54B0];
	_ =	sdelay $0x1  }
0x1f2: {  	v60 =	vld [tilespmem:s1+$0x5530];
	_ =	sdelay $0x1  }
0x1f3: {  	v61 =	vld [tilespmem:s1+$0x55B0]  }
0x1f4: {  	v0 =	vadd.f32 v59, v0  }
0x1f5: {  	v62 =	vld [tilespmem:s1+$0x5630]  }
0x1f6: {  	v0 =	vadd.f32 v60, v0  }
0x1f7: {  	v63 =	vld [tilespmem:s1+$0x56B0]  }
0x1f8: {  	v0 =	vadd.f32 v61, v0  }
0x1f9: {  	v6 =	vld [tilespmem:s1+$0x5730]  }
0x1fa: {  	v0 =	vadd.f32 v62, v0  }
0x1fb: {  	v7 =	vld [tilespmem:s1+$0x57B0]  }
0x1fc: {  	v0 =	vadd.f32 v63, v0;
	_ =	sdelay $0x1  }
0x1fd: {  	v0 =	vadd.f32 v6, v0;
	_ =	sdelay $0x1  }
0x1fe: {  	v0 =	vadd.f32 v7, v0;
	_ =	sdelay $0x1  }
0x1ff: {  	[tilespmem:s4+$0x142B0] =	vst v0  }
0x200: {  	v0 =	vld [tilespmem:s1+$0x5800]  }
0x201: {  	v8 =	vld [tilespmem:s1+$0x5880];
	_ =	sdelay $0x1  }
0x202: {  	v9 =	vld [tilespmem:s1+$0x5900];
	_ =	sdelay $0x1  }
0x203: {  	v10 =	vld [tilespmem:s1+$0x5980]  }
0x204: {  	v0 =	vadd.f32 v8, v0  }
0x205: {  	v11 =	vld [tilespmem:s1+$0x5A00]  }
0x206: {  	v0 =	vadd.f32 v9, v0  }
0x207: {  	v12 =	vld [tilespmem:s1+$0x5A80]  }
0x208: {  	v0 =	vadd.f32 v10, v0  }
0x209: {  	v13 =	vld [tilespmem:s1+$0x5B00]  }
0x20a: {  	v0 =	vadd.f32 v11, v0  }
0x20b: {  	v14 =	vld [tilespmem:s1+$0x5B80]  }
0x20c: {  	v0 =	vadd.f32 v12, v0;
	_ =	sdelay $0x1  }
0x20d: {  	v0 =	vadd.f32 v13, v0;
	_ =	sdelay $0x1  }
0x20e: {  	v0 =	vadd.f32 v14, v0;
	_ =	sdelay $0x1  }
0x20f: {  	[tilespmem:s4+$0x14300] =	vst v0  }
0x210: {  	v0 =	vld [tilespmem:s1+$0x5810]  }
0x211: {  	v15 =	vld [tilespmem:s1+$0x5890];
	_ =	sdelay $0x1  }
0x212: {  	v16 =	vld [tilespmem:s1+$0x5910];
	_ =	sdelay $0x1  }
0x213: {  	v17 =	vld [tilespmem:s1+$0x5990]  }
0x214: {  	v0 =	vadd.f32 v15, v0  }
0x215: {  	v18 =	vld [tilespmem:s1+$0x5A10]  }
0x216: {  	v0 =	vadd.f32 v16, v0  }
0x217: {  	v19 =	vld [tilespmem:s1+$0x5A90]  }
0x218: {  	v0 =	vadd.f32 v17, v0  }
0x219: {  	v20 =	vld [tilespmem:s1+$0x5B10]  }
0x21a: {  	v0 =	vadd.f32 v18, v0  }
0x21b: {  	v21 =	vld [tilespmem:s1+$0x5B90]  }
0x21c: {  	v0 =	vadd.f32 v19, v0;
	_ =	sdelay $0x1  }
0x21d: {  	v0 =	vadd.f32 v20, v0;
	_ =	sdelay $0x1  }
0x21e: {  	v0 =	vadd.f32 v21, v0;
	_ =	sdelay $0x1  }
0x21f: {  	[tilespmem:s4+$0x14310] =	vst v0  }
0x220: {  	v0 =	vld [tilespmem:s1+$0x5820]  }
0x221: {  	v22 =	vld [tilespmem:s1+$0x58A0];
	_ =	sdelay $0x1  }
0x222: {  	v23 =	vld [tilespmem:s1+$0x5920];
	_ =	sdelay $0x1  }
0x223: {  	v24 =	vld [tilespmem:s1+$0x59A0]  }
0x224: {  	v0 =	vadd.f32 v22, v0  }
0x225: {  	v25 =	vld [tilespmem:s1+$0x5A20]  }
0x226: {  	v0 =	vadd.f32 v23, v0  }
0x227: {  	v26 =	vld [tilespmem:s1+$0x5AA0]  }
0x228: {  	v0 =	vadd.f32 v24, v0  }
0x229: {  	v27 =	vld [tilespmem:s1+$0x5B20]  }
0x22a: {  	v0 =	vadd.f32 v25, v0  }
0x22b: {  	v28 =	vld [tilespmem:s1+$0x5BA0]  }
0x22c: {  	v0 =	vadd.f32 v26, v0;
	_ =	sdelay $0x1  }
0x22d: {  	v0 =	vadd.f32 v27, v0;
	_ =	sdelay $0x1  }
0x22e: {  	v0 =	vadd.f32 v28, v0;
	_ =	sdelay $0x1  }
0x22f: {  	[tilespmem:s4+$0x14320] =	vst v0  }
0x230: {  	v0 =	vld [tilespmem:s1+$0x5830]  }
0x231: {  	v29 =	vld [tilespmem:s1+$0x58B0];
	_ =	sdelay $0x1  }
0x232: {  	v30 =	vld [tilespmem:s1+$0x5930];
	_ =	sdelay $0x1  }
0x233: {  	v31 =	vld [tilespmem:s1+$0x59B0]  }
0x234: {  	v0 =	vadd.f32 v29, v0  }
0x235: {  	v32 =	vld [tilespmem:s1+$0x5A30]  }
0x236: {  	v0 =	vadd.f32 v30, v0  }
0x237: {  	v33 =	vld [tilespmem:s1+$0x5AB0]  }
0x238: {  	v0 =	vadd.f32 v31, v0  }
0x239: {  	v34 =	vld [tilespmem:s1+$0x5B30]  }
0x23a: {  	v0 =	vadd.f32 v32, v0  }
0x23b: {  	v35 =	vld [tilespmem:s1+$0x5BB0]  }
0x23c: {  	v0 =	vadd.f32 v33, v0;
	_ =	sdelay $0x1  }
0x23d: {  	v0 =	vadd.f32 v34, v0;
	_ =	sdelay $0x1  }
0x23e: {  	v0 =	vadd.f32 v35, v0;
	_ =	sdelay $0x1  }
0x23f: {  	[tilespmem:s4+$0x14330] =	vst v0  }
0x240: {  	v0 =	vld [tilespmem:s1+$0x5C00]  }
0x241: {  	v36 =	vld [tilespmem:s1+$0x5C80];
	_ =	sdelay $0x1  }
0x242: {  	v37 =	vld [tilespmem:s1+$0x5D00];
	_ =	sdelay $0x1  }
0x243: {  	v38 =	vld [tilespmem:s1+$0x5D80]  }
0x244: {  	v0 =	vadd.f32 v36, v0  }
0x245: {  	v39 =	vld [tilespmem:s1+$0x5E00]  }
0x246: {  	v0 =	vadd.f32 v37, v0  }
0x247: {  	v40 =	vld [tilespmem:s1+$0x5E80]  }
0x248: {  	v0 =	vadd.f32 v38, v0  }
0x249: {  	v41 =	vld [tilespmem:s1+$0x5F00]  }
0x24a: {  	v0 =	vadd.f32 v39, v0  }
0x24b: {  	v42 =	vld [tilespmem:s1+$0x5F80]  }
0x24c: {  	v0 =	vadd.f32 v40, v0;
	_ =	sdelay $0x1  }
0x24d: {  	v0 =	vadd.f32 v41, v0;
	_ =	sdelay $0x1  }
0x24e: {  	v0 =	vadd.f32 v42, v0;
	_ =	sdelay $0x1  }
0x24f: {  	[tilespmem:s4+$0x14380] =	vst v0  }
0x250: {  	v0 =	vld [tilespmem:s1+$0x5C10]  }
0x251: {  	v43 =	vld [tilespmem:s1+$0x5C90];
	_ =	sdelay $0x1  }
0x252: {  	v44 =	vld [tilespmem:s1+$0x5D10];
	_ =	sdelay $0x1  }
0x253: {  	v45 =	vld [tilespmem:s1+$0x5D90]  }
0x254: {  	v0 =	vadd.f32 v43, v0  }
0x255: {  	v46 =	vld [tilespmem:s1+$0x5E10]  }
0x256: {  	v0 =	vadd.f32 v44, v0  }
0x257: {  	v47 =	vld [tilespmem:s1+$0x5E90]  }
0x258: {  	v0 =	vadd.f32 v45, v0  }
0x259: {  	v48 =	vld [tilespmem:s1+$0x5F10]  }
0x25a: {  	v0 =	vadd.f32 v46, v0  }
0x25b: {  	v49 =	vld [tilespmem:s1+$0x5F90]  }
0x25c: {  	v0 =	vadd.f32 v47, v0;
	_ =	sdelay $0x1  }
0x25d: {  	v0 =	vadd.f32 v48, v0;
	_ =	sdelay $0x1  }
0x25e: {  	v0 =	vadd.f32 v49, v0;
	_ =	sdelay $0x1  }
0x25f: {  	[tilespmem:s4+$0x14390] =	vst v0  }
0x260: {  	v0 =	vld [tilespmem:s1+$0x5C20]  }
0x261: {  	v50 =	vld [tilespmem:s1+$0x5CA0];
	_ =	sdelay $0x1  }
0x262: {  	v51 =	vld [tilespmem:s1+$0x5D20];
	_ =	sdelay $0x1  }
0x263: {  	v52 =	vld [tilespmem:s1+$0x5DA0]  }
0x264: {  	v0 =	vadd.f32 v50, v0  }
0x265: {  	v53 =	vld [tilespmem:s1+$0x5E20]  }
0x266: {  	v0 =	vadd.f32 v51, v0  }
0x267: {  	v54 =	vld [tilespmem:s1+$0x5EA0]  }
0x268: {  	v0 =	vadd.f32 v52, v0  }
0x269: {  	v55 =	vld [tilespmem:s1+$0x5F20]  }
0x26a: {  	v0 =	vadd.f32 v53, v0  }
0x26b: {  	v56 =	vld [tilespmem:s1+$0x5FA0]  }
0x26c: {  	v0 =	vadd.f32 v54, v0;
	_ =	sdelay $0x1  }
0x26d: {  	v0 =	vadd.f32 v55, v0;
	_ =	sdelay $0x1  }
0x26e: {  	v0 =	vadd.f32 v56, v0;
	_ =	sdelay $0x1  }
0x26f: {  	[tilespmem:s4+$0x143A0] =	vst v0  }
0x270: {  	v0 =	vld [tilespmem:s1+$0x5C30]  }
0x271: {  	v57 =	vld [tilespmem:s1+$0x5CB0];
	_ =	sdelay $0x1  }
0x272: {  	v58 =	vld [tilespmem:s1+$0x5D30];
	_ =	sdelay $0x1  }
0x273: {  	v59 =	vld [tilespmem:s1+$0x5DB0]  }
0x274: {  	v0 =	vadd.f32 v57, v0  }
0x275: {  	v60 =	vld [tilespmem:s1+$0x5E30]  }
0x276: {  	v0 =	vadd.f32 v58, v0  }
0x277: {  	v61 =	vld [tilespmem:s1+$0x5EB0]  }
0x278: {  	v0 =	vadd.f32 v59, v0  }
0x279: {  	v62 =	vld [tilespmem:s1+$0x5F30]  }
0x27a: {  	v0 =	vadd.f32 v60, v0  }
0x27b: {  	v63 =	vld [tilespmem:s1+$0x5FB0]  }
0x27c: {  	v0 =	vadd.f32 v61, v0  }
0x27d: {  	p0 =	sne.s32 s0, $0x3  }
.Ltmp0:
0x27e: {  	v0 =	vadd.f32 v62, v0;
	(pc) =	sbr.rel @p0 .LBB2_3-.Ltmp0, $3  }
0x27f: {  	_ = 	snop  }
0x280: {  	v0 =	vadd.f32 v63, v0;
	_ =	sdelay $0x1  }
0x281: {  	s0 =	sadd.s32 $0x1, s0;
	[tilespmem:s4+$0x143B0] =	vst v0  }
0x282: {  	s0 =	sshll.u32 s31, $0xA;
	s1 =	sshll.u32 s31, $0x9  }
0x283: {  	s4 =	simm.s32 $0x0;
	s0 =	sadd.s32 s0, s16;
	s5 =	smin.u32 s1, $0x3D00  }
0x284: {  	[hbm4b:s0+s4] =	stream.linear.scatter [tilespmem:s26], [sflag:$0x3], $0x1000, $0x38;
	[tilespmem:$0x16000] =	vst v63  }
0x285: {  	s5 =	sadd.s32 $0x200, s5  }
0x286: {  	[tilespmem:s21], [sflag:$0x1] =	stream.indirect.gather [hbm4b:s3+s20], $0x80, s5, s20, $0xb8;
	[tilespmem:$0x16000] =	vst v63  }
0x287: {  	_ =	swait.ge [sflag:s25], $0x8000  }
0x288: {  	[sflag:s25] =	ssyncset.done $0x0  }
0x289: {  	[sflag:s25] =	ssyncadd.s32 $0xFFFF8000  }
0x28a: {  	_ =	swait.ge [sflag:s28], $0x1000  }
0x28b: {  	[sflag:s28] =	ssyncset.done $0x0  }
0x28c: {  	[sflag:s28] =	ssyncadd.s32 $0xFFFFF000  }
.LBB2_5:
0x28d: {  	s5 =	sshll.u32 s4, $0xD  }
0x28e: {  	s5 =	sand.u32 $0x3FFFE000, s5  }
0x28f: {  	v0 =	vld [tilespmem:s5+$0xC000]  }
0x290: {  	v1 =	vld [tilespmem:s5+$0xC080];
	_ =	sdelay $0x1  }
0x291: {  	v2 =	vld [tilespmem:s5+$0xC100];
	_ =	sdelay $0x1  }
0x292: {  	v3 =	vld [tilespmem:s5+$0xC180]  }
0x293: {  	v0 =	vadd.f32 v1, v0  }
0x294: {  	v17 =	vld [tilespmem:s5+$0xC200]  }
0x295: {  	v0 =	vadd.f32 v2, v0  }
0x296: {  	v18 =	vld [tilespmem:s5+$0xC280]  }
0x297: {  	v0 =	vadd.f32 v3, v0  }
0x298: {  	v19 =	vld [tilespmem:s5+$0xC300]  }
0x299: {  	v0 =	vadd.f32 v17, v0  }
0x29a: {  	v20 =	vld [tilespmem:s5+$0xC380]  }
0x29b: {  	v0 =	vadd.f32 v18, v0;
	_ =	sdelay $0x1  }
0x29c: {  	v0 =	vadd.f32 v19, v0;
	_ =	sdelay $0x1  }
0x29d: {  	s6 =	sshll.u32 s4, $0xA;
	v0 =	vadd.f32 v20, v0  }
0x29e: {  	s6 =	sand.u32 $0x3FFFFC00, s6  }
0x29f: {  	[tilespmem:s6+$0x15000] =	vst v0  }
0x2a0: {  	v0 =	vld [tilespmem:s5+$0xC010]  }
0x2a1: {  	v21 =	vld [tilespmem:s5+$0xC090];
	_ =	sdelay $0x1  }
0x2a2: {  	v22 =	vld [tilespmem:s5+$0xC110];
	_ =	sdelay $0x1  }
0x2a3: {  	v23 =	vld [tilespmem:s5+$0xC190]  }
0x2a4: {  	v0 =	vadd.f32 v21, v0  }
0x2a5: {  	v24 =	vld [tilespmem:s5+$0xC210]  }
0x2a6: {  	v0 =	vadd.f32 v22, v0  }
0x2a7: {  	v25 =	vld [tilespmem:s5+$0xC290]  }
0x2a8: {  	v0 =	vadd.f32 v23, v0  }
0x2a9: {  	v26 =	vld [tilespmem:s5+$0xC310]  }
0x2aa: {  	v0 =	vadd.f32 v24, v0  }
0x2ab: {  	v27 =	vld [tilespmem:s5+$0xC390]  }
0x2ac: {  	v0 =	vadd.f32 v25, v0;
	_ =	sdelay $0x1  }
0x2ad: {  	v0 =	vadd.f32 v26, v0;
	_ =	sdelay $0x1  }
0x2ae: {  	v0 =	vadd.f32 v27, v0;
	_ =	sdelay $0x1  }
0x2af: {  	[tilespmem:s6+$0x15010] =	vst v0  }
0x2b0: {  	v0 =	vld [tilespmem:s5+$0xC020]  }
0x2b1: {  	v28 =	vld [tilespmem:s5+$0xC0A0];
	_ =	sdelay $0x1  }
0x2b2: {  	v29 =	vld [tilespmem:s5+$0xC120];
	_ =	sdelay $0x1  }
0x2b3: {  	v30 =	vld [tilespmem:s5+$0xC1A0]  }
0x2b4: {  	v0 =	vadd.f32 v28, v0  }
0x2b5: {  	v31 =	vld [tilespmem:s5+$0xC220]  }
0x2b6: {  	v0 =	vadd.f32 v29, v0  }
0x2b7: {  	v32 =	vld [tilespmem:s5+$0xC2A0]  }
0x2b8: {  	v0 =	vadd.f32 v30, v0  }
0x2b9: {  	v33 =	vld [tilespmem:s5+$0xC320]  }
0x2ba: {  	v0 =	vadd.f32 v31, v0  }
0x2bb: {  	v34 =	vld [tilespmem:s5+$0xC3A0]  }
0x2bc: {  	v0 =	vadd.f32 v32, v0;
	_ =	sdelay $0x1  }
0x2bd: {  	v0 =	vadd.f32 v33, v0;
	_ =	sdelay $0x1  }
0x2be: {  	v0 =	vadd.f32 v34, v0;
	_ =	sdelay $0x1  }
0x2bf: {  	[tilespmem:s6+$0x15020] =	vst v0  }
0x2c0: {  	v0 =	vld [tilespmem:s5+$0xC030]  }
0x2c1: {  	v35 =	vld [tilespmem:s5+$0xC0B0];
	_ =	sdelay $0x1  }
0x2c2: {  	v36 =	vld [tilespmem:s5+$0xC130];
	_ =	sdelay $0x1  }
0x2c3: {  	v37 =	vld [tilespmem:s5+$0xC1B0]  }
0x2c4: {  	v0 =	vadd.f32 v35, v0  }
0x2c5: {  	v38 =	vld [tilespmem:s5+$0xC230]  }
0x2c6: {  	v0 =	vadd.f32 v36, v0  }
0x2c7: {  	v39 =	vld [tilespmem:s5+$0xC2B0]  }
0x2c8: {  	v0 =	vadd.f32 v37, v0  }
0x2c9: {  	v40 =	vld [tilespmem:s5+$0xC330]  }
0x2ca: {  	v0 =	vadd.f32 v38, v0  }
0x2cb: {  	v41 =	vld [tilespmem:s5+$0xC3B0]  }
0x2cc: {  	v0 =	vadd.f32 v39, v0;
	_ =	sdelay $0x1  }
0x2cd: {  	v0 =	vadd.f32 v40, v0;
	_ =	sdelay $0x1  }
0x2ce: {  	v0 =	vadd.f32 v41, v0;
	_ =	sdelay $0x1  }
0x2cf: {  	[tilespmem:s6+$0x15030] =	vst v0  }
0x2d0: {  	v0 =	vld [tilespmem:s5+$0xC400]  }
0x2d1: {  	v42 =	vld [tilespmem:s5+$0xC480];
	_ =	sdelay $0x1  }
0x2d2: {  	v43 =	vld [tilespmem:s5+$0xC500];
	_ =	sdelay $0x1  }
0x2d3: {  	v44 =	vld [tilespmem:s5+$0xC580]  }
0x2d4: {  	v0 =	vadd.f32 v42, v0  }
0x2d5: {  	v45 =	vld [tilespmem:s5+$0xC600]  }
0x2d6: {  	v0 =	vadd.f32 v43, v0  }
0x2d7: {  	v46 =	vld [tilespmem:s5+$0xC680]  }
0x2d8: {  	v0 =	vadd.f32 v44, v0  }
0x2d9: {  	v47 =	vld [tilespmem:s5+$0xC700]  }
0x2da: {  	v0 =	vadd.f32 v45, v0  }
0x2db: {  	v48 =	vld [tilespmem:s5+$0xC780]  }
0x2dc: {  	v0 =	vadd.f32 v46, v0;
	_ =	sdelay $0x1  }
0x2dd: {  	v0 =	vadd.f32 v47, v0;
	_ =	sdelay $0x1  }
0x2de: {  	v0 =	vadd.f32 v48, v0;
	_ =	sdelay $0x1  }
0x2df: {  	[tilespmem:s6+$0x15080] =	vst v0  }
0x2e0: {  	v0 =	vld [tilespmem:s5+$0xC410]  }
0x2e1: {  	v49 =	vld [tilespmem:s5+$0xC490];
	_ =	sdelay $0x1  }
0x2e2: {  	v50 =	vld [tilespmem:s5+$0xC510];
	_ =	sdelay $0x1  }
0x2e3: {  	v51 =	vld [tilespmem:s5+$0xC590]  }
0x2e4: {  	v0 =	vadd.f32 v49, v0  }
0x2e5: {  	v52 =	vld [tilespmem:s5+$0xC610]  }
0x2e6: {  	v0 =	vadd.f32 v50, v0  }
0x2e7: {  	v53 =	vld [tilespmem:s5+$0xC690]  }
0x2e8: {  	v0 =	vadd.f32 v51, v0  }
0x2e9: {  	v54 =	vld [tilespmem:s5+$0xC710]  }
0x2ea: {  	v0 =	vadd.f32 v52, v0  }
0x2eb: {  	v55 =	vld [tilespmem:s5+$0xC790]  }
0x2ec: {  	v0 =	vadd.f32 v53, v0;
	_ =	sdelay $0x1  }
0x2ed: {  	v0 =	vadd.f32 v54, v0;
	_ =	sdelay $0x1  }
0x2ee: {  	v0 =	vadd.f32 v55, v0;
	_ =	sdelay $0x1  }
0x2ef: {  	[tilespmem:s6+$0x15090] =	vst v0  }
0x2f0: {  	v0 =	vld [tilespmem:s5+$0xC420]  }
0x2f1: {  	v56 =	vld [tilespmem:s5+$0xC4A0];
	_ =	sdelay $0x1  }
0x2f2: {  	v57 =	vld [tilespmem:s5+$0xC520];
	_ =	sdelay $0x1  }
0x2f3: {  	v58 =	vld [tilespmem:s5+$0xC5A0]  }
0x2f4: {  	v0 =	vadd.f32 v56, v0  }
0x2f5: {  	v59 =	vld [tilespmem:s5+$0xC620]  }
0x2f6: {  	v0 =	vadd.f32 v57, v0  }
0x2f7: {  	v60 =	vld [tilespmem:s5+$0xC6A0]  }
0x2f8: {  	v0 =	vadd.f32 v58, v0  }
0x2f9: {  	v61 =	vld [tilespmem:s5+$0xC720]  }
0x2fa: {  	v0 =	vadd.f32 v59, v0  }
0x2fb: {  	v62 =	vld [tilespmem:s5+$0xC7A0]  }
0x2fc: {  	v0 =	vadd.f32 v60, v0;
	_ =	sdelay $0x1  }
0x2fd: {  	v0 =	vadd.f32 v61, v0;
	_ =	sdelay $0x1  }
0x2fe: {  	v0 =	vadd.f32 v62, v0;
	_ =	sdelay $0x1  }
0x2ff: {  	[tilespmem:s6+$0x150A0] =	vst v0  }
0x300: {  	v0 =	vld [tilespmem:s5+$0xC430]  }
0x301: {  	v63 =	vld [tilespmem:s5+$0xC4B0];
	_ =	sdelay $0x1  }
0x302: {  	v6 =	vld [tilespmem:s5+$0xC530];
	_ =	sdelay $0x1  }
0x303: {  	v7 =	vld [tilespmem:s5+$0xC5B0]  }
0x304: {  	v0 =	vadd.f32 v63, v0  }
0x305: {  	v8 =	vld [tilespmem:s5+$0xC630]  }
0x306: {  	v0 =	vadd.f32 v6, v0  }
0x307: {  	v9 =	vld [tilespmem:s5+$0xC6B0]  }
0x308: {  	v0 =	vadd.f32 v7, v0  }
0x309: {  	v10 =	vld [tilespmem:s5+$0xC730]  }
0x30a: {  	v0 =	vadd.f32 v8, v0  }
0x30b: {  	v11 =	vld [tilespmem:s5+$0xC7B0]  }
0x30c: {  	v0 =	vadd.f32 v9, v0;
	_ =	sdelay $0x1  }
0x30d: {  	v0 =	vadd.f32 v10, v0;
	_ =	sdelay $0x1  }
0x30e: {  	v0 =	vadd.f32 v11, v0;
	_ =	sdelay $0x1  }
0x30f: {  	[tilespmem:s6+$0x150B0] =	vst v0  }
0x310: {  	v0 =	vld [tilespmem:s5+$0xC800]  }
0x311: {  	v12 =	vld [tilespmem:s5+$0xC880];
	_ =	sdelay $0x1  }
0x312: {  	v13 =	vld [tilespmem:s5+$0xC900];
	_ =	sdelay $0x1  }
0x313: {  	v14 =	vld [tilespmem:s5+$0xC980]  }
0x314: {  	v0 =	vadd.f32 v12, v0  }
0x315: {  	v15 =	vld [tilespmem:s5+$0xCA00]  }
0x316: {  	v0 =	vadd.f32 v13, v0  }
0x317: {  	v16 =	vld [tilespmem:s5+$0xCA80]  }
0x318: {  	v0 =	vadd.f32 v14, v0  }
0x319: {  	v17 =	vld [tilespmem:s5+$0xCB00]  }
0x31a: {  	v0 =	vadd.f32 v15, v0  }
0x31b: {  	v18 =	vld [tilespmem:s5+$0xCB80]  }
0x31c: {  	v0 =	vadd.f32 v16, v0;
	_ =	sdelay $0x1  }
0x31d: {  	v0 =	vadd.f32 v17, v0;
	_ =	sdelay $0x1  }
0x31e: {  	v0 =	vadd.f32 v18, v0;
	_ =	sdelay $0x1  }
0x31f: {  	[tilespmem:s6+$0x15100] =	vst v0  }
0x320: {  	v0 =	vld [tilespmem:s5+$0xC810]  }
0x321: {  	v19 =	vld [tilespmem:s5+$0xC890];
	_ =	sdelay $0x1  }
0x322: {  	v20 =	vld [tilespmem:s5+$0xC910];
	_ =	sdelay $0x1  }
0x323: {  	v21 =	vld [tilespmem:s5+$0xC990]  }
0x324: {  	v0 =	vadd.f32 v19, v0  }
0x325: {  	v22 =	vld [tilespmem:s5+$0xCA10]  }
0x326: {  	v0 =	vadd.f32 v20, v0  }
0x327: {  	v23 =	vld [tilespmem:s5+$0xCA90]  }
0x328: {  	v0 =	vadd.f32 v21, v0  }
0x329: {  	v24 =	vld [tilespmem:s5+$0xCB10]  }
0x32a: {  	v0 =	vadd.f32 v22, v0  }
0x32b: {  	v25 =	vld [tilespmem:s5+$0xCB90]  }
0x32c: {  	v0 =	vadd.f32 v23, v0;
	_ =	sdelay $0x1  }
0x32d: {  	v0 =	vadd.f32 v24, v0;
	_ =	sdelay $0x1  }
0x32e: {  	v0 =	vadd.f32 v25, v0;
	_ =	sdelay $0x1  }
0x32f: {  	[tilespmem:s6+$0x15110] =	vst v0  }
0x330: {  	v0 =	vld [tilespmem:s5+$0xC820]  }
0x331: {  	v26 =	vld [tilespmem:s5+$0xC8A0];
	_ =	sdelay $0x1  }
0x332: {  	v27 =	vld [tilespmem:s5+$0xC920];
	_ =	sdelay $0x1  }
0x333: {  	v28 =	vld [tilespmem:s5+$0xC9A0]  }
0x334: {  	v0 =	vadd.f32 v26, v0  }
0x335: {  	v29 =	vld [tilespmem:s5+$0xCA20]  }
0x336: {  	v0 =	vadd.f32 v27, v0  }
0x337: {  	v30 =	vld [tilespmem:s5+$0xCAA0]  }
0x338: {  	v0 =	vadd.f32 v28, v0  }
0x339: {  	v31 =	vld [tilespmem:s5+$0xCB20]  }
0x33a: {  	v0 =	vadd.f32 v29, v0  }
0x33b: {  	v32 =	vld [tilespmem:s5+$0xCBA0]  }
0x33c: {  	v0 =	vadd.f32 v30, v0;
	_ =	sdelay $0x1  }
0x33d: {  	v0 =	vadd.f32 v31, v0;
	_ =	sdelay $0x1  }
0x33e: {  	v0 =	vadd.f32 v32, v0;
	_ =	sdelay $0x1  }
0x33f: {  	[tilespmem:s6+$0x15120] =	vst v0  }
0x340: {  	v0 =	vld [tilespmem:s5+$0xC830]  }
0x341: {  	v33 =	vld [tilespmem:s5+$0xC8B0];
	_ =	sdelay $0x1  }
0x342: {  	v34 =	vld [tilespmem:s5+$0xC930];
	_ =	sdelay $0x1  }
0x343: {  	v35 =	vld [tilespmem:s5+$0xC9B0]  }
0x344: {  	v0 =	vadd.f32 v33, v0  }
0x345: {  	v36 =	vld [tilespmem:s5+$0xCA30]  }
0x346: {  	v0 =	vadd.f32 v34, v0  }
0x347: {  	v37 =	vld [tilespmem:s5+$0xCAB0]  }
0x348: {  	v0 =	vadd.f32 v35, v0  }
0x349: {  	v38 =	vld [tilespmem:s5+$0xCB30]  }
0x34a: {  	v0 =	vadd.f32 v36, v0  }
0x34b: {  	v39 =	vld [tilespmem:s5+$0xCBB0]  }
0x34c: {  	v0 =	vadd.f32 v37, v0;
	_ =	sdelay $0x1  }
0x34d: {  	v0 =	vadd.f32 v38, v0;
	_ =	sdelay $0x1  }
0x34e: {  	v0 =	vadd.f32 v39, v0;
	_ =	sdelay $0x1  }
0x34f: {  	[tilespmem:s6+$0x15130] =	vst v0  }
0x350: {  	v0 =	vld [tilespmem:s5+$0xCC00]  }
0x351: {  	v40 =	vld [tilespmem:s5+$0xCC80];
	_ =	sdelay $0x1  }
0x352: {  	v41 =	vld [tilespmem:s5+$0xCD00];
	_ =	sdelay $0x1  }
0x353: {  	v42 =	vld [tilespmem:s5+$0xCD80]  }
0x354: {  	v0 =	vadd.f32 v40, v0  }
0x355: {  	v43 =	vld [tilespmem:s5+$0xCE00]  }
0x356: {  	v0 =	vadd.f32 v41, v0  }
0x357: {  	v44 =	vld [tilespmem:s5+$0xCE80]  }
0x358: {  	v0 =	vadd.f32 v42, v0  }
0x359: {  	v45 =	vld [tilespmem:s5+$0xCF00]  }
0x35a: {  	v0 =	vadd.f32 v43, v0  }
0x35b: {  	v46 =	vld [tilespmem:s5+$0xCF80]  }
0x35c: {  	v0 =	vadd.f32 v44, v0;
	_ =	sdelay $0x1  }
0x35d: {  	v0 =	vadd.f32 v45, v0;
	_ =	sdelay $0x1  }
0x35e: {  	v0 =	vadd.f32 v46, v0;
	_ =	sdelay $0x1  }
0x35f: {  	[tilespmem:s6+$0x15180] =	vst v0  }
0x360: {  	v0 =	vld [tilespmem:s5+$0xCC10]  }
0x361: {  	v47 =	vld [tilespmem:s5+$0xCC90];
	_ =	sdelay $0x1  }
0x362: {  	v48 =	vld [tilespmem:s5+$0xCD10];
	_ =	sdelay $0x1  }
0x363: {  	v49 =	vld [tilespmem:s5+$0xCD90]  }
0x364: {  	v0 =	vadd.f32 v47, v0  }
0x365: {  	v50 =	vld [tilespmem:s5+$0xCE10]  }
0x366: {  	v0 =	vadd.f32 v48, v0  }
0x367: {  	v51 =	vld [tilespmem:s5+$0xCE90]  }
0x368: {  	v0 =	vadd.f32 v49, v0  }
0x369: {  	v52 =	vld [tilespmem:s5+$0xCF10]  }
0x36a: {  	v0 =	vadd.f32 v50, v0  }
0x36b: {  	v53 =	vld [tilespmem:s5+$0xCF90]  }
0x36c: {  	v0 =	vadd.f32 v51, v0;
	_ =	sdelay $0x1  }
0x36d: {  	v0 =	vadd.f32 v52, v0;
	_ =	sdelay $0x1  }
0x36e: {  	v0 =	vadd.f32 v53, v0;
	_ =	sdelay $0x1  }
0x36f: {  	[tilespmem:s6+$0x15190] =	vst v0  }
0x370: {  	v0 =	vld [tilespmem:s5+$0xCC20]  }
0x371: {  	v54 =	vld [tilespmem:s5+$0xCCA0];
	_ =	sdelay $0x1  }
0x372: {  	v55 =	vld [tilespmem:s5+$0xCD20];
	_ =	sdelay $0x1  }
0x373: {  	v56 =	vld [tilespmem:s5+$0xCDA0]  }
0x374: {  	v0 =	vadd.f32 v54, v0  }
0x375: {  	v57 =	vld [tilespmem:s5+$0xCE20]  }
0x376: {  	v0 =	vadd.f32 v55, v0  }
0x377: {  	v58 =	vld [tilespmem:s5+$0xCEA0]  }
0x378: {  	v0 =	vadd.f32 v56, v0  }
0x379: {  	v59 =	vld [tilespmem:s5+$0xCF20]  }
0x37a: {  	v0 =	vadd.f32 v57, v0  }
0x37b: {  	v60 =	vld [tilespmem:s5+$0xCFA0]  }
0x37c: {  	v0 =	vadd.f32 v58, v0;
	_ =	sdelay $0x1  }
0x37d: {  	v0 =	vadd.f32 v59, v0;
	_ =	sdelay $0x1  }
0x37e: {  	v0 =	vadd.f32 v60, v0;
	_ =	sdelay $0x1  }
0x37f: {  	[tilespmem:s6+$0x151A0] =	vst v0  }
0x380: {  	v0 =	vld [tilespmem:s5+$0xCC30]  }
0x381: {  	v61 =	vld [tilespmem:s5+$0xCCB0];
	_ =	sdelay $0x1  }
0x382: {  	v62 =	vld [tilespmem:s5+$0xCD30];
	_ =	sdelay $0x1  }
0x383: {  	v63 =	vld [tilespmem:s5+$0xCDB0]  }
0x384: {  	v0 =	vadd.f32 v61, v0  }
0x385: {  	v6 =	vld [tilespmem:s5+$0xCE30]  }
0x386: {  	v0 =	vadd.f32 v62, v0  }
0x387: {  	v7 =	vld [tilespmem:s5+$0xCEB0]  }
0x388: {  	v0 =	vadd.f32 v63, v0  }
0x389: {  	v8 =	vld [tilespmem:s5+$0xCF30]  }
0x38a: {  	v0 =	vadd.f32 v6, v0  }
0x38b: {  	v9 =	vld [tilespmem:s5+$0xCFB0]  }
0x38c: {  	v0 =	vadd.f32 v7, v0;
	_ =	sdelay $0x1  }
0x38d: {  	v0 =	vadd.f32 v8, v0;
	_ =	sdelay $0x1  }
0x38e: {  	v0 =	vadd.f32 v9, v0;
	_ =	sdelay $0x1  }
0x38f: {  	[tilespmem:s6+$0x151B0] =	vst v0  }
0x390: {  	v0 =	vld [tilespmem:s5+$0xD000]  }
0x391: {  	v10 =	vld [tilespmem:s5+$0xD080];
	_ =	sdelay $0x1  }
0x392: {  	v11 =	vld [tilespmem:s5+$0xD100];
	_ =	sdelay $0x1  }
0x393: {  	v12 =	vld [tilespmem:s5+$0xD180]  }
0x394: {  	v0 =	vadd.f32 v10, v0  }
0x395: {  	v13 =	vld [tilespmem:s5+$0xD200]  }
0x396: {  	v0 =	vadd.f32 v11, v0  }
0x397: {  	v14 =	vld [tilespmem:s5+$0xD280]  }
0x398: {  	v0 =	vadd.f32 v12, v0  }
0x399: {  	v15 =	vld [tilespmem:s5+$0xD300]  }
0x39a: {  	v0 =	vadd.f32 v13, v0  }
0x39b: {  	v16 =	vld [tilespmem:s5+$0xD380]  }
0x39c: {  	v0 =	vadd.f32 v14, v0;
	_ =	sdelay $0x1  }
0x39d: {  	v0 =	vadd.f32 v15, v0;
	_ =	sdelay $0x1  }
0x39e: {  	v0 =	vadd.f32 v16, v0;
	_ =	sdelay $0x1  }
0x39f: {  	[tilespmem:s6+$0x15200] =	vst v0  }
0x3a0: {  	v0 =	vld [tilespmem:s5+$0xD010]  }
0x3a1: {  	v17 =	vld [tilespmem:s5+$0xD090];
	_ =	sdelay $0x1  }
0x3a2: {  	v18 =	vld [tilespmem:s5+$0xD110];
	_ =	sdelay $0x1  }
0x3a3: {  	v19 =	vld [tilespmem:s5+$0xD190]  }
0x3a4: {  	v0 =	vadd.f32 v17, v0  }
0x3a5: {  	v20 =	vld [tilespmem:s5+$0xD210]  }
0x3a6: {  	v0 =	vadd.f32 v18, v0  }
0x3a7: {  	v21 =	vld [tilespmem:s5+$0xD290]  }
0x3a8: {  	v0 =	vadd.f32 v19, v0  }
0x3a9: {  	v22 =	vld [tilespmem:s5+$0xD310]  }
0x3aa: {  	v0 =	vadd.f32 v20, v0  }
0x3ab: {  	v23 =	vld [tilespmem:s5+$0xD390]  }
0x3ac: {  	v0 =	vadd.f32 v21, v0;
	_ =	sdelay $0x1  }
0x3ad: {  	v0 =	vadd.f32 v22, v0;
	_ =	sdelay $0x1  }
0x3ae: {  	v0 =	vadd.f32 v23, v0;
	_ =	sdelay $0x1  }
0x3af: {  	[tilespmem:s6+$0x15210] =	vst v0  }
0x3b0: {  	v0 =	vld [tilespmem:s5+$0xD020]  }
0x3b1: {  	v24 =	vld [tilespmem:s5+$0xD0A0];
	_ =	sdelay $0x1  }
0x3b2: {  	v25 =	vld [tilespmem:s5+$0xD120];
	_ =	sdelay $0x1  }
0x3b3: {  	v26 =	vld [tilespmem:s5+$0xD1A0]  }
0x3b4: {  	v0 =	vadd.f32 v24, v0  }
0x3b5: {  	v27 =	vld [tilespmem:s5+$0xD220]  }
0x3b6: {  	v0 =	vadd.f32 v25, v0  }
0x3b7: {  	v28 =	vld [tilespmem:s5+$0xD2A0]  }
0x3b8: {  	v0 =	vadd.f32 v26, v0  }
0x3b9: {  	v29 =	vld [tilespmem:s5+$0xD320]  }
0x3ba: {  	v0 =	vadd.f32 v27, v0  }
0x3bb: {  	v30 =	vld [tilespmem:s5+$0xD3A0]  }
0x3bc: {  	v0 =	vadd.f32 v28, v0;
	_ =	sdelay $0x1  }
0x3bd: {  	v0 =	vadd.f32 v29, v0;
	_ =	sdelay $0x1  }
0x3be: {  	v0 =	vadd.f32 v30, v0;
	_ =	sdelay $0x1  }
0x3bf: {  	[tilespmem:s6+$0x15220] =	vst v0  }
0x3c0: {  	v0 =	vld [tilespmem:s5+$0xD030]  }
0x3c1: {  	v31 =	vld [tilespmem:s5+$0xD0B0];
	_ =	sdelay $0x1  }
0x3c2: {  	v32 =	vld [tilespmem:s5+$0xD130];
	_ =	sdelay $0x1  }
0x3c3: {  	v33 =	vld [tilespmem:s5+$0xD1B0]  }
0x3c4: {  	v0 =	vadd.f32 v31, v0  }
0x3c5: {  	v34 =	vld [tilespmem:s5+$0xD230]  }
0x3c6: {  	v0 =	vadd.f32 v32, v0  }
0x3c7: {  	v35 =	vld [tilespmem:s5+$0xD2B0]  }
0x3c8: {  	v0 =	vadd.f32 v33, v0  }
0x3c9: {  	v36 =	vld [tilespmem:s5+$0xD330]  }
0x3ca: {  	v0 =	vadd.f32 v34, v0  }
0x3cb: {  	v37 =	vld [tilespmem:s5+$0xD3B0]  }
0x3cc: {  	v0 =	vadd.f32 v35, v0;
	_ =	sdelay $0x1  }
0x3cd: {  	v0 =	vadd.f32 v36, v0;
	_ =	sdelay $0x1  }
0x3ce: {  	v0 =	vadd.f32 v37, v0;
	_ =	sdelay $0x1  }
0x3cf: {  	[tilespmem:s6+$0x15230] =	vst v0  }
0x3d0: {  	v0 =	vld [tilespmem:s5+$0xD400]  }
0x3d1: {  	v38 =	vld [tilespmem:s5+$0xD480];
	_ =	sdelay $0x1  }
0x3d2: {  	v39 =	vld [tilespmem:s5+$0xD500];
	_ =	sdelay $0x1  }
0x3d3: {  	v40 =	vld [tilespmem:s5+$0xD580]  }
0x3d4: {  	v0 =	vadd.f32 v38, v0  }
0x3d5: {  	v41 =	vld [tilespmem:s5+$0xD600]  }
0x3d6: {  	v0 =	vadd.f32 v39, v0  }
0x3d7: {  	v42 =	vld [tilespmem:s5+$0xD680]  }
0x3d8: {  	v0 =	vadd.f32 v40, v0  }
0x3d9: {  	v43 =	vld [tilespmem:s5+$0xD700]  }
0x3da: {  	v0 =	vadd.f32 v41, v0  }
0x3db: {  	v44 =	vld [tilespmem:s5+$0xD780]  }
0x3dc: {  	v0 =	vadd.f32 v42, v0;
	_ =	sdelay $0x1  }
0x3dd: {  	v0 =	vadd.f32 v43, v0;
	_ =	sdelay $0x1  }
0x3de: {  	v0 =	vadd.f32 v44, v0;
	_ =	sdelay $0x1  }
0x3df: {  	[tilespmem:s6+$0x15280] =	vst v0  }
0x3e0: {  	v0 =	vld [tilespmem:s5+$0xD410]  }
0x3e1: {  	v45 =	vld [tilespmem:s5+$0xD490];
	_ =	sdelay $0x1  }
0x3e2: {  	v46 =	vld [tilespmem:s5+$0xD510];
	_ =	sdelay $0x1  }
0x3e3: {  	v47 =	vld [tilespmem:s5+$0xD590]  }
0x3e4: {  	v0 =	vadd.f32 v45, v0  }
0x3e5: {  	v48 =	vld [tilespmem:s5+$0xD610]  }
0x3e6: {  	v0 =	vadd.f32 v46, v0  }
0x3e7: {  	v49 =	vld [tilespmem:s5+$0xD690]  }
0x3e8: {  	v0 =	vadd.f32 v47, v0  }
0x3e9: {  	v50 =	vld [tilespmem:s5+$0xD710]  }
0x3ea: {  	v0 =	vadd.f32 v48, v0  }
0x3eb: {  	v51 =	vld [tilespmem:s5+$0xD790]  }
0x3ec: {  	v0 =	vadd.f32 v49, v0;
	_ =	sdelay $0x1  }
0x3ed: {  	v0 =	vadd.f32 v50, v0;
	_ =	sdelay $0x1  }
0x3ee: {  	v0 =	vadd.f32 v51, v0;
	_ =	sdelay $0x1  }
0x3ef: {  	[tilespmem:s6+$0x15290] =	vst v0  }
0x3f0: {  	v0 =	vld [tilespmem:s5+$0xD420]  }
0x3f1: {  	v52 =	vld [tilespmem:s5+$0xD4A0];
	_ =	sdelay $0x1  }
0x3f2: {  	v53 =	vld [tilespmem:s5+$0xD520];
	_ =	sdelay $0x1  }
0x3f3: {  	v54 =	vld [tilespmem:s5+$0xD5A0]  }
0x3f4: {  	v0 =	vadd.f32 v52, v0  }
0x3f5: {  	v55 =	vld [tilespmem:s5+$0xD620]  }
0x3f6: {  	v0 =	vadd.f32 v53, v0  }
0x3f7: {  	v56 =	vld [tilespmem:s5+$0xD6A0]  }
0x3f8: {  	v0 =	vadd.f32 v54, v0  }
0x3f9: {  	v57 =	vld [tilespmem:s5+$0xD720]  }
0x3fa: {  	v0 =	vadd.f32 v55, v0  }
0x3fb: {  	v58 =	vld [tilespmem:s5+$0xD7A0]  }
0x3fc: {  	v0 =	vadd.f32 v56, v0;
	_ =	sdelay $0x1  }
0x3fd: {  	v0 =	vadd.f32 v57, v0;
	_ =	sdelay $0x1  }
0x3fe: {  	v0 =	vadd.f32 v58, v0;
	_ =	sdelay $0x1  }
0x3ff: {  	[tilespmem:s6+$0x152A0] =	vst v0  }
0x400: {  	v0 =	vld [tilespmem:s5+$0xD430]  }
0x401: {  	v59 =	vld [tilespmem:s5+$0xD4B0];
	_ =	sdelay $0x1  }
0x402: {  	v60 =	vld [tilespmem:s5+$0xD530];
	_ =	sdelay $0x1  }
0x403: {  	v61 =	vld [tilespmem:s5+$0xD5B0]  }
0x404: {  	v0 =	vadd.f32 v59, v0  }
0x405: {  	v62 =	vld [tilespmem:s5+$0xD630]  }
0x406: {  	v0 =	vadd.f32 v60, v0  }
0x407: {  	v63 =	vld [tilespmem:s5+$0xD6B0]  }
0x408: {  	v0 =	vadd.f32 v61, v0  }
0x409: {  	v6 =	vld [tilespmem:s5+$0xD730]  }
0x40a: {  	v0 =	vadd.f32 v62, v0  }
0x40b: {  	v7 =	vld [tilespmem:s5+$0xD7B0]  }
0x40c: {  	v0 =	vadd.f32 v63, v0;
	_ =	sdelay $0x1  }
0x40d: {  	v0 =	vadd.f32 v6, v0;
	_ =	sdelay $0x1  }
0x40e: {  	v0 =	vadd.f32 v7, v0;
	_ =	sdelay $0x1  }
0x40f: {  	[tilespmem:s6+$0x152B0] =	vst v0  }
0x410: {  	v0 =	vld [tilespmem:s5+$0xD800]  }
0x411: {  	v8 =	vld [tilespmem:s5+$0xD880];
	_ =	sdelay $0x1  }
0x412: {  	v9 =	vld [tilespmem:s5+$0xD900];
	_ =	sdelay $0x1  }
0x413: {  	v10 =	vld [tilespmem:s5+$0xD980]  }
0x414: {  	v0 =	vadd.f32 v8, v0  }
0x415: {  	v11 =	vld [tilespmem:s5+$0xDA00]  }
0x416: {  	v0 =	vadd.f32 v9, v0  }
0x417: {  	v12 =	vld [tilespmem:s5+$0xDA80]  }
0x418: {  	v0 =	vadd.f32 v10, v0  }
0x419: {  	v13 =	vld [tilespmem:s5+$0xDB00]  }
0x41a: {  	v0 =	vadd.f32 v11, v0  }
0x41b: {  	v14 =	vld [tilespmem:s5+$0xDB80]  }
0x41c: {  	v0 =	vadd.f32 v12, v0;
	_ =	sdelay $0x1  }
0x41d: {  	v0 =	vadd.f32 v13, v0;
	_ =	sdelay $0x1  }
0x41e: {  	v0 =	vadd.f32 v14, v0;
	_ =	sdelay $0x1  }
0x41f: {  	[tilespmem:s6+$0x15300] =	vst v0  }
0x420: {  	v0 =	vld [tilespmem:s5+$0xD810]  }
0x421: {  	v15 =	vld [tilespmem:s5+$0xD890];
	_ =	sdelay $0x1  }
0x422: {  	v16 =	vld [tilespmem:s5+$0xD910];
	_ =	sdelay $0x1  }
0x423: {  	v17 =	vld [tilespmem:s5+$0xD990]  }
0x424: {  	v0 =	vadd.f32 v15, v0  }
0x425: {  	v18 =	vld [tilespmem:s5+$0xDA10]  }
0x426: {  	v0 =	vadd.f32 v16, v0  }
0x427: {  	v19 =	vld [tilespmem:s5+$0xDA90]  }
0x428: {  	v0 =	vadd.f32 v17, v0  }
0x429: {  	v20 =	vld [tilespmem:s5+$0xDB10]  }
0x42a: {  	v0 =	vadd.f32 v18, v0  }
0x42b: {  	v21 =	vld [tilespmem:s5+$0xDB90]  }
0x42c: {  	v0 =	vadd.f32 v19, v0;
	_ =	sdelay $0x1  }
0x42d: {  	v0 =	vadd.f32 v20, v0;
	_ =	sdelay $0x1  }
0x42e: {  	v0 =	vadd.f32 v21, v0;
	_ =	sdelay $0x1  }
0x42f: {  	[tilespmem:s6+$0x15310] =	vst v0  }
0x430: {  	v0 =	vld [tilespmem:s5+$0xD820]  }
0x431: {  	v22 =	vld [tilespmem:s5+$0xD8A0];
	_ =	sdelay $0x1  }
0x432: {  	v23 =	vld [tilespmem:s5+$0xD920];
	_ =	sdelay $0x1  }
0x433: {  	v24 =	vld [tilespmem:s5+$0xD9A0]  }
0x434: {  	v0 =	vadd.f32 v22, v0  }
0x435: {  	v25 =	vld [tilespmem:s5+$0xDA20]  }
0x436: {  	v0 =	vadd.f32 v23, v0  }
0x437: {  	v26 =	vld [tilespmem:s5+$0xDAA0]  }
0x438: {  	v0 =	vadd.f32 v24, v0  }
0x439: {  	v27 =	vld [tilespmem:s5+$0xDB20]  }
0x43a: {  	v0 =	vadd.f32 v25, v0  }
0x43b: {  	v28 =	vld [tilespmem:s5+$0xDBA0]  }
0x43c: {  	v0 =	vadd.f32 v26, v0;
	_ =	sdelay $0x1  }
0x43d: {  	v0 =	vadd.f32 v27, v0;
	_ =	sdelay $0x1  }
0x43e: {  	v0 =	vadd.f32 v28, v0;
	_ =	sdelay $0x1  }
0x43f: {  	[tilespmem:s6+$0x15320] =	vst v0  }
0x440: {  	v0 =	vld [tilespmem:s5+$0xD830]  }
0x441: {  	v29 =	vld [tilespmem:s5+$0xD8B0];
	_ =	sdelay $0x1  }
0x442: {  	v30 =	vld [tilespmem:s5+$0xD930];
	_ =	sdelay $0x1  }
0x443: {  	v31 =	vld [tilespmem:s5+$0xD9B0]  }
0x444: {  	v0 =	vadd.f32 v29, v0  }
0x445: {  	v32 =	vld [tilespmem:s5+$0xDA30]  }
0x446: {  	v0 =	vadd.f32 v30, v0  }
0x447: {  	v33 =	vld [tilespmem:s5+$0xDAB0]  }
0x448: {  	v0 =	vadd.f32 v31, v0  }
0x449: {  	v34 =	vld [tilespmem:s5+$0xDB30]  }
0x44a: {  	v0 =	vadd.f32 v32, v0  }
0x44b: {  	v35 =	vld [tilespmem:s5+$0xDBB0]  }
0x44c: {  	v0 =	vadd.f32 v33, v0;
	_ =	sdelay $0x1  }
0x44d: {  	v0 =	vadd.f32 v34, v0;
	_ =	sdelay $0x1  }
0x44e: {  	v0 =	vadd.f32 v35, v0;
	_ =	sdelay $0x1  }
0x44f: {  	[tilespmem:s6+$0x15330] =	vst v0  }
0x450: {  	v0 =	vld [tilespmem:s5+$0xDC00]  }
0x451: {  	v36 =	vld [tilespmem:s5+$0xDC80];
	_ =	sdelay $0x1  }
0x452: {  	v37 =	vld [tilespmem:s5+$0xDD00];
	_ =	sdelay $0x1  }
0x453: {  	v38 =	vld [tilespmem:s5+$0xDD80]  }
0x454: {  	v0 =	vadd.f32 v36, v0  }
0x455: {  	v39 =	vld [tilespmem:s5+$0xDE00]  }
0x456: {  	v0 =	vadd.f32 v37, v0  }
0x457: {  	v40 =	vld [tilespmem:s5+$0xDE80]  }
0x458: {  	v0 =	vadd.f32 v38, v0  }
0x459: {  	v41 =	vld [tilespmem:s5+$0xDF00]  }
0x45a: {  	v0 =	vadd.f32 v39, v0  }
0x45b: {  	v42 =	vld [tilespmem:s5+$0xDF80]  }
0x45c: {  	v0 =	vadd.f32 v40, v0;
	_ =	sdelay $0x1  }
0x45d: {  	v0 =	vadd.f32 v41, v0;
	_ =	sdelay $0x1  }
0x45e: {  	v0 =	vadd.f32 v42, v0;
	_ =	sdelay $0x1  }
0x45f: {  	[tilespmem:s6+$0x15380] =	vst v0  }
0x460: {  	v0 =	vld [tilespmem:s5+$0xDC10]  }
0x461: {  	v43 =	vld [tilespmem:s5+$0xDC90];
	_ =	sdelay $0x1  }
0x462: {  	v44 =	vld [tilespmem:s5+$0xDD10];
	_ =	sdelay $0x1  }
0x463: {  	v45 =	vld [tilespmem:s5+$0xDD90]  }
0x464: {  	v0 =	vadd.f32 v43, v0  }
0x465: {  	v46 =	vld [tilespmem:s5+$0xDE10]  }
0x466: {  	v0 =	vadd.f32 v44, v0  }
0x467: {  	v47 =	vld [tilespmem:s5+$0xDE90]  }
0x468: {  	v0 =	vadd.f32 v45, v0  }
0x469: {  	v48 =	vld [tilespmem:s5+$0xDF10]  }
0x46a: {  	v0 =	vadd.f32 v46, v0  }
0x46b: {  	v49 =	vld [tilespmem:s5+$0xDF90]  }
0x46c: {  	v0 =	vadd.f32 v47, v0;
	_ =	sdelay $0x1  }
0x46d: {  	v0 =	vadd.f32 v48, v0;
	_ =	sdelay $0x1  }
0x46e: {  	v0 =	vadd.f32 v49, v0;
	_ =	sdelay $0x1  }
0x46f: {  	[tilespmem:s6+$0x15390] =	vst v0  }
0x470: {  	v0 =	vld [tilespmem:s5+$0xDC20]  }
0x471: {  	v50 =	vld [tilespmem:s5+$0xDCA0];
	_ =	sdelay $0x1  }
0x472: {  	v51 =	vld [tilespmem:s5+$0xDD20];
	_ =	sdelay $0x1  }
0x473: {  	v52 =	vld [tilespmem:s5+$0xDDA0]  }
0x474: {  	v0 =	vadd.f32 v50, v0  }
0x475: {  	v53 =	vld [tilespmem:s5+$0xDE20]  }
0x476: {  	v0 =	vadd.f32 v51, v0  }
0x477: {  	v54 =	vld [tilespmem:s5+$0xDEA0]  }
0x478: {  	v0 =	vadd.f32 v52, v0  }
0x479: {  	v55 =	vld [tilespmem:s5+$0xDF20]  }
0x47a: {  	v0 =	vadd.f32 v53, v0  }
0x47b: {  	v56 =	vld [tilespmem:s5+$0xDFA0]  }
0x47c: {  	v0 =	vadd.f32 v54, v0;
	_ =	sdelay $0x1  }
0x47d: {  	v0 =	vadd.f32 v55, v0;
	_ =	sdelay $0x1  }
0x47e: {  	v0 =	vadd.f32 v56, v0;
	_ =	sdelay $0x1  }
0x47f: {  	[tilespmem:s6+$0x153A0] =	vst v0  }
0x480: {  	v0 =	vld [tilespmem:s5+$0xDC30]  }
0x481: {  	v57 =	vld [tilespmem:s5+$0xDCB0];
	_ =	sdelay $0x1  }
0x482: {  	v58 =	vld [tilespmem:s5+$0xDD30];
	_ =	sdelay $0x1  }
0x483: {  	v59 =	vld [tilespmem:s5+$0xDDB0]  }
0x484: {  	v0 =	vadd.f32 v57, v0  }
0x485: {  	v60 =	vld [tilespmem:s5+$0xDE30]  }
0x486: {  	v0 =	vadd.f32 v58, v0  }
0x487: {  	v61 =	vld [tilespmem:s5+$0xDEB0]  }
0x488: {  	v0 =	vadd.f32 v59, v0  }
0x489: {  	v62 =	vld [tilespmem:s5+$0xDF30]  }
0x48a: {  	v0 =	vadd.f32 v60, v0  }
0x48b: {  	v63 =	vld [tilespmem:s5+$0xDFB0]  }
0x48c: {  	v0 =	vadd.f32 v61, v0  }
0x48d: {  	p0 =	sne.s32 s4, $0x3  }
.Ltmp1:
0x48e: {  	v0 =	vadd.f32 v62, v0;
	(pc) =	sbr.rel @p0 .LBB2_5-.Ltmp1, $3  }
0x48f: {  	_ = 	snop  }
0x490: {  	v0 =	vadd.f32 v63, v0;
	_ =	sdelay $0x1  }
0x491: {  	s4 =	sadd.s32 $0x1, s4;
	[tilespmem:s6+$0x153B0] =	vst v0  }
0x492: {  	s31 =	sadd.s32 $0x1, s31  }
0x493: {  	p0 =	sne.s32 s31, $0x20  }
.Ltmp2:
0x494: {  	_ = 	snop;
	(pc) =	sbr.rel @p0 .LBB2_2-.Ltmp2, $4  }
0x495: {  	s0 =	sadd.s32 $0x200, s0;
	s6 =	smin.u32 s1, $0x3C00  }
0x496: {  	[hbm4b:s0+s2] =	stream.linear.scatter [tilespmem:s29], [sflag:$0x4], $0x1000, $0x38;
	[tilespmem:$0x16000] =	vst v63  }
0x497: {  	s0 =	sadd.s32 $0x300, s6  }
0x498: {  	[tilespmem:s24], [sflag:$0x2] =	stream.indirect.gather [hbm4b:s3+s20], $0x80, s0, s20, $0xb8;
	[tilespmem:$0x16000] =	vst v63  }
0x499: {  	_ =	swait.ge [sflag:s22], $0x8000  }
0x49a: {  	[sflag:s22] =	ssyncset.done $0x0  }
0x49b: {  	[sflag:s22] =	ssyncadd.s32 $0xFFFF8000  }
0x49c: {  	_ =	swait.ge [sflag:s23], $0x1000  }
0x49d: {  	[sflag:s23] =	ssyncset.done $0x0  }
0x49e: {  	s30 =	sadd.s32 $0x1, s30;
	[sflag:s23] =	ssyncadd.s32 $0xFFFFF000  }
0x49f: {  	p0 =	sne.s32 s30, s18;
	_ =	swait.ge [sflag:s25], $0x8000  }
.Ltmp3:
0x4a0: {  	[sflag:s25] =	ssyncset.done $0x0;
	(pc) =	sbr.rel @p0 .LBB2_1-.Ltmp3, $4  }
0x4a1: {  	[sflag:s25] =	ssyncadd.s32 $0xFFFF8000  }
0x4a2: {  	_ =	swait.ge [sflag:s28], $0x1000  }
0x4a3: {  	[sflag:s28] =	ssyncset.done $0x0  }
0x4a4: {  	[sflag:s28] =	ssyncadd.s32 $0xFFFFF000  }
0x4a5: {  	_ =	sfence.sel $0x180000  }
0x4a6: {  	[bflag:$0x0] =	sbarrier.arrive $0xFFFF  }
0x4a7: {  	_ =	strace $0x90000047  }
0x4a8: {  	s0 =	stileid.u32;
	[bflag:$0x2] =	sbarrier.arrive $0xFFFF  }
0x4a9: {  	p0 =	sne.s32 s0, $0x0;
	s0 =	rddreg [dreg:$0x2]  }
0x4aa: {  	s0 =	sadd.s32 @!p0 $0x100000, s0  }
0x4ab: {  	[sflag:s0] =	ssyncadd.tile.s32 @!p0 $0x1;
	_ =	shalt  }
.Lfunc_end2:
_tile_overlayer_lowered:
.L_overlay_start_2:
0x4ac: {  	(tag) =	ssettag $0x2  }
0x4ad: {  	s0 =	rddreg [dreg:$0x0];
	s2 =	stileid.u32  }
0x4ae: {  	s1 =	rddreg [dreg:$0x1];
	p0 =	sne.s32 s2, $0x0  }
0x4af: {  	s3 =	rddreg [dreg:$0x2];
	[bflag:$0x3] =	sbarrier.arrive $0xFFFF;
	s2 =	simm.s32 @!p0 $0x1C05  }
0x4b0: {  	[timem:s3], [sflag:s2] =	dma.local @!p0 [hbm:s0], s1  }
0x4b1: {  	s0 =	simm.s32 @!p0 $0x5  }
0x4b2: {  	_ =	swait.ge @!p0 [sflag:s0], s1  }
0x4b3: {  	s1 =	ssub.s32 @!p0 $0x0, s1;
	[sflag:s0] =	ssyncset.done @!p0 $0x0  }
0x4b4: {  	[sflag:s0] =	ssyncadd.s32 @!p0 s1  }
0x4b5: {  	[bflag:$0x3] =	sbarrier.arrive $0xFFFF  }
0x4b6: {  	_ =	shalt  }

</sc_bundles>
